<compile_context>
chip_gen: v7x
topology: tpu7x:2x2x1
jax: 0.10.2.dev20260603
libtpu: 0.0.44.dev20260713+nightly
codegen_flags: <defaults>
</compile_context>

<pallas_src>
import functools

import jax
import jax.numpy as jnp
from jax import lax
from jax.experimental import pallas as pl
from jax.experimental.pallas import tpu as pltpu
from jax.experimental.pallas import tpu_sc as plsc

K_NN = 32


def _topk_body(xf_ref, w1_ref, idx_ref, wt_ref):
    PB = xf_ref.shape[0]
    N = xf_ref.shape[1]
    DC = xf_ref.shape[2]
    C = w1_ref.shape[0]
    D = DC // C

    w1 = w1_ref[...]
    w1n = w1 / jnp.maximum(
        jnp.sqrt(jnp.sum(w1 * w1, axis=1, keepdims=True)), 1e-12)
    wt_ref[...] = jnp.concatenate([w1n.T] * D, axis=1)

    big = jnp.int32(1 << 30)
    inf = jnp.float32(jnp.inf)

    xfs = [xf_ref[p] for p in range(PB)]
    adjs = []
    for p in range(PB):
        xf = xfs[p]
        sq = jnp.sum(xf * xf, axis=1, keepdims=True)
        inner = lax.dot_general(xf, xf, (((1,), (1,)), ((), ())),
                                preferred_element_type=jnp.float32)
        adjs.append(sq - 2.0 * inner + sq.T)

    def step(k, carry):
        adjs, iaccs = carry
        ek = (lax.broadcasted_iota(jnp.int32, (1, K_NN), 1) == k
              ).astype(jnp.float32)
        new_adjs, new_iaccs = [], []
        for p in range(PB):
            adj = adjs[p]
            iota = lax.broadcasted_iota(jnp.int32, (N, N), 1)
            rowmin = jnp.min(adj, axis=1, keepdims=True)
            tied = adj == rowmin
            idxm = jnp.min(jnp.where(tied, iota, big), axis=1, keepdims=True)
            onehot = iota == idxm
            new_iaccs.append(iaccs[p] + idxm.astype(jnp.float32) * ek)
            new_adjs.append(jnp.where(onehot, inf, adj))
        return tuple(new_adjs), tuple(new_iaccs)

    iacc0 = tuple(jnp.zeros((N, K_NN), dtype=jnp.float32) for _ in range(PB))
    _, iaccs = lax.fori_loop(0, K_NN, step, (tuple(adjs), iacc0))

    b = pl.program_id(0)
    for p in range(PB):
        gbase = (b * PB + p) * N
        idx_ref[p] = iaccs[p].astype(jnp.int32) + gbase


def _topk(xf, w1):
    B, N, DC = xf.shape
    C = w1.shape[0]
    PB = 4
    return pl.pallas_call(
        _topk_body,
        grid=(B // PB,),
        in_specs=[
            pl.BlockSpec((PB, N, DC), lambda b: (b, 0, 0)),
            pl.BlockSpec((C, K_NN), lambda b: (0, 0)),
        ],
        out_specs=[
            pl.BlockSpec((PB, N, K_NN), lambda b: (b, 0, 0)),
            pl.BlockSpec((K_NN, DC), lambda b: (0, 0)),
        ],
        out_shape=[
            jax.ShapeDtypeStruct((B, N, K_NN), jnp.int32),
            jax.ShapeDtypeStruct((K_NN, DC), jnp.float32),
        ],
    )(xf, w1)


def _sc_gather_combine(xf_flat, idx_flat, wt):
    P, DC = xf_flat.shape
    NW = 32
    CH = P // NW
    mesh = plsc.VectorSubcoreMesh(core_axis_name="c", subcore_axis_name="s")

    @functools.partial(
        pl.kernel, mesh=mesh,
        out_type=jax.ShapeDtypeStruct((P, DC), jnp.float32),
        scratch_types=[
            pltpu.VMEM((CH * K_NN,), jnp.int32),
            pltpu.VMEM((K_NN, DC), jnp.float32),
            pltpu.VMEM((K_NN, DC), jnp.float32),
            pltpu.VMEM((CH, DC), jnp.float32),
            pltpu.SemaphoreType.DMA,
        ],
    )
    def sck(xf_hbm, idx_hbm, wt_hbm, out_hbm, idx_v, rows_v, wt_v, out_v, sem):
        wid = lax.axis_index("s") * 2 + lax.axis_index("c")
        base = wid * CH
        pltpu.sync_copy(idx_hbm.at[pl.ds(base * K_NN, CH * K_NN)], idx_v)
        pltpu.sync_copy(wt_hbm, wt_v)

        def point(i, carry):
            pltpu.async_copy(
                xf_hbm.at[idx_v.at[pl.ds(i * K_NN, K_NN)]], rows_v, sem
            ).wait()
            for j in range(DC // 16):
                s = j * 16
                acc = rows_v[0, pl.ds(s, 16)] * wt_v[0, pl.ds(s, 16)]
                for k in range(1, K_NN):
                    acc = acc + rows_v[k, pl.ds(s, 16)] * wt_v[k, pl.ds(s, 16)]
                out_v[i, pl.ds(s, 16)] = acc
            return carry

        lax.fori_loop(0, CH, point, 0)
        pltpu.sync_copy(out_v, out_hbm.at[pl.ds(base, CH)])

    return sck(xf_flat, idx_flat, wt)


def _mix_body(acc_ref, w2_ref, out_ref):
    w2 = w2_ref[...]
    w2n = w2 / jnp.maximum(
        jnp.sqrt(jnp.sum(w2 * w2, axis=0, keepdims=True)), 1e-12)
    out_ref[...] = lax.dot_general(acc_ref[...], w2n,
                                   (((1,), (0,)), ((), ())),
                                   preferred_element_type=jnp.float32)


def _mix(acc2d, w2):
    M, C = acc2d.shape
    O = w2.shape[1]
    return pl.pallas_call(
        _mix_body,
        out_shape=jax.ShapeDtypeStruct((M, O), jnp.float32),
    )(acc2d, w2)


def kernel(x, w1, w2, conv_w, conv_b):
    B, N, D, C = x.shape
    O = w2.shape[1]
    xf = x.reshape(B, N, D * C)
    idx, wt = _topk(xf, w1)
    out1 = _sc_gather_combine(xf.reshape(B * N, D * C),
                              idx.reshape(B * N * K_NN), wt)
    out2 = _mix(out1.reshape(B * N * D, C), w2)
    return out2.reshape(B, N, D, O)

# --- scband reference (transcript-rebuilt; emitter-appended) ---
"""Pipeline reference for scband-w-fmlayer-1039382086093 (READ-ONLY COPY).

The authoritative reference and input builder live on the scoring server;
editing this copy changes nothing except your own understanding.
"""

import jax, jax.numpy as jnp
import numpy as np

K_NEIGHBORS = 32

def _normalize(w, axis):
    n = jnp.linalg.norm(w, axis=axis, keepdims=True)
    return w / jnp.maximum(n, 1e-12)

def setup_inputs(seed: int = 0) -> dict:
    key = jax.random.key(seed)
    ks = jax.random.split(key, 5)
    x = jax.random.normal(ks[0], (16, 512, 4, 32), dtype=jnp.float32)
    w1 = jax.random.uniform(ks[1], (32, K_NEIGHBORS), dtype=jnp.float32)
    w2 = jax.random.uniform(ks[2], (32, 64), dtype=jnp.float32)
    conv_w = jax.random.normal(ks[3], (512, 512, 4, 32), dtype=jnp.float32) * 0.02
    conv_b = jnp.zeros((512,), dtype=jnp.float32)
    return {"x": x, "w1": w1, "w2": w2, "conv_w": conv_w, "conv_b": conv_b}

def reference(x, w1, w2, conv_w, conv_b):
    B, N, D, C = x.shape
    k = K_NEIGHBORS
    # self.linear: Conv2d(N, N, (D, C)) over input [B, N, D, C] -> [B, N, 1, 1], then Sigmoid
    v = jax.nn.sigmoid(jnp.einsum('bndc,ondc->bo', x, conv_w) + conv_b)
    # down_sample_rate == 1 -> v unused (dead branch), matching the torch module
    xf = x.reshape(B, N, D * C)
    # utils.pairwise_distance: squared euclidean distance matrix [B, N, N]
    inner = -2.0 * jnp.einsum('bnd,bmd->bnm', xf, xf)
    sq = jnp.sum(xf * xf, axis=-1, keepdims=True)
    adj = sq + inner + jnp.swapaxes(sq, 1, 2)
    # utils.knn with include_myself=True: k smallest distances (self dist = 0 included)
    _, knn_idx = jax.lax.top_k(-adj, k)  # [B, N, k]
    # gather: ptcld[k2] in torch (batch-offset flattened gather)
    gathered = jax.vmap(lambda f, i: f[i])(xf, knn_idx)  # [B, N, k, D*C]
    gathered = gathered.reshape(B, N, k, D, C)
    gathered = jnp.transpose(gathered, (0, 1, 3, 4, 2))  # [B, N, D, C, k]
    w1n = _normalize(w1, 1)  # normalize over neighbor dim
    weighted = jnp.sum(gathered * w1n, axis=-1)  # [B, N, D, C]
    w2n = _normalize(w2, 0)  # normalize over in_channel dim
    weighted = jnp.matmul(weighted, w2n)  # [B, N, D, out_channels]
    return weighted

if __name__ == "__main__":
    import jax
    _d = setup_inputs()
    print(jax.jit(kernel)(*tuple(_d.values())))

</pallas_src>

<mosaic_0001>
#map = affine_map<(d0, d1) -> (0, 0)>
#map1 = affine_map<(d0, d1) -> (0)>
module attributes {stable_mosaic.version = 14 : i64} {
  func.func @sck(%arg0: i32, %arg1: i32, %arg2: memref<8192x128xf32, #tpu.memory_space<hbm>>, %arg3: memref<262144xi32, #tpu.memory_space<hbm>>, %arg4: memref<32x128xf32, #tpu.memory_space<hbm>>, %arg5: memref<8192x128xf32, #tpu.memory_space<hbm>>, %arg6: memref<8192xi32, #tpu.memory_space<vmem>>, %arg7: memref<32x128xf32, #tpu.memory_space<vmem>>, %arg8: memref<32x128xf32, #tpu.memory_space<vmem>>, %arg9: memref<256x128xf32, #tpu.memory_space<vmem>>, %arg10: memref<!tpu.dma_semaphore, #tpu.memory_space<semaphore_mem>>) attributes {dimension_semantics = [#tpu.dimension_semantics<core_parallel>, #tpu.dimension_semantics<subcore_parallel>], iteration_bounds = array<i64: 2, 16>, scalar_prefetch = 0 : i64, scratch_operands = 5 : i64, tpu.core_type = #tpu.core_type<sc_vector_subcore>, window_params = [{transform_indices = #map}, {transform_indices = #map1}, {transform_indices = #map}, {transform_indices = #map}]} {
    %mul3A = arith.constant 2 : i32
    %mul3A_0 = arith.muli %arg1, %mul3A : i32
    %add3A = arith.addi %mul3A_0, %arg0 : i32
    %mul3A_1 = arith.constant 256 : i32
    %mul3A_2 = arith.muli %add3A, %mul3A_1 : i32
    %mul3A_3 = arith.constant 32 : i32
    %mul3A_4 = arith.muli %mul3A_2, %mul3A_3 : i32
    "tpu.region"() ({
      %run_scoped3A = tpu.sem_alloc : memref<!tpu.dma_semaphore, #tpu.memory_space<semaphore_mem>>
      %dma_start3A = tpu.memref_slice %arg3[%mul3A_4] : memref<262144xi32, #tpu.memory_space<hbm>> -> memref<8192xi32, #tpu.memory_space<hbm>>
      %dma_start3A_10 = tpu.memref_slice %arg3[%mul3A_4] : memref<262144xi32, #tpu.memory_space<hbm>> -> memref<8192xi32, #tpu.memory_space<hbm>>
      tpu.enqueue_dma source(%dma_start3A_10 : memref<8192xi32, #tpu.memory_space<hbm>>) target(%arg6 : memref<8192xi32, #tpu.memory_space<vmem>>) target_semaphore(%run_scoped3A : memref<!tpu.dma_semaphore, #tpu.memory_space<semaphore_mem>>)
      %dma_wait3A = tpu.memref_slice %arg3[%mul3A_4] : memref<262144xi32, #tpu.memory_space<hbm>> -> memref<8192xi32, #tpu.memory_space<hbm>>
      %dma_wait3A_11 = tpu.memref_slice %arg3[%mul3A_4] : memref<262144xi32, #tpu.memory_space<hbm>> -> memref<8192xi32, #tpu.memory_space<hbm>>
      tpu.wait_dma2 semaphore(%run_scoped3A : memref<!tpu.dma_semaphore, #tpu.memory_space<semaphore_mem>>) src(%dma_wait3A_11 : memref<8192xi32, #tpu.memory_space<hbm>>) dst(%arg6 : memref<8192xi32, #tpu.memory_space<vmem>>)
      tpu.yield
    }) : () -> ()
    "tpu.region"() ({
      %run_scoped3A = tpu.sem_alloc : memref<!tpu.dma_semaphore, #tpu.memory_space<semaphore_mem>>
      tpu.enqueue_dma source(%arg4 : memref<32x128xf32, #tpu.memory_space<hbm>>) target(%arg8 : memref<32x128xf32, #tpu.memory_space<vmem>>) target_semaphore(%run_scoped3A : memref<!tpu.dma_semaphore, #tpu.memory_space<semaphore_mem>>)
      tpu.wait_dma2 semaphore(%run_scoped3A : memref<!tpu.dma_semaphore, #tpu.memory_space<semaphore_mem>>) src(%arg4 : memref<32x128xf32, #tpu.memory_space<hbm>>) dst(%arg8 : memref<32x128xf32, #tpu.memory_space<vmem>>)
      tpu.yield
    }) : () -> ()
    %scan3A = arith.constant 0 : i32
    %scan3A_5 = arith.constant 0 : i32
    %scan3A_6 = arith.constant 256 : i32
    %scan3A_7 = arith.addi %scan3A_5, %scan3A_6 : i32
    %scan3A_8 = arith.constant 1 : i32
    scf.for %scan3A_10 = %scan3A_5 to %scan3A_7 step %scan3A_8  : i32 {
      %mul3A_11 = arith.constant 32 : i32
      %mul3A_12 = arith.muli %scan3A_10, %mul3A_11 : i32
      %dma_start3A = tpu.memref_slice %arg6[%mul3A_12] : memref<8192xi32, #tpu.memory_space<vmem>> -> memref<32xi32, #tpu.memory_space<vmem>>
      %dma_start3A_13 = arith.constant 0 : i32
      %dma_start3A_14 = arith.constant 0 : i32
      %dma_start3A_15 = tpu.memref_slice %arg2[%dma_start3A_13, %dma_start3A_14] : memref<8192x128xf32, #tpu.memory_space<hbm>> -> memref<8192x128xf32, #tpu.memory_space<hbm>>
      tpu.enqueue_indirect_dma source(%dma_start3A_15 : memref<8192x128xf32, #tpu.memory_space<hbm>>) target(%arg7 : memref<32x128xf32, #tpu.memory_space<vmem>>) offsets(%dma_start3A : memref<32xi32, #tpu.memory_space<vmem>>) semaphore(%arg10 : memref<!tpu.dma_semaphore, #tpu.memory_space<semaphore_mem>>)
      %dma_wait3A = tpu.memref_slice %arg6[%mul3A_12] : memref<8192xi32, #tpu.memory_space<vmem>> -> memref<32xi32, #tpu.memory_space<vmem>>
      %dma_wait3A_16 = arith.constant 0 : i32
      %dma_wait3A_17 = arith.constant 0 : i32
      %dma_wait3A_18 = tpu.memref_slice %arg2[%dma_wait3A_16, %dma_wait3A_17] : memref<8192x128xf32, #tpu.memory_space<hbm>> -> memref<8192x128xf32, #tpu.memory_space<hbm>>
      tpu.wait_indirect_dma semaphore(%arg10 : memref<!tpu.dma_semaphore, #tpu.memory_space<semaphore_mem>>) src(%dma_wait3A_18 : memref<8192x128xf32, #tpu.memory_space<hbm>>) dst(%arg7 : memref<32x128xf32, #tpu.memory_space<vmem>>)
      %get3A = arith.constant 0 : i32
      %get3A_19 = arith.index_cast %get3A : i32 to index
      %get3A_20 = arith.constant 0 : index
      %get3A_21 = tpu.vector_load %arg7[%get3A_19, %get3A_20] {strides = array<i32>} : memref<32x128xf32, #tpu.memory_space<vmem>>, vector<1x16xf32>,
      %get3A_22 = vector.shape_cast %get3A_21 : vector<1x16xf32> to vector<16xf32>
      %get3A_23 = arith.constant 0 : i32
      %get3A_24 = arith.index_cast %get3A_23 : i32 to index
      %get3A_25 = arith.constant 0 : index
      %get3A_26 = tpu.vector_load %arg8[%get3A_24, %get3A_25] {strides = array<i32>} : memref<32x128xf32, #tpu.memory_space<vmem>>, vector<1x16xf32>,
      %get3A_27 = vector.shape_cast %get3A_26 : vector<1x16xf32> to vector<16xf32>
      %mul3A_28 = arith.mulf %get3A_22, %get3A_27 : vector<16xf32>
      %get3A_29 = arith.constant 1 : i32
      %get3A_30 = arith.index_cast %get3A_29 : i32 to index
      %get3A_31 = arith.constant 0 : index
      %get3A_32 = tpu.vector_load %arg7[%get3A_30, %get3A_31] {strides = array<i32>} : memref<32x128xf32, #tpu.memory_space<vmem>>, vector<1x16xf32>,
      %get3A_33 = vector.shape_cast %get3A_32 : vector<1x16xf32> to vector<16xf32>
      %get3A_34 = arith.constant 1 : i32
      %get3A_35 = arith.index_cast %get3A_34 : i32 to index
      %get3A_36 = arith.constant 0 : index
      %get3A_37 = tpu.vector_load %arg8[%get3A_35, %get3A_36] {strides = array<i32>} : memref<32x128xf32, #tpu.memory_space<vmem>>, vector<1x16xf32>,
      %get3A_38 = vector.shape_cast %get3A_37 : vector<1x16xf32> to vector<16xf32>
      %mul3A_39 = arith.mulf %get3A_33, %get3A_38 : vector<16xf32>
      %add3A_40 = arith.addf %mul3A_28, %mul3A_39 : vector<16xf32>
      %get3A_41 = arith.constant 2 : i32
      %get3A_42 = arith.index_cast %get3A_41 : i32 to index
      %get3A_43 = arith.constant 0 : index
      %get3A_44 = tpu.vector_load %arg7[%get3A_42, %get3A_43] {strides = array<i32>} : memref<32x128xf32, #tpu.memory_space<vmem>>, vector<1x16xf32>,
      %get3A_45 = vector.shape_cast %get3A_44 : vector<1x16xf32> to vector<16xf32>
      %get3A_46 = arith.constant 2 : i32
      %get3A_47 = arith.index_cast %get3A_46 : i32 to index
      %get3A_48 = arith.constant 0 : index
      %get3A_49 = tpu.vector_load %arg8[%get3A_47, %get3A_48] {strides = array<i32>} : memref<32x128xf32, #tpu.memory_space<vmem>>, vector<1x16xf32>,
      %get3A_50 = vector.shape_cast %get3A_49 : vector<1x16xf32> to vector<16xf32>
      %mul3A_51 = arith.mulf %get3A_45, %get3A_50 : vector<16xf32>
      %add3A_52 = arith.addf %add3A_40, %mul3A_51 : vector<16xf32>
      %get3A_53 = arith.constant 3 : i32
      %get3A_54 = arith.index_cast %get3A_53 : i32 to index
      %get3A_55 = arith.constant 0 : index
      %get3A_56 = tpu.vector_load %arg7[%get3A_54, %get3A_55] {strides = array<i32>} : memref<32x128xf32, #tpu.memory_space<vmem>>, vector<1x16xf32>,
      %get3A_57 = vector.shape_cast %get3A_56 : vector<1x16xf32> to vector<16xf32>
      %get3A_58 = arith.constant 3 : i32
      %get3A_59 = arith.index_cast %get3A_58 : i32 to index
      %get3A_60 = arith.constant 0 : index
      %get3A_61 = tpu.vector_load %arg8[%get3A_59, %get3A_60] {strides = array<i32>} : memref<32x128xf32, #tpu.memory_space<vmem>>, vector<1x16xf32>,
      %get3A_62 = vector.shape_cast %get3A_61 : vector<1x16xf32> to vector<16xf32>
      %mul3A_63 = arith.mulf %get3A_57, %get3A_62 : vector<16xf32>
      %add3A_64 = arith.addf %add3A_52, %mul3A_63 : vector<16xf32>
      %get3A_65 = arith.constant 4 : i32
      %get3A_66 = arith.index_cast %get3A_65 : i32 to index
      %get3A_67 = arith.constant 0 : index
      %get3A_68 = tpu.vector_load %arg7[%get3A_66, %get3A_67] {strides = array<i32>} : memref<32x128xf32, #tpu.memory_space<vmem>>, vector<1x16xf32>,
      %get3A_69 = vector.shape_cast %get3A_68 : vector<1x16xf32> to vector<16xf32>
      %get3A_70 = arith.constant 4 : i32
      %get3A_71 = arith.index_cast %get3A_70 : i32 to index
      %get3A_72 = arith.constant 0 : index
      %get3A_73 = tpu.vector_load %arg8[%get3A_71, %get3A_72] {strides = array<i32>} : memref<32x128xf32, #tpu.memory_space<vmem>>, vector<1x16xf32>,
      %get3A_74 = vector.shape_cast %get3A_73 : vector<1x16xf32> to vector<16xf32>
      %mul3A_75 = arith.mulf %get3A_69, %get3A_74 : vector<16xf32>
      %add3A_76 = arith.addf %add3A_64, %mul3A_75 : vector<16xf32>
      %get3A_77 = arith.constant 5 : i32
      %get3A_78 = arith.index_cast %get3A_77 : i32 to index
      %get3A_79 = arith.constant 0 : index
      %get3A_80 = tpu.vector_load %arg7[%get3A_78, %get3A_79] {strides = array<i32>} : memref<32x128xf32, #tpu.memory_space<vmem>>, vector<1x16xf32>,
      %get3A_81 = vector.shape_cast %get3A_80 : vector<1x16xf32> to vector<16xf32>
      %get3A_82 = arith.constant 5 : i32
      %get3A_83 = arith.index_cast %get3A_82 : i32 to index
      %get3A_84 = arith.constant 0 : index
      %get3A_85 = tpu.vector_load %arg8[%get3A_83, %get3A_84] {strides = array<i32>} : memref<32x128xf32, #tpu.memory_space<vmem>>, vector<1x16xf32>,
      %get3A_86 = vector.shape_cast %get3A_85 : vector<1x16xf32> to vector<16xf32>
      %mul3A_87 = arith.mulf %get3A_81, %get3A_86 : vector<16xf32>
      %add3A_88 = arith.addf %add3A_76, %mul3A_87 : vector<16xf32>
      %get3A_89 = arith.constant 6 : i32
      %get3A_90 = arith.index_cast %get3A_89 : i32 to index
      %get3A_91 = arith.constant 0 : index
      %get3A_92 = tpu.vector_load %arg7[%get3A_90, %get3A_91] {strides = array<i32>} : memref<32x128xf32, #tpu.memory_space<vmem>>, vector<1x16xf32>,
      %get3A_93 = vector.shape_cast %get3A_92 : vector<1x16xf32> to vector<16xf32>
      %get3A_94 = arith.constant 6 : i32
      %get3A_95 = arith.index_cast %get3A_94 : i32 to index
      %get3A_96 = arith.constant 0 : index
      %get3A_97 = tpu.vector_load %arg8[%get3A_95, %get3A_96] {strides = array<i32>} : memref<32x128xf32, #tpu.memory_space<vmem>>, vector<1x16xf32>,
      %get3A_98 = vector.shape_cast %get3A_97 : vector<1x16xf32> to vector<16xf32>
      %mul3A_99 = arith.mulf %get3A_93, %get3A_98 : vector<16xf32>
      %add3A_100 = arith.addf %add3A_88, %mul3A_99 : vector<16xf32>
      %get3A_101 = arith.constant 7 : i32
      %get3A_102 = arith.index_cast %get3A_101 : i32 to index
      %get3A_103 = arith.constant 0 : index
      %get3A_104 = tpu.vector_load %arg7[%get3A_102, %get3A_103] {strides = array<i32>} : memref<32x128xf32, #tpu.memory_space<vmem>>, vector<1x16xf32>,
      %get3A_105 = vector.shape_cast %get3A_104 : vector<1x16xf32> to vector<16xf32>
      %get3A_106 = arith.constant 7 : i32
      %get3A_107 = arith.index_cast %get3A_106 : i32 to index
      %get3A_108 = arith.constant 0 : index
      %get3A_109 = tpu.vector_load %arg8[%get3A_107, %get3A_108] {strides = array<i32>} : memref<32x128xf32, #tpu.memory_space<vmem>>, vector<1x16xf32>,
      %get3A_110 = vector.shape_cast %get3A_109 : vector<1x16xf32> to vector<16xf32>
      %mul3A_111 = arith.mulf %get3A_105, %get3A_110 : vector<16xf32>
      %add3A_112 = arith.addf %add3A_100, %mul3A_111 : vector<16xf32>
      %get3A_113 = arith.constant 8 : i32
      %get3A_114 = arith.index_cast %get3A_113 : i32 to index
      %get3A_115 = arith.constant 0 : index
      %get3A_116 = tpu.vector_load %arg7[%get3A_114, %get3A_115] {strides = array<i32>} : memref<32x128xf32, #tpu.memory_space<vmem>>, vector<1x16xf32>,
      %get3A_117 = vector.shape_cast %get3A_116 : vector<1x16xf32> to vector<16xf32>
      %get3A_118 = arith.constant 8 : i32
      %get3A_119 = arith.index_cast %get3A_118 : i32 to index
      %get3A_120 = arith.constant 0 : index
      %get3A_121 = tpu.vector_load %arg8[%get3A_119, %get3A_120] {strides = array<i32>} : memref<32x128xf32, #tpu.memory_space<vmem>>, vector<1x16xf32>,
      %get3A_122 = vector.shape_cast %get3A_121 : vector<1x16xf32> to vector<16xf32>
      %mul3A_123 = arith.mulf %get3A_117, %get3A_122 : vector<16xf32>
      %add3A_124 = arith.addf %add3A_112, %mul3A_123 : vector<16xf32>
      %get3A_125 = arith.constant 9 : i32
      %get3A_126 = arith.index_cast %get3A_125 : i32 to index
      %get3A_127 = arith.constant 0 : index
      %get3A_128 = tpu.vector_load %arg7[%get3A_126, %get3A_127] {strides = array<i32>} : memref<32x128xf32, #tpu.memory_space<vmem>>, vector<1x16xf32>,
      %get3A_129 = vector.shape_cast %get3A_128 : vector<1x16xf32> to vector<16xf32>
      %get3A_130 = arith.constant 9 : i32
      %get3A_131 = arith.index_cast %get3A_130 : i32 to index
      %get3A_132 = arith.constant 0 : index
      %get3A_133 = tpu.vector_load %arg8[%get3A_131, %get3A_132] {strides = array<i32>} : memref<32x128xf32, #tpu.memory_space<vmem>>, vector<1x16xf32>,
      %get3A_134 = vector.shape_cast %get3A_133 : vector<1x16xf32> to vector<16xf32>
      %mul3A_135 = arith.mulf %get3A_129, %get3A_134 : vector<16xf32>
      %add3A_136 = arith.addf %add3A_124, %mul3A_135 : vector<16xf32>
      %get3A_137 = arith.constant 10 : i32
      %get3A_138 = arith.index_cast %get3A_137 : i32 to index
      %get3A_139 = arith.constant 0 : index
      %get3A_140 = tpu.vector_load %arg7[%get3A_138, %get3A_139] {strides = array<i32>} : memref<32x128xf32, #tpu.memory_space<vmem>>, vector<1x16xf32>,
      %get3A_141 = vector.shape_cast %get3A_140 : vector<1x16xf32> to vector<16xf32>
      %get3A_142 = arith.constant 10 : i32
      %get3A_143 = arith.index_cast %get3A_142 : i32 to index
      %get3A_144 = arith.constant 0 : index
      %get3A_145 = tpu.vector_load %arg8[%get3A_143, %get3A_144] {strides = array<i32>} : memref<32x128xf32, #tpu.memory_space<vmem>>, vector<1x16xf32>,
      %get3A_146 = vector.shape_cast %get3A_145 : vector<1x16xf32> to vector<16xf32>
      %mul3A_147 = arith.mulf %get3A_141, %get3A_146 : vector<16xf32>
      %add3A_148 = arith.addf %add3A_136, %mul3A_147 : vector<16xf32>
      %get3A_149 = arith.constant 11 : i32
      %get3A_150 = arith.index_cast %get3A_149 : i32 to index
      %get3A_151 = arith.constant 0 : index
      %get3A_152 = tpu.vector_load %arg7[%get3A_150, %get3A_151] {strides = array<i32>} : memref<32x128xf32, #tpu.memory_space<vmem>>, vector<1x16xf32>,
      %get3A_153 = vector.shape_cast %get3A_152 : vector<1x16xf32> to vector<16xf32>
      %get3A_154 = arith.constant 11 : i32
      %get3A_155 = arith.index_cast %get3A_154 : i32 to index
      %get3A_156 = arith.constant 0 : index
      %get3A_157 = tpu.vector_load %arg8[%get3A_155, %get3A_156] {strides = array<i32>} : memref<32x128xf32, #tpu.memory_space<vmem>>, vector<1x16xf32>,
      %get3A_158 = vector.shape_cast %get3A_157 : vector<1x16xf32> to vector<16xf32>
      %mul3A_159 = arith.mulf %get3A_153, %get3A_158 : vector<16xf32>
      %add3A_160 = arith.addf %add3A_148, %mul3A_159 : vector<16xf32>
      %get3A_161 = arith.constant 12 : i32
      %get3A_162 = arith.index_cast %get3A_161 : i32 to index
      %get3A_163 = arith.constant 0 : index
      %get3A_164 = tpu.vector_load %arg7[%get3A_162, %get3A_163] {strides = array<i32>} : memref<32x128xf32, #tpu.memory_space<vmem>>, vector<1x16xf32>,
      %get3A_165 = vector.shape_cast %get3A_164 : vector<1x16xf32> to vector<16xf32>
      %get3A_166 = arith.constant 12 : i32
      %get3A_167 = arith.index_cast %get3A_166 : i32 to index
      %get3A_168 = arith.constant 0 : index
      %get3A_169 = tpu.vector_load %arg8[%get3A_167, %get3A_168] {strides = array<i32>} : memref<32x128xf32, #tpu.memory_space<vmem>>, vector<1x16xf32>,
      %get3A_170 = vector.shape_cast %get3A_169 : vector<1x16xf32> to vector<16xf32>
      %mul3A_171 = arith.mulf %get3A_165, %get3A_170 : vector<16xf32>
      %add3A_172 = arith.addf %add3A_160, %mul3A_171 : vector<16xf32>
      %get3A_173 = arith.constant 13 : i32
      %get3A_174 = arith.index_cast %get3A_173 : i32 to index
      %get3A_175 = arith.constant 0 : index
      %get3A_176 = tpu.vector_load %arg7[%get3A_174, %get3A_175] {strides = array<i32>} : memref<32x128xf32, #tpu.memory_space<vmem>>, vector<1x16xf32>,
      %get3A_177 = vector.shape_cast %get3A_176 : vector<1x16xf32> to vector<16xf32>
      %get3A_178 = arith.constant 13 : i32
      %get3A_179 = arith.index_cast %get3A_178 : i32 to index
      %get3A_180 = arith.constant 0 : index
      %get3A_181 = tpu.vector_load %arg8[%get3A_179, %get3A_180] {strides = array<i32>} : memref<32x128xf32, #tpu.memory_space<vmem>>, vector<1x16xf32>,
      %get3A_182 = vector.shape_cast %get3A_181 : vector<1x16xf32> to vector<16xf32>
      %mul3A_183 = arith.mulf %get3A_177, %get3A_182 : vector<16xf32>
      %add3A_184 = arith.addf %add3A_172, %mul3A_183 : vector<16xf32>
      %get3A_185 = arith.constant 14 : i32
      %get3A_186 = arith.index_cast %get3A_185 : i32 to index
      %get3A_187 = arith.constant 0 : index
      %get3A_188 = tpu.vector_load %arg7[%get3A_186, %get3A_187] {strides = array<i32>} : memref<32x128xf32, #tpu.memory_space<vmem>>, vector<1x16xf32>,
      %get3A_189 = vector.shape_cast %get3A_188 : vector<1x16xf32> to vector<16xf32>
      %get3A_190 = arith.constant 14 : i32
      %get3A_191 = arith.index_cast %get3A_190 : i32 to index
      %get3A_192 = arith.constant 0 : index
      %get3A_193 = tpu.vector_load %arg8[%get3A_191, %get3A_192] {strides = array<i32>} : memref<32x128xf32, #tpu.memory_space<vmem>>, vector<1x16xf32>,
      %get3A_194 = vector.shape_cast %get3A_193 : vector<1x16xf32> to vector<16xf32>
      %mul3A_195 = arith.mulf %get3A_189, %get3A_194 : vector<16xf32>
      %add3A_196 = arith.addf %add3A_184, %mul3A_195 : vector<16xf32>
      %get3A_197 = arith.constant 15 : i32
      %get3A_198 = arith.index_cast %get3A_197 : i32 to index
      %get3A_199 = arith.constant 0 : index
      %get3A_200 = tpu.vector_load %arg7[%get3A_198, %get3A_199] {strides = array<i32>} : memref<32x128xf32, #tpu.memory_space<vmem>>, vector<1x16xf32>,
      %get3A_201 = vector.shape_cast %get3A_200 : vector<1x16xf32> to vector<16xf32>
      %get3A_202 = arith.constant 15 : i32
      %get3A_203 = arith.index_cast %get3A_202 : i32 to index
      %get3A_204 = arith.constant 0 : index
      %get3A_205 = tpu.vector_load %arg8[%get3A_203, %get3A_204] {strides = array<i32>} : memref<32x128xf32, #tpu.memory_space<vmem>>, vector<1x16xf32>,
      %get3A_206 = vector.shape_cast %get3A_205 : vector<1x16xf32> to vector<16xf32>
      %mul3A_207 = arith.mulf %get3A_201, %get3A_206 : vector<16xf32>
      %add3A_208 = arith.addf %add3A_196, %mul3A_207 : vector<16xf32>
      %get3A_209 = arith.constant 16 : i32
      %get3A_210 = arith.index_cast %get3A_209 : i32 to index
      %get3A_211 = arith.constant 0 : index
      %get3A_212 = tpu.vector_load %arg7[%get3A_210, %get3A_211] {strides = array<i32>} : memref<32x128xf32, #tpu.memory_space<vmem>>, vector<1x16xf32>,
      %get3A_213 = vector.shape_cast %get3A_212 : vector<1x16xf32> to vector<16xf32>
      %get3A_214 = arith.constant 16 : i32
      %get3A_215 = arith.index_cast %get3A_214 : i32 to index
      %get3A_216 = arith.constant 0 : index
      %get3A_217 = tpu.vector_load %arg8[%get3A_215, %get3A_216] {strides = array<i32>} : memref<32x128xf32, #tpu.memory_space<vmem>>, vector<1x16xf32>,
      %get3A_218 = vector.shape_cast %get3A_217 : vector<1x16xf32> to vector<16xf32>
      %mul3A_219 = arith.mulf %get3A_213, %get3A_218 : vector<16xf32>
      %add3A_220 = arith.addf %add3A_208, %mul3A_219 : vector<16xf32>
      %get3A_221 = arith.constant 17 : i32
      %get3A_222 = arith.index_cast %get3A_221 : i32 to index
      %get3A_223 = arith.constant 0 : index
      %get3A_224 = tpu.vector_load %arg7[%get3A_222, %get3A_223] {strides = array<i32>} : memref<32x128xf32, #tpu.memory_space<vmem>>, vector<1x16xf32>,
      %get3A_225 = vector.shape_cast %get3A_224 : vector<1x16xf32> to vector<16xf32>
      %get3A_226 = arith.constant 17 : i32
      %get3A_227 = arith.index_cast %get3A_226 : i32 to index
      %get3A_228 = arith.constant 0 : index
      %get3A_229 = tpu.vector_load %arg8[%get3A_227, %get3A_228] {strides = array<i32>} : memref<32x128xf32, #tpu.memory_space<vmem>>, vector<1x16xf32>,
      %get3A_230 = vector.shape_cast %get3A_229 : vector<1x16xf32> to vector<16xf32>
      %mul3A_231 = arith.mulf %get3A_225, %get3A_230 : vector<16xf32>
      %add3A_232 = arith.addf %add3A_220, %mul3A_231 : vector<16xf32>
      %get3A_233 = arith.constant 18 : i32
      %get3A_234 = arith.index_cast %get3A_233 : i32 to index
      %get3A_235 = arith.constant 0 : index
      %get3A_236 = tpu.vector_load %arg7[%get3A_234, %get3A_235] {strides = array<i32>} : memref<32x128xf32, #tpu.memory_space<vmem>>, vector<1x16xf32>,
      %get3A_237 = vector.shape_cast %get3A_236 : vector<1x16xf32> to vector<16xf32>
      %get3A_238 = arith.constant 18 : i32
      %get3A_239 = arith.index_cast %get3A_238 : i32 to index
      %get3A_240 = arith.constant 0 : index
      %get3A_241 = tpu.vector_load %arg8[%get3A_239, %get3A_240] {strides = array<i32>} : memref<32x128xf32, #tpu.memory_space<vmem>>, vector<1x16xf32>,
      %get3A_242 = vector.shape_cast %get3A_241 : vector<1x16xf32> to vector<16xf32>
      %mul3A_243 = arith.mulf %get3A_237, %get3A_242 : vector<16xf32>
      %add3A_244 = arith.addf %add3A_232, %mul3A_243 : vector<16xf32>
      %get3A_245 = arith.constant 19 : i32
      %get3A_246 = arith.index_cast %get3A_245 : i32 to index
      %get3A_247 = arith.constant 0 : index
      %get3A_248 = tpu.vector_load %arg7[%get3A_246, %get3A_247] {strides = array<i32>} : memref<32x128xf32, #tpu.memory_space<vmem>>, vector<1x16xf32>,
      %get3A_249 = vector.shape_cast %get3A_248 : vector<1x16xf32> to vector<16xf32>
      %get3A_250 = arith.constant 19 : i32
      %get3A_251 = arith.index_cast %get3A_250 : i32 to index
      %get3A_252 = arith.constant 0 : index
      %get3A_253 = tpu.vector_load %arg8[%get3A_251, %get3A_252] {strides = array<i32>} : memref<32x128xf32, #tpu.memory_space<vmem>>, vector<1x16xf32>,
      %get3A_254 = vector.shape_cast %get3A_253 : vector<1x16xf32> to vector<16xf32>
      %mul3A_255 = arith.mulf %get3A_249, %get3A_254 : vector<16xf32>
      %add3A_256 = arith.addf %add3A_244, %mul3A_255 : vector<16xf32>
      %get3A_257 = arith.constant 20 : i32
      %get3A_258 = arith.index_cast %get3A_257 : i32 to index
      %get3A_259 = arith.constant 0 : index
      %get3A_260 = tpu.vector_load %arg7[%get3A_258, %get3A_259] {strides = array<i32>} : memref<32x128xf32, #tpu.memory_space<vmem>>, vector<1x16xf32>,
      %get3A_261 = vector.shape_cast %get3A_260 : vector<1x16xf32> to vector<16xf32>
      %get3A_262 = arith.constant 20 : i32
      %get3A_263 = arith.index_cast %get3A_262 : i32 to index
      %get3A_264 = arith.constant 0 : index
      %get3A_265 = tpu.vector_load %arg8[%get3A_263, %get3A_264] {strides = array<i32>} : memref<32x128xf32, #tpu.memory_space<vmem>>, vector<1x16xf32>,
      %get3A_266 = vector.shape_cast %get3A_265 : vector<1x16xf32> to vector<16xf32>
      %mul3A_267 = arith.mulf %get3A_261, %get3A_266 : vector<16xf32>
      %add3A_268 = arith.addf %add3A_256, %mul3A_267 : vector<16xf32>
      %get3A_269 = arith.constant 21 : i32
      %get3A_270 = arith.index_cast %get3A_269 : i32 to index
      %get3A_271 = arith.constant 0 : index
      %get3A_272 = tpu.vector_load %arg7[%get3A_270, %get3A_271] {strides = array<i32>} : memref<32x128xf32, #tpu.memory_space<vmem>>, vector<1x16xf32>,
      %get3A_273 = vector.shape_cast %get3A_272 : vector<1x16xf32> to vector<16xf32>
      %get3A_274 = arith.constant 21 : i32
      %get3A_275 = arith.index_cast %get3A_274 : i32 to index
      %get3A_276 = arith.constant 0 : index
      %get3A_277 = tpu.vector_load %arg8[%get3A_275, %get3A_276] {strides = array<i32>} : memref<32x128xf32, #tpu.memory_space<vmem>>, vector<1x16xf32>,
      %get3A_278 = vector.shape_cast %get3A_277 : vector<1x16xf32> to vector<16xf32>
      %mul3A_279 = arith.mulf %get3A_273, %get3A_278 : vector<16xf32>
      %add3A_280 = arith.addf %add3A_268, %mul3A_279 : vector<16xf32>
      %get3A_281 = arith.constant 22 : i32
      %get3A_282 = arith.index_cast %get3A_281 : i32 to index
      %get3A_283 = arith.constant 0 : index
      %get3A_284 = tpu.vector_load %arg7[%get3A_282, %get3A_283] {strides = array<i32>} : memref<32x128xf32, #tpu.memory_space<vmem>>, vector<1x16xf32>,
      %get3A_285 = vector.shape_cast %get3A_284 : vector<1x16xf32> to vector<16xf32>
      %get3A_286 = arith.constant 22 : i32
      %get3A_287 = arith.index_cast %get3A_286 : i32 to index
      %get3A_288 = arith.constant 0 : index
      %get3A_289 = tpu.vector_load %arg8[%get3A_287, %get3A_288] {strides = array<i32>} : memref<32x128xf32, #tpu.memory_space<vmem>>, vector<1x16xf32>,
      %get3A_290 = vector.shape_cast %get3A_289 : vector<1x16xf32> to vector<16xf32>
      %mul3A_291 = arith.mulf %get3A_285, %get3A_290 : vector<16xf32>
      %add3A_292 = arith.addf %add3A_280, %mul3A_291 : vector<16xf32>
      %get3A_293 = arith.constant 23 : i32
      %get3A_294 = arith.index_cast %get3A_293 : i32 to index
      %get3A_295 = arith.constant 0 : index
      %get3A_296 = tpu.vector_load %arg7[%get3A_294, %get3A_295] {strides = array<i32>} : memref<32x128xf32, #tpu.memory_space<vmem>>, vector<1x16xf32>,
      %get3A_297 = vector.shape_cast %get3A_296 : vector<1x16xf32> to vector<16xf32>
      %get3A_298 = arith.constant 23 : i32
      %get3A_299 = arith.index_cast %get3A_298 : i32 to index
      %get3A_300 = arith.constant 0 : index
      %get3A_301 = tpu.vector_load %arg8[%get3A_299, %get3A_300] {strides = array<i32>} : memref<32x128xf32, #tpu.memory_space<vmem>>, vector<1x16xf32>,
      %get3A_302 = vector.shape_cast %get3A_301 : vector<1x16xf32> to vector<16xf32>
      %mul3A_303 = arith.mulf %get3A_297, %get3A_302 : vector<16xf32>
      %add3A_304 = arith.addf %add3A_292, %mul3A_303 : vector<16xf32>
      %get3A_305 = arith.constant 24 : i32
      %get3A_306 = arith.index_cast %get3A_305 : i32 to index
      %get3A_307 = arith.constant 0 : index
      %get3A_308 = tpu.vector_load %arg7[%get3A_306, %get3A_307] {strides = array<i32>} : memref<32x128xf32, #tpu.memory_space<vmem>>, vector<1x16xf32>,
      %get3A_309 = vector.shape_cast %get3A_308 : vector<1x16xf32> to vector<16xf32>
      %get3A_310 = arith.constant 24 : i32
      %get3A_311 = arith.index_cast %get3A_310 : i32 to index
      %get3A_312 = arith.constant 0 : index
      %get3A_313 = tpu.vector_load %arg8[%get3A_311, %get3A_312] {strides = array<i32>} : memref<32x128xf32, #tpu.memory_space<vmem>>, vector<1x16xf32>,
      %get3A_314 = vector.shape_cast %get3A_313 : vector<1x16xf32> to vector<16xf32>
      %mul3A_315 = arith.mulf %get3A_309, %get3A_314 : vector<16xf32>
      %add3A_316 = arith.addf %add3A_304, %mul3A_315 : vector<16xf32>
      %get3A_317 = arith.constant 25 : i32
      %get3A_318 = arith.index_cast %get3A_317 : i32 to index
      %get3A_319 = arith.constant 0 : index
      %get3A_320 = tpu.vector_load %arg7[%get3A_318, %get3A_319] {strides = array<i32>} : memref<32x128xf32, #tpu.memory_space<vmem>>, vector<1x16xf32>,
      %get3A_321 = vector.shape_cast %get3A_320 : vector<1x16xf32> to vector<16xf32>
      %get3A_322 = arith.constant 25 : i32
      %get3A_323 = arith.index_cast %get3A_322 : i32 to index
      %get3A_324 = arith.constant 0 : index
      %get3A_325 = tpu.vector_load %arg8[%get3A_323, %get3A_324] {strides = array<i32>} : memref<32x128xf32, #tpu.memory_space<vmem>>, vector<1x16xf32>,
      %get3A_326 = vector.shape_cast %get3A_325 : vector<1x16xf32> to vector<16xf32>
      %mul3A_327 = arith.mulf %get3A_321, %get3A_326 : vector<16xf32>
      %add3A_328 = arith.addf %add3A_316, %mul3A_327 : vector<16xf32>
      %get3A_329 = arith.constant 26 : i32
      %get3A_330 = arith.index_cast %get3A_329 : i32 to index
      %get3A_331 = arith.constant 0 : index
      %get3A_332 = tpu.vector_load %arg7[%get3A_330, %get3A_331] {strides = array<i32>} : memref<32x128xf32, #tpu.memory_space<vmem>>, vector<1x16xf32>,
      %get3A_333 = vector.shape_cast %get3A_332 : vector<1x16xf32> to vector<16xf32>
      %get3A_334 = arith.constant 26 : i32
      %get3A_335 = arith.index_cast %get3A_334 : i32 to index
      %get3A_336 = arith.constant 0 : index
      %get3A_337 = tpu.vector_load %arg8[%get3A_335, %get3A_336] {strides = array<i32>} : memref<32x128xf32, #tpu.memory_space<vmem>>, vector<1x16xf32>,
      %get3A_338 = vector.shape_cast %get3A_337 : vector<1x16xf32> to vector<16xf32>
      %mul3A_339 = arith.mulf %get3A_333, %get3A_338 : vector<16xf32>
      %add3A_340 = arith.addf %add3A_328, %mul3A_339 : vector<16xf32>
      %get3A_341 = arith.constant 27 : i32
      %get3A_342 = arith.index_cast %get3A_341 : i32 to index
      %get3A_343 = arith.constant 0 : index
      %get3A_344 = tpu.vector_load %arg7[%get3A_342, %get3A_343] {strides = array<i32>} : memref<32x128xf32, #tpu.memory_space<vmem>>, vector<1x16xf32>,
      %get3A_345 = vector.shape_cast %get3A_344 : vector<1x16xf32> to vector<16xf32>
      %get3A_346 = arith.constant 27 : i32
      %get3A_347 = arith.index_cast %get3A_346 : i32 to index
      %get3A_348 = arith.constant 0 : index
      %get3A_349 = tpu.vector_load %arg8[%get3A_347, %get3A_348] {strides = array<i32>} : memref<32x128xf32, #tpu.memory_space<vmem>>, vector<1x16xf32>,
      %get3A_350 = vector.shape_cast %get3A_349 : vector<1x16xf32> to vector<16xf32>
      %mul3A_351 = arith.mulf %get3A_345, %get3A_350 : vector<16xf32>
      %add3A_352 = arith.addf %add3A_340, %mul3A_351 : vector<16xf32>
      %get3A_353 = arith.constant 28 : i32
      %get3A_354 = arith.index_cast %get3A_353 : i32 to index
      %get3A_355 = arith.constant 0 : index
      %get3A_356 = tpu.vector_load %arg7[%get3A_354, %get3A_355] {strides = array<i32>} : memref<32x128xf32, #tpu.memory_space<vmem>>, vector<1x16xf32>,
      %get3A_357 = vector.shape_cast %get3A_356 : vector<1x16xf32> to vector<16xf32>
      %get3A_358 = arith.constant 28 : i32
      %get3A_359 = arith.index_cast %get3A_358 : i32 to index
      %get3A_360 = arith.constant 0 : index
      %get3A_361 = tpu.vector_load %arg8[%get3A_359, %get3A_360] {strides = array<i32>} : memref<32x128xf32, #tpu.memory_space<vmem>>, vector<1x16xf32>,
      %get3A_362 = vector.shape_cast %get3A_361 : vector<1x16xf32> to vector<16xf32>
      %mul3A_363 = arith.mulf %get3A_357, %get3A_362 : vector<16xf32>
      %add3A_364 = arith.addf %add3A_352, %mul3A_363 : vector<16xf32>
      %get3A_365 = arith.constant 29 : i32
      %get3A_366 = arith.index_cast %get3A_365 : i32 to index
      %get3A_367 = arith.constant 0 : index
      %get3A_368 = tpu.vector_load %arg7[%get3A_366, %get3A_367] {strides = array<i32>} : memref<32x128xf32, #tpu.memory_space<vmem>>, vector<1x16xf32>,
      %get3A_369 = vector.shape_cast %get3A_368 : vector<1x16xf32> to vector<16xf32>
      %get3A_370 = arith.constant 29 : i32
      %get3A_371 = arith.index_cast %get3A_370 : i32 to index
      %get3A_372 = arith.constant 0 : index
      %get3A_373 = tpu.vector_load %arg8[%get3A_371, %get3A_372] {strides = array<i32>} : memref<32x128xf32, #tpu.memory_space<vmem>>, vector<1x16xf32>,
      %get3A_374 = vector.shape_cast %get3A_373 : vector<1x16xf32> to vector<16xf32>
      %mul3A_375 = arith.mulf %get3A_369, %get3A_374 : vector<16xf32>
      %add3A_376 = arith.addf %add3A_364, %mul3A_375 : vector<16xf32>
      %get3A_377 = arith.constant 30 : i32
      %get3A_378 = arith.index_cast %get3A_377 : i32 to index
      %get3A_379 = arith.constant 0 : index
      %get3A_380 = tpu.vector_load %arg7[%get3A_378, %get3A_379] {strides = array<i32>} : memref<32x128xf32, #tpu.memory_space<vmem>>, vector<1x16xf32>,
      %get3A_381 = vector.shape_cast %get3A_380 : vector<1x16xf32> to vector<16xf32>
      %get3A_382 = arith.constant 30 : i32
      %get3A_383 = arith.index_cast %get3A_382 : i32 to index
      %get3A_384 = arith.constant 0 : index
      %get3A_385 = tpu.vector_load %arg8[%get3A_383, %get3A_384] {strides = array<i32>} : memref<32x128xf32, #tpu.memory_space<vmem>>, vector<1x16xf32>,
      %get3A_386 = vector.shape_cast %get3A_385 : vector<1x16xf32> to vector<16xf32>
      %mul3A_387 = arith.mulf %get3A_381, %get3A_386 : vector<16xf32>
      %add3A_388 = arith.addf %add3A_376, %mul3A_387 : vector<16xf32>
      %get3A_389 = arith.constant 31 : i32
      %get3A_390 = arith.index_cast %get3A_389 : i32 to index
      %get3A_391 = arith.constant 0 : index
      %get3A_392 = tpu.vector_load %arg7[%get3A_390, %get3A_391] {strides = array<i32>} : memref<32x128xf32, #tpu.memory_space<vmem>>, vector<1x16xf32>,
      %get3A_393 = vector.shape_cast %get3A_392 : vector<1x16xf32> to vector<16xf32>
      %get3A_394 = arith.constant 31 : i32
      %get3A_395 = arith.index_cast %get3A_394 : i32 to index
      %get3A_396 = arith.constant 0 : index
      %get3A_397 = tpu.vector_load %arg8[%get3A_395, %get3A_396] {strides = array<i32>} : memref<32x128xf32, #tpu.memory_space<vmem>>, vector<1x16xf32>,
      %get3A_398 = vector.shape_cast %get3A_397 : vector<1x16xf32> to vector<16xf32>
      %mul3A_399 = arith.mulf %get3A_393, %get3A_398 : vector<16xf32>
      %add3A_400 = arith.addf %add3A_388, %mul3A_399 : vector<16xf32>
      %swap3A = arith.index_cast %scan3A_10 : i32 to index
      %swap3A_401 = arith.constant 0 : index
      %swap3A_402 = tpu.vector_load %arg9[%swap3A, %swap3A_401] {strides = array<i32>} : memref<256x128xf32, #tpu.memory_space<vmem>>, vector<1x16xf32>,
      %swap3A_403 = vector.shape_cast %swap3A_402 : vector<1x16xf32> to vector<16xf32>
      %swap3A_404 = vector.shape_cast %add3A_400 : vector<16xf32> to vector<1x16xf32>
      tpu.vector_store %arg9[%swap3A, %swap3A_401], %swap3A_404 {strides = array<i32>} : memref<256x128xf32, #tpu.memory_space<vmem>>, vector<1x16xf32>,
      %get3A_405 = arith.constant 0 : i32
      %get3A_406 = arith.index_cast %get3A_405 : i32 to index
      %get3A_407 = arith.constant 16 : index
      %get3A_408 = tpu.vector_load %arg7[%get3A_406, %get3A_407] {strides = array<i32>} : memref<32x128xf32, #tpu.memory_space<vmem>>, vector<1x16xf32>,
      %get3A_409 = vector.shape_cast %get3A_408 : vector<1x16xf32> to vector<16xf32>
      %get3A_410 = arith.constant 0 : i32
      %get3A_411 = arith.index_cast %get3A_410 : i32 to index
      %get3A_412 = arith.constant 16 : index
      %get3A_413 = tpu.vector_load %arg8[%get3A_411, %get3A_412] {strides = array<i32>} : memref<32x128xf32, #tpu.memory_space<vmem>>, vector<1x16xf32>,
      %get3A_414 = vector.shape_cast %get3A_413 : vector<1x16xf32> to vector<16xf32>
      %mul3A_415 = arith.mulf %get3A_409, %get3A_414 : vector<16xf32>
      %get3A_416 = arith.constant 1 : i32
      %get3A_417 = arith.index_cast %get3A_416 : i32 to index
      %get3A_418 = arith.constant 16 : index
      %get3A_419 = tpu.vector_load %arg7[%get3A_417, %get3A_418] {strides = array<i32>} : memref<32x128xf32, #tpu.memory_space<vmem>>, vector<1x16xf32>,
      %get3A_420 = vector.shape_cast %get3A_419 : vector<1x16xf32> to vector<16xf32>
      %get3A_421 = arith.constant 1 : i32
      %get3A_422 = arith.index_cast %get3A_421 : i32 to index
      %get3A_423 = arith.constant 16 : index
      %get3A_424 = tpu.vector_load %arg8[%get3A_422, %get3A_423] {strides = array<i32>} : memref<32x128xf32, #tpu.memory_space<vmem>>, vector<1x16xf32>,
      %get3A_425 = vector.shape_cast %get3A_424 : vector<1x16xf32> to vector<16xf32>
      %mul3A_426 = arith.mulf %get3A_420, %get3A_425 : vector<16xf32>
      %add3A_427 = arith.addf %mul3A_415, %mul3A_426 : vector<16xf32>
      %get3A_428 = arith.constant 2 : i32
      %get3A_429 = arith.index_cast %get3A_428 : i32 to index
      %get3A_430 = arith.constant 16 : index
      %get3A_431 = tpu.vector_load %arg7[%get3A_429, %get3A_430] {strides = array<i32>} : memref<32x128xf32, #tpu.memory_space<vmem>>, vector<1x16xf32>,
      %get3A_432 = vector.shape_cast %get3A_431 : vector<1x16xf32> to vector<16xf32>
      %get3A_433 = arith.constant 2 : i32
      %get3A_434 = arith.index_cast %get3A_433 : i32 to index
      %get3A_435 = arith.constant 16 : index
      %get3A_436 = tpu.vector_load %arg8[%get3A_434, %get3A_435] {strides = array<i32>} : memref<32x128xf32, #tpu.memory_space<vmem>>, vector<1x16xf32>,
      %get3A_437 = vector.shape_cast %get3A_436 : vector<1x16xf32> to vector<16xf32>
      %mul3A_438 = arith.mulf %get3A_432, %get3A_437 : vector<16xf32>
      %add3A_439 = arith.addf %add3A_427, %mul3A_438 : vector<16xf32>
      %get3A_440 = arith.constant 3 : i32
      %get3A_441 = arith.index_cast %get3A_440 : i32 to index
      %get3A_442 = arith.constant 16 : index
      %get3A_443 = tpu.vector_load %arg7[%get3A_441, %get3A_442] {strides = array<i32>} : memref<32x128xf32, #tpu.memory_space<vmem>>, vector<1x16xf32>,
      %get3A_444 = vector.shape_cast %get3A_443 : vector<1x16xf32> to vector<16xf32>
      %get3A_445 = arith.constant 3 : i32
      %get3A_446 = arith.index_cast %get3A_445 : i32 to index
      %get3A_447 = arith.constant 16 : index
      %get3A_448 = tpu.vector_load %arg8[%get3A_446, %get3A_447] {strides = array<i32>} : memref<32x128xf32, #tpu.memory_space<vmem>>, vector<1x16xf32>,
      %get3A_449 = vector.shape_cast %get3A_448 : vector<1x16xf32> to vector<16xf32>
      %mul3A_450 = arith.mulf %get3A_444, %get3A_449 : vector<16xf32>
      %add3A_451 = arith.addf %add3A_439, %mul3A_450 : vector<16xf32>
      %get3A_452 = arith.constant 4 : i32
      %get3A_453 = arith.index_cast %get3A_452 : i32 to index
      %get3A_454 = arith.constant 16 : index
      %get3A_455 = tpu.vector_load %arg7[%get3A_453, %get3A_454] {strides = array<i32>} : memref<32x128xf32, #tpu.memory_space<vmem>>, vector<1x16xf32>,
      %get3A_456 = vector.shape_cast %get3A_455 : vector<1x16xf32> to vector<16xf32>
      %get3A_457 = arith.constant 4 : i32
      %get3A_458 = arith.index_cast %get3A_457 : i32 to index
      %get3A_459 = arith.constant 16 : index
      %get3A_460 = tpu.vector_load %arg8[%get3A_458, %get3A_459] {strides = array<i32>} : memref<32x128xf32, #tpu.memory_space<vmem>>, vector<1x16xf32>,
      %get3A_461 = vector.shape_cast %get3A_460 : vector<1x16xf32> to vector<16xf32>
      %mul3A_462 = arith.mulf %get3A_456, %get3A_461 : vector<16xf32>
      %add3A_463 = arith.addf %add3A_451, %mul3A_462 : vector<16xf32>
      %get3A_464 = arith.constant 5 : i32
      %get3A_465 = arith.index_cast %get3A_464 : i32 to index
      %get3A_466 = arith.constant 16 : index
      %get3A_467 = tpu.vector_load %arg7[%get3A_465, %get3A_466] {strides = array<i32>} : memref<32x128xf32, #tpu.memory_space<vmem>>, vector<1x16xf32>,
      %get3A_468 = vector.shape_cast %get3A_467 : vector<1x16xf32> to vector<16xf32>
      %get3A_469 = arith.constant 5 : i32
      %get3A_470 = arith.index_cast %get3A_469 : i32 to index
      %get3A_471 = arith.constant 16 : index
      %get3A_472 = tpu.vector_load %arg8[%get3A_470, %get3A_471] {strides = array<i32>} : memref<32x128xf32, #tpu.memory_space<vmem>>, vector<1x16xf32>,
      %get3A_473 = vector.shape_cast %get3A_472 : vector<1x16xf32> to vector<16xf32>
      %mul3A_474 = arith.mulf %get3A_468, %get3A_473 : vector<16xf32>
      %add3A_475 = arith.addf %add3A_463, %mul3A_474 : vector<16xf32>
      %get3A_476 = arith.constant 6 : i32
      %get3A_477 = arith.index_cast %get3A_476 : i32 to index
      %get3A_478 = arith.constant 16 : index
      %get3A_479 = tpu.vector_load %arg7[%get3A_477, %get3A_478] {strides = array<i32>} : memref<32x128xf32, #tpu.memory_space<vmem>>, vector<1x16xf32>,
      %get3A_480 = vector.shape_cast %get3A_479 : vector<1x16xf32> to vector<16xf32>
      %get3A_481 = arith.constant 6 : i32
      %get3A_482 = arith.index_cast %get3A_481 : i32 to index
      %get3A_483 = arith.constant 16 : index
      %get3A_484 = tpu.vector_load %arg8[%get3A_482, %get3A_483] {strides = array<i32>} : memref<32x128xf32, #tpu.memory_space<vmem>>, vector<1x16xf32>,
      %get3A_485 = vector.shape_cast %get3A_484 : vector<1x16xf32> to vector<16xf32>
      %mul3A_486 = arith.mulf %get3A_480, %get3A_485 : vector<16xf32>
      %add3A_487 = arith.addf %add3A_475, %mul3A_486 : vector<16xf32>
      %get3A_488 = arith.constant 7 : i32
      %get3A_489 = arith.index_cast %get3A_488 : i32 to index
      %get3A_490 = arith.constant 16 : index
      %get3A_491 = tpu.vector_load %arg7[%get3A_489, %get3A_490] {strides = array<i32>} : memref<32x128xf32, #tpu.memory_space<vmem>>, vector<1x16xf32>,
      %get3A_492 = vector.shape_cast %get3A_491 : vector<1x16xf32> to vector<16xf32>
      %get3A_493 = arith.constant 7 : i32
      %get3A_494 = arith.index_cast %get3A_493 : i32 to index
      %get3A_495 = arith.constant 16 : index
      %get3A_496 = tpu.vector_load %arg8[%get3A_494, %get3A_495] {strides = array<i32>} : memref<32x128xf32, #tpu.memory_space<vmem>>, vector<1x16xf32>,
      %get3A_497 = vector.shape_cast %get3A_496 : vector<1x16xf32> to vector<16xf32>
      %mul3A_498 = arith.mulf %get3A_492, %get3A_497 : vector<16xf32>
      %add3A_499 = arith.addf %add3A_487, %mul3A_498 : vector<16xf32>
      %get3A_500 = arith.constant 8 : i32
      %get3A_501 = arith.index_cast %get3A_500 : i32 to index
      %get3A_502 = arith.constant 16 : index
      %get3A_503 = tpu.vector_load %arg7[%get3A_501, %get3A_502] {strides = array<i32>} : memref<32x128xf32, #tpu.memory_space<vmem>>, vector<1x16xf32>,
      %get3A_504 = vector.shape_cast %get3A_503 : vector<1x16xf32> to vector<16xf32>
      %get3A_505 = arith.constant 8 : i32
      %get3A_506 = arith.index_cast %get3A_505 : i32 to index
      %get3A_507 = arith.constant 16 : index
      %get3A_508 = tpu.vector_load %arg8[%get3A_506, %get3A_507] {strides = array<i32>} : memref<32x128xf32, #tpu.memory_space<vmem>>, vector<1x16xf32>,
      %get3A_509 = vector.shape_cast %get3A_508 : vector<1x16xf32> to vector<16xf32>
      %mul3A_510 = arith.mulf %get3A_504, %get3A_509 : vector<16xf32>
      %add3A_511 = arith.addf %add3A_499, %mul3A_510 : vector<16xf32>
      %get3A_512 = arith.constant 9 : i32
      %get3A_513 = arith.index_cast %get3A_512 : i32 to index
      %get3A_514 = arith.constant 16 : index
      %get3A_515 = tpu.vector_load %arg7[%get3A_513, %get3A_514] {strides = array<i32>} : memref<32x128xf32, #tpu.memory_space<vmem>>, vector<1x16xf32>,
      %get3A_516 = vector.shape_cast %get3A_515 : vector<1x16xf32> to vector<16xf32>
      %get3A_517 = arith.constant 9 : i32
      %get3A_518 = arith.index_cast %get3A_517 : i32 to index
      %get3A_519 = arith.constant 16 : index
      %get3A_520 = tpu.vector_load %arg8[%get3A_518, %get3A_519] {strides = array<i32>} : memref<32x128xf32, #tpu.memory_space<vmem>>, vector<1x16xf32>,
      %get3A_521 = vector.shape_cast %get3A_520 : vector<1x16xf32> to vector<16xf32>
      %mul3A_522 = arith.mulf %get3A_516, %get3A_521 : vector<16xf32>
      %add3A_523 = arith.addf %add3A_511, %mul3A_522 : vector<16xf32>
      %get3A_524 = arith.constant 10 : i32
      %get3A_525 = arith.index_cast %get3A_524 : i32 to index
      %get3A_526 = arith.constant 16 : index
      %get3A_527 = tpu.vector_load %arg7[%get3A_525, %get3A_526] {strides = array<i32>} : memref<32x128xf32, #tpu.memory_space<vmem>>, vector<1x16xf32>,
      %get3A_528 = vector.shape_cast %get3A_527 : vector<1x16xf32> to vector<16xf32>
      %get3A_529 = arith.constant 10 : i32
      %get3A_530 = arith.index_cast %get3A_529 : i32 to index
      %get3A_531 = arith.constant 16 : index
      %get3A_532 = tpu.vector_load %arg8[%get3A_530, %get3A_531] {strides = array<i32>} : memref<32x128xf32, #tpu.memory_space<vmem>>, vector<1x16xf32>,
      %get3A_533 = vector.shape_cast %get3A_532 : vector<1x16xf32> to vector<16xf32>
      %mul3A_534 = arith.mulf %get3A_528, %get3A_533 : vector<16xf32>
      %add3A_535 = arith.addf %add3A_523, %mul3A_534 : vector<16xf32>
      %get3A_536 = arith.constant 11 : i32
      %get3A_537 = arith.index_cast %get3A_536 : i32 to index
      %get3A_538 = arith.constant 16 : index
      %get3A_539 = tpu.vector_load %arg7[%get3A_537, %get3A_538] {strides = array<i32>} : memref<32x128xf32, #tpu.memory_space<vmem>>, vector<1x16xf32>,
      %get3A_540 = vector.shape_cast %get3A_539 : vector<1x16xf32> to vector<16xf32>
      %get3A_541 = arith.constant 11 : i32
      %get3A_542 = arith.index_cast %get3A_541 : i32 to index
      %get3A_543 = arith.constant 16 : index
      %get3A_544 = tpu.vector_load %arg8[%get3A_542, %get3A_543] {strides = array<i32>} : memref<32x128xf32, #tpu.memory_space<vmem>>, vector<1x16xf32>,
      %get3A_545 = vector.shape_cast %get3A_544 : vector<1x16xf32> to vector<16xf32>
      %mul3A_546 = arith.mulf %get3A_540, %get3A_545 : vector<16xf32>
      %add3A_547 = arith.addf %add3A_535, %mul3A_546 : vector<16xf32>
      %get3A_548 = arith.constant 12 : i32
      %get3A_549 = arith.index_cast %get3A_548 : i32 to index
      %get3A_550 = arith.constant 16 : index
      %get3A_551 = tpu.vector_load %arg7[%get3A_549, %get3A_550] {strides = array<i32>} : memref<32x128xf32, #tpu.memory_space<vmem>>, vector<1x16xf32>,
      %get3A_552 = vector.shape_cast %get3A_551 : vector<1x16xf32> to vector<16xf32>
      %get3A_553 = arith.constant 12 : i32
      %get3A_554 = arith.index_cast %get3A_553 : i32 to index
      %get3A_555 = arith.constant 16 : index
      %get3A_556 = tpu.vector_load %arg8[%get3A_554, %get3A_555] {strides = array<i32>} : memref<32x128xf32, #tpu.memory_space<vmem>>, vector<1x16xf32>,
      %get3A_557 = vector.shape_cast %get3A_556 : vector<1x16xf32> to vector<16xf32>
      %mul3A_558 = arith.mulf %get3A_552, %get3A_557 : vector<16xf32>
      %add3A_559 = arith.addf %add3A_547, %mul3A_558 : vector<16xf32>
      %get3A_560 = arith.constant 13 : i32
      %get3A_561 = arith.index_cast %get3A_560 : i32 to index
      %get3A_562 = arith.constant 16 : index
      %get3A_563 = tpu.vector_load %arg7[%get3A_561, %get3A_562] {strides = array<i32>} : memref<32x128xf32, #tpu.memory_space<vmem>>, vector<1x16xf32>,
      %get3A_564 = vector.shape_cast %get3A_563 : vector<1x16xf32> to vector<16xf32>
      %get3A_565 = arith.constant 13 : i32
      %get3A_566 = arith.index_cast %get3A_565 : i32 to index
      %get3A_567 = arith.constant 16 : index
      %get3A_568 = tpu.vector_load %arg8[%get3A_566, %get3A_567] {strides = array<i32>} : memref<32x128xf32, #tpu.memory_space<vmem>>, vector<1x16xf32>,
      %get3A_569 = vector.shape_cast %get3A_568 : vector<1x16xf32> to vector<16xf32>
      %mul3A_570 = arith.mulf %get3A_564, %get3A_569 : vector<16xf32>
      %add3A_571 = arith.addf %add3A_559, %mul3A_570 : vector<16xf32>
      %get3A_572 = arith.constant 14 : i32
      %get3A_573 = arith.index_cast %get3A_572 : i32 to index
      %get3A_574 = arith.constant 16 : index
      %get3A_575 = tpu.vector_load %arg7[%get3A_573, %get3A_574] {strides = array<i32>} : memref<32x128xf32, #tpu.memory_space<vmem>>, vector<1x16xf32>,
      %get3A_576 = vector.shape_cast %get3A_575 : vector<1x16xf32> to vector<16xf32>
      %get3A_577 = arith.constant 14 : i32
      %get3A_578 = arith.index_cast %get3A_577 : i32 to index
      %get3A_579 = arith.constant 16 : index
      %get3A_580 = tpu.vector_load %arg8[%get3A_578, %get3A_579] {strides = array<i32>} : memref<32x128xf32, #tpu.memory_space<vmem>>, vector<1x16xf32>,
      %get3A_581 = vector.shape_cast %get3A_580 : vector<1x16xf32> to vector<16xf32>
      %mul3A_582 = arith.mulf %get3A_576, %get3A_581 : vector<16xf32>
      %add3A_583 = arith.addf %add3A_571, %mul3A_582 : vector<16xf32>
      %get3A_584 = arith.constant 15 : i32
      %get3A_585 = arith.index_cast %get3A_584 : i32 to index
      %get3A_586 = arith.constant 16 : index
      %get3A_587 = tpu.vector_load %arg7[%get3A_585, %get3A_586] {strides = array<i32>} : memref<32x128xf32, #tpu.memory_space<vmem>>, vector<1x16xf32>,
      %get3A_588 = vector.shape_cast %get3A_587 : vector<1x16xf32> to vector<16xf32>
      %get3A_589 = arith.constant 15 : i32
      %get3A_590 = arith.index_cast %get3A_589 : i32 to index
      %get3A_591 = arith.constant 16 : index
      %get3A_592 = tpu.vector_load %arg8[%get3A_590, %get3A_591] {strides = array<i32>} : memref<32x128xf32, #tpu.memory_space<vmem>>, vector<1x16xf32>,
      %get3A_593 = vector.shape_cast %get3A_592 : vector<1x16xf32> to vector<16xf32>
      %mul3A_594 = arith.mulf %get3A_588, %get3A_593 : vector<16xf32>
      %add3A_595 = arith.addf %add3A_583, %mul3A_594 : vector<16xf32>
      %get3A_596 = arith.constant 16 : i32
      %get3A_597 = arith.index_cast %get3A_596 : i32 to index
      %get3A_598 = arith.constant 16 : index
      %get3A_599 = tpu.vector_load %arg7[%get3A_597, %get3A_598] {strides = array<i32>} : memref<32x128xf32, #tpu.memory_space<vmem>>, vector<1x16xf32>,
      %get3A_600 = vector.shape_cast %get3A_599 : vector<1x16xf32> to vector<16xf32>
      %get3A_601 = arith.constant 16 : i32
      %get3A_602 = arith.index_cast %get3A_601 : i32 to index
      %get3A_603 = arith.constant 16 : index
      %get3A_604 = tpu.vector_load %arg8[%get3A_602, %get3A_603] {strides = array<i32>} : memref<32x128xf32, #tpu.memory_space<vmem>>, vector<1x16xf32>,
      %get3A_605 = vector.shape_cast %get3A_604 : vector<1x16xf32> to vector<16xf32>
      %mul3A_606 = arith.mulf %get3A_600, %get3A_605 : vector<16xf32>
      %add3A_607 = arith.addf %add3A_595, %mul3A_606 : vector<16xf32>
      %get3A_608 = arith.constant 17 : i32
      %get3A_609 = arith.index_cast %get3A_608 : i32 to index
      %get3A_610 = arith.constant 16 : index
      %get3A_611 = tpu.vector_load %arg7[%get3A_609, %get3A_610] {strides = array<i32>} : memref<32x128xf32, #tpu.memory_space<vmem>>, vector<1x16xf32>,
      %get3A_612 = vector.shape_cast %get3A_611 : vector<1x16xf32> to vector<16xf32>
      %get3A_613 = arith.constant 17 : i32
      %get3A_614 = arith.index_cast %get3A_613 : i32 to index
      %get3A_615 = arith.constant 16 : index
      %get3A_616 = tpu.vector_load %arg8[%get3A_614, %get3A_615] {strides = array<i32>} : memref<32x128xf32, #tpu.memory_space<vmem>>, vector<1x16xf32>,
      %get3A_617 = vector.shape_cast %get3A_616 : vector<1x16xf32> to vector<16xf32>
      %mul3A_618 = arith.mulf %get3A_612, %get3A_617 : vector<16xf32>
      %add3A_619 = arith.addf %add3A_607, %mul3A_618 : vector<16xf32>
      %get3A_620 = arith.constant 18 : i32
      %get3A_621 = arith.index_cast %get3A_620 : i32 to index
      %get3A_622 = arith.constant 16 : index
      %get3A_623 = tpu.vector_load %arg7[%get3A_621, %get3A_622] {strides = array<i32>} : memref<32x128xf32, #tpu.memory_space<vmem>>, vector<1x16xf32>,
      %get3A_624 = vector.shape_cast %get3A_623 : vector<1x16xf32> to vector<16xf32>
      %get3A_625 = arith.constant 18 : i32
      %get3A_626 = arith.index_cast %get3A_625 : i32 to index
      %get3A_627 = arith.constant 16 : index
      %get3A_628 = tpu.vector_load %arg8[%get3A_626, %get3A_627] {strides = array<i32>} : memref<32x128xf32, #tpu.memory_space<vmem>>, vector<1x16xf32>,
      %get3A_629 = vector.shape_cast %get3A_628 : vector<1x16xf32> to vector<16xf32>
      %mul3A_630 = arith.mulf %get3A_624, %get3A_629 : vector<16xf32>
      %add3A_631 = arith.addf %add3A_619, %mul3A_630 : vector<16xf32>
      %get3A_632 = arith.constant 19 : i32
      %get3A_633 = arith.index_cast %get3A_632 : i32 to index
      %get3A_634 = arith.constant 16 : index
      %get3A_635 = tpu.vector_load %arg7[%get3A_633, %get3A_634] {strides = array<i32>} : memref<32x128xf32, #tpu.memory_space<vmem>>, vector<1x16xf32>,
      %get3A_636 = vector.shape_cast %get3A_635 : vector<1x16xf32> to vector<16xf32>
      %get3A_637 = arith.constant 19 : i32
      %get3A_638 = arith.index_cast %get3A_637 : i32 to index
      %get3A_639 = arith.constant 16 : index
      %get3A_640 = tpu.vector_load %arg8[%get3A_638, %get3A_639] {strides = array<i32>} : memref<32x128xf32, #tpu.memory_space<vmem>>, vector<1x16xf32>,
      %get3A_641 = vector.shape_cast %get3A_640 : vector<1x16xf32> to vector<16xf32>
      %mul3A_642 = arith.mulf %get3A_636, %get3A_641 : vector<16xf32>
      %add3A_643 = arith.addf %add3A_631, %mul3A_642 : vector<16xf32>
      %get3A_644 = arith.constant 20 : i32
      %get3A_645 = arith.index_cast %get3A_644 : i32 to index
      %get3A_646 = arith.constant 16 : index
      %get3A_647 = tpu.vector_load %arg7[%get3A_645, %get3A_646] {strides = array<i32>} : memref<32x128xf32, #tpu.memory_space<vmem>>, vector<1x16xf32>,
      %get3A_648 = vector.shape_cast %get3A_647 : vector<1x16xf32> to vector<16xf32>
      %get3A_649 = arith.constant 20 : i32
      %get3A_650 = arith.index_cast %get3A_649 : i32 to index
      %get3A_651 = arith.constant 16 : index
      %get3A_652 = tpu.vector_load %arg8[%get3A_650, %get3A_651] {strides = array<i32>} : memref<32x128xf32, #tpu.memory_space<vmem>>, vector<1x16xf32>,
      %get3A_653 = vector.shape_cast %get3A_652 : vector<1x16xf32> to vector<16xf32>
      %mul3A_654 = arith.mulf %get3A_648, %get3A_653 : vector<16xf32>
      %add3A_655 = arith.addf %add3A_643, %mul3A_654 : vector<16xf32>
      %get3A_656 = arith.constant 21 : i32
      %get3A_657 = arith.index_cast %get3A_656 : i32 to index
      %get3A_658 = arith.constant 16 : index
      %get3A_659 = tpu.vector_load %arg7[%get3A_657, %get3A_658] {strides = array<i32>} : memref<32x128xf32, #tpu.memory_space<vmem>>, vector<1x16xf32>,
      %get3A_660 = vector.shape_cast %get3A_659 : vector<1x16xf32> to vector<16xf32>
      %get3A_661 = arith.constant 21 : i32
      %get3A_662 = arith.index_cast %get3A_661 : i32 to index
      %get3A_663 = arith.constant 16 : index
      %get3A_664 = tpu.vector_load %arg8[%get3A_662, %get3A_663] {strides = array<i32>} : memref<32x128xf32, #tpu.memory_space<vmem>>, vector<1x16xf32>,
      %get3A_665 = vector.shape_cast %get3A_664 : vector<1x16xf32> to vector<16xf32>
      %mul3A_666 = arith.mulf %get3A_660, %get3A_665 : vector<16xf32>
      %add3A_667 = arith.addf %add3A_655, %mul3A_666 : vector<16xf32>
      %get3A_668 = arith.constant 22 : i32
      %get3A_669 = arith.index_cast %get3A_668 : i32 to index
      %get3A_670 = arith.constant 16 : index
      %get3A_671 = tpu.vector_load %arg7[%get3A_669, %get3A_670] {strides = array<i32>} : memref<32x128xf32, #tpu.memory_space<vmem>>, vector<1x16xf32>,
      %get3A_672 = vector.shape_cast %get3A_671 : vector<1x16xf32> to vector<16xf32>
      %get3A_673 = arith.constant 22 : i32
      %get3A_674 = arith.index_cast %get3A_673 : i32 to index
      %get3A_675 = arith.constant 16 : index
      %get3A_676 = tpu.vector_load %arg8[%get3A_674, %get3A_675] {strides = array<i32>} : memref<32x128xf32, #tpu.memory_space<vmem>>, vector<1x16xf32>,
      %get3A_677 = vector.shape_cast %get3A_676 : vector<1x16xf32> to vector<16xf32>
      %mul3A_678 = arith.mulf %get3A_672, %get3A_677 : vector<16xf32>
      %add3A_679 = arith.addf %add3A_667, %mul3A_678 : vector<16xf32>
      %get3A_680 = arith.constant 23 : i32
      %get3A_681 = arith.index_cast %get3A_680 : i32 to index
      %get3A_682 = arith.constant 16 : index
      %get3A_683 = tpu.vector_load %arg7[%get3A_681, %get3A_682] {strides = array<i32>} : memref<32x128xf32, #tpu.memory_space<vmem>>, vector<1x16xf32>,
      %get3A_684 = vector.shape_cast %get3A_683 : vector<1x16xf32> to vector<16xf32>
      %get3A_685 = arith.constant 23 : i32
      %get3A_686 = arith.index_cast %get3A_685 : i32 to index
      %get3A_687 = arith.constant 16 : index
      %get3A_688 = tpu.vector_load %arg8[%get3A_686, %get3A_687] {strides = array<i32>} : memref<32x128xf32, #tpu.memory_space<vmem>>, vector<1x16xf32>,
      %get3A_689 = vector.shape_cast %get3A_688 : vector<1x16xf32> to vector<16xf32>
      %mul3A_690 = arith.mulf %get3A_684, %get3A_689 : vector<16xf32>
      %add3A_691 = arith.addf %add3A_679, %mul3A_690 : vector<16xf32>
      %get3A_692 = arith.constant 24 : i32
      %get3A_693 = arith.index_cast %get3A_692 : i32 to index
      %get3A_694 = arith.constant 16 : index
      %get3A_695 = tpu.vector_load %arg7[%get3A_693, %get3A_694] {strides = array<i32>} : memref<32x128xf32, #tpu.memory_space<vmem>>, vector<1x16xf32>,
      %get3A_696 = vector.shape_cast %get3A_695 : vector<1x16xf32> to vector<16xf32>
      %get3A_697 = arith.constant 24 : i32
      %get3A_698 = arith.index_cast %get3A_697 : i32 to index
      %get3A_699 = arith.constant 16 : index
      %get3A_700 = tpu.vector_load %arg8[%get3A_698, %get3A_699] {strides = array<i32>} : memref<32x128xf32, #tpu.memory_space<vmem>>, vector<1x16xf32>,
      %get3A_701 = vector.shape_cast %get3A_700 : vector<1x16xf32> to vector<16xf32>
      %mul3A_702 = arith.mulf %get3A_696, %get3A_701 : vector<16xf32>
      %add3A_703 = arith.addf %add3A_691, %mul3A_702 : vector<16xf32>
      %get3A_704 = arith.constant 25 : i32
      %get3A_705 = arith.index_cast %get3A_704 : i32 to index
      %get3A_706 = arith.constant 16 : index
      %get3A_707 = tpu.vector_load %arg7[%get3A_705, %get3A_706] {strides = array<i32>} : memref<32x128xf32, #tpu.memory_space<vmem>>, vector<1x16xf32>,
      %get3A_708 = vector.shape_cast %get3A_707 : vector<1x16xf32> to vector<16xf32>
      %get3A_709 = arith.constant 25 : i32
      %get3A_710 = arith.index_cast %get3A_709 : i32 to index
      %get3A_711 = arith.constant 16 : index
      %get3A_712 = tpu.vector_load %arg8[%get3A_710, %get3A_711] {strides = array<i32>} : memref<32x128xf32, #tpu.memory_space<vmem>>, vector<1x16xf32>,
      %get3A_713 = vector.shape_cast %get3A_712 : vector<1x16xf32> to vector<16xf32>
      %mul3A_714 = arith.mulf %get3A_708, %get3A_713 : vector<16xf32>
      %add3A_715 = arith.addf %add3A_703, %mul3A_714 : vector<16xf32>
      %get3A_716 = arith.constant 26 : i32
      %get3A_717 = arith.index_cast %get3A_716 : i32 to index
      %get3A_718 = arith.constant 16 : index
      %get3A_719 = tpu.vector_load %arg7[%get3A_717, %get3A_718] {strides = array<i32>} : memref<32x128xf32, #tpu.memory_space<vmem>>, vector<1x16xf32>,
      %get3A_720 = vector.shape_cast %get3A_719 : vector<1x16xf32> to vector<16xf32>
      %get3A_721 = arith.constant 26 : i32
      %get3A_722 = arith.index_cast %get3A_721 : i32 to index
      %get3A_723 = arith.constant 16 : index
      %get3A_724 = tpu.vector_load %arg8[%get3A_722, %get3A_723] {strides = array<i32>} : memref<32x128xf32, #tpu.memory_space<vmem>>, vector<1x16xf32>,
      %get3A_725 = vector.shape_cast %get3A_724 : vector<1x16xf32> to vector<16xf32>
      %mul3A_726 = arith.mulf %get3A_720, %get3A_725 : vector<16xf32>
      %add3A_727 = arith.addf %add3A_715, %mul3A_726 : vector<16xf32>
      %get3A_728 = arith.constant 27 : i32
      %get3A_729 = arith.index_cast %get3A_728 : i32 to index
      %get3A_730 = arith.constant 16 : index
      %get3A_731 = tpu.vector_load %arg7[%get3A_729, %get3A_730] {strides = array<i32>} : memref<32x128xf32, #tpu.memory_space<vmem>>, vector<1x16xf32>,
      %get3A_732 = vector.shape_cast %get3A_731 : vector<1x16xf32> to vector<16xf32>
      %get3A_733 = arith.constant 27 : i32
      %get3A_734 = arith.index_cast %get3A_733 : i32 to index
      %get3A_735 = arith.constant 16 : index
      %get3A_736 = tpu.vector_load %arg8[%get3A_734, %get3A_735] {strides = array<i32>} : memref<32x128xf32, #tpu.memory_space<vmem>>, vector<1x16xf32>,
      %get3A_737 = vector.shape_cast %get3A_736 : vector<1x16xf32> to vector<16xf32>
      %mul3A_738 = arith.mulf %get3A_732, %get3A_737 : vector<16xf32>
      %add3A_739 = arith.addf %add3A_727, %mul3A_738 : vector<16xf32>
      %get3A_740 = arith.constant 28 : i32
      %get3A_741 = arith.index_cast %get3A_740 : i32 to index
      %get3A_742 = arith.constant 16 : index
      %get3A_743 = tpu.vector_load %arg7[%get3A_741, %get3A_742] {strides = array<i32>} : memref<32x128xf32, #tpu.memory_space<vmem>>, vector<1x16xf32>,
      %get3A_744 = vector.shape_cast %get3A_743 : vector<1x16xf32> to vector<16xf32>
      %get3A_745 = arith.constant 28 : i32
      %get3A_746 = arith.index_cast %get3A_745 : i32 to index
      %get3A_747 = arith.constant 16 : index
      %get3A_748 = tpu.vector_load %arg8[%get3A_746, %get3A_747] {strides = array<i32>} : memref<32x128xf32, #tpu.memory_space<vmem>>, vector<1x16xf32>,
      %get3A_749 = vector.shape_cast %get3A_748 : vector<1x16xf32> to vector<16xf32>
      %mul3A_750 = arith.mulf %get3A_744, %get3A_749 : vector<16xf32>
      %add3A_751 = arith.addf %add3A_739, %mul3A_750 : vector<16xf32>
      %get3A_752 = arith.constant 29 : i32
      %get3A_753 = arith.index_cast %get3A_752 : i32 to index
      %get3A_754 = arith.constant 16 : index
      %get3A_755 = tpu.vector_load %arg7[%get3A_753, %get3A_754] {strides = array<i32>} : memref<32x128xf32, #tpu.memory_space<vmem>>, vector<1x16xf32>,
      %get3A_756 = vector.shape_cast %get3A_755 : vector<1x16xf32> to vector<16xf32>
      %get3A_757 = arith.constant 29 : i32
      %get3A_758 = arith.index_cast %get3A_757 : i32 to index
      %get3A_759 = arith.constant 16 : index
      %get3A_760 = tpu.vector_load %arg8[%get3A_758, %get3A_759] {strides = array<i32>} : memref<32x128xf32, #tpu.memory_space<vmem>>, vector<1x16xf32>,
      %get3A_761 = vector.shape_cast %get3A_760 : vector<1x16xf32> to vector<16xf32>
      %mul3A_762 = arith.mulf %get3A_756, %get3A_761 : vector<16xf32>
      %add3A_763 = arith.addf %add3A_751, %mul3A_762 : vector<16xf32>
      %get3A_764 = arith.constant 30 : i32
      %get3A_765 = arith.index_cast %get3A_764 : i32 to index
      %get3A_766 = arith.constant 16 : index
      %get3A_767 = tpu.vector_load %arg7[%get3A_765, %get3A_766] {strides = array<i32>} : memref<32x128xf32, #tpu.memory_space<vmem>>, vector<1x16xf32>,
      %get3A_768 = vector.shape_cast %get3A_767 : vector<1x16xf32> to vector<16xf32>
      %get3A_769 = arith.constant 30 : i32
      %get3A_770 = arith.index_cast %get3A_769 : i32 to index
      %get3A_771 = arith.constant 16 : index
      %get3A_772 = tpu.vector_load %arg8[%get3A_770, %get3A_771] {strides = array<i32>} : memref<32x128xf32, #tpu.memory_space<vmem>>, vector<1x16xf32>,
      %get3A_773 = vector.shape_cast %get3A_772 : vector<1x16xf32> to vector<16xf32>
      %mul3A_774 = arith.mulf %get3A_768, %get3A_773 : vector<16xf32>
      %add3A_775 = arith.addf %add3A_763, %mul3A_774 : vector<16xf32>
      %get3A_776 = arith.constant 31 : i32
      %get3A_777 = arith.index_cast %get3A_776 : i32 to index
      %get3A_778 = arith.constant 16 : index
      %get3A_779 = tpu.vector_load %arg7[%get3A_777, %get3A_778] {strides = array<i32>} : memref<32x128xf32, #tpu.memory_space<vmem>>, vector<1x16xf32>,
      %get3A_780 = vector.shape_cast %get3A_779 : vector<1x16xf32> to vector<16xf32>
      %get3A_781 = arith.constant 31 : i32
      %get3A_782 = arith.index_cast %get3A_781 : i32 to index
      %get3A_783 = arith.constant 16 : index
      %get3A_784 = tpu.vector_load %arg8[%get3A_782, %get3A_783] {strides = array<i32>} : memref<32x128xf32, #tpu.memory_space<vmem>>, vector<1x16xf32>,
      %get3A_785 = vector.shape_cast %get3A_784 : vector<1x16xf32> to vector<16xf32>
      %mul3A_786 = arith.mulf %get3A_780, %get3A_785 : vector<16xf32>
      %add3A_787 = arith.addf %add3A_775, %mul3A_786 : vector<16xf32>
      %swap3A_788 = arith.index_cast %scan3A_10 : i32 to index
      %swap3A_789 = arith.constant 16 : index
      %swap3A_790 = tpu.vector_load %arg9[%swap3A_788, %swap3A_789] {strides = array<i32>} : memref<256x128xf32, #tpu.memory_space<vmem>>, vector<1x16xf32>,
      %swap3A_791 = vector.shape_cast %swap3A_790 : vector<1x16xf32> to vector<16xf32>
      %swap3A_792 = vector.shape_cast %add3A_787 : vector<16xf32> to vector<1x16xf32>
      tpu.vector_store %arg9[%swap3A_788, %swap3A_789], %swap3A_792 {strides = array<i32>} : memref<256x128xf32, #tpu.memory_space<vmem>>, vector<1x16xf32>,
      %get3A_793 = arith.constant 0 : i32
      %get3A_794 = arith.index_cast %get3A_793 : i32 to index
      %get3A_795 = arith.constant 32 : index
      %get3A_796 = tpu.vector_load %arg7[%get3A_794, %get3A_795] {strides = array<i32>} : memref<32x128xf32, #tpu.memory_space<vmem>>, vector<1x16xf32>,
      %get3A_797 = vector.shape_cast %get3A_796 : vector<1x16xf32> to vector<16xf32>
      %get3A_798 = arith.constant 0 : i32
      %get3A_799 = arith.index_cast %get3A_798 : i32 to index
      %get3A_800 = arith.constant 32 : index
      %get3A_801 = tpu.vector_load %arg8[%get3A_799, %get3A_800] {strides = array<i32>} : memref<32x128xf32, #tpu.memory_space<vmem>>, vector<1x16xf32>,
      %get3A_802 = vector.shape_cast %get3A_801 : vector<1x16xf32> to vector<16xf32>
      %mul3A_803 = arith.mulf %get3A_797, %get3A_802 : vector<16xf32>
      %get3A_804 = arith.constant 1 : i32
      %get3A_805 = arith.index_cast %get3A_804 : i32 to index
      %get3A_806 = arith.constant 32 : index
      %get3A_807 = tpu.vector_load %arg7[%get3A_805, %get3A_806] {strides = array<i32>} : memref<32x128xf32, #tpu.memory_space<vmem>>, vector<1x16xf32>,
      %get3A_808 = vector.shape_cast %get3A_807 : vector<1x16xf32> to vector<16xf32>
      %get3A_809 = arith.constant 1 : i32
      %get3A_810 = arith.index_cast %get3A_809 : i32 to index
      %get3A_811 = arith.constant 32 : index
      %get3A_812 = tpu.vector_load %arg8[%get3A_810, %get3A_811] {strides = array<i32>} : memref<32x128xf32, #tpu.memory_space<vmem>>, vector<1x16xf32>,
      %get3A_813 = vector.shape_cast %get3A_812 : vector<1x16xf32> to vector<16xf32>
      %mul3A_814 = arith.mulf %get3A_808, %get3A_813 : vector<16xf32>
      %add3A_815 = arith.addf %mul3A_803, %mul3A_814 : vector<16xf32>
      %get3A_816 = arith.constant 2 : i32
      %get3A_817 = arith.index_cast %get3A_816 : i32 to index
      %get3A_818 = arith.constant 32 : index
      %get3A_819 = tpu.vector_load %arg7[%get3A_817, %get3A_818] {strides = array<i32>} : memref<32x128xf32, #tpu.memory_space<vmem>>, vector<1x16xf32>,
      %get3A_820 = vector.shape_cast %get3A_819 : vector<1x16xf32> to vector<16xf32>
      %get3A_821 = arith.constant 2 : i32
      %get3A_822 = arith.index_cast %get3A_821 : i32 to index
      %get3A_823 = arith.constant 32 : index
      %get3A_824 = tpu.vector_load %arg8[%get3A_822, %get3A_823] {strides = array<i32>} : memref<32x128xf32, #tpu.memory_space<vmem>>, vector<1x16xf32>,
      %get3A_825 = vector.shape_cast %get3A_824 : vector<1x16xf32> to vector<16xf32>
      %mul3A_826 = arith.mulf %get3A_820, %get3A_825 : vector<16xf32>
      %add3A_827 = arith.addf %add3A_815, %mul3A_826 : vector<16xf32>
      %get3A_828 = arith.constant 3 : i32
      %get3A_829 = arith.index_cast %get3A_828 : i32 to index
      %get3A_830 = arith.constant 32 : index
      %get3A_831 = tpu.vector_load %arg7[%get3A_829, %get3A_830] {strides = array<i32>} : memref<32x128xf32, #tpu.memory_space<vmem>>, vector<1x16xf32>,
      %get3A_832 = vector.shape_cast %get3A_831 : vector<1x16xf32> to vector<16xf32>
      %get3A_833 = arith.constant 3 : i32
      %get3A_834 = arith.index_cast %get3A_833 : i32 to index
      %get3A_835 = arith.constant 32 : index
      %get3A_836 = tpu.vector_load %arg8[%get3A_834, %get3A_835] {strides = array<i32>} : memref<32x128xf32, #tpu.memory_space<vmem>>, vector<1x16xf32>,
      %get3A_837 = vector.shape_cast %get3A_836 : vector<1x16xf32> to vector<16xf32>
      %mul3A_838 = arith.mulf %get3A_832, %get3A_837 : vector<16xf32>
      %add3A_839 = arith.addf %add3A_827, %mul3A_838 : vector<16xf32>
      %get3A_840 = arith.constant 4 : i32
      %get3A_841 = arith.index_cast %get3A_840 : i32 to index
      %get3A_842 = arith.constant 32 : index
      %get3A_843 = tpu.vector_load %arg7[%get3A_841, %get3A_842] {strides = array<i32>} : memref<32x128xf32, #tpu.memory_space<vmem>>, vector<1x16xf32>,
      %get3A_844 = vector.shape_cast %get3A_843 : vector<1x16xf32> to vector<16xf32>
      %get3A_845 = arith.constant 4 : i32
      %get3A_846 = arith.index_cast %get3A_845 : i32 to index
      %get3A_847 = arith.constant 32 : index
      %get3A_848 = tpu.vector_load %arg8[%get3A_846, %get3A_847] {strides = array<i32>} : memref<32x128xf32, #tpu.memory_space<vmem>>, vector<1x16xf32>,
      %get3A_849 = vector.shape_cast %get3A_848 : vector<1x16xf32> to vector<16xf32>
      %mul3A_850 = arith.mulf %get3A_844, %get3A_849 : vector<16xf32>
      %add3A_851 = arith.addf %add3A_839, %mul3A_850 : vector<16xf32>
      %get3A_852 = arith.constant 5 : i32
      %get3A_853 = arith.index_cast %get3A_852 : i32 to index
      %get3A_854 = arith.constant 32 : index
      %get3A_855 = tpu.vector_load %arg7[%get3A_853, %get3A_854] {strides = array<i32>} : memref<32x128xf32, #tpu.memory_space<vmem>>, vector<1x16xf32>,
      %get3A_856 = vector.shape_cast %get3A_855 : vector<1x16xf32> to vector<16xf32>
      %get3A_857 = arith.constant 5 : i32
      %get3A_858 = arith.index_cast %get3A_857 : i32 to index
      %get3A_859 = arith.constant 32 : index
      %get3A_860 = tpu.vector_load %arg8[%get3A_858, %get3A_859] {strides = array<i32>} : memref<32x128xf32, #tpu.memory_space<vmem>>, vector<1x16xf32>,
      %get3A_861 = vector.shape_cast %get3A_860 : vector<1x16xf32> to vector<16xf32>
      %mul3A_862 = arith.mulf %get3A_856, %get3A_861 : vector<16xf32>
      %add3A_863 = arith.addf %add3A_851, %mul3A_862 : vector<16xf32>
      %get3A_864 = arith.constant 6 : i32
      %get3A_865 = arith.index_cast %get3A_864 : i32 to index
      %get3A_866 = arith.constant 32 : index
      %get3A_867 = tpu.vector_load %arg7[%get3A_865, %get3A_866] {strides = array<i32>} : memref<32x128xf32, #tpu.memory_space<vmem>>, vector<1x16xf32>,
      %get3A_868 = vector.shape_cast %get3A_867 : vector<1x16xf32> to vector<16xf32>
      %get3A_869 = arith.constant 6 : i32
      %get3A_870 = arith.index_cast %get3A_869 : i32 to index
      %get3A_871 = arith.constant 32 : index
      %get3A_872 = tpu.vector_load %arg8[%get3A_870, %get3A_871] {strides = array<i32>} : memref<32x128xf32, #tpu.memory_space<vmem>>, vector<1x16xf32>,
      %get3A_873 = vector.shape_cast %get3A_872 : vector<1x16xf32> to vector<16xf32>
      %mul3A_874 = arith.mulf %get3A_868, %get3A_873 : vector<16xf32>
      %add3A_875 = arith.addf %add3A_863, %mul3A_874 : vector<16xf32>
      %get3A_876 = arith.constant 7 : i32
      %get3A_877 = arith.index_cast %get3A_876 : i32 to index
      %get3A_878 = arith.constant 32 : index
      %get3A_879 = tpu.vector_load %arg7[%get3A_877, %get3A_878] {strides = array<i32>} : memref<32x128xf32, #tpu.memory_space<vmem>>, vector<1x16xf32>,
      %get3A_880 = vector.shape_cast %get3A_879 : vector<1x16xf32> to vector<16xf32>
      %get3A_881 = arith.constant 7 : i32
      %get3A_882 = arith.index_cast %get3A_881 : i32 to index
      %get3A_883 = arith.constant 32 : index
      %get3A_884 = tpu.vector_load %arg8[%get3A_882, %get3A_883] {strides = array<i32>} : memref<32x128xf32, #tpu.memory_space<vmem>>, vector<1x16xf32>,
      %get3A_885 = vector.shape_cast %get3A_884 : vector<1x16xf32> to vector<16xf32>
      %mul3A_886 = arith.mulf %get3A_880, %get3A_885 : vector<16xf32>
      %add3A_887 = arith.addf %add3A_875, %mul3A_886 : vector<16xf32>
      %get3A_888 = arith.constant 8 : i32
      %get3A_889 = arith.index_cast %get3A_888 : i32 to index
      %get3A_890 = arith.constant 32 : index
      %get3A_891 = tpu.vector_load %arg7[%get3A_889, %get3A_890] {strides = array<i32>} : memref<32x128xf32, #tpu.memory_space<vmem>>, vector<1x16xf32>,
      %get3A_892 = vector.shape_cast %get3A_891 : vector<1x16xf32> to vector<16xf32>
      %get3A_893 = arith.constant 8 : i32
      %get3A_894 = arith.index_cast %get3A_893 : i32 to index
      %get3A_895 = arith.constant 32 : index
      %get3A_896 = tpu.vector_load %arg8[%get3A_894, %get3A_895] {strides = array<i32>} : memref<32x128xf32, #tpu.memory_space<vmem>>, vector<1x16xf32>,
      %get3A_897 = vector.shape_cast %get3A_896 : vector<1x16xf32> to vector<16xf32>
      %mul3A_898 = arith.mulf %get3A_892, %get3A_897 : vector<16xf32>
      %add3A_899 = arith.addf %add3A_887, %mul3A_898 : vector<16xf32>
      %get3A_900 = arith.constant 9 : i32
      %get3A_901 = arith.index_cast %get3A_900 : i32 to index
      %get3A_902 = arith.constant 32 : index
      %get3A_903 = tpu.vector_load %arg7[%get3A_901, %get3A_902] {strides = array<i32>} : memref<32x128xf32, #tpu.memory_space<vmem>>, vector<1x16xf32>,
      %get3A_904 = vector.shape_cast %get3A_903 : vector<1x16xf32> to vector<16xf32>
      %get3A_905 = arith.constant 9 : i32
      %get3A_906 = arith.index_cast %get3A_905 : i32 to index
      %get3A_907 = arith.constant 32 : index
      %get3A_908 = tpu.vector_load %arg8[%get3A_906, %get3A_907] {strides = array<i32>} : memref<32x128xf32, #tpu.memory_space<vmem>>, vector<1x16xf32>,
      %get3A_909 = vector.shape_cast %get3A_908 : vector<1x16xf32> to vector<16xf32>
      %mul3A_910 = arith.mulf %get3A_904, %get3A_909 : vector<16xf32>
      %add3A_911 = arith.addf %add3A_899, %mul3A_910 : vector<16xf32>
      %get3A_912 = arith.constant 10 : i32
      %get3A_913 = arith.index_cast %get3A_912 : i32 to index
      %get3A_914 = arith.constant 32 : index
      %get3A_915 = tpu.vector_load %arg7[%get3A_913, %get3A_914] {strides = array<i32>} : memref<32x128xf32, #tpu.memory_space<vmem>>, vector<1x16xf32>,
      %get3A_916 = vector.shape_cast %get3A_915 : vector<1x16xf32> to vector<16xf32>
      %get3A_917 = arith.constant 10 : i32
      %get3A_918 = arith.index_cast %get3A_917 : i32 to index
      %get3A_919 = arith.constant 32 : index
      %get3A_920 = tpu.vector_load %arg8[%get3A_918, %get3A_919] {strides = array<i32>} : memref<32x128xf32, #tpu.memory_space<vmem>>, vector<1x16xf32>,
      %get3A_921 = vector.shape_cast %get3A_920 : vector<1x16xf32> to vector<16xf32>
      %mul3A_922 = arith.mulf %get3A_916, %get3A_921 : vector<16xf32>
      %add3A_923 = arith.addf %add3A_911, %mul3A_922 : vector<16xf32>
      %get3A_924 = arith.constant 11 : i32
      %get3A_925 = arith.index_cast %get3A_924 : i32 to index
      %get3A_926 = arith.constant 32 : index
      %get3A_927 = tpu.vector_load %arg7[%get3A_925, %get3A_926] {strides = array<i32>} : memref<32x128xf32, #tpu.memory_space<vmem>>, vector<1x16xf32>,
      %get3A_928 = vector.shape_cast %get3A_927 : vector<1x16xf32> to vector<16xf32>
      %get3A_929 = arith.constant 11 : i32
      %get3A_930 = arith.index_cast %get3A_929 : i32 to index
      %get3A_931 = arith.constant 32 : index
      %get3A_932 = tpu.vector_load %arg8[%get3A_930, %get3A_931] {strides = array<i32>} : memref<32x128xf32, #tpu.memory_space<vmem>>, vector<1x16xf32>,
      %get3A_933 = vector.shape_cast %get3A_932 : vector<1x16xf32> to vector<16xf32>
      %mul3A_934 = arith.mulf %get3A_928, %get3A_933 : vector<16xf32>
      %add3A_935 = arith.addf %add3A_923, %mul3A_934 : vector<16xf32>
      %get3A_936 = arith.constant 12 : i32
      %get3A_937 = arith.index_cast %get3A_936 : i32 to index
      %get3A_938 = arith.constant 32 : index
      %get3A_939 = tpu.vector_load %arg7[%get3A_937, %get3A_938] {strides = array<i32>} : memref<32x128xf32, #tpu.memory_space<vmem>>, vector<1x16xf32>,
      %get3A_940 = vector.shape_cast %get3A_939 : vector<1x16xf32> to vector<16xf32>
      %get3A_941 = arith.constant 12 : i32
      %get3A_942 = arith.index_cast %get3A_941 : i32 to index
      %get3A_943 = arith.constant 32 : index
      %get3A_944 = tpu.vector_load %arg8[%get3A_942, %get3A_943] {strides = array<i32>} : memref<32x128xf32, #tpu.memory_space<vmem>>, vector<1x16xf32>,
      %get3A_945 = vector.shape_cast %get3A_944 : vector<1x16xf32> to vector<16xf32>
      %mul3A_946 = arith.mulf %get3A_940, %get3A_945 : vector<16xf32>
      %add3A_947 = arith.addf %add3A_935, %mul3A_946 : vector<16xf32>
      %get3A_948 = arith.constant 13 : i32
      %get3A_949 = arith.index_cast %get3A_948 : i32 to index
      %get3A_950 = arith.constant 32 : index
      %get3A_951 = tpu.vector_load %arg7[%get3A_949, %get3A_950] {strides = array<i32>} : memref<32x128xf32, #tpu.memory_space<vmem>>, vector<1x16xf32>,
      %get3A_952 = vector.shape_cast %get3A_951 : vector<1x16xf32> to vector<16xf32>
      %get3A_953 = arith.constant 13 : i32
      %get3A_954 = arith.index_cast %get3A_953 : i32 to index
      %get3A_955 = arith.constant 32 : index
      %get3A_956 = tpu.vector_load %arg8[%get3A_954, %get3A_955] {strides = array<i32>} : memref<32x128xf32, #tpu.memory_space<vmem>>, vector<1x16xf32>,
      %get3A_957 = vector.shape_cast %get3A_956 : vector<1x16xf32> to vector<16xf32>
      %mul3A_958 = arith.mulf %get3A_952, %get3A_957 : vector<16xf32>
      %add3A_959 = arith.addf %add3A_947, %mul3A_958 : vector<16xf32>
      %get3A_960 = arith.constant 14 : i32
      %get3A_961 = arith.index_cast %get3A_960 : i32 to index
      %get3A_962 = arith.constant 32 : index
      %get3A_963 = tpu.vector_load %arg7[%get3A_961, %get3A_962] {strides = array<i32>} : memref<32x128xf32, #tpu.memory_space<vmem>>, vector<1x16xf32>,
      %get3A_964 = vector.shape_cast %get3A_963 : vector<1x16xf32> to vector<16xf32>
      %get3A_965 = arith.constant 14 : i32
      %get3A_966 = arith.index_cast %get3A_965 : i32 to index
      %get3A_967 = arith.constant 32 : index
      %get3A_968 = tpu.vector_load %arg8[%get3A_966, %get3A_967] {strides = array<i32>} : memref<32x128xf32, #tpu.memory_space<vmem>>, vector<1x16xf32>,
      %get3A_969 = vector.shape_cast %get3A_968 : vector<1x16xf32> to vector<16xf32>
      %mul3A_970 = arith.mulf %get3A_964, %get3A_969 : vector<16xf32>
      %add3A_971 = arith.addf %add3A_959, %mul3A_970 : vector<16xf32>
      %get3A_972 = arith.constant 15 : i32
      %get3A_973 = arith.index_cast %get3A_972 : i32 to index
      %get3A_974 = arith.constant 32 : index
      %get3A_975 = tpu.vector_load %arg7[%get3A_973, %get3A_974] {strides = array<i32>} : memref<32x128xf32, #tpu.memory_space<vmem>>, vector<1x16xf32>,
      %get3A_976 = vector.shape_cast %get3A_975 : vector<1x16xf32> to vector<16xf32>
      %get3A_977 = arith.constant 15 : i32
      %get3A_978 = arith.index_cast %get3A_977 : i32 to index
      %get3A_979 = arith.constant 32 : index
      %get3A_980 = tpu.vector_load %arg8[%get3A_978, %get3A_979] {strides = array<i32>} : memref<32x128xf32, #tpu.memory_space<vmem>>, vector<1x16xf32>,
      %get3A_981 = vector.shape_cast %get3A_980 : vector<1x16xf32> to vector<16xf32>
      %mul3A_982 = arith.mulf %get3A_976, %get3A_981 : vector<16xf32>
      %add3A_983 = arith.addf %add3A_971, %mul3A_982 : vector<16xf32>
      %get3A_984 = arith.constant 16 : i32
      %get3A_985 = arith.index_cast %get3A_984 : i32 to index
      %get3A_986 = arith.constant 32 : index
      %get3A_987 = tpu.vector_load %arg7[%get3A_985, %get3A_986] {strides = array<i32>} : memref<32x128xf32, #tpu.memory_space<vmem>>, vector<1x16xf32>,
      %get3A_988 = vector.shape_cast %get3A_987 : vector<1x16xf32> to vector<16xf32>
      %get3A_989 = arith.constant 16 : i32
      %get3A_990 = arith.index_cast %get3A_989 : i32 to index
      %get3A_991 = arith.constant 32 : index
      %get3A_992 = tpu.vector_load %arg8[%get3A_990, %get3A_991] {strides = array<i32>} : memref<32x128xf32, #tpu.memory_space<vmem>>, vector<1x16xf32>,
      %get3A_993 = vector.shape_cast %get3A_992 : vector<1x16xf32> to vector<16xf32>
      %mul3A_994 = arith.mulf %get3A_988, %get3A_993 : vector<16xf32>
      %add3A_995 = arith.addf %add3A_983, %mul3A_994 : vector<16xf32>
      %get3A_996 = arith.constant 17 : i32
      %get3A_997 = arith.index_cast %get3A_996 : i32 to index
      %get3A_998 = arith.constant 32 : index
      %get3A_999 = tpu.vector_load %arg7[%get3A_997, %get3A_998] {strides = array<i32>} : memref<32x128xf32, #tpu.memory_space<vmem>>, vector<1x16xf32>,
      %get3A_1000 = vector.shape_cast %get3A_999 : vector<1x16xf32> to vector<16xf32>
      %get3A_1001 = arith.constant 17 : i32
      %get3A_1002 = arith.index_cast %get3A_1001 : i32 to index
      %get3A_1003 = arith.constant 32 : index
      %get3A_1004 = tpu.vector_load %arg8[%get3A_1002, %get3A_1003] {strides = array<i32>} : memref<32x128xf32, #tpu.memory_space<vmem>>, vector<1x16xf32>,
      %get3A_1005 = vector.shape_cast %get3A_1004 : vector<1x16xf32> to vector<16xf32>
      %mul3A_1006 = arith.mulf %get3A_1000, %get3A_1005 : vector<16xf32>
      %add3A_1007 = arith.addf %add3A_995, %mul3A_1006 : vector<16xf32>
      %get3A_1008 = arith.constant 18 : i32
      %get3A_1009 = arith.index_cast %get3A_1008 : i32 to index
      %get3A_1010 = arith.constant 32 : index
      %get3A_1011 = tpu.vector_load %arg7[%get3A_1009, %get3A_1010] {strides = array<i32>} : memref<32x128xf32, #tpu.memory_space<vmem>>, vector<1x16xf32>,
      %get3A_1012 = vector.shape_cast %get3A_1011 : vector<1x16xf32> to vector<16xf32>
      %get3A_1013 = arith.constant 18 : i32
      %get3A_1014 = arith.index_cast %get3A_1013 : i32 to index
      %get3A_1015 = arith.constant 32 : index
      %get3A_1016 = tpu.vector_load %arg8[%get3A_1014, %get3A_1015] {strides = array<i32>} : memref<32x128xf32, #tpu.memory_space<vmem>>, vector<1x16xf32>,
      %get3A_1017 = vector.shape_cast %get3A_1016 : vector<1x16xf32> to vector<16xf32>
      %mul3A_1018 = arith.mulf %get3A_1012, %get3A_1017 : vector<16xf32>
      %add3A_1019 = arith.addf %add3A_1007, %mul3A_1018 : vector<16xf32>
      %get3A_1020 = arith.constant 19 : i32
      %get3A_1021 = arith.index_cast %get3A_1020 : i32 to index
      %get3A_1022 = arith.constant 32 : index
      %get3A_1023 = tpu.vector_load %arg7[%get3A_1021, %get3A_1022] {strides = array<i32>} : memref<32x128xf32, #tpu.memory_space<vmem>>, vector<1x16xf32>,
      %get3A_1024 = vector.shape_cast %get3A_1023 : vector<1x16xf32> to vector<16xf32>
      %get3A_1025 = arith.constant 19 : i32
      %get3A_1026 = arith.index_cast %get3A_1025 : i32 to index
      %get3A_1027 = arith.constant 32 : index
      %get3A_1028 = tpu.vector_load %arg8[%get3A_1026, %get3A_1027] {strides = array<i32>} : memref<32x128xf32, #tpu.memory_space<vmem>>, vector<1x16xf32>,
      %get3A_1029 = vector.shape_cast %get3A_1028 : vector<1x16xf32> to vector<16xf32>
      %mul3A_1030 = arith.mulf %get3A_1024, %get3A_1029 : vector<16xf32>
      %add3A_1031 = arith.addf %add3A_1019, %mul3A_1030 : vector<16xf32>
      %get3A_1032 = arith.constant 20 : i32
      %get3A_1033 = arith.index_cast %get3A_1032 : i32 to index
      %get3A_1034 = arith.constant 32 : index
      %get3A_1035 = tpu.vector_load %arg7[%get3A_1033, %get3A_1034] {strides = array<i32>} : memref<32x128xf32, #tpu.memory_space<vmem>>, vector<1x16xf32>,
      %get3A_1036 = vector.shape_cast %get3A_1035 : vector<1x16xf32> to vector<16xf32>
      %get3A_1037 = arith.constant 20 : i32
      %get3A_1038 = arith.index_cast %get3A_1037 : i32 to index
      %get3A_1039 = arith.constant 32 : index
      %get3A_1040 = tpu.vector_load %arg8[%get3A_1038, %get3A_1039] {strides = array<i32>} : memref<32x128xf32, #tpu.memory_space<vmem>>, vector<1x16xf32>,
      %get3A_1041 = vector.shape_cast %get3A_1040 : vector<1x16xf32> to vector<16xf32>
      %mul3A_1042 = arith.mulf %get3A_1036, %get3A_1041 : vector<16xf32>
      %add3A_1043 = arith.addf %add3A_1031, %mul3A_1042 : vector<16xf32>
      %get3A_1044 = arith.constant 21 : i32
      %get3A_1045 = arith.index_cast %get3A_1044 : i32 to index
      %get3A_1046 = arith.constant 32 : index
      %get3A_1047 = tpu.vector_load %arg7[%get3A_1045, %get3A_1046] {strides = array<i32>} : memref<32x128xf32, #tpu.memory_space<vmem>>, vector<1x16xf32>,
      %get3A_1048 = vector.shape_cast %get3A_1047 : vector<1x16xf32> to vector<16xf32>
      %get3A_1049 = arith.constant 21 : i32
      %get3A_1050 = arith.index_cast %get3A_1049 : i32 to index
      %get3A_1051 = arith.constant 32 : index
      %get3A_1052 = tpu.vector_load %arg8[%get3A_1050, %get3A_1051] {strides = array<i32>} : memref<32x128xf32, #tpu.memory_space<vmem>>, vector<1x16xf32>,
      %get3A_1053 = vector.shape_cast %get3A_1052 : vector<1x16xf32> to vector<16xf32>
      %mul3A_1054 = arith.mulf %get3A_1048, %get3A_1053 : vector<16xf32>
      %add3A_1055 = arith.addf %add3A_1043, %mul3A_1054 : vector<16xf32>
      %get3A_1056 = arith.constant 22 : i32
      %get3A_1057 = arith.index_cast %get3A_1056 : i32 to index
      %get3A_1058 = arith.constant 32 : index
      %get3A_1059 = tpu.vector_load %arg7[%get3A_1057, %get3A_1058] {strides = array<i32>} : memref<32x128xf32, #tpu.memory_space<vmem>>, vector<1x16xf32>,
      %get3A_1060 = vector.shape_cast %get3A_1059 : vector<1x16xf32> to vector<16xf32>
      %get3A_1061 = arith.constant 22 : i32
      %get3A_1062 = arith.index_cast %get3A_1061 : i32 to index
      %get3A_1063 = arith.constant 32 : index
      %get3A_1064 = tpu.vector_load %arg8[%get3A_1062, %get3A_1063] {strides = array<i32>} : memref<32x128xf32, #tpu.memory_space<vmem>>, vector<1x16xf32>,
      %get3A_1065 = vector.shape_cast %get3A_1064 : vector<1x16xf32> to vector<16xf32>
      %mul3A_1066 = arith.mulf %get3A_1060, %get3A_1065 : vector<16xf32>
      %add3A_1067 = arith.addf %add3A_1055, %mul3A_1066 : vector<16xf32>
      %get3A_1068 = arith.constant 23 : i32
      %get3A_1069 = arith.index_cast %get3A_1068 : i32 to index
      %get3A_1070 = arith.constant 32 : index
      %get3A_1071 = tpu.vector_load %arg7[%get3A_1069, %get3A_1070] {strides = array<i32>} : memref<32x128xf32, #tpu.memory_space<vmem>>, vector<1x16xf32>,
      %get3A_1072 = vector.shape_cast %get3A_1071 : vector<1x16xf32> to vector<16xf32>
      %get3A_1073 = arith.constant 23 : i32
      %get3A_1074 = arith.index_cast %get3A_1073 : i32 to index
      %get3A_1075 = arith.constant 32 : index
      %get3A_1076 = tpu.vector_load %arg8[%get3A_1074, %get3A_1075] {strides = array<i32>} : memref<32x128xf32, #tpu.memory_space<vmem>>, vector<1x16xf32>,
      %get3A_1077 = vector.shape_cast %get3A_1076 : vector<1x16xf32> to vector<16xf32>
      %mul3A_1078 = arith.mulf %get3A_1072, %get3A_1077 : vector<16xf32>
      %add3A_1079 = arith.addf %add3A_1067, %mul3A_1078 : vector<16xf32>
      %get3A_1080 = arith.constant 24 : i32
      %get3A_1081 = arith.index_cast %get3A_1080 : i32 to index
      %get3A_1082 = arith.constant 32 : index
      %get3A_1083 = tpu.vector_load %arg7[%get3A_1081, %get3A_1082] {strides = array<i32>} : memref<32x128xf32, #tpu.memory_space<vmem>>, vector<1x16xf32>,
      %get3A_1084 = vector.shape_cast %get3A_1083 : vector<1x16xf32> to vector<16xf32>
      %get3A_1085 = arith.constant 24 : i32
      %get3A_1086 = arith.index_cast %get3A_1085 : i32 to index
      %get3A_1087 = arith.constant 32 : index
      %get3A_1088 = tpu.vector_load %arg8[%get3A_1086, %get3A_1087] {strides = array<i32>} : memref<32x128xf32, #tpu.memory_space<vmem>>, vector<1x16xf32>,
      %get3A_1089 = vector.shape_cast %get3A_1088 : vector<1x16xf32> to vector<16xf32>
      %mul3A_1090 = arith.mulf %get3A_1084, %get3A_1089 : vector<16xf32>
      %add3A_1091 = arith.addf %add3A_1079, %mul3A_1090 : vector<16xf32>
      %get3A_1092 = arith.constant 25 : i32
      %get3A_1093 = arith.index_cast %get3A_1092 : i32 to index
      %get3A_1094 = arith.constant 32 : index
      %get3A_1095 = tpu.vector_load %arg7[%get3A_1093, %get3A_1094] {strides = array<i32>} : memref<32x128xf32, #tpu.memory_space<vmem>>, vector<1x16xf32>,
      %get3A_1096 = vector.shape_cast %get3A_1095 : vector<1x16xf32> to vector<16xf32>
      %get3A_1097 = arith.constant 25 : i32
      %get3A_1098 = arith.index_cast %get3A_1097 : i32 to index
      %get3A_1099 = arith.constant 32 : index
      %get3A_1100 = tpu.vector_load %arg8[%get3A_1098, %get3A_1099] {strides = array<i32>} : memref<32x128xf32, #tpu.memory_space<vmem>>, vector<1x16xf32>,
      %get3A_1101 = vector.shape_cast %get3A_1100 : vector<1x16xf32> to vector<16xf32>
      %mul3A_1102 = arith.mulf %get3A_1096, %get3A_1101 : vector<16xf32>
      %add3A_1103 = arith.addf %add3A_1091, %mul3A_1102 : vector<16xf32>
      %get3A_1104 = arith.constant 26 : i32
      %get3A_1105 = arith.index_cast %get3A_1104 : i32 to index
      %get3A_1106 = arith.constant 32 : index
      %get3A_1107 = tpu.vector_load %arg7[%get3A_1105, %get3A_1106] {strides = array<i32>} : memref<32x128xf32, #tpu.memory_space<vmem>>, vector<1x16xf32>,
      %get3A_1108 = vector.shape_cast %get3A_1107 : vector<1x16xf32> to vector<16xf32>
      %get3A_1109 = arith.constant 26 : i32
      %get3A_1110 = arith.index_cast %get3A_1109 : i32 to index
      %get3A_1111 = arith.constant 32 : index
      %get3A_1112 = tpu.vector_load %arg8[%get3A_1110, %get3A_1111] {strides = array<i32>} : memref<32x128xf32, #tpu.memory_space<vmem>>, vector<1x16xf32>,
      %get3A_1113 = vector.shape_cast %get3A_1112 : vector<1x16xf32> to vector<16xf32>
      %mul3A_1114 = arith.mulf %get3A_1108, %get3A_1113 : vector<16xf32>
      %add3A_1115 = arith.addf %add3A_1103, %mul3A_1114 : vector<16xf32>
      %get3A_1116 = arith.constant 27 : i32
      %get3A_1117 = arith.index_cast %get3A_1116 : i32 to index
      %get3A_1118 = arith.constant 32 : index
      %get3A_1119 = tpu.vector_load %arg7[%get3A_1117, %get3A_1118] {strides = array<i32>} : memref<32x128xf32, #tpu.memory_space<vmem>>, vector<1x16xf32>,
      %get3A_1120 = vector.shape_cast %get3A_1119 : vector<1x16xf32> to vector<16xf32>
      %get3A_1121 = arith.constant 27 : i32
      %get3A_1122 = arith.index_cast %get3A_1121 : i32 to index
      %get3A_1123 = arith.constant 32 : index
      %get3A_1124 = tpu.vector_load %arg8[%get3A_1122, %get3A_1123] {strides = array<i32>} : memref<32x128xf32, #tpu.memory_space<vmem>>, vector<1x16xf32>,
      %get3A_1125 = vector.shape_cast %get3A_1124 : vector<1x16xf32> to vector<16xf32>
      %mul3A_1126 = arith.mulf %get3A_1120, %get3A_1125 : vector<16xf32>
      %add3A_1127 = arith.addf %add3A_1115, %mul3A_1126 : vector<16xf32>
      %get3A_1128 = arith.constant 28 : i32
      %get3A_1129 = arith.index_cast %get3A_1128 : i32 to index
      %get3A_1130 = arith.constant 32 : index
      %get3A_1131 = tpu.vector_load %arg7[%get3A_1129, %get3A_1130] {strides = array<i32>} : memref<32x128xf32, #tpu.memory_space<vmem>>, vector<1x16xf32>,
      %get3A_1132 = vector.shape_cast %get3A_1131 : vector<1x16xf32> to vector<16xf32>
      %get3A_1133 = arith.constant 28 : i32
      %get3A_1134 = arith.index_cast %get3A_1133 : i32 to index
      %get3A_1135 = arith.constant 32 : index
      %get3A_1136 = tpu.vector_load %arg8[%get3A_1134, %get3A_1135] {strides = array<i32>} : memref<32x128xf32, #tpu.memory_space<vmem>>, vector<1x16xf32>,
      %get3A_1137 = vector.shape_cast %get3A_1136 : vector<1x16xf32> to vector<16xf32>
      %mul3A_1138 = arith.mulf %get3A_1132, %get3A_1137 : vector<16xf32>
      %add3A_1139 = arith.addf %add3A_1127, %mul3A_1138 : vector<16xf32>
      %get3A_1140 = arith.constant 29 : i32
      %get3A_1141 = arith.index_cast %get3A_1140 : i32 to index
      %get3A_1142 = arith.constant 32 : index
      %get3A_1143 = tpu.vector_load %arg7[%get3A_1141, %get3A_1142] {strides = array<i32>} : memref<32x128xf32, #tpu.memory_space<vmem>>, vector<1x16xf32>,
      %get3A_1144 = vector.shape_cast %get3A_1143 : vector<1x16xf32> to vector<16xf32>
      %get3A_1145 = arith.constant 29 : i32
      %get3A_1146 = arith.index_cast %get3A_1145 : i32 to index
      %get3A_1147 = arith.constant 32 : index
      %get3A_1148 = tpu.vector_load %arg8[%get3A_1146, %get3A_1147] {strides = array<i32>} : memref<32x128xf32, #tpu.memory_space<vmem>>, vector<1x16xf32>,
      %get3A_1149 = vector.shape_cast %get3A_1148 : vector<1x16xf32> to vector<16xf32>
      %mul3A_1150 = arith.mulf %get3A_1144, %get3A_1149 : vector<16xf32>
      %add3A_1151 = arith.addf %add3A_1139, %mul3A_1150 : vector<16xf32>
      %get3A_1152 = arith.constant 30 : i32
      %get3A_1153 = arith.index_cast %get3A_1152 : i32 to index
      %get3A_1154 = arith.constant 32 : index
      %get3A_1155 = tpu.vector_load %arg7[%get3A_1153, %get3A_1154] {strides = array<i32>} : memref<32x128xf32, #tpu.memory_space<vmem>>, vector<1x16xf32>,
      %get3A_1156 = vector.shape_cast %get3A_1155 : vector<1x16xf32> to vector<16xf32>
      %get3A_1157 = arith.constant 30 : i32
      %get3A_1158 = arith.index_cast %get3A_1157 : i32 to index
      %get3A_1159 = arith.constant 32 : index
      %get3A_1160 = tpu.vector_load %arg8[%get3A_1158, %get3A_1159] {strides = array<i32>} : memref<32x128xf32, #tpu.memory_space<vmem>>, vector<1x16xf32>,
      %get3A_1161 = vector.shape_cast %get3A_1160 : vector<1x16xf32> to vector<16xf32>
      %mul3A_1162 = arith.mulf %get3A_1156, %get3A_1161 : vector<16xf32>
      %add3A_1163 = arith.addf %add3A_1151, %mul3A_1162 : vector<16xf32>
      %get3A_1164 = arith.constant 31 : i32
      %get3A_1165 = arith.index_cast %get3A_1164 : i32 to index
      %get3A_1166 = arith.constant 32 : index
      %get3A_1167 = tpu.vector_load %arg7[%get3A_1165, %get3A_1166] {strides = array<i32>} : memref<32x128xf32, #tpu.memory_space<vmem>>, vector<1x16xf32>,
      %get3A_1168 = vector.shape_cast %get3A_1167 : vector<1x16xf32> to vector<16xf32>
      %get3A_1169 = arith.constant 31 : i32
      %get3A_1170 = arith.index_cast %get3A_1169 : i32 to index
      %get3A_1171 = arith.constant 32 : index
      %get3A_1172 = tpu.vector_load %arg8[%get3A_1170, %get3A_1171] {strides = array<i32>} : memref<32x128xf32, #tpu.memory_space<vmem>>, vector<1x16xf32>,
      %get3A_1173 = vector.shape_cast %get3A_1172 : vector<1x16xf32> to vector<16xf32>
      %mul3A_1174 = arith.mulf %get3A_1168, %get3A_1173 : vector<16xf32>
      %add3A_1175 = arith.addf %add3A_1163, %mul3A_1174 : vector<16xf32>
      %swap3A_1176 = arith.index_cast %scan3A_10 : i32 to index
      %swap3A_1177 = arith.constant 32 : index
      %swap3A_1178 = tpu.vector_load %arg9[%swap3A_1176, %swap3A_1177] {strides = array<i32>} : memref<256x128xf32, #tpu.memory_space<vmem>>, vector<1x16xf32>,
      %swap3A_1179 = vector.shape_cast %swap3A_1178 : vector<1x16xf32> to vector<16xf32>
      %swap3A_1180 = vector.shape_cast %add3A_1175 : vector<16xf32> to vector<1x16xf32>
      tpu.vector_store %arg9[%swap3A_1176, %swap3A_1177], %swap3A_1180 {strides = array<i32>} : memref<256x128xf32, #tpu.memory_space<vmem>>, vector<1x16xf32>,
      %get3A_1181 = arith.constant 0 : i32
      %get3A_1182 = arith.index_cast %get3A_1181 : i32 to index
      %get3A_1183 = arith.constant 48 : index
      %get3A_1184 = tpu.vector_load %arg7[%get3A_1182, %get3A_1183] {strides = array<i32>} : memref<32x128xf32, #tpu.memory_space<vmem>>, vector<1x16xf32>,
      %get3A_1185 = vector.shape_cast %get3A_1184 : vector<1x16xf32> to vector<16xf32>
      %get3A_1186 = arith.constant 0 : i32
      %get3A_1187 = arith.index_cast %get3A_1186 : i32 to index
      %get3A_1188 = arith.constant 48 : index
      %get3A_1189 = tpu.vector_load %arg8[%get3A_1187, %get3A_1188] {strides = array<i32>} : memref<32x128xf32, #tpu.memory_space<vmem>>, vector<1x16xf32>,
      %get3A_1190 = vector.shape_cast %get3A_1189 : vector<1x16xf32> to vector<16xf32>
      %mul3A_1191 = arith.mulf %get3A_1185, %get3A_1190 : vector<16xf32>
      %get3A_1192 = arith.constant 1 : i32
      %get3A_1193 = arith.index_cast %get3A_1192 : i32 to index
      %get3A_1194 = arith.constant 48 : index
      %get3A_1195 = tpu.vector_load %arg7[%get3A_1193, %get3A_1194] {strides = array<i32>} : memref<32x128xf32, #tpu.memory_space<vmem>>, vector<1x16xf32>,
      %get3A_1196 = vector.shape_cast %get3A_1195 : vector<1x16xf32> to vector<16xf32>
      %get3A_1197 = arith.constant 1 : i32
      %get3A_1198 = arith.index_cast %get3A_1197 : i32 to index
      %get3A_1199 = arith.constant 48 : index
      %get3A_1200 = tpu.vector_load %arg8[%get3A_1198, %get3A_1199] {strides = array<i32>} : memref<32x128xf32, #tpu.memory_space<vmem>>, vector<1x16xf32>,
      %get3A_1201 = vector.shape_cast %get3A_1200 : vector<1x16xf32> to vector<16xf32>
      %mul3A_1202 = arith.mulf %get3A_1196, %get3A_1201 : vector<16xf32>
      %add3A_1203 = arith.addf %mul3A_1191, %mul3A_1202 : vector<16xf32>
      %get3A_1204 = arith.constant 2 : i32
      %get3A_1205 = arith.index_cast %get3A_1204 : i32 to index
      %get3A_1206 = arith.constant 48 : index
      %get3A_1207 = tpu.vector_load %arg7[%get3A_1205, %get3A_1206] {strides = array<i32>} : memref<32x128xf32, #tpu.memory_space<vmem>>, vector<1x16xf32>,
      %get3A_1208 = vector.shape_cast %get3A_1207 : vector<1x16xf32> to vector<16xf32>
      %get3A_1209 = arith.constant 2 : i32
      %get3A_1210 = arith.index_cast %get3A_1209 : i32 to index
      %get3A_1211 = arith.constant 48 : index
      %get3A_1212 = tpu.vector_load %arg8[%get3A_1210, %get3A_1211] {strides = array<i32>} : memref<32x128xf32, #tpu.memory_space<vmem>>, vector<1x16xf32>,
      %get3A_1213 = vector.shape_cast %get3A_1212 : vector<1x16xf32> to vector<16xf32>
      %mul3A_1214 = arith.mulf %get3A_1208, %get3A_1213 : vector<16xf32>
      %add3A_1215 = arith.addf %add3A_1203, %mul3A_1214 : vector<16xf32>
      %get3A_1216 = arith.constant 3 : i32
      %get3A_1217 = arith.index_cast %get3A_1216 : i32 to index
      %get3A_1218 = arith.constant 48 : index
      %get3A_1219 = tpu.vector_load %arg7[%get3A_1217, %get3A_1218] {strides = array<i32>} : memref<32x128xf32, #tpu.memory_space<vmem>>, vector<1x16xf32>,
      %get3A_1220 = vector.shape_cast %get3A_1219 : vector<1x16xf32> to vector<16xf32>
      %get3A_1221 = arith.constant 3 : i32
      %get3A_1222 = arith.index_cast %get3A_1221 : i32 to index
      %get3A_1223 = arith.constant 48 : index
      %get3A_1224 = tpu.vector_load %arg8[%get3A_1222, %get3A_1223] {strides = array<i32>} : memref<32x128xf32, #tpu.memory_space<vmem>>, vector<1x16xf32>,
      %get3A_1225 = vector.shape_cast %get3A_1224 : vector<1x16xf32> to vector<16xf32>
      %mul3A_1226 = arith.mulf %get3A_1220, %get3A_1225 : vector<16xf32>
      %add3A_1227 = arith.addf %add3A_1215, %mul3A_1226 : vector<16xf32>
      %get3A_1228 = arith.constant 4 : i32
      %get3A_1229 = arith.index_cast %get3A_1228 : i32 to index
      %get3A_1230 = arith.constant 48 : index
      %get3A_1231 = tpu.vector_load %arg7[%get3A_1229, %get3A_1230] {strides = array<i32>} : memref<32x128xf32, #tpu.memory_space<vmem>>, vector<1x16xf32>,
      %get3A_1232 = vector.shape_cast %get3A_1231 : vector<1x16xf32> to vector<16xf32>
      %get3A_1233 = arith.constant 4 : i32
      %get3A_1234 = arith.index_cast %get3A_1233 : i32 to index
      %get3A_1235 = arith.constant 48 : index
      %get3A_1236 = tpu.vector_load %arg8[%get3A_1234, %get3A_1235] {strides = array<i32>} : memref<32x128xf32, #tpu.memory_space<vmem>>, vector<1x16xf32>,
      %get3A_1237 = vector.shape_cast %get3A_1236 : vector<1x16xf32> to vector<16xf32>
      %mul3A_1238 = arith.mulf %get3A_1232, %get3A_1237 : vector<16xf32>
      %add3A_1239 = arith.addf %add3A_1227, %mul3A_1238 : vector<16xf32>
      %get3A_1240 = arith.constant 5 : i32
      %get3A_1241 = arith.index_cast %get3A_1240 : i32 to index
      %get3A_1242 = arith.constant 48 : index
      %get3A_1243 = tpu.vector_load %arg7[%get3A_1241, %get3A_1242] {strides = array<i32>} : memref<32x128xf32, #tpu.memory_space<vmem>>, vector<1x16xf32>,
      %get3A_1244 = vector.shape_cast %get3A_1243 : vector<1x16xf32> to vector<16xf32>
      %get3A_1245 = arith.constant 5 : i32
      %get3A_1246 = arith.index_cast %get3A_1245 : i32 to index
      %get3A_1247 = arith.constant 48 : index
      %get3A_1248 = tpu.vector_load %arg8[%get3A_1246, %get3A_1247] {strides = array<i32>} : memref<32x128xf32, #tpu.memory_space<vmem>>, vector<1x16xf32>,
      %get3A_1249 = vector.shape_cast %get3A_1248 : vector<1x16xf32> to vector<16xf32>
      %mul3A_1250 = arith.mulf %get3A_1244, %get3A_1249 : vector<16xf32>
      %add3A_1251 = arith.addf %add3A_1239, %mul3A_1250 : vector<16xf32>
      %get3A_1252 = arith.constant 6 : i32
      %get3A_1253 = arith.index_cast %get3A_1252 : i32 to index
      %get3A_1254 = arith.constant 48 : index
      %get3A_1255 = tpu.vector_load %arg7[%get3A_1253, %get3A_1254] {strides = array<i32>} : memref<32x128xf32, #tpu.memory_space<vmem>>, vector<1x16xf32>,
      %get3A_1256 = vector.shape_cast %get3A_1255 : vector<1x16xf32> to vector<16xf32>
      %get3A_1257 = arith.constant 6 : i32
      %get3A_1258 = arith.index_cast %get3A_1257 : i32 to index
      %get3A_1259 = arith.constant 48 : index
      %get3A_1260 = tpu.vector_load %arg8[%get3A_1258, %get3A_1259] {strides = array<i32>} : memref<32x128xf32, #tpu.memory_space<vmem>>, vector<1x16xf32>,
      %get3A_1261 = vector.shape_cast %get3A_1260 : vector<1x16xf32> to vector<16xf32>
      %mul3A_1262 = arith.mulf %get3A_1256, %get3A_1261 : vector<16xf32>
      %add3A_1263 = arith.addf %add3A_1251, %mul3A_1262 : vector<16xf32>
      %get3A_1264 = arith.constant 7 : i32
      %get3A_1265 = arith.index_cast %get3A_1264 : i32 to index
      %get3A_1266 = arith.constant 48 : index
      %get3A_1267 = tpu.vector_load %arg7[%get3A_1265, %get3A_1266] {strides = array<i32>} : memref<32x128xf32, #tpu.memory_space<vmem>>, vector<1x16xf32>,
      %get3A_1268 = vector.shape_cast %get3A_1267 : vector<1x16xf32> to vector<16xf32>
      %get3A_1269 = arith.constant 7 : i32
      %get3A_1270 = arith.index_cast %get3A_1269 : i32 to index
      %get3A_1271 = arith.constant 48 : index
      %get3A_1272 = tpu.vector_load %arg8[%get3A_1270, %get3A_1271] {strides = array<i32>} : memref<32x128xf32, #tpu.memory_space<vmem>>, vector<1x16xf32>,
      %get3A_1273 = vector.shape_cast %get3A_1272 : vector<1x16xf32> to vector<16xf32>
      %mul3A_1274 = arith.mulf %get3A_1268, %get3A_1273 : vector<16xf32>
      %add3A_1275 = arith.addf %add3A_1263, %mul3A_1274 : vector<16xf32>
      %get3A_1276 = arith.constant 8 : i32
      %get3A_1277 = arith.index_cast %get3A_1276 : i32 to index
      %get3A_1278 = arith.constant 48 : index
      %get3A_1279 = tpu.vector_load %arg7[%get3A_1277, %get3A_1278] {strides = array<i32>} : memref<32x128xf32, #tpu.memory_space<vmem>>, vector<1x16xf32>,
      %get3A_1280 = vector.shape_cast %get3A_1279 : vector<1x16xf32> to vector<16xf32>
      %get3A_1281 = arith.constant 8 : i32
      %get3A_1282 = arith.index_cast %get3A_1281 : i32 to index
      %get3A_1283 = arith.constant 48 : index
      %get3A_1284 = tpu.vector_load %arg8[%get3A_1282, %get3A_1283] {strides = array<i32>} : memref<32x128xf32, #tpu.memory_space<vmem>>, vector<1x16xf32>,
      %get3A_1285 = vector.shape_cast %get3A_1284 : vector<1x16xf32> to vector<16xf32>
      %mul3A_1286 = arith.mulf %get3A_1280, %get3A_1285 : vector<16xf32>
      %add3A_1287 = arith.addf %add3A_1275, %mul3A_1286 : vector<16xf32>
      %get3A_1288 = arith.constant 9 : i32
      %get3A_1289 = arith.index_cast %get3A_1288 : i32 to index
      %get3A_1290 = arith.constant 48 : index
      %get3A_1291 = tpu.vector_load %arg7[%get3A_1289, %get3A_1290] {strides = array<i32>} : memref<32x128xf32, #tpu.memory_space<vmem>>, vector<1x16xf32>,
      %get3A_1292 = vector.shape_cast %get3A_1291 : vector<1x16xf32> to vector<16xf32>
      %get3A_1293 = arith.constant 9 : i32
      %get3A_1294 = arith.index_cast %get3A_1293 : i32 to index
      %get3A_1295 = arith.constant 48 : index
      %get3A_1296 = tpu.vector_load %arg8[%get3A_1294, %get3A_1295] {strides = array<i32>} : memref<32x128xf32, #tpu.memory_space<vmem>>, vector<1x16xf32>,
      %get3A_1297 = vector.shape_cast %get3A_1296 : vector<1x16xf32> to vector<16xf32>
      %mul3A_1298 = arith.mulf %get3A_1292, %get3A_1297 : vector<16xf32>
      %add3A_1299 = arith.addf %add3A_1287, %mul3A_1298 : vector<16xf32>
      %get3A_1300 = arith.constant 10 : i32
      %get3A_1301 = arith.index_cast %get3A_1300 : i32 to index
      %get3A_1302 = arith.constant 48 : index
      %get3A_1303 = tpu.vector_load %arg7[%get3A_1301, %get3A_1302] {strides = array<i32>} : memref<32x128xf32, #tpu.memory_space<vmem>>, vector<1x16xf32>,
      %get3A_1304 = vector.shape_cast %get3A_1303 : vector<1x16xf32> to vector<16xf32>
      %get3A_1305 = arith.constant 10 : i32
      %get3A_1306 = arith.index_cast %get3A_1305 : i32 to index
      %get3A_1307 = arith.constant 48 : index
      %get3A_1308 = tpu.vector_load %arg8[%get3A_1306, %get3A_1307] {strides = array<i32>} : memref<32x128xf32, #tpu.memory_space<vmem>>, vector<1x16xf32>,
      %get3A_1309 = vector.shape_cast %get3A_1308 : vector<1x16xf32> to vector<16xf32>
      %mul3A_1310 = arith.mulf %get3A_1304, %get3A_1309 : vector<16xf32>
      %add3A_1311 = arith.addf %add3A_1299, %mul3A_1310 : vector<16xf32>
      %get3A_1312 = arith.constant 11 : i32
      %get3A_1313 = arith.index_cast %get3A_1312 : i32 to index
      %get3A_1314 = arith.constant 48 : index
      %get3A_1315 = tpu.vector_load %arg7[%get3A_1313, %get3A_1314] {strides = array<i32>} : memref<32x128xf32, #tpu.memory_space<vmem>>, vector<1x16xf32>,
      %get3A_1316 = vector.shape_cast %get3A_1315 : vector<1x16xf32> to vector<16xf32>
      %get3A_1317 = arith.constant 11 : i32
      %get3A_1318 = arith.index_cast %get3A_1317 : i32 to index
      %get3A_1319 = arith.constant 48 : index
      %get3A_1320 = tpu.vector_load %arg8[%get3A_1318, %get3A_1319] {strides = array<i32>} : memref<32x128xf32, #tpu.memory_space<vmem>>, vector<1x16xf32>,
      %get3A_1321 = vector.shape_cast %get3A_1320 : vector<1x16xf32> to vector<16xf32>
      %mul3A_1322 = arith.mulf %get3A_1316, %get3A_1321 : vector<16xf32>
      %add3A_1323 = arith.addf %add3A_1311, %mul3A_1322 : vector<16xf32>
      %get3A_1324 = arith.constant 12 : i32
      %get3A_1325 = arith.index_cast %get3A_1324 : i32 to index
      %get3A_1326 = arith.constant 48 : index
      %get3A_1327 = tpu.vector_load %arg7[%get3A_1325, %get3A_1326] {strides = array<i32>} : memref<32x128xf32, #tpu.memory_space<vmem>>, vector<1x16xf32>,
      %get3A_1328 = vector.shape_cast %get3A_1327 : vector<1x16xf32> to vector<16xf32>
      %get3A_1329 = arith.constant 12 : i32
      %get3A_1330 = arith.index_cast %get3A_1329 : i32 to index
      %get3A_1331 = arith.constant 48 : index
      %get3A_1332 = tpu.vector_load %arg8[%get3A_1330, %get3A_1331] {strides = array<i32>} : memref<32x128xf32, #tpu.memory_space<vmem>>, vector<1x16xf32>,
      %get3A_1333 = vector.shape_cast %get3A_1332 : vector<1x16xf32> to vector<16xf32>
      %mul3A_1334 = arith.mulf %get3A_1328, %get3A_1333 : vector<16xf32>
      %add3A_1335 = arith.addf %add3A_1323, %mul3A_1334 : vector<16xf32>
      %get3A_1336 = arith.constant 13 : i32
      %get3A_1337 = arith.index_cast %get3A_1336 : i32 to index
      %get3A_1338 = arith.constant 48 : index
      %get3A_1339 = tpu.vector_load %arg7[%get3A_1337, %get3A_1338] {strides = array<i32>} : memref<32x128xf32, #tpu.memory_space<vmem>>, vector<1x16xf32>,
      %get3A_1340 = vector.shape_cast %get3A_1339 : vector<1x16xf32> to vector<16xf32>
      %get3A_1341 = arith.constant 13 : i32
      %get3A_1342 = arith.index_cast %get3A_1341 : i32 to index
      %get3A_1343 = arith.constant 48 : index
      %get3A_1344 = tpu.vector_load %arg8[%get3A_1342, %get3A_1343] {strides = array<i32>} : memref<32x128xf32, #tpu.memory_space<vmem>>, vector<1x16xf32>,
      %get3A_1345 = vector.shape_cast %get3A_1344 : vector<1x16xf32> to vector<16xf32>
      %mul3A_1346 = arith.mulf %get3A_1340, %get3A_1345 : vector<16xf32>
      %add3A_1347 = arith.addf %add3A_1335, %mul3A_1346 : vector<16xf32>
      %get3A_1348 = arith.constant 14 : i32
      %get3A_1349 = arith.index_cast %get3A_1348 : i32 to index
      %get3A_1350 = arith.constant 48 : index
      %get3A_1351 = tpu.vector_load %arg7[%get3A_1349, %get3A_1350] {strides = array<i32>} : memref<32x128xf32, #tpu.memory_space<vmem>>, vector<1x16xf32>,
      %get3A_1352 = vector.shape_cast %get3A_1351 : vector<1x16xf32> to vector<16xf32>
      %get3A_1353 = arith.constant 14 : i32
      %get3A_1354 = arith.index_cast %get3A_1353 : i32 to index
      %get3A_1355 = arith.constant 48 : index
      %get3A_1356 = tpu.vector_load %arg8[%get3A_1354, %get3A_1355] {strides = array<i32>} : memref<32x128xf32, #tpu.memory_space<vmem>>, vector<1x16xf32>,
      %get3A_1357 = vector.shape_cast %get3A_1356 : vector<1x16xf32> to vector<16xf32>
      %mul3A_1358 = arith.mulf %get3A_1352, %get3A_1357 : vector<16xf32>
      %add3A_1359 = arith.addf %add3A_1347, %mul3A_1358 : vector<16xf32>
      %get3A_1360 = arith.constant 15 : i32
      %get3A_1361 = arith.index_cast %get3A_1360 : i32 to index
      %get3A_1362 = arith.constant 48 : index
      %get3A_1363 = tpu.vector_load %arg7[%get3A_1361, %get3A_1362] {strides = array<i32>} : memref<32x128xf32, #tpu.memory_space<vmem>>, vector<1x16xf32>,
      %get3A_1364 = vector.shape_cast %get3A_1363 : vector<1x16xf32> to vector<16xf32>
      %get3A_1365 = arith.constant 15 : i32
      %get3A_1366 = arith.index_cast %get3A_1365 : i32 to index
      %get3A_1367 = arith.constant 48 : index
      %get3A_1368 = tpu.vector_load %arg8[%get3A_1366, %get3A_1367] {strides = array<i32>} : memref<32x128xf32, #tpu.memory_space<vmem>>, vector<1x16xf32>,
      %get3A_1369 = vector.shape_cast %get3A_1368 : vector<1x16xf32> to vector<16xf32>
      %mul3A_1370 = arith.mulf %get3A_1364, %get3A_1369 : vector<16xf32>
      %add3A_1371 = arith.addf %add3A_1359, %mul3A_1370 : vector<16xf32>
      %get3A_1372 = arith.constant 16 : i32
      %get3A_1373 = arith.index_cast %get3A_1372 : i32 to index
      %get3A_1374 = arith.constant 48 : index
      %get3A_1375 = tpu.vector_load %arg7[%get3A_1373, %get3A_1374] {strides = array<i32>} : memref<32x128xf32, #tpu.memory_space<vmem>>, vector<1x16xf32>,
      %get3A_1376 = vector.shape_cast %get3A_1375 : vector<1x16xf32> to vector<16xf32>
      %get3A_1377 = arith.constant 16 : i32
      %get3A_1378 = arith.index_cast %get3A_1377 : i32 to index
      %get3A_1379 = arith.constant 48 : index
      %get3A_1380 = tpu.vector_load %arg8[%get3A_1378, %get3A_1379] {strides = array<i32>} : memref<32x128xf32, #tpu.memory_space<vmem>>, vector<1x16xf32>,
      %get3A_1381 = vector.shape_cast %get3A_1380 : vector<1x16xf32> to vector<16xf32>
      %mul3A_1382 = arith.mulf %get3A_1376, %get3A_1381 : vector<16xf32>
      %add3A_1383 = arith.addf %add3A_1371, %mul3A_1382 : vector<16xf32>
      %get3A_1384 = arith.constant 17 : i32
      %get3A_1385 = arith.index_cast %get3A_1384 : i32 to index
      %get3A_1386 = arith.constant 48 : index
      %get3A_1387 = tpu.vector_load %arg7[%get3A_1385, %get3A_1386] {strides = array<i32>} : memref<32x128xf32, #tpu.memory_space<vmem>>, vector<1x16xf32>,
      %get3A_1388 = vector.shape_cast %get3A_1387 : vector<1x16xf32> to vector<16xf32>
      %get3A_1389 = arith.constant 17 : i32
      %get3A_1390 = arith.index_cast %get3A_1389 : i32 to index
      %get3A_1391 = arith.constant 48 : index
      %get3A_1392 = tpu.vector_load %arg8[%get3A_1390, %get3A_1391] {strides = array<i32>} : memref<32x128xf32, #tpu.memory_space<vmem>>, vector<1x16xf32>,
      %get3A_1393 = vector.shape_cast %get3A_1392 : vector<1x16xf32> to vector<16xf32>
      %mul3A_1394 = arith.mulf %get3A_1388, %get3A_1393 : vector<16xf32>
      %add3A_1395 = arith.addf %add3A_1383, %mul3A_1394 : vector<16xf32>
      %get3A_1396 = arith.constant 18 : i32
      %get3A_1397 = arith.index_cast %get3A_1396 : i32 to index
      %get3A_1398 = arith.constant 48 : index
      %get3A_1399 = tpu.vector_load %arg7[%get3A_1397, %get3A_1398] {strides = array<i32>} : memref<32x128xf32, #tpu.memory_space<vmem>>, vector<1x16xf32>,
      %get3A_1400 = vector.shape_cast %get3A_1399 : vector<1x16xf32> to vector<16xf32>
      %get3A_1401 = arith.constant 18 : i32
      %get3A_1402 = arith.index_cast %get3A_1401 : i32 to index
      %get3A_1403 = arith.constant 48 : index
      %get3A_1404 = tpu.vector_load %arg8[%get3A_1402, %get3A_1403] {strides = array<i32>} : memref<32x128xf32, #tpu.memory_space<vmem>>, vector<1x16xf32>,
      %get3A_1405 = vector.shape_cast %get3A_1404 : vector<1x16xf32> to vector<16xf32>
      %mul3A_1406 = arith.mulf %get3A_1400, %get3A_1405 : vector<16xf32>
      %add3A_1407 = arith.addf %add3A_1395, %mul3A_1406 : vector<16xf32>
      %get3A_1408 = arith.constant 19 : i32
      %get3A_1409 = arith.index_cast %get3A_1408 : i32 to index
      %get3A_1410 = arith.constant 48 : index
      %get3A_1411 = tpu.vector_load %arg7[%get3A_1409, %get3A_1410] {strides = array<i32>} : memref<32x128xf32, #tpu.memory_space<vmem>>, vector<1x16xf32>,
      %get3A_1412 = vector.shape_cast %get3A_1411 : vector<1x16xf32> to vector<16xf32>
      %get3A_1413 = arith.constant 19 : i32
      %get3A_1414 = arith.index_cast %get3A_1413 : i32 to index
      %get3A_1415 = arith.constant 48 : index
      %get3A_1416 = tpu.vector_load %arg8[%get3A_1414, %get3A_1415] {strides = array<i32>} : memref<32x128xf32, #tpu.memory_space<vmem>>, vector<1x16xf32>,
      %get3A_1417 = vector.shape_cast %get3A_1416 : vector<1x16xf32> to vector<16xf32>
      %mul3A_1418 = arith.mulf %get3A_1412, %get3A_1417 : vector<16xf32>
      %add3A_1419 = arith.addf %add3A_1407, %mul3A_1418 : vector<16xf32>
      %get3A_1420 = arith.constant 20 : i32
      %get3A_1421 = arith.index_cast %get3A_1420 : i32 to index
      %get3A_1422 = arith.constant 48 : index
      %get3A_1423 = tpu.vector_load %arg7[%get3A_1421, %get3A_1422] {strides = array<i32>} : memref<32x128xf32, #tpu.memory_space<vmem>>, vector<1x16xf32>,
      %get3A_1424 = vector.shape_cast %get3A_1423 : vector<1x16xf32> to vector<16xf32>
      %get3A_1425 = arith.constant 20 : i32
      %get3A_1426 = arith.index_cast %get3A_1425 : i32 to index
      %get3A_1427 = arith.constant 48 : index
      %get3A_1428 = tpu.vector_load %arg8[%get3A_1426, %get3A_1427] {strides = array<i32>} : memref<32x128xf32, #tpu.memory_space<vmem>>, vector<1x16xf32>,
      %get3A_1429 = vector.shape_cast %get3A_1428 : vector<1x16xf32> to vector<16xf32>
      %mul3A_1430 = arith.mulf %get3A_1424, %get3A_1429 : vector<16xf32>
      %add3A_1431 = arith.addf %add3A_1419, %mul3A_1430 : vector<16xf32>
      %get3A_1432 = arith.constant 21 : i32
      %get3A_1433 = arith.index_cast %get3A_1432 : i32 to index
      %get3A_1434 = arith.constant 48 : index
      %get3A_1435 = tpu.vector_load %arg7[%get3A_1433, %get3A_1434] {strides = array<i32>} : memref<32x128xf32, #tpu.memory_space<vmem>>, vector<1x16xf32>,
      %get3A_1436 = vector.shape_cast %get3A_1435 : vector<1x16xf32> to vector<16xf32>
      %get3A_1437 = arith.constant 21 : i32
      %get3A_1438 = arith.index_cast %get3A_1437 : i32 to index
      %get3A_1439 = arith.constant 48 : index
      %get3A_1440 = tpu.vector_load %arg8[%get3A_1438, %get3A_1439] {strides = array<i32>} : memref<32x128xf32, #tpu.memory_space<vmem>>, vector<1x16xf32>,
      %get3A_1441 = vector.shape_cast %get3A_1440 : vector<1x16xf32> to vector<16xf32>
      %mul3A_1442 = arith.mulf %get3A_1436, %get3A_1441 : vector<16xf32>
      %add3A_1443 = arith.addf %add3A_1431, %mul3A_1442 : vector<16xf32>
      %get3A_1444 = arith.constant 22 : i32
      %get3A_1445 = arith.index_cast %get3A_1444 : i32 to index
      %get3A_1446 = arith.constant 48 : index
      %get3A_1447 = tpu.vector_load %arg7[%get3A_1445, %get3A_1446] {strides = array<i32>} : memref<32x128xf32, #tpu.memory_space<vmem>>, vector<1x16xf32>,
      %get3A_1448 = vector.shape_cast %get3A_1447 : vector<1x16xf32> to vector<16xf32>
      %get3A_1449 = arith.constant 22 : i32
      %get3A_1450 = arith.index_cast %get3A_1449 : i32 to index
      %get3A_1451 = arith.constant 48 : index
      %get3A_1452 = tpu.vector_load %arg8[%get3A_1450, %get3A_1451] {strides = array<i32>} : memref<32x128xf32, #tpu.memory_space<vmem>>, vector<1x16xf32>,
      %get3A_1453 = vector.shape_cast %get3A_1452 : vector<1x16xf32> to vector<16xf32>
      %mul3A_1454 = arith.mulf %get3A_1448, %get3A_1453 : vector<16xf32>
      %add3A_1455 = arith.addf %add3A_1443, %mul3A_1454 : vector<16xf32>
      %get3A_1456 = arith.constant 23 : i32
      %get3A_1457 = arith.index_cast %get3A_1456 : i32 to index
      %get3A_1458 = arith.constant 48 : index
      %get3A_1459 = tpu.vector_load %arg7[%get3A_1457, %get3A_1458] {strides = array<i32>} : memref<32x128xf32, #tpu.memory_space<vmem>>, vector<1x16xf32>,
      %get3A_1460 = vector.shape_cast %get3A_1459 : vector<1x16xf32> to vector<16xf32>
      %get3A_1461 = arith.constant 23 : i32
      %get3A_1462 = arith.index_cast %get3A_1461 : i32 to index
      %get3A_1463 = arith.constant 48 : index
      %get3A_1464 = tpu.vector_load %arg8[%get3A_1462, %get3A_1463] {strides = array<i32>} : memref<32x128xf32, #tpu.memory_space<vmem>>, vector<1x16xf32>,
      %get3A_1465 = vector.shape_cast %get3A_1464 : vector<1x16xf32> to vector<16xf32>
      %mul3A_1466 = arith.mulf %get3A_1460, %get3A_1465 : vector<16xf32>
      %add3A_1467 = arith.addf %add3A_1455, %mul3A_1466 : vector<16xf32>
      %get3A_1468 = arith.constant 24 : i32
      %get3A_1469 = arith.index_cast %get3A_1468 : i32 to index
      %get3A_1470 = arith.constant 48 : index
      %get3A_1471 = tpu.vector_load %arg7[%get3A_1469, %get3A_1470] {strides = array<i32>} : memref<32x128xf32, #tpu.memory_space<vmem>>, vector<1x16xf32>,
      %get3A_1472 = vector.shape_cast %get3A_1471 : vector<1x16xf32> to vector<16xf32>
      %get3A_1473 = arith.constant 24 : i32
      %get3A_1474 = arith.index_cast %get3A_1473 : i32 to index
      %get3A_1475 = arith.constant 48 : index
      %get3A_1476 = tpu.vector_load %arg8[%get3A_1474, %get3A_1475] {strides = array<i32>} : memref<32x128xf32, #tpu.memory_space<vmem>>, vector<1x16xf32>,
      %get3A_1477 = vector.shape_cast %get3A_1476 : vector<1x16xf32> to vector<16xf32>
      %mul3A_1478 = arith.mulf %get3A_1472, %get3A_1477 : vector<16xf32>
      %add3A_1479 = arith.addf %add3A_1467, %mul3A_1478 : vector<16xf32>
      %get3A_1480 = arith.constant 25 : i32
      %get3A_1481 = arith.index_cast %get3A_1480 : i32 to index
      %get3A_1482 = arith.constant 48 : index
      %get3A_1483 = tpu.vector_load %arg7[%get3A_1481, %get3A_1482] {strides = array<i32>} : memref<32x128xf32, #tpu.memory_space<vmem>>, vector<1x16xf32>,
      %get3A_1484 = vector.shape_cast %get3A_1483 : vector<1x16xf32> to vector<16xf32>
      %get3A_1485 = arith.constant 25 : i32
      %get3A_1486 = arith.index_cast %get3A_1485 : i32 to index
      %get3A_1487 = arith.constant 48 : index
      %get3A_1488 = tpu.vector_load %arg8[%get3A_1486, %get3A_1487] {strides = array<i32>} : memref<32x128xf32, #tpu.memory_space<vmem>>, vector<1x16xf32>,
      %get3A_1489 = vector.shape_cast %get3A_1488 : vector<1x16xf32> to vector<16xf32>
      %mul3A_1490 = arith.mulf %get3A_1484, %get3A_1489 : vector<16xf32>
      %add3A_1491 = arith.addf %add3A_1479, %mul3A_1490 : vector<16xf32>
      %get3A_1492 = arith.constant 26 : i32
      %get3A_1493 = arith.index_cast %get3A_1492 : i32 to index
      %get3A_1494 = arith.constant 48 : index
      %get3A_1495 = tpu.vector_load %arg7[%get3A_1493, %get3A_1494] {strides = array<i32>} : memref<32x128xf32, #tpu.memory_space<vmem>>, vector<1x16xf32>,
      %get3A_1496 = vector.shape_cast %get3A_1495 : vector<1x16xf32> to vector<16xf32>
      %get3A_1497 = arith.constant 26 : i32
      %get3A_1498 = arith.index_cast %get3A_1497 : i32 to index
      %get3A_1499 = arith.constant 48 : index
      %get3A_1500 = tpu.vector_load %arg8[%get3A_1498, %get3A_1499] {strides = array<i32>} : memref<32x128xf32, #tpu.memory_space<vmem>>, vector<1x16xf32>,
      %get3A_1501 = vector.shape_cast %get3A_1500 : vector<1x16xf32> to vector<16xf32>
      %mul3A_1502 = arith.mulf %get3A_1496, %get3A_1501 : vector<16xf32>
      %add3A_1503 = arith.addf %add3A_1491, %mul3A_1502 : vector<16xf32>
      %get3A_1504 = arith.constant 27 : i32
      %get3A_1505 = arith.index_cast %get3A_1504 : i32 to index
      %get3A_1506 = arith.constant 48 : index
      %get3A_1507 = tpu.vector_load %arg7[%get3A_1505, %get3A_1506] {strides = array<i32>} : memref<32x128xf32, #tpu.memory_space<vmem>>, vector<1x16xf32>,
      %get3A_1508 = vector.shape_cast %get3A_1507 : vector<1x16xf32> to vector<16xf32>
      %get3A_1509 = arith.constant 27 : i32
      %get3A_1510 = arith.index_cast %get3A_1509 : i32 to index
      %get3A_1511 = arith.constant 48 : index
      %get3A_1512 = tpu.vector_load %arg8[%get3A_1510, %get3A_1511] {strides = array<i32>} : memref<32x128xf32, #tpu.memory_space<vmem>>, vector<1x16xf32>,
      %get3A_1513 = vector.shape_cast %get3A_1512 : vector<1x16xf32> to vector<16xf32>
      %mul3A_1514 = arith.mulf %get3A_1508, %get3A_1513 : vector<16xf32>
      %add3A_1515 = arith.addf %add3A_1503, %mul3A_1514 : vector<16xf32>
      %get3A_1516 = arith.constant 28 : i32
      %get3A_1517 = arith.index_cast %get3A_1516 : i32 to index
      %get3A_1518 = arith.constant 48 : index
      %get3A_1519 = tpu.vector_load %arg7[%get3A_1517, %get3A_1518] {strides = array<i32>} : memref<32x128xf32, #tpu.memory_space<vmem>>, vector<1x16xf32>,
      %get3A_1520 = vector.shape_cast %get3A_1519 : vector<1x16xf32> to vector<16xf32>
      %get3A_1521 = arith.constant 28 : i32
      %get3A_1522 = arith.index_cast %get3A_1521 : i32 to index
      %get3A_1523 = arith.constant 48 : index
      %get3A_1524 = tpu.vector_load %arg8[%get3A_1522, %get3A_1523] {strides = array<i32>} : memref<32x128xf32, #tpu.memory_space<vmem>>, vector<1x16xf32>,
      %get3A_1525 = vector.shape_cast %get3A_1524 : vector<1x16xf32> to vector<16xf32>
      %mul3A_1526 = arith.mulf %get3A_1520, %get3A_1525 : vector<16xf32>
      %add3A_1527 = arith.addf %add3A_1515, %mul3A_1526 : vector<16xf32>
      %get3A_1528 = arith.constant 29 : i32
      %get3A_1529 = arith.index_cast %get3A_1528 : i32 to index
      %get3A_1530 = arith.constant 48 : index
      %get3A_1531 = tpu.vector_load %arg7[%get3A_1529, %get3A_1530] {strides = array<i32>} : memref<32x128xf32, #tpu.memory_space<vmem>>, vector<1x16xf32>,
      %get3A_1532 = vector.shape_cast %get3A_1531 : vector<1x16xf32> to vector<16xf32>
      %get3A_1533 = arith.constant 29 : i32
      %get3A_1534 = arith.index_cast %get3A_1533 : i32 to index
      %get3A_1535 = arith.constant 48 : index
      %get3A_1536 = tpu.vector_load %arg8[%get3A_1534, %get3A_1535] {strides = array<i32>} : memref<32x128xf32, #tpu.memory_space<vmem>>, vector<1x16xf32>,
      %get3A_1537 = vector.shape_cast %get3A_1536 : vector<1x16xf32> to vector<16xf32>
      %mul3A_1538 = arith.mulf %get3A_1532, %get3A_1537 : vector<16xf32>
      %add3A_1539 = arith.addf %add3A_1527, %mul3A_1538 : vector<16xf32>
      %get3A_1540 = arith.constant 30 : i32
      %get3A_1541 = arith.index_cast %get3A_1540 : i32 to index
      %get3A_1542 = arith.constant 48 : index
      %get3A_1543 = tpu.vector_load %arg7[%get3A_1541, %get3A_1542] {strides = array<i32>} : memref<32x128xf32, #tpu.memory_space<vmem>>, vector<1x16xf32>,
      %get3A_1544 = vector.shape_cast %get3A_1543 : vector<1x16xf32> to vector<16xf32>
      %get3A_1545 = arith.constant 30 : i32
      %get3A_1546 = arith.index_cast %get3A_1545 : i32 to index
      %get3A_1547 = arith.constant 48 : index
      %get3A_1548 = tpu.vector_load %arg8[%get3A_1546, %get3A_1547] {strides = array<i32>} : memref<32x128xf32, #tpu.memory_space<vmem>>, vector<1x16xf32>,
      %get3A_1549 = vector.shape_cast %get3A_1548 : vector<1x16xf32> to vector<16xf32>
      %mul3A_1550 = arith.mulf %get3A_1544, %get3A_1549 : vector<16xf32>
      %add3A_1551 = arith.addf %add3A_1539, %mul3A_1550 : vector<16xf32>
      %get3A_1552 = arith.constant 31 : i32
      %get3A_1553 = arith.index_cast %get3A_1552 : i32 to index
      %get3A_1554 = arith.constant 48 : index
      %get3A_1555 = tpu.vector_load %arg7[%get3A_1553, %get3A_1554] {strides = array<i32>} : memref<32x128xf32, #tpu.memory_space<vmem>>, vector<1x16xf32>,
      %get3A_1556 = vector.shape_cast %get3A_1555 : vector<1x16xf32> to vector<16xf32>
      %get3A_1557 = arith.constant 31 : i32
      %get3A_1558 = arith.index_cast %get3A_1557 : i32 to index
      %get3A_1559 = arith.constant 48 : index
      %get3A_1560 = tpu.vector_load %arg8[%get3A_1558, %get3A_1559] {strides = array<i32>} : memref<32x128xf32, #tpu.memory_space<vmem>>, vector<1x16xf32>,
      %get3A_1561 = vector.shape_cast %get3A_1560 : vector<1x16xf32> to vector<16xf32>
      %mul3A_1562 = arith.mulf %get3A_1556, %get3A_1561 : vector<16xf32>
      %add3A_1563 = arith.addf %add3A_1551, %mul3A_1562 : vector<16xf32>
      %swap3A_1564 = arith.index_cast %scan3A_10 : i32 to index
      %swap3A_1565 = arith.constant 48 : index
      %swap3A_1566 = tpu.vector_load %arg9[%swap3A_1564, %swap3A_1565] {strides = array<i32>} : memref<256x128xf32, #tpu.memory_space<vmem>>, vector<1x16xf32>,
      %swap3A_1567 = vector.shape_cast %swap3A_1566 : vector<1x16xf32> to vector<16xf32>
      %swap3A_1568 = vector.shape_cast %add3A_1563 : vector<16xf32> to vector<1x16xf32>
      tpu.vector_store %arg9[%swap3A_1564, %swap3A_1565], %swap3A_1568 {strides = array<i32>} : memref<256x128xf32, #tpu.memory_space<vmem>>, vector<1x16xf32>,
      %get3A_1569 = arith.constant 0 : i32
      %get3A_1570 = arith.index_cast %get3A_1569 : i32 to index
      %get3A_1571 = arith.constant 64 : index
      %get3A_1572 = tpu.vector_load %arg7[%get3A_1570, %get3A_1571] {strides = array<i32>} : memref<32x128xf32, #tpu.memory_space<vmem>>, vector<1x16xf32>,
      %get3A_1573 = vector.shape_cast %get3A_1572 : vector<1x16xf32> to vector<16xf32>
      %get3A_1574 = arith.constant 0 : i32
      %get3A_1575 = arith.index_cast %get3A_1574 : i32 to index
      %get3A_1576 = arith.constant 64 : index
      %get3A_1577 = tpu.vector_load %arg8[%get3A_1575, %get3A_1576] {strides = array<i32>} : memref<32x128xf32, #tpu.memory_space<vmem>>, vector<1x16xf32>,
      %get3A_1578 = vector.shape_cast %get3A_1577 : vector<1x16xf32> to vector<16xf32>
      %mul3A_1579 = arith.mulf %get3A_1573, %get3A_1578 : vector<16xf32>
      %get3A_1580 = arith.constant 1 : i32
      %get3A_1581 = arith.index_cast %get3A_1580 : i32 to index
      %get3A_1582 = arith.constant 64 : index
      %get3A_1583 = tpu.vector_load %arg7[%get3A_1581, %get3A_1582] {strides = array<i32>} : memref<32x128xf32, #tpu.memory_space<vmem>>, vector<1x16xf32>,
      %get3A_1584 = vector.shape_cast %get3A_1583 : vector<1x16xf32> to vector<16xf32>
      %get3A_1585 = arith.constant 1 : i32
      %get3A_1586 = arith.index_cast %get3A_1585 : i32 to index
      %get3A_1587 = arith.constant 64 : index
      %get3A_1588 = tpu.vector_load %arg8[%get3A_1586, %get3A_1587] {strides = array<i32>} : memref<32x128xf32, #tpu.memory_space<vmem>>, vector<1x16xf32>,
      %get3A_1589 = vector.shape_cast %get3A_1588 : vector<1x16xf32> to vector<16xf32>
      %mul3A_1590 = arith.mulf %get3A_1584, %get3A_1589 : vector<16xf32>
      %add3A_1591 = arith.addf %mul3A_1579, %mul3A_1590 : vector<16xf32>
      %get3A_1592 = arith.constant 2 : i32
      %get3A_1593 = arith.index_cast %get3A_1592 : i32 to index
      %get3A_1594 = arith.constant 64 : index
      %get3A_1595 = tpu.vector_load %arg7[%get3A_1593, %get3A_1594] {strides = array<i32>} : memref<32x128xf32, #tpu.memory_space<vmem>>, vector<1x16xf32>,
      %get3A_1596 = vector.shape_cast %get3A_1595 : vector<1x16xf32> to vector<16xf32>
      %get3A_1597 = arith.constant 2 : i32
      %get3A_1598 = arith.index_cast %get3A_1597 : i32 to index
      %get3A_1599 = arith.constant 64 : index
      %get3A_1600 = tpu.vector_load %arg8[%get3A_1598, %get3A_1599] {strides = array<i32>} : memref<32x128xf32, #tpu.memory_space<vmem>>, vector<1x16xf32>,
      %get3A_1601 = vector.shape_cast %get3A_1600 : vector<1x16xf32> to vector<16xf32>
      %mul3A_1602 = arith.mulf %get3A_1596, %get3A_1601 : vector<16xf32>
      %add3A_1603 = arith.addf %add3A_1591, %mul3A_1602 : vector<16xf32>
      %get3A_1604 = arith.constant 3 : i32
      %get3A_1605 = arith.index_cast %get3A_1604 : i32 to index
      %get3A_1606 = arith.constant 64 : index
      %get3A_1607 = tpu.vector_load %arg7[%get3A_1605, %get3A_1606] {strides = array<i32>} : memref<32x128xf32, #tpu.memory_space<vmem>>, vector<1x16xf32>,
      %get3A_1608 = vector.shape_cast %get3A_1607 : vector<1x16xf32> to vector<16xf32>
      %get3A_1609 = arith.constant 3 : i32
      %get3A_1610 = arith.index_cast %get3A_1609 : i32 to index
      %get3A_1611 = arith.constant 64 : index
      %get3A_1612 = tpu.vector_load %arg8[%get3A_1610, %get3A_1611] {strides = array<i32>} : memref<32x128xf32, #tpu.memory_space<vmem>>, vector<1x16xf32>,
      %get3A_1613 = vector.shape_cast %get3A_1612 : vector<1x16xf32> to vector<16xf32>
      %mul3A_1614 = arith.mulf %get3A_1608, %get3A_1613 : vector<16xf32>
      %add3A_1615 = arith.addf %add3A_1603, %mul3A_1614 : vector<16xf32>
      %get3A_1616 = arith.constant 4 : i32
      %get3A_1617 = arith.index_cast %get3A_1616 : i32 to index
      %get3A_1618 = arith.constant 64 : index
      %get3A_1619 = tpu.vector_load %arg7[%get3A_1617, %get3A_1618] {strides = array<i32>} : memref<32x128xf32, #tpu.memory_space<vmem>>, vector<1x16xf32>,
      %get3A_1620 = vector.shape_cast %get3A_1619 : vector<1x16xf32> to vector<16xf32>
      %get3A_1621 = arith.constant 4 : i32
      %get3A_1622 = arith.index_cast %get3A_1621 : i32 to index
      %get3A_1623 = arith.constant 64 : index
      %get3A_1624 = tpu.vector_load %arg8[%get3A_1622, %get3A_1623] {strides = array<i32>} : memref<32x128xf32, #tpu.memory_space<vmem>>, vector<1x16xf32>,
      %get3A_1625 = vector.shape_cast %get3A_1624 : vector<1x16xf32> to vector<16xf32>
      %mul3A_1626 = arith.mulf %get3A_1620, %get3A_1625 : vector<16xf32>
      %add3A_1627 = arith.addf %add3A_1615, %mul3A_1626 : vector<16xf32>
      %get3A_1628 = arith.constant 5 : i32
      %get3A_1629 = arith.index_cast %get3A_1628 : i32 to index
      %get3A_1630 = arith.constant 64 : index
      %get3A_1631 = tpu.vector_load %arg7[%get3A_1629, %get3A_1630] {strides = array<i32>} : memref<32x128xf32, #tpu.memory_space<vmem>>, vector<1x16xf32>,
      %get3A_1632 = vector.shape_cast %get3A_1631 : vector<1x16xf32> to vector<16xf32>
      %get3A_1633 = arith.constant 5 : i32
      %get3A_1634 = arith.index_cast %get3A_1633 : i32 to index
      %get3A_1635 = arith.constant 64 : index
      %get3A_1636 = tpu.vector_load %arg8[%get3A_1634, %get3A_1635] {strides = array<i32>} : memref<32x128xf32, #tpu.memory_space<vmem>>, vector<1x16xf32>,
      %get3A_1637 = vector.shape_cast %get3A_1636 : vector<1x16xf32> to vector<16xf32>
      %mul3A_1638 = arith.mulf %get3A_1632, %get3A_1637 : vector<16xf32>
      %add3A_1639 = arith.addf %add3A_1627, %mul3A_1638 : vector<16xf32>
      %get3A_1640 = arith.constant 6 : i32
      %get3A_1641 = arith.index_cast %get3A_1640 : i32 to index
      %get3A_1642 = arith.constant 64 : index
      %get3A_1643 = tpu.vector_load %arg7[%get3A_1641, %get3A_1642] {strides = array<i32>} : memref<32x128xf32, #tpu.memory_space<vmem>>, vector<1x16xf32>,
      %get3A_1644 = vector.shape_cast %get3A_1643 : vector<1x16xf32> to vector<16xf32>
      %get3A_1645 = arith.constant 6 : i32
      %get3A_1646 = arith.index_cast %get3A_1645 : i32 to index
      %get3A_1647 = arith.constant 64 : index
      %get3A_1648 = tpu.vector_load %arg8[%get3A_1646, %get3A_1647] {strides = array<i32>} : memref<32x128xf32, #tpu.memory_space<vmem>>, vector<1x16xf32>,
      %get3A_1649 = vector.shape_cast %get3A_1648 : vector<1x16xf32> to vector<16xf32>
      %mul3A_1650 = arith.mulf %get3A_1644, %get3A_1649 : vector<16xf32>
      %add3A_1651 = arith.addf %add3A_1639, %mul3A_1650 : vector<16xf32>
      %get3A_1652 = arith.constant 7 : i32
      %get3A_1653 = arith.index_cast %get3A_1652 : i32 to index
      %get3A_1654 = arith.constant 64 : index
      %get3A_1655 = tpu.vector_load %arg7[%get3A_1653, %get3A_1654] {strides = array<i32>} : memref<32x128xf32, #tpu.memory_space<vmem>>, vector<1x16xf32>,
      %get3A_1656 = vector.shape_cast %get3A_1655 : vector<1x16xf32> to vector<16xf32>
      %get3A_1657 = arith.constant 7 : i32
      %get3A_1658 = arith.index_cast %get3A_1657 : i32 to index
      %get3A_1659 = arith.constant 64 : index
      %get3A_1660 = tpu.vector_load %arg8[%get3A_1658, %get3A_1659] {strides = array<i32>} : memref<32x128xf32, #tpu.memory_space<vmem>>, vector<1x16xf32>,
      %get3A_1661 = vector.shape_cast %get3A_1660 : vector<1x16xf32> to vector<16xf32>
      %mul3A_1662 = arith.mulf %get3A_1656, %get3A_1661 : vector<16xf32>
      %add3A_1663 = arith.addf %add3A_1651, %mul3A_1662 : vector<16xf32>
      %get3A_1664 = arith.constant 8 : i32
      %get3A_1665 = arith.index_cast %get3A_1664 : i32 to index
      %get3A_1666 = arith.constant 64 : index
      %get3A_1667 = tpu.vector_load %arg7[%get3A_1665, %get3A_1666] {strides = array<i32>} : memref<32x128xf32, #tpu.memory_space<vmem>>, vector<1x16xf32>,
      %get3A_1668 = vector.shape_cast %get3A_1667 : vector<1x16xf32> to vector<16xf32>
      %get3A_1669 = arith.constant 8 : i32
      %get3A_1670 = arith.index_cast %get3A_1669 : i32 to index
      %get3A_1671 = arith.constant 64 : index
      %get3A_1672 = tpu.vector_load %arg8[%get3A_1670, %get3A_1671] {strides = array<i32>} : memref<32x128xf32, #tpu.memory_space<vmem>>, vector<1x16xf32>,
      %get3A_1673 = vector.shape_cast %get3A_1672 : vector<1x16xf32> to vector<16xf32>
      %mul3A_1674 = arith.mulf %get3A_1668, %get3A_1673 : vector<16xf32>
      %add3A_1675 = arith.addf %add3A_1663, %mul3A_1674 : vector<16xf32>
      %get3A_1676 = arith.constant 9 : i32
      %get3A_1677 = arith.index_cast %get3A_1676 : i32 to index
      %get3A_1678 = arith.constant 64 : index
      %get3A_1679 = tpu.vector_load %arg7[%get3A_1677, %get3A_1678] {strides = array<i32>} : memref<32x128xf32, #tpu.memory_space<vmem>>, vector<1x16xf32>,
      %get3A_1680 = vector.shape_cast %get3A_1679 : vector<1x16xf32> to vector<16xf32>
      %get3A_1681 = arith.constant 9 : i32
      %get3A_1682 = arith.index_cast %get3A_1681 : i32 to index
      %get3A_1683 = arith.constant 64 : index
      %get3A_1684 = tpu.vector_load %arg8[%get3A_1682, %get3A_1683] {strides = array<i32>} : memref<32x128xf32, #tpu.memory_space<vmem>>, vector<1x16xf32>,
      %get3A_1685 = vector.shape_cast %get3A_1684 : vector<1x16xf32> to vector<16xf32>
      %mul3A_1686 = arith.mulf %get3A_1680, %get3A_1685 : vector<16xf32>
      %add3A_1687 = arith.addf %add3A_1675, %mul3A_1686 : vector<16xf32>
      %get3A_1688 = arith.constant 10 : i32
      %get3A_1689 = arith.index_cast %get3A_1688 : i32 to index
      %get3A_1690 = arith.constant 64 : index
      %get3A_1691 = tpu.vector_load %arg7[%get3A_1689, %get3A_1690] {strides = array<i32>} : memref<32x128xf32, #tpu.memory_space<vmem>>, vector<1x16xf32>,
      %get3A_1692 = vector.shape_cast %get3A_1691 : vector<1x16xf32> to vector<16xf32>
      %get3A_1693 = arith.constant 10 : i32
      %get3A_1694 = arith.index_cast %get3A_1693 : i32 to index
      %get3A_1695 = arith.constant 64 : index
      %get3A_1696 = tpu.vector_load %arg8[%get3A_1694, %get3A_1695] {strides = array<i32>} : memref<32x128xf32, #tpu.memory_space<vmem>>, vector<1x16xf32>,
      %get3A_1697 = vector.shape_cast %get3A_1696 : vector<1x16xf32> to vector<16xf32>
      %mul3A_1698 = arith.mulf %get3A_1692, %get3A_1697 : vector<16xf32>
      %add3A_1699 = arith.addf %add3A_1687, %mul3A_1698 : vector<16xf32>
      %get3A_1700 = arith.constant 11 : i32
      %get3A_1701 = arith.index_cast %get3A_1700 : i32 to index
      %get3A_1702 = arith.constant 64 : index
      %get3A_1703 = tpu.vector_load %arg7[%get3A_1701, %get3A_1702] {strides = array<i32>} : memref<32x128xf32, #tpu.memory_space<vmem>>, vector<1x16xf32>,
      %get3A_1704 = vector.shape_cast %get3A_1703 : vector<1x16xf32> to vector<16xf32>
      %get3A_1705 = arith.constant 11 : i32
      %get3A_1706 = arith.index_cast %get3A_1705 : i32 to index
      %get3A_1707 = arith.constant 64 : index
      %get3A_1708 = tpu.vector_load %arg8[%get3A_1706, %get3A_1707] {strides = array<i32>} : memref<32x128xf32, #tpu.memory_space<vmem>>, vector<1x16xf32>,
      %get3A_1709 = vector.shape_cast %get3A_1708 : vector<1x16xf32> to vector<16xf32>
      %mul3A_1710 = arith.mulf %get3A_1704, %get3A_1709 : vector<16xf32>
      %add3A_1711 = arith.addf %add3A_1699, %mul3A_1710 : vector<16xf32>
      %get3A_1712 = arith.constant 12 : i32
      %get3A_1713 = arith.index_cast %get3A_1712 : i32 to index
      %get3A_1714 = arith.constant 64 : index
      %get3A_1715 = tpu.vector_load %arg7[%get3A_1713, %get3A_1714] {strides = array<i32>} : memref<32x128xf32, #tpu.memory_space<vmem>>, vector<1x16xf32>,
      %get3A_1716 = vector.shape_cast %get3A_1715 : vector<1x16xf32> to vector<16xf32>
      %get3A_1717 = arith.constant 12 : i32
      %get3A_1718 = arith.index_cast %get3A_1717 : i32 to index
      %get3A_1719 = arith.constant 64 : index
      %get3A_1720 = tpu.vector_load %arg8[%get3A_1718, %get3A_1719] {strides = array<i32>} : memref<32x128xf32, #tpu.memory_space<vmem>>, vector<1x16xf32>,
      %get3A_1721 = vector.shape_cast %get3A_1720 : vector<1x16xf32> to vector<16xf32>
      %mul3A_1722 = arith.mulf %get3A_1716, %get3A_1721 : vector<16xf32>
      %add3A_1723 = arith.addf %add3A_1711, %mul3A_1722 : vector<16xf32>
      %get3A_1724 = arith.constant 13 : i32
      %get3A_1725 = arith.index_cast %get3A_1724 : i32 to index
      %get3A_1726 = arith.constant 64 : index
      %get3A_1727 = tpu.vector_load %arg7[%get3A_1725, %get3A_1726] {strides = array<i32>} : memref<32x128xf32, #tpu.memory_space<vmem>>, vector<1x16xf32>,
      %get3A_1728 = vector.shape_cast %get3A_1727 : vector<1x16xf32> to vector<16xf32>
      %get3A_1729 = arith.constant 13 : i32
      %get3A_1730 = arith.index_cast %get3A_1729 : i32 to index
      %get3A_1731 = arith.constant 64 : index
      %get3A_1732 = tpu.vector_load %arg8[%get3A_1730, %get3A_1731] {strides = array<i32>} : memref<32x128xf32, #tpu.memory_space<vmem>>, vector<1x16xf32>,
      %get3A_1733 = vector.shape_cast %get3A_1732 : vector<1x16xf32> to vector<16xf32>
      %mul3A_1734 = arith.mulf %get3A_1728, %get3A_1733 : vector<16xf32>
      %add3A_1735 = arith.addf %add3A_1723, %mul3A_1734 : vector<16xf32>
      %get3A_1736 = arith.constant 14 : i32
      %get3A_1737 = arith.index_cast %get3A_1736 : i32 to index
      %get3A_1738 = arith.constant 64 : index
      %get3A_1739 = tpu.vector_load %arg7[%get3A_1737, %get3A_1738] {strides = array<i32>} : memref<32x128xf32, #tpu.memory_space<vmem>>, vector<1x16xf32>,
      %get3A_1740 = vector.shape_cast %get3A_1739 : vector<1x16xf32> to vector<16xf32>
      %get3A_1741 = arith.constant 14 : i32
      %get3A_1742 = arith.index_cast %get3A_1741 : i32 to index
      %get3A_1743 = arith.constant 64 : index
      %get3A_1744 = tpu.vector_load %arg8[%get3A_1742, %get3A_1743] {strides = array<i32>} : memref<32x128xf32, #tpu.memory_space<vmem>>, vector<1x16xf32>,
      %get3A_1745 = vector.shape_cast %get3A_1744 : vector<1x16xf32> to vector<16xf32>
      %mul3A_1746 = arith.mulf %get3A_1740, %get3A_1745 : vector<16xf32>
      %add3A_1747 = arith.addf %add3A_1735, %mul3A_1746 : vector<16xf32>
      %get3A_1748 = arith.constant 15 : i32
      %get3A_1749 = arith.index_cast %get3A_1748 : i32 to index
      %get3A_1750 = arith.constant 64 : index
      %get3A_1751 = tpu.vector_load %arg7[%get3A_1749, %get3A_1750] {strides = array<i32>} : memref<32x128xf32, #tpu.memory_space<vmem>>, vector<1x16xf32>,
      %get3A_1752 = vector.shape_cast %get3A_1751 : vector<1x16xf32> to vector<16xf32>
      %get3A_1753 = arith.constant 15 : i32
      %get3A_1754 = arith.index_cast %get3A_1753 : i32 to index
      %get3A_1755 = arith.constant 64 : index
      %get3A_1756 = tpu.vector_load %arg8[%get3A_1754, %get3A_1755] {strides = array<i32>} : memref<32x128xf32, #tpu.memory_space<vmem>>, vector<1x16xf32>,
      %get3A_1757 = vector.shape_cast %get3A_1756 : vector<1x16xf32> to vector<16xf32>
      %mul3A_1758 = arith.mulf %get3A_1752, %get3A_1757 : vector<16xf32>
      %add3A_1759 = arith.addf %add3A_1747, %mul3A_1758 : vector<16xf32>
      %get3A_1760 = arith.constant 16 : i32
      %get3A_1761 = arith.index_cast %get3A_1760 : i32 to index
      %get3A_1762 = arith.constant 64 : index
      %get3A_1763 = tpu.vector_load %arg7[%get3A_1761, %get3A_1762] {strides = array<i32>} : memref<32x128xf32, #tpu.memory_space<vmem>>, vector<1x16xf32>,
      %get3A_1764 = vector.shape_cast %get3A_1763 : vector<1x16xf32> to vector<16xf32>
      %get3A_1765 = arith.constant 16 : i32
      %get3A_1766 = arith.index_cast %get3A_1765 : i32 to index
      %get3A_1767 = arith.constant 64 : index
      %get3A_1768 = tpu.vector_load %arg8[%get3A_1766, %get3A_1767] {strides = array<i32>} : memref<32x128xf32, #tpu.memory_space<vmem>>, vector<1x16xf32>,
      %get3A_1769 = vector.shape_cast %get3A_1768 : vector<1x16xf32> to vector<16xf32>
      %mul3A_1770 = arith.mulf %get3A_1764, %get3A_1769 : vector<16xf32>
      %add3A_1771 = arith.addf %add3A_1759, %mul3A_1770 : vector<16xf32>
      %get3A_1772 = arith.constant 17 : i32
      %get3A_1773 = arith.index_cast %get3A_1772 : i32 to index
      %get3A_1774 = arith.constant 64 : index
      %get3A_1775 = tpu.vector_load %arg7[%get3A_1773, %get3A_1774] {strides = array<i32>} : memref<32x128xf32, #tpu.memory_space<vmem>>, vector<1x16xf32>,
      %get3A_1776 = vector.shape_cast %get3A_1775 : vector<1x16xf32> to vector<16xf32>
      %get3A_1777 = arith.constant 17 : i32
      %get3A_1778 = arith.index_cast %get3A_1777 : i32 to index
      %get3A_1779 = arith.constant 64 : index
      %get3A_1780 = tpu.vector_load %arg8[%get3A_1778, %get3A_1779] {strides = array<i32>} : memref<32x128xf32, #tpu.memory_space<vmem>>, vector<1x16xf32>,
      %get3A_1781 = vector.shape_cast %get3A_1780 : vector<1x16xf32> to vector<16xf32>
      %mul3A_1782 = arith.mulf %get3A_1776, %get3A_1781 : vector<16xf32>
      %add3A_1783 = arith.addf %add3A_1771, %mul3A_1782 : vector<16xf32>
      %get3A_1784 = arith.constant 18 : i32
      %get3A_1785 = arith.index_cast %get3A_1784 : i32 to index
      %get3A_1786 = arith.constant 64 : index
      %get3A_1787 = tpu.vector_load %arg7[%get3A_1785, %get3A_1786] {strides = array<i32>} : memref<32x128xf32, #tpu.memory_space<vmem>>, vector<1x16xf32>,
      %get3A_1788 = vector.shape_cast %get3A_1787 : vector<1x16xf32> to vector<16xf32>
      %get3A_1789 = arith.constant 18 : i32
      %get3A_1790 = arith.index_cast %get3A_1789 : i32 to index
      %get3A_1791 = arith.constant 64 : index
      %get3A_1792 = tpu.vector_load %arg8[%get3A_1790, %get3A_1791] {strides = array<i32>} : memref<32x128xf32, #tpu.memory_space<vmem>>, vector<1x16xf32>,
      %get3A_1793 = vector.shape_cast %get3A_1792 : vector<1x16xf32> to vector<16xf32>
      %mul3A_1794 = arith.mulf %get3A_1788, %get3A_1793 : vector<16xf32>
      %add3A_1795 = arith.addf %add3A_1783, %mul3A_1794 : vector<16xf32>
      %get3A_1796 = arith.constant 19 : i32
      %get3A_1797 = arith.index_cast %get3A_1796 : i32 to index
      %get3A_1798 = arith.constant 64 : index
      %get3A_1799 = tpu.vector_load %arg7[%get3A_1797, %get3A_1798] {strides = array<i32>} : memref<32x128xf32, #tpu.memory_space<vmem>>, vector<1x16xf32>,
      %get3A_1800 = vector.shape_cast %get3A_1799 : vector<1x16xf32> to vector<16xf32>
      %get3A_1801 = arith.constant 19 : i32
      %get3A_1802 = arith.index_cast %get3A_1801 : i32 to index
      %get3A_1803 = arith.constant 64 : index
      %get3A_1804 = tpu.vector_load %arg8[%get3A_1802, %get3A_1803] {strides = array<i32>} : memref<32x128xf32, #tpu.memory_space<vmem>>, vector<1x16xf32>,
      %get3A_1805 = vector.shape_cast %get3A_1804 : vector<1x16xf32> to vector<16xf32>
      %mul3A_1806 = arith.mulf %get3A_1800, %get3A_1805 : vector<16xf32>
      %add3A_1807 = arith.addf %add3A_1795, %mul3A_1806 : vector<16xf32>
      %get3A_1808 = arith.constant 20 : i32
      %get3A_1809 = arith.index_cast %get3A_1808 : i32 to index
      %get3A_1810 = arith.constant 64 : index
      %get3A_1811 = tpu.vector_load %arg7[%get3A_1809, %get3A_1810] {strides = array<i32>} : memref<32x128xf32, #tpu.memory_space<vmem>>, vector<1x16xf32>,
      %get3A_1812 = vector.shape_cast %get3A_1811 : vector<1x16xf32> to vector<16xf32>
      %get3A_1813 = arith.constant 20 : i32
      %get3A_1814 = arith.index_cast %get3A_1813 : i32 to index
      %get3A_1815 = arith.constant 64 : index
      %get3A_1816 = tpu.vector_load %arg8[%get3A_1814, %get3A_1815] {strides = array<i32>} : memref<32x128xf32, #tpu.memory_space<vmem>>, vector<1x16xf32>,
      %get3A_1817 = vector.shape_cast %get3A_1816 : vector<1x16xf32> to vector<16xf32>
      %mul3A_1818 = arith.mulf %get3A_1812, %get3A_1817 : vector<16xf32>
      %add3A_1819 = arith.addf %add3A_1807, %mul3A_1818 : vector<16xf32>
      %get3A_1820 = arith.constant 21 : i32
      %get3A_1821 = arith.index_cast %get3A_1820 : i32 to index
      %get3A_1822 = arith.constant 64 : index
      %get3A_1823 = tpu.vector_load %arg7[%get3A_1821, %get3A_1822] {strides = array<i32>} : memref<32x128xf32, #tpu.memory_space<vmem>>, vector<1x16xf32>,
      %get3A_1824 = vector.shape_cast %get3A_1823 : vector<1x16xf32> to vector<16xf32>
      %get3A_1825 = arith.constant 21 : i32
      %get3A_1826 = arith.index_cast %get3A_1825 : i32 to index
      %get3A_1827 = arith.constant 64 : index
      %get3A_1828 = tpu.vector_load %arg8[%get3A_1826, %get3A_1827] {strides = array<i32>} : memref<32x128xf32, #tpu.memory_space<vmem>>, vector<1x16xf32>,
      %get3A_1829 = vector.shape_cast %get3A_1828 : vector<1x16xf32> to vector<16xf32>
      %mul3A_1830 = arith.mulf %get3A_1824, %get3A_1829 : vector<16xf32>
      %add3A_1831 = arith.addf %add3A_1819, %mul3A_1830 : vector<16xf32>
      %get3A_1832 = arith.constant 22 : i32
      %get3A_1833 = arith.index_cast %get3A_1832 : i32 to index
      %get3A_1834 = arith.constant 64 : index
      %get3A_1835 = tpu.vector_load %arg7[%get3A_1833, %get3A_1834] {strides = array<i32>} : memref<32x128xf32, #tpu.memory_space<vmem>>, vector<1x16xf32>,
      %get3A_1836 = vector.shape_cast %get3A_1835 : vector<1x16xf32> to vector<16xf32>
      %get3A_1837 = arith.constant 22 : i32
      %get3A_1838 = arith.index_cast %get3A_1837 : i32 to index
      %get3A_1839 = arith.constant 64 : index
      %get3A_1840 = tpu.vector_load %arg8[%get3A_1838, %get3A_1839] {strides = array<i32>} : memref<32x128xf32, #tpu.memory_space<vmem>>, vector<1x16xf32>,
      %get3A_1841 = vector.shape_cast %get3A_1840 : vector<1x16xf32> to vector<16xf32>
      %mul3A_1842 = arith.mulf %get3A_1836, %get3A_1841 : vector<16xf32>
      %add3A_1843 = arith.addf %add3A_1831, %mul3A_1842 : vector<16xf32>
      %get3A_1844 = arith.constant 23 : i32
      %get3A_1845 = arith.index_cast %get3A_1844 : i32 to index
      %get3A_1846 = arith.constant 64 : index
      %get3A_1847 = tpu.vector_load %arg7[%get3A_1845, %get3A_1846] {strides = array<i32>} : memref<32x128xf32, #tpu.memory_space<vmem>>, vector<1x16xf32>,
      %get3A_1848 = vector.shape_cast %get3A_1847 : vector<1x16xf32> to vector<16xf32>
      %get3A_1849 = arith.constant 23 : i32
      %get3A_1850 = arith.index_cast %get3A_1849 : i32 to index
      %get3A_1851 = arith.constant 64 : index
      %get3A_1852 = tpu.vector_load %arg8[%get3A_1850, %get3A_1851] {strides = array<i32>} : memref<32x128xf32, #tpu.memory_space<vmem>>, vector<1x16xf32>,
      %get3A_1853 = vector.shape_cast %get3A_1852 : vector<1x16xf32> to vector<16xf32>
      %mul3A_1854 = arith.mulf %get3A_1848, %get3A_1853 : vector<16xf32>
      %add3A_1855 = arith.addf %add3A_1843, %mul3A_1854 : vector<16xf32>
      %get3A_1856 = arith.constant 24 : i32
      %get3A_1857 = arith.index_cast %get3A_1856 : i32 to index
      %get3A_1858 = arith.constant 64 : index
      %get3A_1859 = tpu.vector_load %arg7[%get3A_1857, %get3A_1858] {strides = array<i32>} : memref<32x128xf32, #tpu.memory_space<vmem>>, vector<1x16xf32>,
      %get3A_1860 = vector.shape_cast %get3A_1859 : vector<1x16xf32> to vector<16xf32>
      %get3A_1861 = arith.constant 24 : i32
      %get3A_1862 = arith.index_cast %get3A_1861 : i32 to index
      %get3A_1863 = arith.constant 64 : index
      %get3A_1864 = tpu.vector_load %arg8[%get3A_1862, %get3A_1863] {strides = array<i32>} : memref<32x128xf32, #tpu.memory_space<vmem>>, vector<1x16xf32>,
      %get3A_1865 = vector.shape_cast %get3A_1864 : vector<1x16xf32> to vector<16xf32>
      %mul3A_1866 = arith.mulf %get3A_1860, %get3A_1865 : vector<16xf32>
      %add3A_1867 = arith.addf %add3A_1855, %mul3A_1866 : vector<16xf32>
      %get3A_1868 = arith.constant 25 : i32
      %get3A_1869 = arith.index_cast %get3A_1868 : i32 to index
      %get3A_1870 = arith.constant 64 : index
      %get3A_1871 = tpu.vector_load %arg7[%get3A_1869, %get3A_1870] {strides = array<i32>} : memref<32x128xf32, #tpu.memory_space<vmem>>, vector<1x16xf32>,
      %get3A_1872 = vector.shape_cast %get3A_1871 : vector<1x16xf32> to vector<16xf32>
      %get3A_1873 = arith.constant 25 : i32
      %get3A_1874 = arith.index_cast %get3A_1873 : i32 to index
      %get3A_1875 = arith.constant 64 : index
      %get3A_1876 = tpu.vector_load %arg8[%get3A_1874, %get3A_1875] {strides = array<i32>} : memref<32x128xf32, #tpu.memory_space<vmem>>, vector<1x16xf32>,
      %get3A_1877 = vector.shape_cast %get3A_1876 : vector<1x16xf32> to vector<16xf32>
      %mul3A_1878 = arith.mulf %get3A_1872, %get3A_1877 : vector<16xf32>
      %add3A_1879 = arith.addf %add3A_1867, %mul3A_1878 : vector<16xf32>
      %get3A_1880 = arith.constant 26 : i32
      %get3A_1881 = arith.index_cast %get3A_1880 : i32 to index
      %get3A_1882 = arith.constant 64 : index
      %get3A_1883 = tpu.vector_load %arg7[%get3A_1881, %get3A_1882] {strides = array<i32>} : memref<32x128xf32, #tpu.memory_space<vmem>>, vector<1x16xf32>,
      %get3A_1884 = vector.shape_cast %get3A_1883 : vector<1x16xf32> to vector<16xf32>
      %get3A_1885 = arith.constant 26 : i32
      %get3A_1886 = arith.index_cast %get3A_1885 : i32 to index
      %get3A_1887 = arith.constant 64 : index
      %get3A_1888 = tpu.vector_load %arg8[%get3A_1886, %get3A_1887] {strides = array<i32>} : memref<32x128xf32, #tpu.memory_space<vmem>>, vector<1x16xf32>,
      %get3A_1889 = vector.shape_cast %get3A_1888 : vector<1x16xf32> to vector<16xf32>
      %mul3A_1890 = arith.mulf %get3A_1884, %get3A_1889 : vector<16xf32>
      %add3A_1891 = arith.addf %add3A_1879, %mul3A_1890 : vector<16xf32>
      %get3A_1892 = arith.constant 27 : i32
      %get3A_1893 = arith.index_cast %get3A_1892 : i32 to index
      %get3A_1894 = arith.constant 64 : index
      %get3A_1895 = tpu.vector_load %arg7[%get3A_1893, %get3A_1894] {strides = array<i32>} : memref<32x128xf32, #tpu.memory_space<vmem>>, vector<1x16xf32>,
      %get3A_1896 = vector.shape_cast %get3A_1895 : vector<1x16xf32> to vector<16xf32>
      %get3A_1897 = arith.constant 27 : i32
      %get3A_1898 = arith.index_cast %get3A_1897 : i32 to index
      %get3A_1899 = arith.constant 64 : index
      %get3A_1900 = tpu.vector_load %arg8[%get3A_1898, %get3A_1899] {strides = array<i32>} : memref<32x128xf32, #tpu.memory_space<vmem>>, vector<1x16xf32>,
      %get3A_1901 = vector.shape_cast %get3A_1900 : vector<1x16xf32> to vector<16xf32>
      %mul3A_1902 = arith.mulf %get3A_1896, %get3A_1901 : vector<16xf32>
      %add3A_1903 = arith.addf %add3A_1891, %mul3A_1902 : vector<16xf32>
      %get3A_1904 = arith.constant 28 : i32
      %get3A_1905 = arith.index_cast %get3A_1904 : i32 to index
      %get3A_1906 = arith.constant 64 : index
      %get3A_1907 = tpu.vector_load %arg7[%get3A_1905, %get3A_1906] {strides = array<i32>} : memref<32x128xf32, #tpu.memory_space<vmem>>, vector<1x16xf32>,
      %get3A_1908 = vector.shape_cast %get3A_1907 : vector<1x16xf32> to vector<16xf32>
      %get3A_1909 = arith.constant 28 : i32
      %get3A_1910 = arith.index_cast %get3A_1909 : i32 to index
      %get3A_1911 = arith.constant 64 : index
      %get3A_1912 = tpu.vector_load %arg8[%get3A_1910, %get3A_1911] {strides = array<i32>} : memref<32x128xf32, #tpu.memory_space<vmem>>, vector<1x16xf32>,
      %get3A_1913 = vector.shape_cast %get3A_1912 : vector<1x16xf32> to vector<16xf32>
      %mul3A_1914 = arith.mulf %get3A_1908, %get3A_1913 : vector<16xf32>
      %add3A_1915 = arith.addf %add3A_1903, %mul3A_1914 : vector<16xf32>
      %get3A_1916 = arith.constant 29 : i32
      %get3A_1917 = arith.index_cast %get3A_1916 : i32 to index
      %get3A_1918 = arith.constant 64 : index
      %get3A_1919 = tpu.vector_load %arg7[%get3A_1917, %get3A_1918] {strides = array<i32>} : memref<32x128xf32, #tpu.memory_space<vmem>>, vector<1x16xf32>,
      %get3A_1920 = vector.shape_cast %get3A_1919 : vector<1x16xf32> to vector<16xf32>
      %get3A_1921 = arith.constant 29 : i32
      %get3A_1922 = arith.index_cast %get3A_1921 : i32 to index
      %get3A_1923 = arith.constant 64 : index
      %get3A_1924 = tpu.vector_load %arg8[%get3A_1922, %get3A_1923] {strides = array<i32>} : memref<32x128xf32, #tpu.memory_space<vmem>>, vector<1x16xf32>,
      %get3A_1925 = vector.shape_cast %get3A_1924 : vector<1x16xf32> to vector<16xf32>
      %mul3A_1926 = arith.mulf %get3A_1920, %get3A_1925 : vector<16xf32>
      %add3A_1927 = arith.addf %add3A_1915, %mul3A_1926 : vector<16xf32>
      %get3A_1928 = arith.constant 30 : i32
      %get3A_1929 = arith.index_cast %get3A_1928 : i32 to index
      %get3A_1930 = arith.constant 64 : index
      %get3A_1931 = tpu.vector_load %arg7[%get3A_1929, %get3A_1930] {strides = array<i32>} : memref<32x128xf32, #tpu.memory_space<vmem>>, vector<1x16xf32>,
      %get3A_1932 = vector.shape_cast %get3A_1931 : vector<1x16xf32> to vector<16xf32>
      %get3A_1933 = arith.constant 30 : i32
      %get3A_1934 = arith.index_cast %get3A_1933 : i32 to index
      %get3A_1935 = arith.constant 64 : index
      %get3A_1936 = tpu.vector_load %arg8[%get3A_1934, %get3A_1935] {strides = array<i32>} : memref<32x128xf32, #tpu.memory_space<vmem>>, vector<1x16xf32>,
      %get3A_1937 = vector.shape_cast %get3A_1936 : vector<1x16xf32> to vector<16xf32>
      %mul3A_1938 = arith.mulf %get3A_1932, %get3A_1937 : vector<16xf32>
      %add3A_1939 = arith.addf %add3A_1927, %mul3A_1938 : vector<16xf32>
      %get3A_1940 = arith.constant 31 : i32
      %get3A_1941 = arith.index_cast %get3A_1940 : i32 to index
      %get3A_1942 = arith.constant 64 : index
      %get3A_1943 = tpu.vector_load %arg7[%get3A_1941, %get3A_1942] {strides = array<i32>} : memref<32x128xf32, #tpu.memory_space<vmem>>, vector<1x16xf32>,
      %get3A_1944 = vector.shape_cast %get3A_1943 : vector<1x16xf32> to vector<16xf32>
      %get3A_1945 = arith.constant 31 : i32
      %get3A_1946 = arith.index_cast %get3A_1945 : i32 to index
      %get3A_1947 = arith.constant 64 : index
      %get3A_1948 = tpu.vector_load %arg8[%get3A_1946, %get3A_1947] {strides = array<i32>} : memref<32x128xf32, #tpu.memory_space<vmem>>, vector<1x16xf32>,
      %get3A_1949 = vector.shape_cast %get3A_1948 : vector<1x16xf32> to vector<16xf32>
      %mul3A_1950 = arith.mulf %get3A_1944, %get3A_1949 : vector<16xf32>
      %add3A_1951 = arith.addf %add3A_1939, %mul3A_1950 : vector<16xf32>
      %swap3A_1952 = arith.index_cast %scan3A_10 : i32 to index
      %swap3A_1953 = arith.constant 64 : index
      %swap3A_1954 = tpu.vector_load %arg9[%swap3A_1952, %swap3A_1953] {strides = array<i32>} : memref<256x128xf32, #tpu.memory_space<vmem>>, vector<1x16xf32>,
      %swap3A_1955 = vector.shape_cast %swap3A_1954 : vector<1x16xf32> to vector<16xf32>
      %swap3A_1956 = vector.shape_cast %add3A_1951 : vector<16xf32> to vector<1x16xf32>
      tpu.vector_store %arg9[%swap3A_1952, %swap3A_1953], %swap3A_1956 {strides = array<i32>} : memref<256x128xf32, #tpu.memory_space<vmem>>, vector<1x16xf32>,
      %get3A_1957 = arith.constant 0 : i32
      %get3A_1958 = arith.index_cast %get3A_1957 : i32 to index
      %get3A_1959 = arith.constant 80 : index
      %get3A_1960 = tpu.vector_load %arg7[%get3A_1958, %get3A_1959] {strides = array<i32>} : memref<32x128xf32, #tpu.memory_space<vmem>>, vector<1x16xf32>,
      %get3A_1961 = vector.shape_cast %get3A_1960 : vector<1x16xf32> to vector<16xf32>
      %get3A_1962 = arith.constant 0 : i32
      %get3A_1963 = arith.index_cast %get3A_1962 : i32 to index
      %get3A_1964 = arith.constant 80 : index
      %get3A_1965 = tpu.vector_load %arg8[%get3A_1963, %get3A_1964] {strides = array<i32>} : memref<32x128xf32, #tpu.memory_space<vmem>>, vector<1x16xf32>,
      %get3A_1966 = vector.shape_cast %get3A_1965 : vector<1x16xf32> to vector<16xf32>
      %mul3A_1967 = arith.mulf %get3A_1961, %get3A_1966 : vector<16xf32>
      %get3A_1968 = arith.constant 1 : i32
      %get3A_1969 = arith.index_cast %get3A_1968 : i32 to index
      %get3A_1970 = arith.constant 80 : index
      %get3A_1971 = tpu.vector_load %arg7[%get3A_1969, %get3A_1970] {strides = array<i32>} : memref<32x128xf32, #tpu.memory_space<vmem>>, vector<1x16xf32>,
      %get3A_1972 = vector.shape_cast %get3A_1971 : vector<1x16xf32> to vector<16xf32>
      %get3A_1973 = arith.constant 1 : i32
      %get3A_1974 = arith.index_cast %get3A_1973 : i32 to index
      %get3A_1975 = arith.constant 80 : index
      %get3A_1976 = tpu.vector_load %arg8[%get3A_1974, %get3A_1975] {strides = array<i32>} : memref<32x128xf32, #tpu.memory_space<vmem>>, vector<1x16xf32>,
      %get3A_1977 = vector.shape_cast %get3A_1976 : vector<1x16xf32> to vector<16xf32>
      %mul3A_1978 = arith.mulf %get3A_1972, %get3A_1977 : vector<16xf32>
      %add3A_1979 = arith.addf %mul3A_1967, %mul3A_1978 : vector<16xf32>
      %get3A_1980 = arith.constant 2 : i32
      %get3A_1981 = arith.index_cast %get3A_1980 : i32 to index
      %get3A_1982 = arith.constant 80 : index
      %get3A_1983 = tpu.vector_load %arg7[%get3A_1981, %get3A_1982] {strides = array<i32>} : memref<32x128xf32, #tpu.memory_space<vmem>>, vector<1x16xf32>,
      %get3A_1984 = vector.shape_cast %get3A_1983 : vector<1x16xf32> to vector<16xf32>
      %get3A_1985 = arith.constant 2 : i32
      %get3A_1986 = arith.index_cast %get3A_1985 : i32 to index
      %get3A_1987 = arith.constant 80 : index
      %get3A_1988 = tpu.vector_load %arg8[%get3A_1986, %get3A_1987] {strides = array<i32>} : memref<32x128xf32, #tpu.memory_space<vmem>>, vector<1x16xf32>,
      %get3A_1989 = vector.shape_cast %get3A_1988 : vector<1x16xf32> to vector<16xf32>
      %mul3A_1990 = arith.mulf %get3A_1984, %get3A_1989 : vector<16xf32>
      %add3A_1991 = arith.addf %add3A_1979, %mul3A_1990 : vector<16xf32>
      %get3A_1992 = arith.constant 3 : i32
      %get3A_1993 = arith.index_cast %get3A_1992 : i32 to index
      %get3A_1994 = arith.constant 80 : index
      %get3A_1995 = tpu.vector_load %arg7[%get3A_1993, %get3A_1994] {strides = array<i32>} : memref<32x128xf32, #tpu.memory_space<vmem>>, vector<1x16xf32>,
      %get3A_1996 = vector.shape_cast %get3A_1995 : vector<1x16xf32> to vector<16xf32>
      %get3A_1997 = arith.constant 3 : i32
      %get3A_1998 = arith.index_cast %get3A_1997 : i32 to index
      %get3A_1999 = arith.constant 80 : index
      %get3A_2000 = tpu.vector_load %arg8[%get3A_1998, %get3A_1999] {strides = array<i32>} : memref<32x128xf32, #tpu.memory_space<vmem>>, vector<1x16xf32>,
      %get3A_2001 = vector.shape_cast %get3A_2000 : vector<1x16xf32> to vector<16xf32>
      %mul3A_2002 = arith.mulf %get3A_1996, %get3A_2001 : vector<16xf32>
      %add3A_2003 = arith.addf %add3A_1991, %mul3A_2002 : vector<16xf32>
      %get3A_2004 = arith.constant 4 : i32
      %get3A_2005 = arith.index_cast %get3A_2004 : i32 to index
      %get3A_2006 = arith.constant 80 : index
      %get3A_2007 = tpu.vector_load %arg7[%get3A_2005, %get3A_2006] {strides = array<i32>} : memref<32x128xf32, #tpu.memory_space<vmem>>, vector<1x16xf32>,
      %get3A_2008 = vector.shape_cast %get3A_2007 : vector<1x16xf32> to vector<16xf32>
      %get3A_2009 = arith.constant 4 : i32
      %get3A_2010 = arith.index_cast %get3A_2009 : i32 to index
      %get3A_2011 = arith.constant 80 : index
      %get3A_2012 = tpu.vector_load %arg8[%get3A_2010, %get3A_2011] {strides = array<i32>} : memref<32x128xf32, #tpu.memory_space<vmem>>, vector<1x16xf32>,
      %get3A_2013 = vector.shape_cast %get3A_2012 : vector<1x16xf32> to vector<16xf32>
      %mul3A_2014 = arith.mulf %get3A_2008, %get3A_2013 : vector<16xf32>
      %add3A_2015 = arith.addf %add3A_2003, %mul3A_2014 : vector<16xf32>
      %get3A_2016 = arith.constant 5 : i32
      %get3A_2017 = arith.index_cast %get3A_2016 : i32 to index
      %get3A_2018 = arith.constant 80 : index
      %get3A_2019 = tpu.vector_load %arg7[%get3A_2017, %get3A_2018] {strides = array<i32>} : memref<32x128xf32, #tpu.memory_space<vmem>>, vector<1x16xf32>,
      %get3A_2020 = vector.shape_cast %get3A_2019 : vector<1x16xf32> to vector<16xf32>
      %get3A_2021 = arith.constant 5 : i32
      %get3A_2022 = arith.index_cast %get3A_2021 : i32 to index
      %get3A_2023 = arith.constant 80 : index
      %get3A_2024 = tpu.vector_load %arg8[%get3A_2022, %get3A_2023] {strides = array<i32>} : memref<32x128xf32, #tpu.memory_space<vmem>>, vector<1x16xf32>,
      %get3A_2025 = vector.shape_cast %get3A_2024 : vector<1x16xf32> to vector<16xf32>
      %mul3A_2026 = arith.mulf %get3A_2020, %get3A_2025 : vector<16xf32>
      %add3A_2027 = arith.addf %add3A_2015, %mul3A_2026 : vector<16xf32>
      %get3A_2028 = arith.constant 6 : i32
      %get3A_2029 = arith.index_cast %get3A_2028 : i32 to index
      %get3A_2030 = arith.constant 80 : index
      %get3A_2031 = tpu.vector_load %arg7[%get3A_2029, %get3A_2030] {strides = array<i32>} : memref<32x128xf32, #tpu.memory_space<vmem>>, vector<1x16xf32>,
      %get3A_2032 = vector.shape_cast %get3A_2031 : vector<1x16xf32> to vector<16xf32>
      %get3A_2033 = arith.constant 6 : i32
      %get3A_2034 = arith.index_cast %get3A_2033 : i32 to index
      %get3A_2035 = arith.constant 80 : index
      %get3A_2036 = tpu.vector_load %arg8[%get3A_2034, %get3A_2035] {strides = array<i32>} : memref<32x128xf32, #tpu.memory_space<vmem>>, vector<1x16xf32>,
      %get3A_2037 = vector.shape_cast %get3A_2036 : vector<1x16xf32> to vector<16xf32>
      %mul3A_2038 = arith.mulf %get3A_2032, %get3A_2037 : vector<16xf32>
      %add3A_2039 = arith.addf %add3A_2027, %mul3A_2038 : vector<16xf32>
      %get3A_2040 = arith.constant 7 : i32
      %get3A_2041 = arith.index_cast %get3A_2040 : i32 to index
      %get3A_2042 = arith.constant 80 : index
      %get3A_2043 = tpu.vector_load %arg7[%get3A_2041, %get3A_2042] {strides = array<i32>} : memref<32x128xf32, #tpu.memory_space<vmem>>, vector<1x16xf32>,
      %get3A_2044 = vector.shape_cast %get3A_2043 : vector<1x16xf32> to vector<16xf32>
      %get3A_2045 = arith.constant 7 : i32
      %get3A_2046 = arith.index_cast %get3A_2045 : i32 to index
      %get3A_2047 = arith.constant 80 : index
      %get3A_2048 = tpu.vector_load %arg8[%get3A_2046, %get3A_2047] {strides = array<i32>} : memref<32x128xf32, #tpu.memory_space<vmem>>, vector<1x16xf32>,
      %get3A_2049 = vector.shape_cast %get3A_2048 : vector<1x16xf32> to vector<16xf32>
      %mul3A_2050 = arith.mulf %get3A_2044, %get3A_2049 : vector<16xf32>
      %add3A_2051 = arith.addf %add3A_2039, %mul3A_2050 : vector<16xf32>
      %get3A_2052 = arith.constant 8 : i32
      %get3A_2053 = arith.index_cast %get3A_2052 : i32 to index
      %get3A_2054 = arith.constant 80 : index
      %get3A_2055 = tpu.vector_load %arg7[%get3A_2053, %get3A_2054] {strides = array<i32>} : memref<32x128xf32, #tpu.memory_space<vmem>>, vector<1x16xf32>,
      %get3A_2056 = vector.shape_cast %get3A_2055 : vector<1x16xf32> to vector<16xf32>
      %get3A_2057 = arith.constant 8 : i32
      %get3A_2058 = arith.index_cast %get3A_2057 : i32 to index
      %get3A_2059 = arith.constant 80 : index
      %get3A_2060 = tpu.vector_load %arg8[%get3A_2058, %get3A_2059] {strides = array<i32>} : memref<32x128xf32, #tpu.memory_space<vmem>>, vector<1x16xf32>,
      %get3A_2061 = vector.shape_cast %get3A_2060 : vector<1x16xf32> to vector<16xf32>
      %mul3A_2062 = arith.mulf %get3A_2056, %get3A_2061 : vector<16xf32>
      %add3A_2063 = arith.addf %add3A_2051, %mul3A_2062 : vector<16xf32>
      %get3A_2064 = arith.constant 9 : i32
      %get3A_2065 = arith.index_cast %get3A_2064 : i32 to index
      %get3A_2066 = arith.constant 80 : index
      %get3A_2067 = tpu.vector_load %arg7[%get3A_2065, %get3A_2066] {strides = array<i32>} : memref<32x128xf32, #tpu.memory_space<vmem>>, vector<1x16xf32>,
      %get3A_2068 = vector.shape_cast %get3A_2067 : vector<1x16xf32> to vector<16xf32>
      %get3A_2069 = arith.constant 9 : i32
      %get3A_2070 = arith.index_cast %get3A_2069 : i32 to index
      %get3A_2071 = arith.constant 80 : index
      %get3A_2072 = tpu.vector_load %arg8[%get3A_2070, %get3A_2071] {strides = array<i32>} : memref<32x128xf32, #tpu.memory_space<vmem>>, vector<1x16xf32>,
      %get3A_2073 = vector.shape_cast %get3A_2072 : vector<1x16xf32> to vector<16xf32>
      %mul3A_2074 = arith.mulf %get3A_2068, %get3A_2073 : vector<16xf32>
      %add3A_2075 = arith.addf %add3A_2063, %mul3A_2074 : vector<16xf32>
      %get3A_2076 = arith.constant 10 : i32
      %get3A_2077 = arith.index_cast %get3A_2076 : i32 to index
      %get3A_2078 = arith.constant 80 : index
      %get3A_2079 = tpu.vector_load %arg7[%get3A_2077, %get3A_2078] {strides = array<i32>} : memref<32x128xf32, #tpu.memory_space<vmem>>, vector<1x16xf32>,
      %get3A_2080 = vector.shape_cast %get3A_2079 : vector<1x16xf32> to vector<16xf32>
      %get3A_2081 = arith.constant 10 : i32
      %get3A_2082 = arith.index_cast %get3A_2081 : i32 to index
      %get3A_2083 = arith.constant 80 : index
      %get3A_2084 = tpu.vector_load %arg8[%get3A_2082, %get3A_2083] {strides = array<i32>} : memref<32x128xf32, #tpu.memory_space<vmem>>, vector<1x16xf32>,
      %get3A_2085 = vector.shape_cast %get3A_2084 : vector<1x16xf32> to vector<16xf32>
      %mul3A_2086 = arith.mulf %get3A_2080, %get3A_2085 : vector<16xf32>
      %add3A_2087 = arith.addf %add3A_2075, %mul3A_2086 : vector<16xf32>
      %get3A_2088 = arith.constant 11 : i32
      %get3A_2089 = arith.index_cast %get3A_2088 : i32 to index
      %get3A_2090 = arith.constant 80 : index
      %get3A_2091 = tpu.vector_load %arg7[%get3A_2089, %get3A_2090] {strides = array<i32>} : memref<32x128xf32, #tpu.memory_space<vmem>>, vector<1x16xf32>,
      %get3A_2092 = vector.shape_cast %get3A_2091 : vector<1x16xf32> to vector<16xf32>
      %get3A_2093 = arith.constant 11 : i32
      %get3A_2094 = arith.index_cast %get3A_2093 : i32 to index
      %get3A_2095 = arith.constant 80 : index
      %get3A_2096 = tpu.vector_load %arg8[%get3A_2094, %get3A_2095] {strides = array<i32>} : memref<32x128xf32, #tpu.memory_space<vmem>>, vector<1x16xf32>,
      %get3A_2097 = vector.shape_cast %get3A_2096 : vector<1x16xf32> to vector<16xf32>
      %mul3A_2098 = arith.mulf %get3A_2092, %get3A_2097 : vector<16xf32>
      %add3A_2099 = arith.addf %add3A_2087, %mul3A_2098 : vector<16xf32>
      %get3A_2100 = arith.constant 12 : i32
      %get3A_2101 = arith.index_cast %get3A_2100 : i32 to index
      %get3A_2102 = arith.constant 80 : index
      %get3A_2103 = tpu.vector_load %arg7[%get3A_2101, %get3A_2102] {strides = array<i32>} : memref<32x128xf32, #tpu.memory_space<vmem>>, vector<1x16xf32>,
      %get3A_2104 = vector.shape_cast %get3A_2103 : vector<1x16xf32> to vector<16xf32>
      %get3A_2105 = arith.constant 12 : i32
      %get3A_2106 = arith.index_cast %get3A_2105 : i32 to index
      %get3A_2107 = arith.constant 80 : index
      %get3A_2108 = tpu.vector_load %arg8[%get3A_2106, %get3A_2107] {strides = array<i32>} : memref<32x128xf32, #tpu.memory_space<vmem>>, vector<1x16xf32>,
      %get3A_2109 = vector.shape_cast %get3A_2108 : vector<1x16xf32> to vector<16xf32>
      %mul3A_2110 = arith.mulf %get3A_2104, %get3A_2109 : vector<16xf32>
      %add3A_2111 = arith.addf %add3A_2099, %mul3A_2110 : vector<16xf32>
      %get3A_2112 = arith.constant 13 : i32
      %get3A_2113 = arith.index_cast %get3A_2112 : i32 to index
      %get3A_2114 = arith.constant 80 : index
      %get3A_2115 = tpu.vector_load %arg7[%get3A_2113, %get3A_2114] {strides = array<i32>} : memref<32x128xf32, #tpu.memory_space<vmem>>, vector<1x16xf32>,
      %get3A_2116 = vector.shape_cast %get3A_2115 : vector<1x16xf32> to vector<16xf32>
      %get3A_2117 = arith.constant 13 : i32
      %get3A_2118 = arith.index_cast %get3A_2117 : i32 to index
      %get3A_2119 = arith.constant 80 : index
      %get3A_2120 = tpu.vector_load %arg8[%get3A_2118, %get3A_2119] {strides = array<i32>} : memref<32x128xf32, #tpu.memory_space<vmem>>, vector<1x16xf32>,
      %get3A_2121 = vector.shape_cast %get3A_2120 : vector<1x16xf32> to vector<16xf32>
      %mul3A_2122 = arith.mulf %get3A_2116, %get3A_2121 : vector<16xf32>
      %add3A_2123 = arith.addf %add3A_2111, %mul3A_2122 : vector<16xf32>
      %get3A_2124 = arith.constant 14 : i32
      %get3A_2125 = arith.index_cast %get3A_2124 : i32 to index
      %get3A_2126 = arith.constant 80 : index
      %get3A_2127 = tpu.vector_load %arg7[%get3A_2125, %get3A_2126] {strides = array<i32>} : memref<32x128xf32, #tpu.memory_space<vmem>>, vector<1x16xf32>,
      %get3A_2128 = vector.shape_cast %get3A_2127 : vector<1x16xf32> to vector<16xf32>
      %get3A_2129 = arith.constant 14 : i32
      %get3A_2130 = arith.index_cast %get3A_2129 : i32 to index
      %get3A_2131 = arith.constant 80 : index
      %get3A_2132 = tpu.vector_load %arg8[%get3A_2130, %get3A_2131] {strides = array<i32>} : memref<32x128xf32, #tpu.memory_space<vmem>>, vector<1x16xf32>,
      %get3A_2133 = vector.shape_cast %get3A_2132 : vector<1x16xf32> to vector<16xf32>
      %mul3A_2134 = arith.mulf %get3A_2128, %get3A_2133 : vector<16xf32>
      %add3A_2135 = arith.addf %add3A_2123, %mul3A_2134 : vector<16xf32>
      %get3A_2136 = arith.constant 15 : i32
      %get3A_2137 = arith.index_cast %get3A_2136 : i32 to index
      %get3A_2138 = arith.constant 80 : index
      %get3A_2139 = tpu.vector_load %arg7[%get3A_2137, %get3A_2138] {strides = array<i32>} : memref<32x128xf32, #tpu.memory_space<vmem>>, vector<1x16xf32>,
      %get3A_2140 = vector.shape_cast %get3A_2139 : vector<1x16xf32> to vector<16xf32>
      %get3A_2141 = arith.constant 15 : i32
      %get3A_2142 = arith.index_cast %get3A_2141 : i32 to index
      %get3A_2143 = arith.constant 80 : index
      %get3A_2144 = tpu.vector_load %arg8[%get3A_2142, %get3A_2143] {strides = array<i32>} : memref<32x128xf32, #tpu.memory_space<vmem>>, vector<1x16xf32>,
      %get3A_2145 = vector.shape_cast %get3A_2144 : vector<1x16xf32> to vector<16xf32>
      %mul3A_2146 = arith.mulf %get3A_2140, %get3A_2145 : vector<16xf32>
      %add3A_2147 = arith.addf %add3A_2135, %mul3A_2146 : vector<16xf32>
      %get3A_2148 = arith.constant 16 : i32
      %get3A_2149 = arith.index_cast %get3A_2148 : i32 to index
      %get3A_2150 = arith.constant 80 : index
      %get3A_2151 = tpu.vector_load %arg7[%get3A_2149, %get3A_2150] {strides = array<i32>} : memref<32x128xf32, #tpu.memory_space<vmem>>, vector<1x16xf32>,
      %get3A_2152 = vector.shape_cast %get3A_2151 : vector<1x16xf32> to vector<16xf32>
      %get3A_2153 = arith.constant 16 : i32
      %get3A_2154 = arith.index_cast %get3A_2153 : i32 to index
      %get3A_2155 = arith.constant 80 : index
      %get3A_2156 = tpu.vector_load %arg8[%get3A_2154, %get3A_2155] {strides = array<i32>} : memref<32x128xf32, #tpu.memory_space<vmem>>, vector<1x16xf32>,
      %get3A_2157 = vector.shape_cast %get3A_2156 : vector<1x16xf32> to vector<16xf32>
      %mul3A_2158 = arith.mulf %get3A_2152, %get3A_2157 : vector<16xf32>
      %add3A_2159 = arith.addf %add3A_2147, %mul3A_2158 : vector<16xf32>
      %get3A_2160 = arith.constant 17 : i32
      %get3A_2161 = arith.index_cast %get3A_2160 : i32 to index
      %get3A_2162 = arith.constant 80 : index
      %get3A_2163 = tpu.vector_load %arg7[%get3A_2161, %get3A_2162] {strides = array<i32>} : memref<32x128xf32, #tpu.memory_space<vmem>>, vector<1x16xf32>,
      %get3A_2164 = vector.shape_cast %get3A_2163 : vector<1x16xf32> to vector<16xf32>
      %get3A_2165 = arith.constant 17 : i32
      %get3A_2166 = arith.index_cast %get3A_2165 : i32 to index
      %get3A_2167 = arith.constant 80 : index
      %get3A_2168 = tpu.vector_load %arg8[%get3A_2166, %get3A_2167] {strides = array<i32>} : memref<32x128xf32, #tpu.memory_space<vmem>>, vector<1x16xf32>,
      %get3A_2169 = vector.shape_cast %get3A_2168 : vector<1x16xf32> to vector<16xf32>
      %mul3A_2170 = arith.mulf %get3A_2164, %get3A_2169 : vector<16xf32>
      %add3A_2171 = arith.addf %add3A_2159, %mul3A_2170 : vector<16xf32>
      %get3A_2172 = arith.constant 18 : i32
      %get3A_2173 = arith.index_cast %get3A_2172 : i32 to index
      %get3A_2174 = arith.constant 80 : index
      %get3A_2175 = tpu.vector_load %arg7[%get3A_2173, %get3A_2174] {strides = array<i32>} : memref<32x128xf32, #tpu.memory_space<vmem>>, vector<1x16xf32>,
      %get3A_2176 = vector.shape_cast %get3A_2175 : vector<1x16xf32> to vector<16xf32>
      %get3A_2177 = arith.constant 18 : i32
      %get3A_2178 = arith.index_cast %get3A_2177 : i32 to index
      %get3A_2179 = arith.constant 80 : index
      %get3A_2180 = tpu.vector_load %arg8[%get3A_2178, %get3A_2179] {strides = array<i32>} : memref<32x128xf32, #tpu.memory_space<vmem>>, vector<1x16xf32>,
      %get3A_2181 = vector.shape_cast %get3A_2180 : vector<1x16xf32> to vector<16xf32>
      %mul3A_2182 = arith.mulf %get3A_2176, %get3A_2181 : vector<16xf32>
      %add3A_2183 = arith.addf %add3A_2171, %mul3A_2182 : vector<16xf32>
      %get3A_2184 = arith.constant 19 : i32
      %get3A_2185 = arith.index_cast %get3A_2184 : i32 to index
      %get3A_2186 = arith.constant 80 : index
      %get3A_2187 = tpu.vector_load %arg7[%get3A_2185, %get3A_2186] {strides = array<i32>} : memref<32x128xf32, #tpu.memory_space<vmem>>, vector<1x16xf32>,
      %get3A_2188 = vector.shape_cast %get3A_2187 : vector<1x16xf32> to vector<16xf32>
      %get3A_2189 = arith.constant 19 : i32
      %get3A_2190 = arith.index_cast %get3A_2189 : i32 to index
      %get3A_2191 = arith.constant 80 : index
      %get3A_2192 = tpu.vector_load %arg8[%get3A_2190, %get3A_2191] {strides = array<i32>} : memref<32x128xf32, #tpu.memory_space<vmem>>, vector<1x16xf32>,
      %get3A_2193 = vector.shape_cast %get3A_2192 : vector<1x16xf32> to vector<16xf32>
      %mul3A_2194 = arith.mulf %get3A_2188, %get3A_2193 : vector<16xf32>
      %add3A_2195 = arith.addf %add3A_2183, %mul3A_2194 : vector<16xf32>
      %get3A_2196 = arith.constant 20 : i32
      %get3A_2197 = arith.index_cast %get3A_2196 : i32 to index
      %get3A_2198 = arith.constant 80 : index
      %get3A_2199 = tpu.vector_load %arg7[%get3A_2197, %get3A_2198] {strides = array<i32>} : memref<32x128xf32, #tpu.memory_space<vmem>>, vector<1x16xf32>,
      %get3A_2200 = vector.shape_cast %get3A_2199 : vector<1x16xf32> to vector<16xf32>
      %get3A_2201 = arith.constant 20 : i32
      %get3A_2202 = arith.index_cast %get3A_2201 : i32 to index
      %get3A_2203 = arith.constant 80 : index
      %get3A_2204 = tpu.vector_load %arg8[%get3A_2202, %get3A_2203] {strides = array<i32>} : memref<32x128xf32, #tpu.memory_space<vmem>>, vector<1x16xf32>,
      %get3A_2205 = vector.shape_cast %get3A_2204 : vector<1x16xf32> to vector<16xf32>
      %mul3A_2206 = arith.mulf %get3A_2200, %get3A_2205 : vector<16xf32>
      %add3A_2207 = arith.addf %add3A_2195, %mul3A_2206 : vector<16xf32>
      %get3A_2208 = arith.constant 21 : i32
      %get3A_2209 = arith.index_cast %get3A_2208 : i32 to index
      %get3A_2210 = arith.constant 80 : index
      %get3A_2211 = tpu.vector_load %arg7[%get3A_2209, %get3A_2210] {strides = array<i32>} : memref<32x128xf32, #tpu.memory_space<vmem>>, vector<1x16xf32>,
      %get3A_2212 = vector.shape_cast %get3A_2211 : vector<1x16xf32> to vector<16xf32>
      %get3A_2213 = arith.constant 21 : i32
      %get3A_2214 = arith.index_cast %get3A_2213 : i32 to index
      %get3A_2215 = arith.constant 80 : index
      %get3A_2216 = tpu.vector_load %arg8[%get3A_2214, %get3A_2215] {strides = array<i32>} : memref<32x128xf32, #tpu.memory_space<vmem>>, vector<1x16xf32>,
      %get3A_2217 = vector.shape_cast %get3A_2216 : vector<1x16xf32> to vector<16xf32>
      %mul3A_2218 = arith.mulf %get3A_2212, %get3A_2217 : vector<16xf32>
      %add3A_2219 = arith.addf %add3A_2207, %mul3A_2218 : vector<16xf32>
      %get3A_2220 = arith.constant 22 : i32
      %get3A_2221 = arith.index_cast %get3A_2220 : i32 to index
      %get3A_2222 = arith.constant 80 : index
      %get3A_2223 = tpu.vector_load %arg7[%get3A_2221, %get3A_2222] {strides = array<i32>} : memref<32x128xf32, #tpu.memory_space<vmem>>, vector<1x16xf32>,
      %get3A_2224 = vector.shape_cast %get3A_2223 : vector<1x16xf32> to vector<16xf32>
      %get3A_2225 = arith.constant 22 : i32
      %get3A_2226 = arith.index_cast %get3A_2225 : i32 to index
      %get3A_2227 = arith.constant 80 : index
      %get3A_2228 = tpu.vector_load %arg8[%get3A_2226, %get3A_2227] {strides = array<i32>} : memref<32x128xf32, #tpu.memory_space<vmem>>, vector<1x16xf32>,
      %get3A_2229 = vector.shape_cast %get3A_2228 : vector<1x16xf32> to vector<16xf32>
      %mul3A_2230 = arith.mulf %get3A_2224, %get3A_2229 : vector<16xf32>
      %add3A_2231 = arith.addf %add3A_2219, %mul3A_2230 : vector<16xf32>
      %get3A_2232 = arith.constant 23 : i32
      %get3A_2233 = arith.index_cast %get3A_2232 : i32 to index
      %get3A_2234 = arith.constant 80 : index
      %get3A_2235 = tpu.vector_load %arg7[%get3A_2233, %get3A_2234] {strides = array<i32>} : memref<32x128xf32, #tpu.memory_space<vmem>>, vector<1x16xf32>,
      %get3A_2236 = vector.shape_cast %get3A_2235 : vector<1x16xf32> to vector<16xf32>
      %get3A_2237 = arith.constant 23 : i32
      %get3A_2238 = arith.index_cast %get3A_2237 : i32 to index
      %get3A_2239 = arith.constant 80 : index
      %get3A_2240 = tpu.vector_load %arg8[%get3A_2238, %get3A_2239] {strides = array<i32>} : memref<32x128xf32, #tpu.memory_space<vmem>>, vector<1x16xf32>,
      %get3A_2241 = vector.shape_cast %get3A_2240 : vector<1x16xf32> to vector<16xf32>
      %mul3A_2242 = arith.mulf %get3A_2236, %get3A_2241 : vector<16xf32>
      %add3A_2243 = arith.addf %add3A_2231, %mul3A_2242 : vector<16xf32>
      %get3A_2244 = arith.constant 24 : i32
      %get3A_2245 = arith.index_cast %get3A_2244 : i32 to index
      %get3A_2246 = arith.constant 80 : index
      %get3A_2247 = tpu.vector_load %arg7[%get3A_2245, %get3A_2246] {strides = array<i32>} : memref<32x128xf32, #tpu.memory_space<vmem>>, vector<1x16xf32>,
      %get3A_2248 = vector.shape_cast %get3A_2247 : vector<1x16xf32> to vector<16xf32>
      %get3A_2249 = arith.constant 24 : i32
      %get3A_2250 = arith.index_cast %get3A_2249 : i32 to index
      %get3A_2251 = arith.constant 80 : index
      %get3A_2252 = tpu.vector_load %arg8[%get3A_2250, %get3A_2251] {strides = array<i32>} : memref<32x128xf32, #tpu.memory_space<vmem>>, vector<1x16xf32>,
      %get3A_2253 = vector.shape_cast %get3A_2252 : vector<1x16xf32> to vector<16xf32>
      %mul3A_2254 = arith.mulf %get3A_2248, %get3A_2253 : vector<16xf32>
      %add3A_2255 = arith.addf %add3A_2243, %mul3A_2254 : vector<16xf32>
      %get3A_2256 = arith.constant 25 : i32
      %get3A_2257 = arith.index_cast %get3A_2256 : i32 to index
      %get3A_2258 = arith.constant 80 : index
      %get3A_2259 = tpu.vector_load %arg7[%get3A_2257, %get3A_2258] {strides = array<i32>} : memref<32x128xf32, #tpu.memory_space<vmem>>, vector<1x16xf32>,
      %get3A_2260 = vector.shape_cast %get3A_2259 : vector<1x16xf32> to vector<16xf32>
      %get3A_2261 = arith.constant 25 : i32
      %get3A_2262 = arith.index_cast %get3A_2261 : i32 to index
      %get3A_2263 = arith.constant 80 : index
      %get3A_2264 = tpu.vector_load %arg8[%get3A_2262, %get3A_2263] {strides = array<i32>} : memref<32x128xf32, #tpu.memory_space<vmem>>, vector<1x16xf32>,
      %get3A_2265 = vector.shape_cast %get3A_2264 : vector<1x16xf32> to vector<16xf32>
      %mul3A_2266 = arith.mulf %get3A_2260, %get3A_2265 : vector<16xf32>
      %add3A_2267 = arith.addf %add3A_2255, %mul3A_2266 : vector<16xf32>
      %get3A_2268 = arith.constant 26 : i32
      %get3A_2269 = arith.index_cast %get3A_2268 : i32 to index
      %get3A_2270 = arith.constant 80 : index
      %get3A_2271 = tpu.vector_load %arg7[%get3A_2269, %get3A_2270] {strides = array<i32>} : memref<32x128xf32, #tpu.memory_space<vmem>>, vector<1x16xf32>,
      %get3A_2272 = vector.shape_cast %get3A_2271 : vector<1x16xf32> to vector<16xf32>
      %get3A_2273 = arith.constant 26 : i32
      %get3A_2274 = arith.index_cast %get3A_2273 : i32 to index
      %get3A_2275 = arith.constant 80 : index
      %get3A_2276 = tpu.vector_load %arg8[%get3A_2274, %get3A_2275] {strides = array<i32>} : memref<32x128xf32, #tpu.memory_space<vmem>>, vector<1x16xf32>,
      %get3A_2277 = vector.shape_cast %get3A_2276 : vector<1x16xf32> to vector<16xf32>
      %mul3A_2278 = arith.mulf %get3A_2272, %get3A_2277 : vector<16xf32>
      %add3A_2279 = arith.addf %add3A_2267, %mul3A_2278 : vector<16xf32>
      %get3A_2280 = arith.constant 27 : i32
      %get3A_2281 = arith.index_cast %get3A_2280 : i32 to index
      %get3A_2282 = arith.constant 80 : index
      %get3A_2283 = tpu.vector_load %arg7[%get3A_2281, %get3A_2282] {strides = array<i32>} : memref<32x128xf32, #tpu.memory_space<vmem>>, vector<1x16xf32>,
      %get3A_2284 = vector.shape_cast %get3A_2283 : vector<1x16xf32> to vector<16xf32>
      %get3A_2285 = arith.constant 27 : i32
      %get3A_2286 = arith.index_cast %get3A_2285 : i32 to index
      %get3A_2287 = arith.constant 80 : index
      %get3A_2288 = tpu.vector_load %arg8[%get3A_2286, %get3A_2287] {strides = array<i32>} : memref<32x128xf32, #tpu.memory_space<vmem>>, vector<1x16xf32>,
      %get3A_2289 = vector.shape_cast %get3A_2288 : vector<1x16xf32> to vector<16xf32>
      %mul3A_2290 = arith.mulf %get3A_2284, %get3A_2289 : vector<16xf32>
      %add3A_2291 = arith.addf %add3A_2279, %mul3A_2290 : vector<16xf32>
      %get3A_2292 = arith.constant 28 : i32
      %get3A_2293 = arith.index_cast %get3A_2292 : i32 to index
      %get3A_2294 = arith.constant 80 : index
      %get3A_2295 = tpu.vector_load %arg7[%get3A_2293, %get3A_2294] {strides = array<i32>} : memref<32x128xf32, #tpu.memory_space<vmem>>, vector<1x16xf32>,
      %get3A_2296 = vector.shape_cast %get3A_2295 : vector<1x16xf32> to vector<16xf32>
      %get3A_2297 = arith.constant 28 : i32
      %get3A_2298 = arith.index_cast %get3A_2297 : i32 to index
      %get3A_2299 = arith.constant 80 : index
      %get3A_2300 = tpu.vector_load %arg8[%get3A_2298, %get3A_2299] {strides = array<i32>} : memref<32x128xf32, #tpu.memory_space<vmem>>, vector<1x16xf32>,
      %get3A_2301 = vector.shape_cast %get3A_2300 : vector<1x16xf32> to vector<16xf32>
      %mul3A_2302 = arith.mulf %get3A_2296, %get3A_2301 : vector<16xf32>
      %add3A_2303 = arith.addf %add3A_2291, %mul3A_2302 : vector<16xf32>
      %get3A_2304 = arith.constant 29 : i32
      %get3A_2305 = arith.index_cast %get3A_2304 : i32 to index
      %get3A_2306 = arith.constant 80 : index
      %get3A_2307 = tpu.vector_load %arg7[%get3A_2305, %get3A_2306] {strides = array<i32>} : memref<32x128xf32, #tpu.memory_space<vmem>>, vector<1x16xf32>,
      %get3A_2308 = vector.shape_cast %get3A_2307 : vector<1x16xf32> to vector<16xf32>
      %get3A_2309 = arith.constant 29 : i32
      %get3A_2310 = arith.index_cast %get3A_2309 : i32 to index
      %get3A_2311 = arith.constant 80 : index
      %get3A_2312 = tpu.vector_load %arg8[%get3A_2310, %get3A_2311] {strides = array<i32>} : memref<32x128xf32, #tpu.memory_space<vmem>>, vector<1x16xf32>,
      %get3A_2313 = vector.shape_cast %get3A_2312 : vector<1x16xf32> to vector<16xf32>
      %mul3A_2314 = arith.mulf %get3A_2308, %get3A_2313 : vector<16xf32>
      %add3A_2315 = arith.addf %add3A_2303, %mul3A_2314 : vector<16xf32>
      %get3A_2316 = arith.constant 30 : i32
      %get3A_2317 = arith.index_cast %get3A_2316 : i32 to index
      %get3A_2318 = arith.constant 80 : index
      %get3A_2319 = tpu.vector_load %arg7[%get3A_2317, %get3A_2318] {strides = array<i32>} : memref<32x128xf32, #tpu.memory_space<vmem>>, vector<1x16xf32>,
      %get3A_2320 = vector.shape_cast %get3A_2319 : vector<1x16xf32> to vector<16xf32>
      %get3A_2321 = arith.constant 30 : i32
      %get3A_2322 = arith.index_cast %get3A_2321 : i32 to index
      %get3A_2323 = arith.constant 80 : index
      %get3A_2324 = tpu.vector_load %arg8[%get3A_2322, %get3A_2323] {strides = array<i32>} : memref<32x128xf32, #tpu.memory_space<vmem>>, vector<1x16xf32>,
      %get3A_2325 = vector.shape_cast %get3A_2324 : vector<1x16xf32> to vector<16xf32>
      %mul3A_2326 = arith.mulf %get3A_2320, %get3A_2325 : vector<16xf32>
      %add3A_2327 = arith.addf %add3A_2315, %mul3A_2326 : vector<16xf32>
      %get3A_2328 = arith.constant 31 : i32
      %get3A_2329 = arith.index_cast %get3A_2328 : i32 to index
      %get3A_2330 = arith.constant 80 : index
      %get3A_2331 = tpu.vector_load %arg7[%get3A_2329, %get3A_2330] {strides = array<i32>} : memref<32x128xf32, #tpu.memory_space<vmem>>, vector<1x16xf32>,
      %get3A_2332 = vector.shape_cast %get3A_2331 : vector<1x16xf32> to vector<16xf32>
      %get3A_2333 = arith.constant 31 : i32
      %get3A_2334 = arith.index_cast %get3A_2333 : i32 to index
      %get3A_2335 = arith.constant 80 : index
      %get3A_2336 = tpu.vector_load %arg8[%get3A_2334, %get3A_2335] {strides = array<i32>} : memref<32x128xf32, #tpu.memory_space<vmem>>, vector<1x16xf32>,
      %get3A_2337 = vector.shape_cast %get3A_2336 : vector<1x16xf32> to vector<16xf32>
      %mul3A_2338 = arith.mulf %get3A_2332, %get3A_2337 : vector<16xf32>
      %add3A_2339 = arith.addf %add3A_2327, %mul3A_2338 : vector<16xf32>
      %swap3A_2340 = arith.index_cast %scan3A_10 : i32 to index
      %swap3A_2341 = arith.constant 80 : index
      %swap3A_2342 = tpu.vector_load %arg9[%swap3A_2340, %swap3A_2341] {strides = array<i32>} : memref<256x128xf32, #tpu.memory_space<vmem>>, vector<1x16xf32>,
      %swap3A_2343 = vector.shape_cast %swap3A_2342 : vector<1x16xf32> to vector<16xf32>
      %swap3A_2344 = vector.shape_cast %add3A_2339 : vector<16xf32> to vector<1x16xf32>
      tpu.vector_store %arg9[%swap3A_2340, %swap3A_2341], %swap3A_2344 {strides = array<i32>} : memref<256x128xf32, #tpu.memory_space<vmem>>, vector<1x16xf32>,
      %get3A_2345 = arith.constant 0 : i32
      %get3A_2346 = arith.index_cast %get3A_2345 : i32 to index
      %get3A_2347 = arith.constant 96 : index
      %get3A_2348 = tpu.vector_load %arg7[%get3A_2346, %get3A_2347] {strides = array<i32>} : memref<32x128xf32, #tpu.memory_space<vmem>>, vector<1x16xf32>,
      %get3A_2349 = vector.shape_cast %get3A_2348 : vector<1x16xf32> to vector<16xf32>
      %get3A_2350 = arith.constant 0 : i32
      %get3A_2351 = arith.index_cast %get3A_2350 : i32 to index
      %get3A_2352 = arith.constant 96 : index
      %get3A_2353 = tpu.vector_load %arg8[%get3A_2351, %get3A_2352] {strides = array<i32>} : memref<32x128xf32, #tpu.memory_space<vmem>>, vector<1x16xf32>,
      %get3A_2354 = vector.shape_cast %get3A_2353 : vector<1x16xf32> to vector<16xf32>
      %mul3A_2355 = arith.mulf %get3A_2349, %get3A_2354 : vector<16xf32>
      %get3A_2356 = arith.constant 1 : i32
      %get3A_2357 = arith.index_cast %get3A_2356 : i32 to index
      %get3A_2358 = arith.constant 96 : index
      %get3A_2359 = tpu.vector_load %arg7[%get3A_2357, %get3A_2358] {strides = array<i32>} : memref<32x128xf32, #tpu.memory_space<vmem>>, vector<1x16xf32>,
      %get3A_2360 = vector.shape_cast %get3A_2359 : vector<1x16xf32> to vector<16xf32>
      %get3A_2361 = arith.constant 1 : i32
      %get3A_2362 = arith.index_cast %get3A_2361 : i32 to index
      %get3A_2363 = arith.constant 96 : index
      %get3A_2364 = tpu.vector_load %arg8[%get3A_2362, %get3A_2363] {strides = array<i32>} : memref<32x128xf32, #tpu.memory_space<vmem>>, vector<1x16xf32>,
      %get3A_2365 = vector.shape_cast %get3A_2364 : vector<1x16xf32> to vector<16xf32>
      %mul3A_2366 = arith.mulf %get3A_2360, %get3A_2365 : vector<16xf32>
      %add3A_2367 = arith.addf %mul3A_2355, %mul3A_2366 : vector<16xf32>
      %get3A_2368 = arith.constant 2 : i32
      %get3A_2369 = arith.index_cast %get3A_2368 : i32 to index
      %get3A_2370 = arith.constant 96 : index
      %get3A_2371 = tpu.vector_load %arg7[%get3A_2369, %get3A_2370] {strides = array<i32>} : memref<32x128xf32, #tpu.memory_space<vmem>>, vector<1x16xf32>,
      %get3A_2372 = vector.shape_cast %get3A_2371 : vector<1x16xf32> to vector<16xf32>
      %get3A_2373 = arith.constant 2 : i32
      %get3A_2374 = arith.index_cast %get3A_2373 : i32 to index
      %get3A_2375 = arith.constant 96 : index
      %get3A_2376 = tpu.vector_load %arg8[%get3A_2374, %get3A_2375] {strides = array<i32>} : memref<32x128xf32, #tpu.memory_space<vmem>>, vector<1x16xf32>,
      %get3A_2377 = vector.shape_cast %get3A_2376 : vector<1x16xf32> to vector<16xf32>
      %mul3A_2378 = arith.mulf %get3A_2372, %get3A_2377 : vector<16xf32>
      %add3A_2379 = arith.addf %add3A_2367, %mul3A_2378 : vector<16xf32>
      %get3A_2380 = arith.constant 3 : i32
      %get3A_2381 = arith.index_cast %get3A_2380 : i32 to index
      %get3A_2382 = arith.constant 96 : index
      %get3A_2383 = tpu.vector_load %arg7[%get3A_2381, %get3A_2382] {strides = array<i32>} : memref<32x128xf32, #tpu.memory_space<vmem>>, vector<1x16xf32>,
      %get3A_2384 = vector.shape_cast %get3A_2383 : vector<1x16xf32> to vector<16xf32>
      %get3A_2385 = arith.constant 3 : i32
      %get3A_2386 = arith.index_cast %get3A_2385 : i32 to index
      %get3A_2387 = arith.constant 96 : index
      %get3A_2388 = tpu.vector_load %arg8[%get3A_2386, %get3A_2387] {strides = array<i32>} : memref<32x128xf32, #tpu.memory_space<vmem>>, vector<1x16xf32>,
      %get3A_2389 = vector.shape_cast %get3A_2388 : vector<1x16xf32> to vector<16xf32>
      %mul3A_2390 = arith.mulf %get3A_2384, %get3A_2389 : vector<16xf32>
      %add3A_2391 = arith.addf %add3A_2379, %mul3A_2390 : vector<16xf32>
      %get3A_2392 = arith.constant 4 : i32
      %get3A_2393 = arith.index_cast %get3A_2392 : i32 to index
      %get3A_2394 = arith.constant 96 : index
      %get3A_2395 = tpu.vector_load %arg7[%get3A_2393, %get3A_2394] {strides = array<i32>} : memref<32x128xf32, #tpu.memory_space<vmem>>, vector<1x16xf32>,
      %get3A_2396 = vector.shape_cast %get3A_2395 : vector<1x16xf32> to vector<16xf32>
      %get3A_2397 = arith.constant 4 : i32
      %get3A_2398 = arith.index_cast %get3A_2397 : i32 to index
      %get3A_2399 = arith.constant 96 : index
      %get3A_2400 = tpu.vector_load %arg8[%get3A_2398, %get3A_2399] {strides = array<i32>} : memref<32x128xf32, #tpu.memory_space<vmem>>, vector<1x16xf32>,
      %get3A_2401 = vector.shape_cast %get3A_2400 : vector<1x16xf32> to vector<16xf32>
      %mul3A_2402 = arith.mulf %get3A_2396, %get3A_2401 : vector<16xf32>
      %add3A_2403 = arith.addf %add3A_2391, %mul3A_2402 : vector<16xf32>
      %get3A_2404 = arith.constant 5 : i32
      %get3A_2405 = arith.index_cast %get3A_2404 : i32 to index
      %get3A_2406 = arith.constant 96 : index
      %get3A_2407 = tpu.vector_load %arg7[%get3A_2405, %get3A_2406] {strides = array<i32>} : memref<32x128xf32, #tpu.memory_space<vmem>>, vector<1x16xf32>,
      %get3A_2408 = vector.shape_cast %get3A_2407 : vector<1x16xf32> to vector<16xf32>
      %get3A_2409 = arith.constant 5 : i32
      %get3A_2410 = arith.index_cast %get3A_2409 : i32 to index
      %get3A_2411 = arith.constant 96 : index
      %get3A_2412 = tpu.vector_load %arg8[%get3A_2410, %get3A_2411] {strides = array<i32>} : memref<32x128xf32, #tpu.memory_space<vmem>>, vector<1x16xf32>,
      %get3A_2413 = vector.shape_cast %get3A_2412 : vector<1x16xf32> to vector<16xf32>
      %mul3A_2414 = arith.mulf %get3A_2408, %get3A_2413 : vector<16xf32>
      %add3A_2415 = arith.addf %add3A_2403, %mul3A_2414 : vector<16xf32>
      %get3A_2416 = arith.constant 6 : i32
      %get3A_2417 = arith.index_cast %get3A_2416 : i32 to index
      %get3A_2418 = arith.constant 96 : index
      %get3A_2419 = tpu.vector_load %arg7[%get3A_2417, %get3A_2418] {strides = array<i32>} : memref<32x128xf32, #tpu.memory_space<vmem>>, vector<1x16xf32>,
      %get3A_2420 = vector.shape_cast %get3A_2419 : vector<1x16xf32> to vector<16xf32>
      %get3A_2421 = arith.constant 6 : i32
      %get3A_2422 = arith.index_cast %get3A_2421 : i32 to index
      %get3A_2423 = arith.constant 96 : index
      %get3A_2424 = tpu.vector_load %arg8[%get3A_2422, %get3A_2423] {strides = array<i32>} : memref<32x128xf32, #tpu.memory_space<vmem>>, vector<1x16xf32>,
      %get3A_2425 = vector.shape_cast %get3A_2424 : vector<1x16xf32> to vector<16xf32>
      %mul3A_2426 = arith.mulf %get3A_2420, %get3A_2425 : vector<16xf32>
      %add3A_2427 = arith.addf %add3A_2415, %mul3A_2426 : vector<16xf32>
      %get3A_2428 = arith.constant 7 : i32
      %get3A_2429 = arith.index_cast %get3A_2428 : i32 to index
      %get3A_2430 = arith.constant 96 : index
      %get3A_2431 = tpu.vector_load %arg7[%get3A_2429, %get3A_2430] {strides = array<i32>} : memref<32x128xf32, #tpu.memory_space<vmem>>, vector<1x16xf32>,
      %get3A_2432 = vector.shape_cast %get3A_2431 : vector<1x16xf32> to vector<16xf32>
      %get3A_2433 = arith.constant 7 : i32
      %get3A_2434 = arith.index_cast %get3A_2433 : i32 to index
      %get3A_2435 = arith.constant 96 : index
      %get3A_2436 = tpu.vector_load %arg8[%get3A_2434, %get3A_2435] {strides = array<i32>} : memref<32x128xf32, #tpu.memory_space<vmem>>, vector<1x16xf32>,
      %get3A_2437 = vector.shape_cast %get3A_2436 : vector<1x16xf32> to vector<16xf32>
      %mul3A_2438 = arith.mulf %get3A_2432, %get3A_2437 : vector<16xf32>
      %add3A_2439 = arith.addf %add3A_2427, %mul3A_2438 : vector<16xf32>
      %get3A_2440 = arith.constant 8 : i32
      %get3A_2441 = arith.index_cast %get3A_2440 : i32 to index
      %get3A_2442 = arith.constant 96 : index
      %get3A_2443 = tpu.vector_load %arg7[%get3A_2441, %get3A_2442] {strides = array<i32>} : memref<32x128xf32, #tpu.memory_space<vmem>>, vector<1x16xf32>,
      %get3A_2444 = vector.shape_cast %get3A_2443 : vector<1x16xf32> to vector<16xf32>
      %get3A_2445 = arith.constant 8 : i32
      %get3A_2446 = arith.index_cast %get3A_2445 : i32 to index
      %get3A_2447 = arith.constant 96 : index
      %get3A_2448 = tpu.vector_load %arg8[%get3A_2446, %get3A_2447] {strides = array<i32>} : memref<32x128xf32, #tpu.memory_space<vmem>>, vector<1x16xf32>,
      %get3A_2449 = vector.shape_cast %get3A_2448 : vector<1x16xf32> to vector<16xf32>
      %mul3A_2450 = arith.mulf %get3A_2444, %get3A_2449 : vector<16xf32>
      %add3A_2451 = arith.addf %add3A_2439, %mul3A_2450 : vector<16xf32>
      %get3A_2452 = arith.constant 9 : i32
      %get3A_2453 = arith.index_cast %get3A_2452 : i32 to index
      %get3A_2454 = arith.constant 96 : index
      %get3A_2455 = tpu.vector_load %arg7[%get3A_2453, %get3A_2454] {strides = array<i32>} : memref<32x128xf32, #tpu.memory_space<vmem>>, vector<1x16xf32>,
      %get3A_2456 = vector.shape_cast %get3A_2455 : vector<1x16xf32> to vector<16xf32>
      %get3A_2457 = arith.constant 9 : i32
      %get3A_2458 = arith.index_cast %get3A_2457 : i32 to index
      %get3A_2459 = arith.constant 96 : index
      %get3A_2460 = tpu.vector_load %arg8[%get3A_2458, %get3A_2459] {strides = array<i32>} : memref<32x128xf32, #tpu.memory_space<vmem>>, vector<1x16xf32>,
      %get3A_2461 = vector.shape_cast %get3A_2460 : vector<1x16xf32> to vector<16xf32>
      %mul3A_2462 = arith.mulf %get3A_2456, %get3A_2461 : vector<16xf32>
      %add3A_2463 = arith.addf %add3A_2451, %mul3A_2462 : vector<16xf32>
      %get3A_2464 = arith.constant 10 : i32
      %get3A_2465 = arith.index_cast %get3A_2464 : i32 to index
      %get3A_2466 = arith.constant 96 : index
      %get3A_2467 = tpu.vector_load %arg7[%get3A_2465, %get3A_2466] {strides = array<i32>} : memref<32x128xf32, #tpu.memory_space<vmem>>, vector<1x16xf32>,
      %get3A_2468 = vector.shape_cast %get3A_2467 : vector<1x16xf32> to vector<16xf32>
      %get3A_2469 = arith.constant 10 : i32
      %get3A_2470 = arith.index_cast %get3A_2469 : i32 to index
      %get3A_2471 = arith.constant 96 : index
      %get3A_2472 = tpu.vector_load %arg8[%get3A_2470, %get3A_2471] {strides = array<i32>} : memref<32x128xf32, #tpu.memory_space<vmem>>, vector<1x16xf32>,
      %get3A_2473 = vector.shape_cast %get3A_2472 : vector<1x16xf32> to vector<16xf32>
      %mul3A_2474 = arith.mulf %get3A_2468, %get3A_2473 : vector<16xf32>
      %add3A_2475 = arith.addf %add3A_2463, %mul3A_2474 : vector<16xf32>
      %get3A_2476 = arith.constant 11 : i32
      %get3A_2477 = arith.index_cast %get3A_2476 : i32 to index
      %get3A_2478 = arith.constant 96 : index
      %get3A_2479 = tpu.vector_load %arg7[%get3A_2477, %get3A_2478] {strides = array<i32>} : memref<32x128xf32, #tpu.memory_space<vmem>>, vector<1x16xf32>,
      %get3A_2480 = vector.shape_cast %get3A_2479 : vector<1x16xf32> to vector<16xf32>
      %get3A_2481 = arith.constant 11 : i32
      %get3A_2482 = arith.index_cast %get3A_2481 : i32 to index
      %get3A_2483 = arith.constant 96 : index
      %get3A_2484 = tpu.vector_load %arg8[%get3A_2482, %get3A_2483] {strides = array<i32>} : memref<32x128xf32, #tpu.memory_space<vmem>>, vector<1x16xf32>,
      %get3A_2485 = vector.shape_cast %get3A_2484 : vector<1x16xf32> to vector<16xf32>
      %mul3A_2486 = arith.mulf %get3A_2480, %get3A_2485 : vector<16xf32>
      %add3A_2487 = arith.addf %add3A_2475, %mul3A_2486 : vector<16xf32>
      %get3A_2488 = arith.constant 12 : i32
      %get3A_2489 = arith.index_cast %get3A_2488 : i32 to index
      %get3A_2490 = arith.constant 96 : index
      %get3A_2491 = tpu.vector_load %arg7[%get3A_2489, %get3A_2490] {strides = array<i32>} : memref<32x128xf32, #tpu.memory_space<vmem>>, vector<1x16xf32>,
      %get3A_2492 = vector.shape_cast %get3A_2491 : vector<1x16xf32> to vector<16xf32>
      %get3A_2493 = arith.constant 12 : i32
      %get3A_2494 = arith.index_cast %get3A_2493 : i32 to index
      %get3A_2495 = arith.constant 96 : index
      %get3A_2496 = tpu.vector_load %arg8[%get3A_2494, %get3A_2495] {strides = array<i32>} : memref<32x128xf32, #tpu.memory_space<vmem>>, vector<1x16xf32>,
      %get3A_2497 = vector.shape_cast %get3A_2496 : vector<1x16xf32> to vector<16xf32>
      %mul3A_2498 = arith.mulf %get3A_2492, %get3A_2497 : vector<16xf32>
      %add3A_2499 = arith.addf %add3A_2487, %mul3A_2498 : vector<16xf32>
      %get3A_2500 = arith.constant 13 : i32
      %get3A_2501 = arith.index_cast %get3A_2500 : i32 to index
      %get3A_2502 = arith.constant 96 : index
      %get3A_2503 = tpu.vector_load %arg7[%get3A_2501, %get3A_2502] {strides = array<i32>} : memref<32x128xf32, #tpu.memory_space<vmem>>, vector<1x16xf32>,
      %get3A_2504 = vector.shape_cast %get3A_2503 : vector<1x16xf32> to vector<16xf32>
      %get3A_2505 = arith.constant 13 : i32
      %get3A_2506 = arith.index_cast %get3A_2505 : i32 to index
      %get3A_2507 = arith.constant 96 : index
      %get3A_2508 = tpu.vector_load %arg8[%get3A_2506, %get3A_2507] {strides = array<i32>} : memref<32x128xf32, #tpu.memory_space<vmem>>, vector<1x16xf32>,
      %get3A_2509 = vector.shape_cast %get3A_2508 : vector<1x16xf32> to vector<16xf32>
      %mul3A_2510 = arith.mulf %get3A_2504, %get3A_2509 : vector<16xf32>
      %add3A_2511 = arith.addf %add3A_2499, %mul3A_2510 : vector<16xf32>
      %get3A_2512 = arith.constant 14 : i32
      %get3A_2513 = arith.index_cast %get3A_2512 : i32 to index
      %get3A_2514 = arith.constant 96 : index
      %get3A_2515 = tpu.vector_load %arg7[%get3A_2513, %get3A_2514] {strides = array<i32>} : memref<32x128xf32, #tpu.memory_space<vmem>>, vector<1x16xf32>,
      %get3A_2516 = vector.shape_cast %get3A_2515 : vector<1x16xf32> to vector<16xf32>
      %get3A_2517 = arith.constant 14 : i32
      %get3A_2518 = arith.index_cast %get3A_2517 : i32 to index
      %get3A_2519 = arith.constant 96 : index
      %get3A_2520 = tpu.vector_load %arg8[%get3A_2518, %get3A_2519] {strides = array<i32>} : memref<32x128xf32, #tpu.memory_space<vmem>>, vector<1x16xf32>,
      %get3A_2521 = vector.shape_cast %get3A_2520 : vector<1x16xf32> to vector<16xf32>
      %mul3A_2522 = arith.mulf %get3A_2516, %get3A_2521 : vector<16xf32>
      %add3A_2523 = arith.addf %add3A_2511, %mul3A_2522 : vector<16xf32>
      %get3A_2524 = arith.constant 15 : i32
      %get3A_2525 = arith.index_cast %get3A_2524 : i32 to index
      %get3A_2526 = arith.constant 96 : index
      %get3A_2527 = tpu.vector_load %arg7[%get3A_2525, %get3A_2526] {strides = array<i32>} : memref<32x128xf32, #tpu.memory_space<vmem>>, vector<1x16xf32>,
      %get3A_2528 = vector.shape_cast %get3A_2527 : vector<1x16xf32> to vector<16xf32>
      %get3A_2529 = arith.constant 15 : i32
      %get3A_2530 = arith.index_cast %get3A_2529 : i32 to index
      %get3A_2531 = arith.constant 96 : index
      %get3A_2532 = tpu.vector_load %arg8[%get3A_2530, %get3A_2531] {strides = array<i32>} : memref<32x128xf32, #tpu.memory_space<vmem>>, vector<1x16xf32>,
      %get3A_2533 = vector.shape_cast %get3A_2532 : vector<1x16xf32> to vector<16xf32>
      %mul3A_2534 = arith.mulf %get3A_2528, %get3A_2533 : vector<16xf32>
      %add3A_2535 = arith.addf %add3A_2523, %mul3A_2534 : vector<16xf32>
      %get3A_2536 = arith.constant 16 : i32
      %get3A_2537 = arith.index_cast %get3A_2536 : i32 to index
      %get3A_2538 = arith.constant 96 : index
      %get3A_2539 = tpu.vector_load %arg7[%get3A_2537, %get3A_2538] {strides = array<i32>} : memref<32x128xf32, #tpu.memory_space<vmem>>, vector<1x16xf32>,
      %get3A_2540 = vector.shape_cast %get3A_2539 : vector<1x16xf32> to vector<16xf32>
      %get3A_2541 = arith.constant 16 : i32
      %get3A_2542 = arith.index_cast %get3A_2541 : i32 to index
      %get3A_2543 = arith.constant 96 : index
      %get3A_2544 = tpu.vector_load %arg8[%get3A_2542, %get3A_2543] {strides = array<i32>} : memref<32x128xf32, #tpu.memory_space<vmem>>, vector<1x16xf32>,
      %get3A_2545 = vector.shape_cast %get3A_2544 : vector<1x16xf32> to vector<16xf32>
      %mul3A_2546 = arith.mulf %get3A_2540, %get3A_2545 : vector<16xf32>
      %add3A_2547 = arith.addf %add3A_2535, %mul3A_2546 : vector<16xf32>
      %get3A_2548 = arith.constant 17 : i32
      %get3A_2549 = arith.index_cast %get3A_2548 : i32 to index
      %get3A_2550 = arith.constant 96 : index
      %get3A_2551 = tpu.vector_load %arg7[%get3A_2549, %get3A_2550] {strides = array<i32>} : memref<32x128xf32, #tpu.memory_space<vmem>>, vector<1x16xf32>,
      %get3A_2552 = vector.shape_cast %get3A_2551 : vector<1x16xf32> to vector<16xf32>
      %get3A_2553 = arith.constant 17 : i32
      %get3A_2554 = arith.index_cast %get3A_2553 : i32 to index
      %get3A_2555 = arith.constant 96 : index
      %get3A_2556 = tpu.vector_load %arg8[%get3A_2554, %get3A_2555] {strides = array<i32>} : memref<32x128xf32, #tpu.memory_space<vmem>>, vector<1x16xf32>,
      %get3A_2557 = vector.shape_cast %get3A_2556 : vector<1x16xf32> to vector<16xf32>
      %mul3A_2558 = arith.mulf %get3A_2552, %get3A_2557 : vector<16xf32>
      %add3A_2559 = arith.addf %add3A_2547, %mul3A_2558 : vector<16xf32>
      %get3A_2560 = arith.constant 18 : i32
      %get3A_2561 = arith.index_cast %get3A_2560 : i32 to index
      %get3A_2562 = arith.constant 96 : index
      %get3A_2563 = tpu.vector_load %arg7[%get3A_2561, %get3A_2562] {strides = array<i32>} : memref<32x128xf32, #tpu.memory_space<vmem>>, vector<1x16xf32>,
      %get3A_2564 = vector.shape_cast %get3A_2563 : vector<1x16xf32> to vector<16xf32>
      %get3A_2565 = arith.constant 18 : i32
      %get3A_2566 = arith.index_cast %get3A_2565 : i32 to index
      %get3A_2567 = arith.constant 96 : index
      %get3A_2568 = tpu.vector_load %arg8[%get3A_2566, %get3A_2567] {strides = array<i32>} : memref<32x128xf32, #tpu.memory_space<vmem>>, vector<1x16xf32>,
      %get3A_2569 = vector.shape_cast %get3A_2568 : vector<1x16xf32> to vector<16xf32>
      %mul3A_2570 = arith.mulf %get3A_2564, %get3A_2569 : vector<16xf32>
      %add3A_2571 = arith.addf %add3A_2559, %mul3A_2570 : vector<16xf32>
      %get3A_2572 = arith.constant 19 : i32
      %get3A_2573 = arith.index_cast %get3A_2572 : i32 to index
      %get3A_2574 = arith.constant 96 : index
      %get3A_2575 = tpu.vector_load %arg7[%get3A_2573, %get3A_2574] {strides = array<i32>} : memref<32x128xf32, #tpu.memory_space<vmem>>, vector<1x16xf32>,
      %get3A_2576 = vector.shape_cast %get3A_2575 : vector<1x16xf32> to vector<16xf32>
      %get3A_2577 = arith.constant 19 : i32
      %get3A_2578 = arith.index_cast %get3A_2577 : i32 to index
      %get3A_2579 = arith.constant 96 : index
      %get3A_2580 = tpu.vector_load %arg8[%get3A_2578, %get3A_2579] {strides = array<i32>} : memref<32x128xf32, #tpu.memory_space<vmem>>, vector<1x16xf32>,
      %get3A_2581 = vector.shape_cast %get3A_2580 : vector<1x16xf32> to vector<16xf32>
      %mul3A_2582 = arith.mulf %get3A_2576, %get3A_2581 : vector<16xf32>
      %add3A_2583 = arith.addf %add3A_2571, %mul3A_2582 : vector<16xf32>
      %get3A_2584 = arith.constant 20 : i32
      %get3A_2585 = arith.index_cast %get3A_2584 : i32 to index
      %get3A_2586 = arith.constant 96 : index
      %get3A_2587 = tpu.vector_load %arg7[%get3A_2585, %get3A_2586] {strides = array<i32>} : memref<32x128xf32, #tpu.memory_space<vmem>>, vector<1x16xf32>,
      %get3A_2588 = vector.shape_cast %get3A_2587 : vector<1x16xf32> to vector<16xf32>
      %get3A_2589 = arith.constant 20 : i32
      %get3A_2590 = arith.index_cast %get3A_2589 : i32 to index
      %get3A_2591 = arith.constant 96 : index
      %get3A_2592 = tpu.vector_load %arg8[%get3A_2590, %get3A_2591] {strides = array<i32>} : memref<32x128xf32, #tpu.memory_space<vmem>>, vector<1x16xf32>,
      %get3A_2593 = vector.shape_cast %get3A_2592 : vector<1x16xf32> to vector<16xf32>
      %mul3A_2594 = arith.mulf %get3A_2588, %get3A_2593 : vector<16xf32>
      %add3A_2595 = arith.addf %add3A_2583, %mul3A_2594 : vector<16xf32>
      %get3A_2596 = arith.constant 21 : i32
      %get3A_2597 = arith.index_cast %get3A_2596 : i32 to index
      %get3A_2598 = arith.constant 96 : index
      %get3A_2599 = tpu.vector_load %arg7[%get3A_2597, %get3A_2598] {strides = array<i32>} : memref<32x128xf32, #tpu.memory_space<vmem>>, vector<1x16xf32>,
      %get3A_2600 = vector.shape_cast %get3A_2599 : vector<1x16xf32> to vector<16xf32>
      %get3A_2601 = arith.constant 21 : i32
      %get3A_2602 = arith.index_cast %get3A_2601 : i32 to index
      %get3A_2603 = arith.constant 96 : index
      %get3A_2604 = tpu.vector_load %arg8[%get3A_2602, %get3A_2603] {strides = array<i32>} : memref<32x128xf32, #tpu.memory_space<vmem>>, vector<1x16xf32>,
      %get3A_2605 = vector.shape_cast %get3A_2604 : vector<1x16xf32> to vector<16xf32>
      %mul3A_2606 = arith.mulf %get3A_2600, %get3A_2605 : vector<16xf32>
      %add3A_2607 = arith.addf %add3A_2595, %mul3A_2606 : vector<16xf32>
      %get3A_2608 = arith.constant 22 : i32
      %get3A_2609 = arith.index_cast %get3A_2608 : i32 to index
      %get3A_2610 = arith.constant 96 : index
      %get3A_2611 = tpu.vector_load %arg7[%get3A_2609, %get3A_2610] {strides = array<i32>} : memref<32x128xf32, #tpu.memory_space<vmem>>, vector<1x16xf32>,
      %get3A_2612 = vector.shape_cast %get3A_2611 : vector<1x16xf32> to vector<16xf32>
      %get3A_2613 = arith.constant 22 : i32
      %get3A_2614 = arith.index_cast %get3A_2613 : i32 to index
      %get3A_2615 = arith.constant 96 : index
      %get3A_2616 = tpu.vector_load %arg8[%get3A_2614, %get3A_2615] {strides = array<i32>} : memref<32x128xf32, #tpu.memory_space<vmem>>, vector<1x16xf32>,
      %get3A_2617 = vector.shape_cast %get3A_2616 : vector<1x16xf32> to vector<16xf32>
      %mul3A_2618 = arith.mulf %get3A_2612, %get3A_2617 : vector<16xf32>
      %add3A_2619 = arith.addf %add3A_2607, %mul3A_2618 : vector<16xf32>
      %get3A_2620 = arith.constant 23 : i32
      %get3A_2621 = arith.index_cast %get3A_2620 : i32 to index
      %get3A_2622 = arith.constant 96 : index
      %get3A_2623 = tpu.vector_load %arg7[%get3A_2621, %get3A_2622] {strides = array<i32>} : memref<32x128xf32, #tpu.memory_space<vmem>>, vector<1x16xf32>,
      %get3A_2624 = vector.shape_cast %get3A_2623 : vector<1x16xf32> to vector<16xf32>
      %get3A_2625 = arith.constant 23 : i32
      %get3A_2626 = arith.index_cast %get3A_2625 : i32 to index
      %get3A_2627 = arith.constant 96 : index
      %get3A_2628 = tpu.vector_load %arg8[%get3A_2626, %get3A_2627] {strides = array<i32>} : memref<32x128xf32, #tpu.memory_space<vmem>>, vector<1x16xf32>,
      %get3A_2629 = vector.shape_cast %get3A_2628 : vector<1x16xf32> to vector<16xf32>
      %mul3A_2630 = arith.mulf %get3A_2624, %get3A_2629 : vector<16xf32>
      %add3A_2631 = arith.addf %add3A_2619, %mul3A_2630 : vector<16xf32>
      %get3A_2632 = arith.constant 24 : i32
      %get3A_2633 = arith.index_cast %get3A_2632 : i32 to index
      %get3A_2634 = arith.constant 96 : index
      %get3A_2635 = tpu.vector_load %arg7[%get3A_2633, %get3A_2634] {strides = array<i32>} : memref<32x128xf32, #tpu.memory_space<vmem>>, vector<1x16xf32>,
      %get3A_2636 = vector.shape_cast %get3A_2635 : vector<1x16xf32> to vector<16xf32>
      %get3A_2637 = arith.constant 24 : i32
      %get3A_2638 = arith.index_cast %get3A_2637 : i32 to index
      %get3A_2639 = arith.constant 96 : index
      %get3A_2640 = tpu.vector_load %arg8[%get3A_2638, %get3A_2639] {strides = array<i32>} : memref<32x128xf32, #tpu.memory_space<vmem>>, vector<1x16xf32>,
      %get3A_2641 = vector.shape_cast %get3A_2640 : vector<1x16xf32> to vector<16xf32>
      %mul3A_2642 = arith.mulf %get3A_2636, %get3A_2641 : vector<16xf32>
      %add3A_2643 = arith.addf %add3A_2631, %mul3A_2642 : vector<16xf32>
      %get3A_2644 = arith.constant 25 : i32
      %get3A_2645 = arith.index_cast %get3A_2644 : i32 to index
      %get3A_2646 = arith.constant 96 : index
      %get3A_2647 = tpu.vector_load %arg7[%get3A_2645, %get3A_2646] {strides = array<i32>} : memref<32x128xf32, #tpu.memory_space<vmem>>, vector<1x16xf32>,
      %get3A_2648 = vector.shape_cast %get3A_2647 : vector<1x16xf32> to vector<16xf32>
      %get3A_2649 = arith.constant 25 : i32
      %get3A_2650 = arith.index_cast %get3A_2649 : i32 to index
      %get3A_2651 = arith.constant 96 : index
      %get3A_2652 = tpu.vector_load %arg8[%get3A_2650, %get3A_2651] {strides = array<i32>} : memref<32x128xf32, #tpu.memory_space<vmem>>, vector<1x16xf32>,
      %get3A_2653 = vector.shape_cast %get3A_2652 : vector<1x16xf32> to vector<16xf32>
      %mul3A_2654 = arith.mulf %get3A_2648, %get3A_2653 : vector<16xf32>
      %add3A_2655 = arith.addf %add3A_2643, %mul3A_2654 : vector<16xf32>
      %get3A_2656 = arith.constant 26 : i32
      %get3A_2657 = arith.index_cast %get3A_2656 : i32 to index
      %get3A_2658 = arith.constant 96 : index
      %get3A_2659 = tpu.vector_load %arg7[%get3A_2657, %get3A_2658] {strides = array<i32>} : memref<32x128xf32, #tpu.memory_space<vmem>>, vector<1x16xf32>,
      %get3A_2660 = vector.shape_cast %get3A_2659 : vector<1x16xf32> to vector<16xf32>
      %get3A_2661 = arith.constant 26 : i32
      %get3A_2662 = arith.index_cast %get3A_2661 : i32 to index
      %get3A_2663 = arith.constant 96 : index
      %get3A_2664 = tpu.vector_load %arg8[%get3A_2662, %get3A_2663] {strides = array<i32>} : memref<32x128xf32, #tpu.memory_space<vmem>>, vector<1x16xf32>,
      %get3A_2665 = vector.shape_cast %get3A_2664 : vector<1x16xf32> to vector<16xf32>
      %mul3A_2666 = arith.mulf %get3A_2660, %get3A_2665 : vector<16xf32>
      %add3A_2667 = arith.addf %add3A_2655, %mul3A_2666 : vector<16xf32>
      %get3A_2668 = arith.constant 27 : i32
      %get3A_2669 = arith.index_cast %get3A_2668 : i32 to index
      %get3A_2670 = arith.constant 96 : index
      %get3A_2671 = tpu.vector_load %arg7[%get3A_2669, %get3A_2670] {strides = array<i32>} : memref<32x128xf32, #tpu.memory_space<vmem>>, vector<1x16xf32>,
      %get3A_2672 = vector.shape_cast %get3A_2671 : vector<1x16xf32> to vector<16xf32>
      %get3A_2673 = arith.constant 27 : i32
      %get3A_2674 = arith.index_cast %get3A_2673 : i32 to index
      %get3A_2675 = arith.constant 96 : index
      %get3A_2676 = tpu.vector_load %arg8[%get3A_2674, %get3A_2675] {strides = array<i32>} : memref<32x128xf32, #tpu.memory_space<vmem>>, vector<1x16xf32>,
      %get3A_2677 = vector.shape_cast %get3A_2676 : vector<1x16xf32> to vector<16xf32>
      %mul3A_2678 = arith.mulf %get3A_2672, %get3A_2677 : vector<16xf32>
      %add3A_2679 = arith.addf %add3A_2667, %mul3A_2678 : vector<16xf32>
      %get3A_2680 = arith.constant 28 : i32
      %get3A_2681 = arith.index_cast %get3A_2680 : i32 to index
      %get3A_2682 = arith.constant 96 : index
      %get3A_2683 = tpu.vector_load %arg7[%get3A_2681, %get3A_2682] {strides = array<i32>} : memref<32x128xf32, #tpu.memory_space<vmem>>, vector<1x16xf32>,
      %get3A_2684 = vector.shape_cast %get3A_2683 : vector<1x16xf32> to vector<16xf32>
      %get3A_2685 = arith.constant 28 : i32
      %get3A_2686 = arith.index_cast %get3A_2685 : i32 to index
      %get3A_2687 = arith.constant 96 : index
      %get3A_2688 = tpu.vector_load %arg8[%get3A_2686, %get3A_2687] {strides = array<i32>} : memref<32x128xf32, #tpu.memory_space<vmem>>, vector<1x16xf32>,
      %get3A_2689 = vector.shape_cast %get3A_2688 : vector<1x16xf32> to vector<16xf32>
      %mul3A_2690 = arith.mulf %get3A_2684, %get3A_2689 : vector<16xf32>
      %add3A_2691 = arith.addf %add3A_2679, %mul3A_2690 : vector<16xf32>
      %get3A_2692 = arith.constant 29 : i32
      %get3A_2693 = arith.index_cast %get3A_2692 : i32 to index
      %get3A_2694 = arith.constant 96 : index
      %get3A_2695 = tpu.vector_load %arg7[%get3A_2693, %get3A_2694] {strides = array<i32>} : memref<32x128xf32, #tpu.memory_space<vmem>>, vector<1x16xf32>,
      %get3A_2696 = vector.shape_cast %get3A_2695 : vector<1x16xf32> to vector<16xf32>
      %get3A_2697 = arith.constant 29 : i32
      %get3A_2698 = arith.index_cast %get3A_2697 : i32 to index
      %get3A_2699 = arith.constant 96 : index
      %get3A_2700 = tpu.vector_load %arg8[%get3A_2698, %get3A_2699] {strides = array<i32>} : memref<32x128xf32, #tpu.memory_space<vmem>>, vector<1x16xf32>,
      %get3A_2701 = vector.shape_cast %get3A_2700 : vector<1x16xf32> to vector<16xf32>
      %mul3A_2702 = arith.mulf %get3A_2696, %get3A_2701 : vector<16xf32>
      %add3A_2703 = arith.addf %add3A_2691, %mul3A_2702 : vector<16xf32>
      %get3A_2704 = arith.constant 30 : i32
      %get3A_2705 = arith.index_cast %get3A_2704 : i32 to index
      %get3A_2706 = arith.constant 96 : index
      %get3A_2707 = tpu.vector_load %arg7[%get3A_2705, %get3A_2706] {strides = array<i32>} : memref<32x128xf32, #tpu.memory_space<vmem>>, vector<1x16xf32>,
      %get3A_2708 = vector.shape_cast %get3A_2707 : vector<1x16xf32> to vector<16xf32>
      %get3A_2709 = arith.constant 30 : i32
      %get3A_2710 = arith.index_cast %get3A_2709 : i32 to index
      %get3A_2711 = arith.constant 96 : index
      %get3A_2712 = tpu.vector_load %arg8[%get3A_2710, %get3A_2711] {strides = array<i32>} : memref<32x128xf32, #tpu.memory_space<vmem>>, vector<1x16xf32>,
      %get3A_2713 = vector.shape_cast %get3A_2712 : vector<1x16xf32> to vector<16xf32>
      %mul3A_2714 = arith.mulf %get3A_2708, %get3A_2713 : vector<16xf32>
      %add3A_2715 = arith.addf %add3A_2703, %mul3A_2714 : vector<16xf32>
      %get3A_2716 = arith.constant 31 : i32
      %get3A_2717 = arith.index_cast %get3A_2716 : i32 to index
      %get3A_2718 = arith.constant 96 : index
      %get3A_2719 = tpu.vector_load %arg7[%get3A_2717, %get3A_2718] {strides = array<i32>} : memref<32x128xf32, #tpu.memory_space<vmem>>, vector<1x16xf32>,
      %get3A_2720 = vector.shape_cast %get3A_2719 : vector<1x16xf32> to vector<16xf32>
      %get3A_2721 = arith.constant 31 : i32
      %get3A_2722 = arith.index_cast %get3A_2721 : i32 to index
      %get3A_2723 = arith.constant 96 : index
      %get3A_2724 = tpu.vector_load %arg8[%get3A_2722, %get3A_2723] {strides = array<i32>} : memref<32x128xf32, #tpu.memory_space<vmem>>, vector<1x16xf32>,
      %get3A_2725 = vector.shape_cast %get3A_2724 : vector<1x16xf32> to vector<16xf32>
      %mul3A_2726 = arith.mulf %get3A_2720, %get3A_2725 : vector<16xf32>
      %add3A_2727 = arith.addf %add3A_2715, %mul3A_2726 : vector<16xf32>
      %swap3A_2728 = arith.index_cast %scan3A_10 : i32 to index
      %swap3A_2729 = arith.constant 96 : index
      %swap3A_2730 = tpu.vector_load %arg9[%swap3A_2728, %swap3A_2729] {strides = array<i32>} : memref<256x128xf32, #tpu.memory_space<vmem>>, vector<1x16xf32>,
      %swap3A_2731 = vector.shape_cast %swap3A_2730 : vector<1x16xf32> to vector<16xf32>
      %swap3A_2732 = vector.shape_cast %add3A_2727 : vector<16xf32> to vector<1x16xf32>
      tpu.vector_store %arg9[%swap3A_2728, %swap3A_2729], %swap3A_2732 {strides = array<i32>} : memref<256x128xf32, #tpu.memory_space<vmem>>, vector<1x16xf32>,
      %get3A_2733 = arith.constant 0 : i32
      %get3A_2734 = arith.index_cast %get3A_2733 : i32 to index
      %get3A_2735 = arith.constant 112 : index
      %get3A_2736 = tpu.vector_load %arg7[%get3A_2734, %get3A_2735] {strides = array<i32>} : memref<32x128xf32, #tpu.memory_space<vmem>>, vector<1x16xf32>,
      %get3A_2737 = vector.shape_cast %get3A_2736 : vector<1x16xf32> to vector<16xf32>
      %get3A_2738 = arith.constant 0 : i32
      %get3A_2739 = arith.index_cast %get3A_2738 : i32 to index
      %get3A_2740 = arith.constant 112 : index
      %get3A_2741 = tpu.vector_load %arg8[%get3A_2739, %get3A_2740] {strides = array<i32>} : memref<32x128xf32, #tpu.memory_space<vmem>>, vector<1x16xf32>,
      %get3A_2742 = vector.shape_cast %get3A_2741 : vector<1x16xf32> to vector<16xf32>
      %mul3A_2743 = arith.mulf %get3A_2737, %get3A_2742 : vector<16xf32>
      %get3A_2744 = arith.constant 1 : i32
      %get3A_2745 = arith.index_cast %get3A_2744 : i32 to index
      %get3A_2746 = arith.constant 112 : index
      %get3A_2747 = tpu.vector_load %arg7[%get3A_2745, %get3A_2746] {strides = array<i32>} : memref<32x128xf32, #tpu.memory_space<vmem>>, vector<1x16xf32>,
      %get3A_2748 = vector.shape_cast %get3A_2747 : vector<1x16xf32> to vector<16xf32>
      %get3A_2749 = arith.constant 1 : i32
      %get3A_2750 = arith.index_cast %get3A_2749 : i32 to index
      %get3A_2751 = arith.constant 112 : index
      %get3A_2752 = tpu.vector_load %arg8[%get3A_2750, %get3A_2751] {strides = array<i32>} : memref<32x128xf32, #tpu.memory_space<vmem>>, vector<1x16xf32>,
      %get3A_2753 = vector.shape_cast %get3A_2752 : vector<1x16xf32> to vector<16xf32>
      %mul3A_2754 = arith.mulf %get3A_2748, %get3A_2753 : vector<16xf32>
      %add3A_2755 = arith.addf %mul3A_2743, %mul3A_2754 : vector<16xf32>
      %get3A_2756 = arith.constant 2 : i32
      %get3A_2757 = arith.index_cast %get3A_2756 : i32 to index
      %get3A_2758 = arith.constant 112 : index
      %get3A_2759 = tpu.vector_load %arg7[%get3A_2757, %get3A_2758] {strides = array<i32>} : memref<32x128xf32, #tpu.memory_space<vmem>>, vector<1x16xf32>,
      %get3A_2760 = vector.shape_cast %get3A_2759 : vector<1x16xf32> to vector<16xf32>
      %get3A_2761 = arith.constant 2 : i32
      %get3A_2762 = arith.index_cast %get3A_2761 : i32 to index
      %get3A_2763 = arith.constant 112 : index
      %get3A_2764 = tpu.vector_load %arg8[%get3A_2762, %get3A_2763] {strides = array<i32>} : memref<32x128xf32, #tpu.memory_space<vmem>>, vector<1x16xf32>,
      %get3A_2765 = vector.shape_cast %get3A_2764 : vector<1x16xf32> to vector<16xf32>
      %mul3A_2766 = arith.mulf %get3A_2760, %get3A_2765 : vector<16xf32>
      %add3A_2767 = arith.addf %add3A_2755, %mul3A_2766 : vector<16xf32>
      %get3A_2768 = arith.constant 3 : i32
      %get3A_2769 = arith.index_cast %get3A_2768 : i32 to index
      %get3A_2770 = arith.constant 112 : index
      %get3A_2771 = tpu.vector_load %arg7[%get3A_2769, %get3A_2770] {strides = array<i32>} : memref<32x128xf32, #tpu.memory_space<vmem>>, vector<1x16xf32>,
      %get3A_2772 = vector.shape_cast %get3A_2771 : vector<1x16xf32> to vector<16xf32>
      %get3A_2773 = arith.constant 3 : i32
      %get3A_2774 = arith.index_cast %get3A_2773 : i32 to index
      %get3A_2775 = arith.constant 112 : index
      %get3A_2776 = tpu.vector_load %arg8[%get3A_2774, %get3A_2775] {strides = array<i32>} : memref<32x128xf32, #tpu.memory_space<vmem>>, vector<1x16xf32>,
      %get3A_2777 = vector.shape_cast %get3A_2776 : vector<1x16xf32> to vector<16xf32>
      %mul3A_2778 = arith.mulf %get3A_2772, %get3A_2777 : vector<16xf32>
      %add3A_2779 = arith.addf %add3A_2767, %mul3A_2778 : vector<16xf32>
      %get3A_2780 = arith.constant 4 : i32
      %get3A_2781 = arith.index_cast %get3A_2780 : i32 to index
      %get3A_2782 = arith.constant 112 : index
      %get3A_2783 = tpu.vector_load %arg7[%get3A_2781, %get3A_2782] {strides = array<i32>} : memref<32x128xf32, #tpu.memory_space<vmem>>, vector<1x16xf32>,
      %get3A_2784 = vector.shape_cast %get3A_2783 : vector<1x16xf32> to vector<16xf32>
      %get3A_2785 = arith.constant 4 : i32
      %get3A_2786 = arith.index_cast %get3A_2785 : i32 to index
      %get3A_2787 = arith.constant 112 : index
      %get3A_2788 = tpu.vector_load %arg8[%get3A_2786, %get3A_2787] {strides = array<i32>} : memref<32x128xf32, #tpu.memory_space<vmem>>, vector<1x16xf32>,
      %get3A_2789 = vector.shape_cast %get3A_2788 : vector<1x16xf32> to vector<16xf32>
      %mul3A_2790 = arith.mulf %get3A_2784, %get3A_2789 : vector<16xf32>
      %add3A_2791 = arith.addf %add3A_2779, %mul3A_2790 : vector<16xf32>
      %get3A_2792 = arith.constant 5 : i32
      %get3A_2793 = arith.index_cast %get3A_2792 : i32 to index
      %get3A_2794 = arith.constant 112 : index
      %get3A_2795 = tpu.vector_load %arg7[%get3A_2793, %get3A_2794] {strides = array<i32>} : memref<32x128xf32, #tpu.memory_space<vmem>>, vector<1x16xf32>,
      %get3A_2796 = vector.shape_cast %get3A_2795 : vector<1x16xf32> to vector<16xf32>
      %get3A_2797 = arith.constant 5 : i32
      %get3A_2798 = arith.index_cast %get3A_2797 : i32 to index
      %get3A_2799 = arith.constant 112 : index
      %get3A_2800 = tpu.vector_load %arg8[%get3A_2798, %get3A_2799] {strides = array<i32>} : memref<32x128xf32, #tpu.memory_space<vmem>>, vector<1x16xf32>,
      %get3A_2801 = vector.shape_cast %get3A_2800 : vector<1x16xf32> to vector<16xf32>
      %mul3A_2802 = arith.mulf %get3A_2796, %get3A_2801 : vector<16xf32>
      %add3A_2803 = arith.addf %add3A_2791, %mul3A_2802 : vector<16xf32>
      %get3A_2804 = arith.constant 6 : i32
      %get3A_2805 = arith.index_cast %get3A_2804 : i32 to index
      %get3A_2806 = arith.constant 112 : index
      %get3A_2807 = tpu.vector_load %arg7[%get3A_2805, %get3A_2806] {strides = array<i32>} : memref<32x128xf32, #tpu.memory_space<vmem>>, vector<1x16xf32>,
      %get3A_2808 = vector.shape_cast %get3A_2807 : vector<1x16xf32> to vector<16xf32>
      %get3A_2809 = arith.constant 6 : i32
      %get3A_2810 = arith.index_cast %get3A_2809 : i32 to index
      %get3A_2811 = arith.constant 112 : index
      %get3A_2812 = tpu.vector_load %arg8[%get3A_2810, %get3A_2811] {strides = array<i32>} : memref<32x128xf32, #tpu.memory_space<vmem>>, vector<1x16xf32>,
      %get3A_2813 = vector.shape_cast %get3A_2812 : vector<1x16xf32> to vector<16xf32>
      %mul3A_2814 = arith.mulf %get3A_2808, %get3A_2813 : vector<16xf32>
      %add3A_2815 = arith.addf %add3A_2803, %mul3A_2814 : vector<16xf32>
      %get3A_2816 = arith.constant 7 : i32
      %get3A_2817 = arith.index_cast %get3A_2816 : i32 to index
      %get3A_2818 = arith.constant 112 : index
      %get3A_2819 = tpu.vector_load %arg7[%get3A_2817, %get3A_2818] {strides = array<i32>} : memref<32x128xf32, #tpu.memory_space<vmem>>, vector<1x16xf32>,
      %get3A_2820 = vector.shape_cast %get3A_2819 : vector<1x16xf32> to vector<16xf32>
      %get3A_2821 = arith.constant 7 : i32
      %get3A_2822 = arith.index_cast %get3A_2821 : i32 to index
      %get3A_2823 = arith.constant 112 : index
      %get3A_2824 = tpu.vector_load %arg8[%get3A_2822, %get3A_2823] {strides = array<i32>} : memref<32x128xf32, #tpu.memory_space<vmem>>, vector<1x16xf32>,
      %get3A_2825 = vector.shape_cast %get3A_2824 : vector<1x16xf32> to vector<16xf32>
      %mul3A_2826 = arith.mulf %get3A_2820, %get3A_2825 : vector<16xf32>
      %add3A_2827 = arith.addf %add3A_2815, %mul3A_2826 : vector<16xf32>
      %get3A_2828 = arith.constant 8 : i32
      %get3A_2829 = arith.index_cast %get3A_2828 : i32 to index
      %get3A_2830 = arith.constant 112 : index
      %get3A_2831 = tpu.vector_load %arg7[%get3A_2829, %get3A_2830] {strides = array<i32>} : memref<32x128xf32, #tpu.memory_space<vmem>>, vector<1x16xf32>,
      %get3A_2832 = vector.shape_cast %get3A_2831 : vector<1x16xf32> to vector<16xf32>
      %get3A_2833 = arith.constant 8 : i32
      %get3A_2834 = arith.index_cast %get3A_2833 : i32 to index
      %get3A_2835 = arith.constant 112 : index
      %get3A_2836 = tpu.vector_load %arg8[%get3A_2834, %get3A_2835] {strides = array<i32>} : memref<32x128xf32, #tpu.memory_space<vmem>>, vector<1x16xf32>,
      %get3A_2837 = vector.shape_cast %get3A_2836 : vector<1x16xf32> to vector<16xf32>
      %mul3A_2838 = arith.mulf %get3A_2832, %get3A_2837 : vector<16xf32>
      %add3A_2839 = arith.addf %add3A_2827, %mul3A_2838 : vector<16xf32>
      %get3A_2840 = arith.constant 9 : i32
      %get3A_2841 = arith.index_cast %get3A_2840 : i32 to index
      %get3A_2842 = arith.constant 112 : index
      %get3A_2843 = tpu.vector_load %arg7[%get3A_2841, %get3A_2842] {strides = array<i32>} : memref<32x128xf32, #tpu.memory_space<vmem>>, vector<1x16xf32>,
      %get3A_2844 = vector.shape_cast %get3A_2843 : vector<1x16xf32> to vector<16xf32>
      %get3A_2845 = arith.constant 9 : i32
      %get3A_2846 = arith.index_cast %get3A_2845 : i32 to index
      %get3A_2847 = arith.constant 112 : index
      %get3A_2848 = tpu.vector_load %arg8[%get3A_2846, %get3A_2847] {strides = array<i32>} : memref<32x128xf32, #tpu.memory_space<vmem>>, vector<1x16xf32>,
      %get3A_2849 = vector.shape_cast %get3A_2848 : vector<1x16xf32> to vector<16xf32>
      %mul3A_2850 = arith.mulf %get3A_2844, %get3A_2849 : vector<16xf32>
      %add3A_2851 = arith.addf %add3A_2839, %mul3A_2850 : vector<16xf32>
      %get3A_2852 = arith.constant 10 : i32
      %get3A_2853 = arith.index_cast %get3A_2852 : i32 to index
      %get3A_2854 = arith.constant 112 : index
      %get3A_2855 = tpu.vector_load %arg7[%get3A_2853, %get3A_2854] {strides = array<i32>} : memref<32x128xf32, #tpu.memory_space<vmem>>, vector<1x16xf32>,
      %get3A_2856 = vector.shape_cast %get3A_2855 : vector<1x16xf32> to vector<16xf32>
      %get3A_2857 = arith.constant 10 : i32
      %get3A_2858 = arith.index_cast %get3A_2857 : i32 to index
      %get3A_2859 = arith.constant 112 : index
      %get3A_2860 = tpu.vector_load %arg8[%get3A_2858, %get3A_2859] {strides = array<i32>} : memref<32x128xf32, #tpu.memory_space<vmem>>, vector<1x16xf32>,
      %get3A_2861 = vector.shape_cast %get3A_2860 : vector<1x16xf32> to vector<16xf32>
      %mul3A_2862 = arith.mulf %get3A_2856, %get3A_2861 : vector<16xf32>
      %add3A_2863 = arith.addf %add3A_2851, %mul3A_2862 : vector<16xf32>
      %get3A_2864 = arith.constant 11 : i32
      %get3A_2865 = arith.index_cast %get3A_2864 : i32 to index
      %get3A_2866 = arith.constant 112 : index
      %get3A_2867 = tpu.vector_load %arg7[%get3A_2865, %get3A_2866] {strides = array<i32>} : memref<32x128xf32, #tpu.memory_space<vmem>>, vector<1x16xf32>,
      %get3A_2868 = vector.shape_cast %get3A_2867 : vector<1x16xf32> to vector<16xf32>
      %get3A_2869 = arith.constant 11 : i32
      %get3A_2870 = arith.index_cast %get3A_2869 : i32 to index
      %get3A_2871 = arith.constant 112 : index
      %get3A_2872 = tpu.vector_load %arg8[%get3A_2870, %get3A_2871] {strides = array<i32>} : memref<32x128xf32, #tpu.memory_space<vmem>>, vector<1x16xf32>,
      %get3A_2873 = vector.shape_cast %get3A_2872 : vector<1x16xf32> to vector<16xf32>
      %mul3A_2874 = arith.mulf %get3A_2868, %get3A_2873 : vector<16xf32>
      %add3A_2875 = arith.addf %add3A_2863, %mul3A_2874 : vector<16xf32>
      %get3A_2876 = arith.constant 12 : i32
      %get3A_2877 = arith.index_cast %get3A_2876 : i32 to index
      %get3A_2878 = arith.constant 112 : index
      %get3A_2879 = tpu.vector_load %arg7[%get3A_2877, %get3A_2878] {strides = array<i32>} : memref<32x128xf32, #tpu.memory_space<vmem>>, vector<1x16xf32>,
      %get3A_2880 = vector.shape_cast %get3A_2879 : vector<1x16xf32> to vector<16xf32>
      %get3A_2881 = arith.constant 12 : i32
      %get3A_2882 = arith.index_cast %get3A_2881 : i32 to index
      %get3A_2883 = arith.constant 112 : index
      %get3A_2884 = tpu.vector_load %arg8[%get3A_2882, %get3A_2883] {strides = array<i32>} : memref<32x128xf32, #tpu.memory_space<vmem>>, vector<1x16xf32>,
      %get3A_2885 = vector.shape_cast %get3A_2884 : vector<1x16xf32> to vector<16xf32>
      %mul3A_2886 = arith.mulf %get3A_2880, %get3A_2885 : vector<16xf32>
      %add3A_2887 = arith.addf %add3A_2875, %mul3A_2886 : vector<16xf32>
      %get3A_2888 = arith.constant 13 : i32
      %get3A_2889 = arith.index_cast %get3A_2888 : i32 to index
      %get3A_2890 = arith.constant 112 : index
      %get3A_2891 = tpu.vector_load %arg7[%get3A_2889, %get3A_2890] {strides = array<i32>} : memref<32x128xf32, #tpu.memory_space<vmem>>, vector<1x16xf32>,
      %get3A_2892 = vector.shape_cast %get3A_2891 : vector<1x16xf32> to vector<16xf32>
      %get3A_2893 = arith.constant 13 : i32
      %get3A_2894 = arith.index_cast %get3A_2893 : i32 to index
      %get3A_2895 = arith.constant 112 : index
      %get3A_2896 = tpu.vector_load %arg8[%get3A_2894, %get3A_2895] {strides = array<i32>} : memref<32x128xf32, #tpu.memory_space<vmem>>, vector<1x16xf32>,
      %get3A_2897 = vector.shape_cast %get3A_2896 : vector<1x16xf32> to vector<16xf32>
      %mul3A_2898 = arith.mulf %get3A_2892, %get3A_2897 : vector<16xf32>
      %add3A_2899 = arith.addf %add3A_2887, %mul3A_2898 : vector<16xf32>
      %get3A_2900 = arith.constant 14 : i32
      %get3A_2901 = arith.index_cast %get3A_2900 : i32 to index
      %get3A_2902 = arith.constant 112 : index
      %get3A_2903 = tpu.vector_load %arg7[%get3A_2901, %get3A_2902] {strides = array<i32>} : memref<32x128xf32, #tpu.memory_space<vmem>>, vector<1x16xf32>,
      %get3A_2904 = vector.shape_cast %get3A_2903 : vector<1x16xf32> to vector<16xf32>
      %get3A_2905 = arith.constant 14 : i32
      %get3A_2906 = arith.index_cast %get3A_2905 : i32 to index
      %get3A_2907 = arith.constant 112 : index
      %get3A_2908 = tpu.vector_load %arg8[%get3A_2906, %get3A_2907] {strides = array<i32>} : memref<32x128xf32, #tpu.memory_space<vmem>>, vector<1x16xf32>,
      %get3A_2909 = vector.shape_cast %get3A_2908 : vector<1x16xf32> to vector<16xf32>
      %mul3A_2910 = arith.mulf %get3A_2904, %get3A_2909 : vector<16xf32>
      %add3A_2911 = arith.addf %add3A_2899, %mul3A_2910 : vector<16xf32>
      %get3A_2912 = arith.constant 15 : i32
      %get3A_2913 = arith.index_cast %get3A_2912 : i32 to index
      %get3A_2914 = arith.constant 112 : index
      %get3A_2915 = tpu.vector_load %arg7[%get3A_2913, %get3A_2914] {strides = array<i32>} : memref<32x128xf32, #tpu.memory_space<vmem>>, vector<1x16xf32>,
      %get3A_2916 = vector.shape_cast %get3A_2915 : vector<1x16xf32> to vector<16xf32>
      %get3A_2917 = arith.constant 15 : i32
      %get3A_2918 = arith.index_cast %get3A_2917 : i32 to index
      %get3A_2919 = arith.constant 112 : index
      %get3A_2920 = tpu.vector_load %arg8[%get3A_2918, %get3A_2919] {strides = array<i32>} : memref<32x128xf32, #tpu.memory_space<vmem>>, vector<1x16xf32>,
      %get3A_2921 = vector.shape_cast %get3A_2920 : vector<1x16xf32> to vector<16xf32>
      %mul3A_2922 = arith.mulf %get3A_2916, %get3A_2921 : vector<16xf32>
      %add3A_2923 = arith.addf %add3A_2911, %mul3A_2922 : vector<16xf32>
      %get3A_2924 = arith.constant 16 : i32
      %get3A_2925 = arith.index_cast %get3A_2924 : i32 to index
      %get3A_2926 = arith.constant 112 : index
      %get3A_2927 = tpu.vector_load %arg7[%get3A_2925, %get3A_2926] {strides = array<i32>} : memref<32x128xf32, #tpu.memory_space<vmem>>, vector<1x16xf32>,
      %get3A_2928 = vector.shape_cast %get3A_2927 : vector<1x16xf32> to vector<16xf32>
      %get3A_2929 = arith.constant 16 : i32
      %get3A_2930 = arith.index_cast %get3A_2929 : i32 to index
      %get3A_2931 = arith.constant 112 : index
      %get3A_2932 = tpu.vector_load %arg8[%get3A_2930, %get3A_2931] {strides = array<i32>} : memref<32x128xf32, #tpu.memory_space<vmem>>, vector<1x16xf32>,
      %get3A_2933 = vector.shape_cast %get3A_2932 : vector<1x16xf32> to vector<16xf32>
      %mul3A_2934 = arith.mulf %get3A_2928, %get3A_2933 : vector<16xf32>
      %add3A_2935 = arith.addf %add3A_2923, %mul3A_2934 : vector<16xf32>
      %get3A_2936 = arith.constant 17 : i32
      %get3A_2937 = arith.index_cast %get3A_2936 : i32 to index
      %get3A_2938 = arith.constant 112 : index
      %get3A_2939 = tpu.vector_load %arg7[%get3A_2937, %get3A_2938] {strides = array<i32>} : memref<32x128xf32, #tpu.memory_space<vmem>>, vector<1x16xf32>,
      %get3A_2940 = vector.shape_cast %get3A_2939 : vector<1x16xf32> to vector<16xf32>
      %get3A_2941 = arith.constant 17 : i32
      %get3A_2942 = arith.index_cast %get3A_2941 : i32 to index
      %get3A_2943 = arith.constant 112 : index
      %get3A_2944 = tpu.vector_load %arg8[%get3A_2942, %get3A_2943] {strides = array<i32>} : memref<32x128xf32, #tpu.memory_space<vmem>>, vector<1x16xf32>,
      %get3A_2945 = vector.shape_cast %get3A_2944 : vector<1x16xf32> to vector<16xf32>
      %mul3A_2946 = arith.mulf %get3A_2940, %get3A_2945 : vector<16xf32>
      %add3A_2947 = arith.addf %add3A_2935, %mul3A_2946 : vector<16xf32>
      %get3A_2948 = arith.constant 18 : i32
      %get3A_2949 = arith.index_cast %get3A_2948 : i32 to index
      %get3A_2950 = arith.constant 112 : index
      %get3A_2951 = tpu.vector_load %arg7[%get3A_2949, %get3A_2950] {strides = array<i32>} : memref<32x128xf32, #tpu.memory_space<vmem>>, vector<1x16xf32>,
      %get3A_2952 = vector.shape_cast %get3A_2951 : vector<1x16xf32> to vector<16xf32>
      %get3A_2953 = arith.constant 18 : i32
      %get3A_2954 = arith.index_cast %get3A_2953 : i32 to index
      %get3A_2955 = arith.constant 112 : index
      %get3A_2956 = tpu.vector_load %arg8[%get3A_2954, %get3A_2955] {strides = array<i32>} : memref<32x128xf32, #tpu.memory_space<vmem>>, vector<1x16xf32>,
      %get3A_2957 = vector.shape_cast %get3A_2956 : vector<1x16xf32> to vector<16xf32>
      %mul3A_2958 = arith.mulf %get3A_2952, %get3A_2957 : vector<16xf32>
      %add3A_2959 = arith.addf %add3A_2947, %mul3A_2958 : vector<16xf32>
      %get3A_2960 = arith.constant 19 : i32
      %get3A_2961 = arith.index_cast %get3A_2960 : i32 to index
      %get3A_2962 = arith.constant 112 : index
      %get3A_2963 = tpu.vector_load %arg7[%get3A_2961, %get3A_2962] {strides = array<i32>} : memref<32x128xf32, #tpu.memory_space<vmem>>, vector<1x16xf32>,
      %get3A_2964 = vector.shape_cast %get3A_2963 : vector<1x16xf32> to vector<16xf32>
      %get3A_2965 = arith.constant 19 : i32
      %get3A_2966 = arith.index_cast %get3A_2965 : i32 to index
      %get3A_2967 = arith.constant 112 : index
      %get3A_2968 = tpu.vector_load %arg8[%get3A_2966, %get3A_2967] {strides = array<i32>} : memref<32x128xf32, #tpu.memory_space<vmem>>, vector<1x16xf32>,
      %get3A_2969 = vector.shape_cast %get3A_2968 : vector<1x16xf32> to vector<16xf32>
      %mul3A_2970 = arith.mulf %get3A_2964, %get3A_2969 : vector<16xf32>
      %add3A_2971 = arith.addf %add3A_2959, %mul3A_2970 : vector<16xf32>
      %get3A_2972 = arith.constant 20 : i32
      %get3A_2973 = arith.index_cast %get3A_2972 : i32 to index
      %get3A_2974 = arith.constant 112 : index
      %get3A_2975 = tpu.vector_load %arg7[%get3A_2973, %get3A_2974] {strides = array<i32>} : memref<32x128xf32, #tpu.memory_space<vmem>>, vector<1x16xf32>,
      %get3A_2976 = vector.shape_cast %get3A_2975 : vector<1x16xf32> to vector<16xf32>
      %get3A_2977 = arith.constant 20 : i32
      %get3A_2978 = arith.index_cast %get3A_2977 : i32 to index
      %get3A_2979 = arith.constant 112 : index
      %get3A_2980 = tpu.vector_load %arg8[%get3A_2978, %get3A_2979] {strides = array<i32>} : memref<32x128xf32, #tpu.memory_space<vmem>>, vector<1x16xf32>,
      %get3A_2981 = vector.shape_cast %get3A_2980 : vector<1x16xf32> to vector<16xf32>
      %mul3A_2982 = arith.mulf %get3A_2976, %get3A_2981 : vector<16xf32>
      %add3A_2983 = arith.addf %add3A_2971, %mul3A_2982 : vector<16xf32>
      %get3A_2984 = arith.constant 21 : i32
      %get3A_2985 = arith.index_cast %get3A_2984 : i32 to index
      %get3A_2986 = arith.constant 112 : index
      %get3A_2987 = tpu.vector_load %arg7[%get3A_2985, %get3A_2986] {strides = array<i32>} : memref<32x128xf32, #tpu.memory_space<vmem>>, vector<1x16xf32>,
      %get3A_2988 = vector.shape_cast %get3A_2987 : vector<1x16xf32> to vector<16xf32>
      %get3A_2989 = arith.constant 21 : i32
      %get3A_2990 = arith.index_cast %get3A_2989 : i32 to index
      %get3A_2991 = arith.constant 112 : index
      %get3A_2992 = tpu.vector_load %arg8[%get3A_2990, %get3A_2991] {strides = array<i32>} : memref<32x128xf32, #tpu.memory_space<vmem>>, vector<1x16xf32>,
      %get3A_2993 = vector.shape_cast %get3A_2992 : vector<1x16xf32> to vector<16xf32>
      %mul3A_2994 = arith.mulf %get3A_2988, %get3A_2993 : vector<16xf32>
      %add3A_2995 = arith.addf %add3A_2983, %mul3A_2994 : vector<16xf32>
      %get3A_2996 = arith.constant 22 : i32
      %get3A_2997 = arith.index_cast %get3A_2996 : i32 to index
      %get3A_2998 = arith.constant 112 : index
      %get3A_2999 = tpu.vector_load %arg7[%get3A_2997, %get3A_2998] {strides = array<i32>} : memref<32x128xf32, #tpu.memory_space<vmem>>, vector<1x16xf32>,
      %get3A_3000 = vector.shape_cast %get3A_2999 : vector<1x16xf32> to vector<16xf32>
      %get3A_3001 = arith.constant 22 : i32
      %get3A_3002 = arith.index_cast %get3A_3001 : i32 to index
      %get3A_3003 = arith.constant 112 : index
      %get3A_3004 = tpu.vector_load %arg8[%get3A_3002, %get3A_3003] {strides = array<i32>} : memref<32x128xf32, #tpu.memory_space<vmem>>, vector<1x16xf32>,
      %get3A_3005 = vector.shape_cast %get3A_3004 : vector<1x16xf32> to vector<16xf32>
      %mul3A_3006 = arith.mulf %get3A_3000, %get3A_3005 : vector<16xf32>
      %add3A_3007 = arith.addf %add3A_2995, %mul3A_3006 : vector<16xf32>
      %get3A_3008 = arith.constant 23 : i32
      %get3A_3009 = arith.index_cast %get3A_3008 : i32 to index
      %get3A_3010 = arith.constant 112 : index
      %get3A_3011 = tpu.vector_load %arg7[%get3A_3009, %get3A_3010] {strides = array<i32>} : memref<32x128xf32, #tpu.memory_space<vmem>>, vector<1x16xf32>,
      %get3A_3012 = vector.shape_cast %get3A_3011 : vector<1x16xf32> to vector<16xf32>
      %get3A_3013 = arith.constant 23 : i32
      %get3A_3014 = arith.index_cast %get3A_3013 : i32 to index
      %get3A_3015 = arith.constant 112 : index
      %get3A_3016 = tpu.vector_load %arg8[%get3A_3014, %get3A_3015] {strides = array<i32>} : memref<32x128xf32, #tpu.memory_space<vmem>>, vector<1x16xf32>,
      %get3A_3017 = vector.shape_cast %get3A_3016 : vector<1x16xf32> to vector<16xf32>
      %mul3A_3018 = arith.mulf %get3A_3012, %get3A_3017 : vector<16xf32>
      %add3A_3019 = arith.addf %add3A_3007, %mul3A_3018 : vector<16xf32>
      %get3A_3020 = arith.constant 24 : i32
      %get3A_3021 = arith.index_cast %get3A_3020 : i32 to index
      %get3A_3022 = arith.constant 112 : index
      %get3A_3023 = tpu.vector_load %arg7[%get3A_3021, %get3A_3022] {strides = array<i32>} : memref<32x128xf32, #tpu.memory_space<vmem>>, vector<1x16xf32>,
      %get3A_3024 = vector.shape_cast %get3A_3023 : vector<1x16xf32> to vector<16xf32>
      %get3A_3025 = arith.constant 24 : i32
      %get3A_3026 = arith.index_cast %get3A_3025 : i32 to index
      %get3A_3027 = arith.constant 112 : index
      %get3A_3028 = tpu.vector_load %arg8[%get3A_3026, %get3A_3027] {strides = array<i32>} : memref<32x128xf32, #tpu.memory_space<vmem>>, vector<1x16xf32>,
      %get3A_3029 = vector.shape_cast %get3A_3028 : vector<1x16xf32> to vector<16xf32>
      %mul3A_3030 = arith.mulf %get3A_3024, %get3A_3029 : vector<16xf32>
      %add3A_3031 = arith.addf %add3A_3019, %mul3A_3030 : vector<16xf32>
      %get3A_3032 = arith.constant 25 : i32
      %get3A_3033 = arith.index_cast %get3A_3032 : i32 to index
      %get3A_3034 = arith.constant 112 : index
      %get3A_3035 = tpu.vector_load %arg7[%get3A_3033, %get3A_3034] {strides = array<i32>} : memref<32x128xf32, #tpu.memory_space<vmem>>, vector<1x16xf32>,
      %get3A_3036 = vector.shape_cast %get3A_3035 : vector<1x16xf32> to vector<16xf32>
      %get3A_3037 = arith.constant 25 : i32
      %get3A_3038 = arith.index_cast %get3A_3037 : i32 to index
      %get3A_3039 = arith.constant 112 : index
      %get3A_3040 = tpu.vector_load %arg8[%get3A_3038, %get3A_3039] {strides = array<i32>} : memref<32x128xf32, #tpu.memory_space<vmem>>, vector<1x16xf32>,
      %get3A_3041 = vector.shape_cast %get3A_3040 : vector<1x16xf32> to vector<16xf32>
      %mul3A_3042 = arith.mulf %get3A_3036, %get3A_3041 : vector<16xf32>
      %add3A_3043 = arith.addf %add3A_3031, %mul3A_3042 : vector<16xf32>
      %get3A_3044 = arith.constant 26 : i32
      %get3A_3045 = arith.index_cast %get3A_3044 : i32 to index
      %get3A_3046 = arith.constant 112 : index
      %get3A_3047 = tpu.vector_load %arg7[%get3A_3045, %get3A_3046] {strides = array<i32>} : memref<32x128xf32, #tpu.memory_space<vmem>>, vector<1x16xf32>,
      %get3A_3048 = vector.shape_cast %get3A_3047 : vector<1x16xf32> to vector<16xf32>
      %get3A_3049 = arith.constant 26 : i32
      %get3A_3050 = arith.index_cast %get3A_3049 : i32 to index
      %get3A_3051 = arith.constant 112 : index
      %get3A_3052 = tpu.vector_load %arg8[%get3A_3050, %get3A_3051] {strides = array<i32>} : memref<32x128xf32, #tpu.memory_space<vmem>>, vector<1x16xf32>,
      %get3A_3053 = vector.shape_cast %get3A_3052 : vector<1x16xf32> to vector<16xf32>
      %mul3A_3054 = arith.mulf %get3A_3048, %get3A_3053 : vector<16xf32>
      %add3A_3055 = arith.addf %add3A_3043, %mul3A_3054 : vector<16xf32>
      %get3A_3056 = arith.constant 27 : i32
      %get3A_3057 = arith.index_cast %get3A_3056 : i32 to index
      %get3A_3058 = arith.constant 112 : index
      %get3A_3059 = tpu.vector_load %arg7[%get3A_3057, %get3A_3058] {strides = array<i32>} : memref<32x128xf32, #tpu.memory_space<vmem>>, vector<1x16xf32>,
      %get3A_3060 = vector.shape_cast %get3A_3059 : vector<1x16xf32> to vector<16xf32>
      %get3A_3061 = arith.constant 27 : i32
      %get3A_3062 = arith.index_cast %get3A_3061 : i32 to index
      %get3A_3063 = arith.constant 112 : index
      %get3A_3064 = tpu.vector_load %arg8[%get3A_3062, %get3A_3063] {strides = array<i32>} : memref<32x128xf32, #tpu.memory_space<vmem>>, vector<1x16xf32>,
      %get3A_3065 = vector.shape_cast %get3A_3064 : vector<1x16xf32> to vector<16xf32>
      %mul3A_3066 = arith.mulf %get3A_3060, %get3A_3065 : vector<16xf32>
      %add3A_3067 = arith.addf %add3A_3055, %mul3A_3066 : vector<16xf32>
      %get3A_3068 = arith.constant 28 : i32
      %get3A_3069 = arith.index_cast %get3A_3068 : i32 to index
      %get3A_3070 = arith.constant 112 : index
      %get3A_3071 = tpu.vector_load %arg7[%get3A_3069, %get3A_3070] {strides = array<i32>} : memref<32x128xf32, #tpu.memory_space<vmem>>, vector<1x16xf32>,
      %get3A_3072 = vector.shape_cast %get3A_3071 : vector<1x16xf32> to vector<16xf32>
      %get3A_3073 = arith.constant 28 : i32
      %get3A_3074 = arith.index_cast %get3A_3073 : i32 to index
      %get3A_3075 = arith.constant 112 : index
      %get3A_3076 = tpu.vector_load %arg8[%get3A_3074, %get3A_3075] {strides = array<i32>} : memref<32x128xf32, #tpu.memory_space<vmem>>, vector<1x16xf32>,
      %get3A_3077 = vector.shape_cast %get3A_3076 : vector<1x16xf32> to vector<16xf32>
      %mul3A_3078 = arith.mulf %get3A_3072, %get3A_3077 : vector<16xf32>
      %add3A_3079 = arith.addf %add3A_3067, %mul3A_3078 : vector<16xf32>
      %get3A_3080 = arith.constant 29 : i32
      %get3A_3081 = arith.index_cast %get3A_3080 : i32 to index
      %get3A_3082 = arith.constant 112 : index
      %get3A_3083 = tpu.vector_load %arg7[%get3A_3081, %get3A_3082] {strides = array<i32>} : memref<32x128xf32, #tpu.memory_space<vmem>>, vector<1x16xf32>,
      %get3A_3084 = vector.shape_cast %get3A_3083 : vector<1x16xf32> to vector<16xf32>
      %get3A_3085 = arith.constant 29 : i32
      %get3A_3086 = arith.index_cast %get3A_3085 : i32 to index
      %get3A_3087 = arith.constant 112 : index
      %get3A_3088 = tpu.vector_load %arg8[%get3A_3086, %get3A_3087] {strides = array<i32>} : memref<32x128xf32, #tpu.memory_space<vmem>>, vector<1x16xf32>,
      %get3A_3089 = vector.shape_cast %get3A_3088 : vector<1x16xf32> to vector<16xf32>
      %mul3A_3090 = arith.mulf %get3A_3084, %get3A_3089 : vector<16xf32>
      %add3A_3091 = arith.addf %add3A_3079, %mul3A_3090 : vector<16xf32>
      %get3A_3092 = arith.constant 30 : i32
      %get3A_3093 = arith.index_cast %get3A_3092 : i32 to index
      %get3A_3094 = arith.constant 112 : index
      %get3A_3095 = tpu.vector_load %arg7[%get3A_3093, %get3A_3094] {strides = array<i32>} : memref<32x128xf32, #tpu.memory_space<vmem>>, vector<1x16xf32>,
      %get3A_3096 = vector.shape_cast %get3A_3095 : vector<1x16xf32> to vector<16xf32>
      %get3A_3097 = arith.constant 30 : i32
      %get3A_3098 = arith.index_cast %get3A_3097 : i32 to index
      %get3A_3099 = arith.constant 112 : index
      %get3A_3100 = tpu.vector_load %arg8[%get3A_3098, %get3A_3099] {strides = array<i32>} : memref<32x128xf32, #tpu.memory_space<vmem>>, vector<1x16xf32>,
      %get3A_3101 = vector.shape_cast %get3A_3100 : vector<1x16xf32> to vector<16xf32>
      %mul3A_3102 = arith.mulf %get3A_3096, %get3A_3101 : vector<16xf32>
      %add3A_3103 = arith.addf %add3A_3091, %mul3A_3102 : vector<16xf32>
      %get3A_3104 = arith.constant 31 : i32
      %get3A_3105 = arith.index_cast %get3A_3104 : i32 to index
      %get3A_3106 = arith.constant 112 : index
      %get3A_3107 = tpu.vector_load %arg7[%get3A_3105, %get3A_3106] {strides = array<i32>} : memref<32x128xf32, #tpu.memory_space<vmem>>, vector<1x16xf32>,
      %get3A_3108 = vector.shape_cast %get3A_3107 : vector<1x16xf32> to vector<16xf32>
      %get3A_3109 = arith.constant 31 : i32
      %get3A_3110 = arith.index_cast %get3A_3109 : i32 to index
      %get3A_3111 = arith.constant 112 : index
      %get3A_3112 = tpu.vector_load %arg8[%get3A_3110, %get3A_3111] {strides = array<i32>} : memref<32x128xf32, #tpu.memory_space<vmem>>, vector<1x16xf32>,
      %get3A_3113 = vector.shape_cast %get3A_3112 : vector<1x16xf32> to vector<16xf32>
      %mul3A_3114 = arith.mulf %get3A_3108, %get3A_3113 : vector<16xf32>
      %add3A_3115 = arith.addf %add3A_3103, %mul3A_3114 : vector<16xf32>
      %swap3A_3116 = arith.index_cast %scan3A_10 : i32 to index
      %swap3A_3117 = arith.constant 112 : index
      %swap3A_3118 = tpu.vector_load %arg9[%swap3A_3116, %swap3A_3117] {strides = array<i32>} : memref<256x128xf32, #tpu.memory_space<vmem>>, vector<1x16xf32>,
      %swap3A_3119 = vector.shape_cast %swap3A_3118 : vector<1x16xf32> to vector<16xf32>
      %swap3A_3120 = vector.shape_cast %add3A_3115 : vector<16xf32> to vector<1x16xf32>
      tpu.vector_store %arg9[%swap3A_3116, %swap3A_3117], %swap3A_3120 {strides = array<i32>} : memref<256x128xf32, #tpu.memory_space<vmem>>, vector<1x16xf32>,
    }
    %scan3A_9 = arith.constant 256 : i32
    "tpu.region"() ({
      %run_scoped3A = tpu.sem_alloc : memref<!tpu.dma_semaphore, #tpu.memory_space<semaphore_mem>>
      %dma_start3A = arith.constant 0 : i32
      %dma_start3A_10 = tpu.memref_slice %arg5[%mul3A_2, %dma_start3A] : memref<8192x128xf32, #tpu.memory_space<hbm>> -> memref<256x128xf32, #tpu.memory_space<hbm>>
      %dma_start3A_11 = arith.constant 0 : i32
      %dma_start3A_12 = tpu.memref_slice %arg5[%mul3A_2, %dma_start3A_11] : memref<8192x128xf32, #tpu.memory_space<hbm>> -> memref<256x128xf32, #tpu.memory_space<hbm>>
      tpu.enqueue_dma source(%arg9 : memref<256x128xf32, #tpu.memory_space<vmem>>) target(%dma_start3A_12 : memref<256x128xf32, #tpu.memory_space<hbm>>) target_semaphore(%run_scoped3A : memref<!tpu.dma_semaphore, #tpu.memory_space<semaphore_mem>>)
      %dma_wait3A = arith.constant 0 : i32
      %dma_wait3A_13 = tpu.memref_slice %arg5[%mul3A_2, %dma_wait3A] : memref<8192x128xf32, #tpu.memory_space<hbm>> -> memref<256x128xf32, #tpu.memory_space<hbm>>
      %dma_wait3A_14 = arith.constant 0 : i32
      %dma_wait3A_15 = tpu.memref_slice %arg5[%mul3A_2, %dma_wait3A_14] : memref<8192x128xf32, #tpu.memory_space<hbm>> -> memref<256x128xf32, #tpu.memory_space<hbm>>
      tpu.wait_dma2 semaphore(%run_scoped3A : memref<!tpu.dma_semaphore, #tpu.memory_space<semaphore_mem>>) src(%arg9 : memref<256x128xf32, #tpu.memory_space<vmem>>) dst(%dma_wait3A_15 : memref<256x128xf32, #tpu.memory_space<hbm>>)
      tpu.yield
    }) : () -> ()
    return
  }
}

module attributes {stable_mosaic.version = 14 : i64} {
  func.func @_topk_body(%arg0: i32, %arg1: memref<4x512x128xf32, #tpu.memory_space<vmem>>, %arg2: memref<32x32xf32, #tpu.memory_space<vmem>>, %arg3: memref<4x512x32xi32, #tpu.memory_space<vmem>>, %arg4: memref<32x128xf32, #tpu.memory_space<vmem>>) attributes {dimension_semantics = [#tpu.dimension_semantics<arbitrary>], iteration_bounds = array<i64: 4>, scalar_prefetch = 0 : i64, scratch_operands = 0 : i64, tpu.core_type = #tpu.core_type<tc>, window_params = [{transform_indices = @transform_0, window_bounds = array<i64: 4, 512, 128>}, {pipeline_mode = #tpu.pipeline_mode<synchronous>, transform_indices = @transform_1, window_bounds = array<i64: 32, 32>}, {transform_indices = @transform_2, window_bounds = array<i64: 4, 512, 32>}, {pipeline_mode = #tpu.pipeline_mode<synchronous>, transform_indices = @transform_3, window_bounds = array<i64: 32, 128>}]} {
    %get3A = arith.constant 0 : index
    %get3A_0 = arith.constant 0 : index
    %get3A_1 = vector.load %arg2[%get3A, %get3A_0] : memref<32x32xf32, #tpu.memory_space<vmem>>, vector<32x32xf32>
    %mul3A = arith.mulf %get3A_1, %get3A_1 : vector<32x32xf32>
    %reduce_sum3A = arith.constant dense<0.000000e+00> : vector<32xf32>
    %reduce_sum3A_2 = vector.multi_reduction <add>, %mul3A, %reduce_sum3A [1] : vector<32x32xf32> to vector<32xf32>
    %broadcast_in_dim3A = vector.shape_cast %reduce_sum3A_2 : vector<32xf32> to vector<32x1xf32>
    %sqrt3A = math.sqrt %broadcast_in_dim3A : vector<32x1xf32>
    %max3A = arith.constant 9.99999996E-13 : f32
    %max3A_3 = vector.broadcast %max3A : f32 to vector<32x1xf32>
    %max3A_4 = arith.maximumf %sqrt3A, %max3A_3 : vector<32x1xf32>
    %div3A = vector.broadcast %max3A_4 : vector<32x1xf32> to vector<32x32xf32>
    %div3A_5 = arith.divf %get3A_1, %div3A : vector<32x32xf32>
    %transpose3A = tpu.transpose %div3A_5, [1, 0] : vector<32x32xf32> -> vector<32x32xf32>
    %concatenate3A = tpu.concatenate %transpose3A, %transpose3A, %transpose3A, %transpose3A in 1 : vector<32x32xf32>, vector<32x32xf32>, vector<32x32xf32>, vector<32x32xf32> -> vector<32x128xf32>
    %swap3A = arith.constant 0 : index
    %swap3A_6 = arith.constant 0 : index
    %swap3A_7 = vector.load %arg4[%swap3A, %swap3A_6] : memref<32x128xf32, #tpu.memory_space<vmem>>, vector<32x128xf32>
    tpu.vector_store %arg4[%swap3A, %swap3A_6], %concatenate3A {strides = array<i32>} : memref<32x128xf32, #tpu.memory_space<vmem>>, vector<32x128xf32>,
    %get3A_8 = arith.constant 0 : index
    %get3A_9 = arith.constant 0 : index
    %get3A_10 = arith.constant 0 : index
    %get3A_11 = vector.load %arg1[%get3A_8, %get3A_9, %get3A_10] : memref<4x512x128xf32, #tpu.memory_space<vmem>>, vector<1x512x128xf32>
    %get3A_12 = vector.shape_cast %get3A_11 : vector<1x512x128xf32> to vector<512x128xf32>
    %get3A_13 = arith.constant 1 : index
    %get3A_14 = arith.constant 0 : index
    %get3A_15 = arith.constant 0 : index
    %get3A_16 = vector.load %arg1[%get3A_13, %get3A_14, %get3A_15] : memref<4x512x128xf32, #tpu.memory_space<vmem>>, vector<1x512x128xf32>
    %get3A_17 = vector.shape_cast %get3A_16 : vector<1x512x128xf32> to vector<512x128xf32>
    %get3A_18 = arith.constant 2 : index
    %get3A_19 = arith.constant 0 : index
    %get3A_20 = arith.constant 0 : index
    %get3A_21 = vector.load %arg1[%get3A_18, %get3A_19, %get3A_20] : memref<4x512x128xf32, #tpu.memory_space<vmem>>, vector<1x512x128xf32>
    %get3A_22 = vector.shape_cast %get3A_21 : vector<1x512x128xf32> to vector<512x128xf32>
    %get3A_23 = arith.constant 3 : index
    %get3A_24 = arith.constant 0 : index
    %get3A_25 = arith.constant 0 : index
    %get3A_26 = vector.load %arg1[%get3A_23, %get3A_24, %get3A_25] : memref<4x512x128xf32, #tpu.memory_space<vmem>>, vector<1x512x128xf32>
    %get3A_27 = vector.shape_cast %get3A_26 : vector<1x512x128xf32> to vector<512x128xf32>
    %mul3A_28 = arith.mulf %get3A_12, %get3A_12 : vector<512x128xf32>
    %reduce_sum3A_29 = arith.constant dense<0.000000e+00> : vector<512xf32>
    %reduce_sum3A_30 = vector.multi_reduction <add>, %mul3A_28, %reduce_sum3A_29 [1] : vector<512x128xf32> to vector<512xf32>
    %broadcast_in_dim3A_31 = vector.shape_cast %reduce_sum3A_30 : vector<512xf32> to vector<512x1xf32>
    %dot_general3A = arith.constant dense<0.000000e+00> : vector<512x512xf32>
    %dot_general3A_32 = tpu.matmul %get3A_12, %get3A_12, %dot_general3A {dimension_numbers = #tpu.dot_dimension_numbers<[1], [1], [0], [0], [0, 0, 1, 0], [], []>, transpose_lhs_hint = false} : vector<512x128xf32>, vector<512x128xf32>, vector<512x512xf32> -> vector<512x512xf32>
    %mul3A_33 = arith.constant 2.000000e+00 : f32
    %mul3A_34 = vector.broadcast %mul3A_33 : f32 to vector<512x512xf32>
    %mul3A_35 = arith.mulf %mul3A_34, %dot_general3A_32 : vector<512x512xf32>
    %sub3A = vector.broadcast %broadcast_in_dim3A_31 : vector<512x1xf32> to vector<512x512xf32>
    %sub3A_36 = arith.subf %sub3A, %mul3A_35 : vector<512x512xf32>
    %transpose3A_37 = tpu.transpose %broadcast_in_dim3A_31, [1, 0] : vector<512x1xf32> -> vector<1x512xf32>
    %add3A = vector.broadcast %transpose3A_37 : vector<1x512xf32> to vector<512x512xf32>
    %add3A_38 = arith.addf %sub3A_36, %add3A : vector<512x512xf32>
    %mul3A_39 = arith.mulf %get3A_17, %get3A_17 : vector<512x128xf32>
    %reduce_sum3A_40 = arith.constant dense<0.000000e+00> : vector<512xf32>
    %reduce_sum3A_41 = vector.multi_reduction <add>, %mul3A_39, %reduce_sum3A_40 [1] : vector<512x128xf32> to vector<512xf32>
    %broadcast_in_dim3A_42 = vector.shape_cast %reduce_sum3A_41 : vector<512xf32> to vector<512x1xf32>
    %dot_general3A_43 = arith.constant dense<0.000000e+00> : vector<512x512xf32>
    %dot_general3A_44 = tpu.matmul %get3A_17, %get3A_17, %dot_general3A_43 {dimension_numbers = #tpu.dot_dimension_numbers<[1], [1], [0], [0], [0, 0, 1, 0], [], []>, transpose_lhs_hint = false} : vector<512x128xf32>, vector<512x128xf32>, vector<512x512xf32> -> vector<512x512xf32>
    %mul3A_45 = arith.constant 2.000000e+00 : f32
    %mul3A_46 = vector.broadcast %mul3A_45 : f32 to vector<512x512xf32>
    %mul3A_47 = arith.mulf %mul3A_46, %dot_general3A_44 : vector<512x512xf32>
    %sub3A_48 = vector.broadcast %broadcast_in_dim3A_42 : vector<512x1xf32> to vector<512x512xf32>
    %sub3A_49 = arith.subf %sub3A_48, %mul3A_47 : vector<512x512xf32>
    %transpose3A_50 = tpu.transpose %broadcast_in_dim3A_42, [1, 0] : vector<512x1xf32> -> vector<1x512xf32>
    %add3A_51 = vector.broadcast %transpose3A_50 : vector<1x512xf32> to vector<512x512xf32>
    %add3A_52 = arith.addf %sub3A_49, %add3A_51 : vector<512x512xf32>
    %mul3A_53 = arith.mulf %get3A_22, %get3A_22 : vector<512x128xf32>
    %reduce_sum3A_54 = arith.constant dense<0.000000e+00> : vector<512xf32>
    %reduce_sum3A_55 = vector.multi_reduction <add>, %mul3A_53, %reduce_sum3A_54 [1] : vector<512x128xf32> to vector<512xf32>
    %broadcast_in_dim3A_56 = vector.shape_cast %reduce_sum3A_55 : vector<512xf32> to vector<512x1xf32>
    %dot_general3A_57 = arith.constant dense<0.000000e+00> : vector<512x512xf32>
    %dot_general3A_58 = tpu.matmul %get3A_22, %get3A_22, %dot_general3A_57 {dimension_numbers = #tpu.dot_dimension_numbers<[1], [1], [0], [0], [0, 0, 1, 0], [], []>, transpose_lhs_hint = false} : vector<512x128xf32>, vector<512x128xf32>, vector<512x512xf32> -> vector<512x512xf32>
    %mul3A_59 = arith.constant 2.000000e+00 : f32
    %mul3A_60 = vector.broadcast %mul3A_59 : f32 to vector<512x512xf32>
    %mul3A_61 = arith.mulf %mul3A_60, %dot_general3A_58 : vector<512x512xf32>
    %sub3A_62 = vector.broadcast %broadcast_in_dim3A_56 : vector<512x1xf32> to vector<512x512xf32>
    %sub3A_63 = arith.subf %sub3A_62, %mul3A_61 : vector<512x512xf32>
    %transpose3A_64 = tpu.transpose %broadcast_in_dim3A_56, [1, 0] : vector<512x1xf32> -> vector<1x512xf32>
    %add3A_65 = vector.broadcast %transpose3A_64 : vector<1x512xf32> to vector<512x512xf32>
    %add3A_66 = arith.addf %sub3A_63, %add3A_65 : vector<512x512xf32>
    %mul3A_67 = arith.mulf %get3A_27, %get3A_27 : vector<512x128xf32>
    %reduce_sum3A_68 = arith.constant dense<0.000000e+00> : vector<512xf32>
    %reduce_sum3A_69 = vector.multi_reduction <add>, %mul3A_67, %reduce_sum3A_68 [1] : vector<512x128xf32> to vector<512xf32>
    %broadcast_in_dim3A_70 = vector.shape_cast %reduce_sum3A_69 : vector<512xf32> to vector<512x1xf32>
    %dot_general3A_71 = arith.constant dense<0.000000e+00> : vector<512x512xf32>
    %dot_general3A_72 = tpu.matmul %get3A_27, %get3A_27, %dot_general3A_71 {dimension_numbers = #tpu.dot_dimension_numbers<[1], [1], [0], [0], [0, 0, 1, 0], [], []>, transpose_lhs_hint = false} : vector<512x128xf32>, vector<512x128xf32>, vector<512x512xf32> -> vector<512x512xf32>
    %mul3A_73 = arith.constant 2.000000e+00 : f32
    %mul3A_74 = vector.broadcast %mul3A_73 : f32 to vector<512x512xf32>
    %mul3A_75 = arith.mulf %mul3A_74, %dot_general3A_72 : vector<512x512xf32>
    %sub3A_76 = vector.broadcast %broadcast_in_dim3A_70 : vector<512x1xf32> to vector<512x512xf32>
    %sub3A_77 = arith.subf %sub3A_76, %mul3A_75 : vector<512x512xf32>
    %transpose3A_78 = tpu.transpose %broadcast_in_dim3A_70, [1, 0] : vector<512x1xf32> -> vector<1x512xf32>
    %add3A_79 = vector.broadcast %transpose3A_78 : vector<1x512xf32> to vector<512x512xf32>
    %add3A_80 = arith.addf %sub3A_77, %add3A_79 : vector<512x512xf32>
    %broadcast_in_dim3A_81 = arith.constant 0.000000e+00 : f32
    %broadcast_in_dim3A_82 = vector.broadcast %broadcast_in_dim3A_81 : f32 to vector<512x32xf32>
    %broadcast_in_dim3A_83 = arith.constant 0.000000e+00 : f32
    %broadcast_in_dim3A_84 = vector.broadcast %broadcast_in_dim3A_83 : f32 to vector<512x32xf32>
    %broadcast_in_dim3A_85 = arith.constant 0.000000e+00 : f32
    %broadcast_in_dim3A_86 = vector.broadcast %broadcast_in_dim3A_85 : f32 to vector<512x32xf32>
    %broadcast_in_dim3A_87 = arith.constant 0.000000e+00 : f32
    %broadcast_in_dim3A_88 = vector.broadcast %broadcast_in_dim3A_87 : f32 to vector<512x32xf32>
    %scan3A = arith.constant 1073741824 : i32
    %scan3A_89 = arith.constant 0x7F800000 : f32
    %scan3A_90 = arith.constant 0 : i32
    %scan3A_91 = arith.constant 32 : i32
    %scan3A_92 = arith.addi %scan3A_90, %scan3A_91 : i32
    %scan3A_93 = arith.constant 1 : i32
    %scan3A_94:8 = scf.for %scan3A_155 = %scan3A_90 to %scan3A_92 step %scan3A_93 iter_args(%scan3A_156 = %add3A_38, %scan3A_157 = %add3A_52, %scan3A_158 = %add3A_66, %scan3A_159 = %add3A_80, %scan3A_160 = %broadcast_in_dim3A_82, %scan3A_161 = %broadcast_in_dim3A_84, %scan3A_162 = %broadcast_in_dim3A_86, %scan3A_163 = %broadcast_in_dim3A_88) -> (vector<512x512xf32>, vector<512x512xf32>, vector<512x512xf32>, vector<512x512xf32>, vector<512x32xf32>, vector<512x32xf32>, vector<512x32xf32>, vector<512x32xf32>)  : i32 {
      %iota3A = tpu.iota {dimensions = array<i32: 1>} : vector<1x32xi32>
      %eq3A = vector.broadcast %scan3A_155 : i32 to vector<1x32xi32>
      %eq3A_164 = arith.cmpi eq, %iota3A, %eq3A : vector<1x32xi32>
      %convert_element_type3A_165 = arith.extui %eq3A_164 : vector<1x32xi1> to vector<1x32xi32>
      %convert_element_type3A_166 = arith.sitofp %convert_element_type3A_165 : vector<1x32xi32> to vector<1x32xf32>
      %iota3A_167 = tpu.iota {dimensions = array<i32: 1>} : vector<512x512xi32>
      %reduce_min3A = arith.constant dense<0x7F800000> : vector<512xf32>
      %reduce_min3A_168 = vector.multi_reduction <minimumf>, %scan3A_156, %reduce_min3A [1] : vector<512x512xf32> to vector<512xf32>
      %broadcast_in_dim3A_169 = vector.shape_cast %reduce_min3A_168 : vector<512xf32> to vector<512x1xf32>
      %eq3A_170 = vector.broadcast %broadcast_in_dim3A_169 : vector<512x1xf32> to vector<512x512xf32>
      %eq3A_171 = arith.cmpf oeq, %scan3A_156, %eq3A_170 : vector<512x512xf32>
      %broadcast_in_dim3A_172 = vector.broadcast %scan3A : i32 to vector<512x512xi32>
      %select_n3A = arith.select %eq3A_171, %iota3A_167, %broadcast_in_dim3A_172 : vector<512x512xi1>, vector<512x512xi32>
      %reduce_min3A_173 = arith.constant dense<2147483647> : vector<512xi32>
      %reduce_min3A_174 = vector.multi_reduction <minsi>, %select_n3A, %reduce_min3A_173 [1] : vector<512x512xi32> to vector<512xi32>
      %broadcast_in_dim3A_175 = vector.shape_cast %reduce_min3A_174 : vector<512xi32> to vector<512x1xi32>
      %eq3A_176 = vector.broadcast %broadcast_in_dim3A_175 : vector<512x1xi32> to vector<512x512xi32>
      %eq3A_177 = arith.cmpi eq, %iota3A_167, %eq3A_176 : vector<512x512xi32>
      %convert_element_type3A_178 = arith.sitofp %broadcast_in_dim3A_175 : vector<512x1xi32> to vector<512x1xf32>
      %mul3A_179 = vector.broadcast %convert_element_type3A_178 : vector<512x1xf32> to vector<512x32xf32>
      %mul3A_180 = vector.broadcast %convert_element_type3A_166 : vector<1x32xf32> to vector<512x32xf32>
      %mul3A_181 = arith.mulf %mul3A_179, %mul3A_180 : vector<512x32xf32>
      %add3A_182 = arith.addf %scan3A_160, %mul3A_181 : vector<512x32xf32>
      %broadcast_in_dim3A_183 = vector.broadcast %scan3A_89 : f32 to vector<512x512xf32>
      %select_n3A_184 = arith.select %eq3A_177, %broadcast_in_dim3A_183, %scan3A_156 : vector<512x512xi1>, vector<512x512xf32>
      %iota3A_185 = tpu.iota {dimensions = array<i32: 1>} : vector<512x512xi32>
      %reduce_min3A_186 = arith.constant dense<0x7F800000> : vector<512xf32>
      %reduce_min3A_187 = vector.multi_reduction <minimumf>, %scan3A_157, %reduce_min3A_186 [1] : vector<512x512xf32> to vector<512xf32>
      %broadcast_in_dim3A_188 = vector.shape_cast %reduce_min3A_187 : vector<512xf32> to vector<512x1xf32>
      %eq3A_189 = vector.broadcast %broadcast_in_dim3A_188 : vector<512x1xf32> to vector<512x512xf32>
      %eq3A_190 = arith.cmpf oeq, %scan3A_157, %eq3A_189 : vector<512x512xf32>
      %broadcast_in_dim3A_191 = vector.broadcast %scan3A : i32 to vector<512x512xi32>
      %select_n3A_192 = arith.select %eq3A_190, %iota3A_185, %broadcast_in_dim3A_191 : vector<512x512xi1>, vector<512x512xi32>
      %reduce_min3A_193 = arith.constant dense<2147483647> : vector<512xi32>
      %reduce_min3A_194 = vector.multi_reduction <minsi>, %select_n3A_192, %reduce_min3A_193 [1] : vector<512x512xi32> to vector<512xi32>
      %broadcast_in_dim3A_195 = vector.shape_cast %reduce_min3A_194 : vector<512xi32> to vector<512x1xi32>
      %eq3A_196 = vector.broadcast %broadcast_in_dim3A_195 : vector<512x1xi32> to vector<512x512xi32>
      %eq3A_197 = arith.cmpi eq, %iota3A_185, %eq3A_196 : vector<512x512xi32>
      %convert_element_type3A_198 = arith.sitofp %broadcast_in_dim3A_195 : vector<512x1xi32> to vector<512x1xf32>
      %mul3A_199 = vector.broadcast %convert_element_type3A_198 : vector<512x1xf32> to vector<512x32xf32>
      %mul3A_200 = vector.broadcast %convert_element_type3A_166 : vector<1x32xf32> to vector<512x32xf32>
      %mul3A_201 = arith.mulf %mul3A_199, %mul3A_200 : vector<512x32xf32>
      %add3A_202 = arith.addf %scan3A_161, %mul3A_201 : vector<512x32xf32>
      %broadcast_in_dim3A_203 = vector.broadcast %scan3A_89 : f32 to vector<512x512xf32>
      %select_n3A_204 = arith.select %eq3A_197, %broadcast_in_dim3A_203, %scan3A_157 : vector<512x512xi1>, vector<512x512xf32>
      %iota3A_205 = tpu.iota {dimensions = array<i32: 1>} : vector<512x512xi32>
      %reduce_min3A_206 = arith.constant dense<0x7F800000> : vector<512xf32>
      %reduce_min3A_207 = vector.multi_reduction <minimumf>, %scan3A_158, %reduce_min3A_206 [1] : vector<512x512xf32> to vector<512xf32>
      %broadcast_in_dim3A_208 = vector.shape_cast %reduce_min3A_207 : vector<512xf32> to vector<512x1xf32>
      %eq3A_209 = vector.broadcast %broadcast_in_dim3A_208 : vector<512x1xf32> to vector<512x512xf32>
      %eq3A_210 = arith.cmpf oeq, %scan3A_158, %eq3A_209 : vector<512x512xf32>
      %broadcast_in_dim3A_211 = vector.broadcast %scan3A : i32 to vector<512x512xi32>
      %select_n3A_212 = arith.select %eq3A_210, %iota3A_205, %broadcast_in_dim3A_211 : vector<512x512xi1>, vector<512x512xi32>
      %reduce_min3A_213 = arith.constant dense<2147483647> : vector<512xi32>
      %reduce_min3A_214 = vector.multi_reduction <minsi>, %select_n3A_212, %reduce_min3A_213 [1] : vector<512x512xi32> to vector<512xi32>
      %broadcast_in_dim3A_215 = vector.shape_cast %reduce_min3A_214 : vector<512xi32> to vector<512x1xi32>
      %eq3A_216 = vector.broadcast %broadcast_in_dim3A_215 : vector<512x1xi32> to vector<512x512xi32>
      %eq3A_217 = arith.cmpi eq, %iota3A_205, %eq3A_216 : vector<512x512xi32>
      %convert_element_type3A_218 = arith.sitofp %broadcast_in_dim3A_215 : vector<512x1xi32> to vector<512x1xf32>
      %mul3A_219 = vector.broadcast %convert_element_type3A_218 : vector<512x1xf32> to vector<512x32xf32>
      %mul3A_220 = vector.broadcast %convert_element_type3A_166 : vector<1x32xf32> to vector<512x32xf32>
      %mul3A_221 = arith.mulf %mul3A_219, %mul3A_220 : vector<512x32xf32>
      %add3A_222 = arith.addf %scan3A_162, %mul3A_221 : vector<512x32xf32>
      %broadcast_in_dim3A_223 = vector.broadcast %scan3A_89 : f32 to vector<512x512xf32>
      %select_n3A_224 = arith.select %eq3A_217, %broadcast_in_dim3A_223, %scan3A_158 : vector<512x512xi1>, vector<512x512xf32>
      %iota3A_225 = tpu.iota {dimensions = array<i32: 1>} : vector<512x512xi32>
      %reduce_min3A_226 = arith.constant dense<0x7F800000> : vector<512xf32>
      %reduce_min3A_227 = vector.multi_reduction <minimumf>, %scan3A_159, %reduce_min3A_226 [1] : vector<512x512xf32> to vector<512xf32>
      %broadcast_in_dim3A_228 = vector.shape_cast %reduce_min3A_227 : vector<512xf32> to vector<512x1xf32>
      %eq3A_229 = vector.broadcast %broadcast_in_dim3A_228 : vector<512x1xf32> to vector<512x512xf32>
      %eq3A_230 = arith.cmpf oeq, %scan3A_159, %eq3A_229 : vector<512x512xf32>
      %broadcast_in_dim3A_231 = vector.broadcast %scan3A : i32 to vector<512x512xi32>
      %select_n3A_232 = arith.select %eq3A_230, %iota3A_225, %broadcast_in_dim3A_231 : vector<512x512xi1>, vector<512x512xi32>
      %reduce_min3A_233 = arith.constant dense<2147483647> : vector<512xi32>
      %reduce_min3A_234 = vector.multi_reduction <minsi>, %select_n3A_232, %reduce_min3A_233 [1] : vector<512x512xi32> to vector<512xi32>
      %broadcast_in_dim3A_235 = vector.shape_cast %reduce_min3A_234 : vector<512xi32> to vector<512x1xi32>
      %eq3A_236 = vector.broadcast %broadcast_in_dim3A_235 : vector<512x1xi32> to vector<512x512xi32>
      %eq3A_237 = arith.cmpi eq, %iota3A_225, %eq3A_236 : vector<512x512xi32>
      %convert_element_type3A_238 = arith.sitofp %broadcast_in_dim3A_235 : vector<512x1xi32> to vector<512x1xf32>
      %mul3A_239 = vector.broadcast %convert_element_type3A_238 : vector<512x1xf32> to vector<512x32xf32>
      %mul3A_240 = vector.broadcast %convert_element_type3A_166 : vector<1x32xf32> to vector<512x32xf32>
      %mul3A_241 = arith.mulf %mul3A_239, %mul3A_240 : vector<512x32xf32>
      %add3A_242 = arith.addf %scan3A_163, %mul3A_241 : vector<512x32xf32>
      %broadcast_in_dim3A_243 = vector.broadcast %scan3A_89 : f32 to vector<512x512xf32>
      %select_n3A_244 = arith.select %eq3A_237, %broadcast_in_dim3A_243, %scan3A_159 : vector<512x512xi1>, vector<512x512xf32>
      scf.yield %select_n3A_184, %select_n3A_204, %select_n3A_224, %select_n3A_244, %add3A_182, %add3A_202, %add3A_222, %add3A_242 : vector<512x512xf32>, vector<512x512xf32>, vector<512x512xf32>, vector<512x512xf32>, vector<512x32xf32>, vector<512x32xf32>, vector<512x32xf32>, vector<512x32xf32>
    }
    %scan3A_95 = arith.constant 32 : i32
    %mul3A_96 = arith.constant 4 : i32
    %mul3A_97 = arith.muli %arg0, %mul3A_96 : i32
    %add3A_98 = arith.constant 0 : i32
    %add3A_99 = arith.addi %mul3A_97, %add3A_98 : i32
    %mul3A_100 = arith.constant 512 : i32
    %mul3A_101 = arith.muli %add3A_99, %mul3A_100 : i32
    %convert_element_type3A = arith.fptosi %scan3A_94#4 : vector<512x32xf32> to vector<512x32xi32>
    %add3A_102 = vector.broadcast %mul3A_101 : i32 to vector<512x32xi32>
    %add3A_103 = arith.addi %convert_element_type3A, %add3A_102 : vector<512x32xi32>
    %swap3A_104 = arith.constant 0 : index
    %swap3A_105 = arith.constant 0 : index
    %swap3A_106 = arith.constant 0 : index
    %swap3A_107 = vector.load %arg3[%swap3A_104, %swap3A_105, %swap3A_106] : memref<4x512x32xi32, #tpu.memory_space<vmem>>, vector<1x512x32xi32>
    %swap3A_108 = vector.shape_cast %swap3A_107 : vector<1x512x32xi32> to vector<512x32xi32>
    %swap3A_109 = vector.shape_cast %add3A_103 : vector<512x32xi32> to vector<1x512x32xi32>
    tpu.vector_store %arg3[%swap3A_104, %swap3A_105, %swap3A_106], %swap3A_109 {strides = array<i32>} : memref<4x512x32xi32, #tpu.memory_space<vmem>>, vector<1x512x32xi32>,
    %mul3A_110 = arith.constant 4 : i32
    %mul3A_111 = arith.muli %arg0, %mul3A_110 : i32
    %add3A_112 = arith.constant 1 : i32
    %add3A_113 = arith.addi %mul3A_111, %add3A_112 : i32
    %mul3A_114 = arith.constant 512 : i32
    %mul3A_115 = arith.muli %add3A_113, %mul3A_114 : i32
    %convert_element_type3A_116 = arith.fptosi %scan3A_94#5 : vector<512x32xf32> to vector<512x32xi32>
    %add3A_117 = vector.broadcast %mul3A_115 : i32 to vector<512x32xi32>
    %add3A_118 = arith.addi %convert_element_type3A_116, %add3A_117 : vector<512x32xi32>
    %swap3A_119 = arith.constant 1 : index
    %swap3A_120 = arith.constant 0 : index
    %swap3A_121 = arith.constant 0 : index
    %swap3A_122 = vector.load %arg3[%swap3A_119, %swap3A_120, %swap3A_121] : memref<4x512x32xi32, #tpu.memory_space<vmem>>, vector<1x512x32xi32>
    %swap3A_123 = vector.shape_cast %swap3A_122 : vector<1x512x32xi32> to vector<512x32xi32>
    %swap3A_124 = vector.shape_cast %add3A_118 : vector<512x32xi32> to vector<1x512x32xi32>
    tpu.vector_store %arg3[%swap3A_119, %swap3A_120, %swap3A_121], %swap3A_124 {strides = array<i32>} : memref<4x512x32xi32, #tpu.memory_space<vmem>>, vector<1x512x32xi32>,
    %mul3A_125 = arith.constant 4 : i32
    %mul3A_126 = arith.muli %arg0, %mul3A_125 : i32
    %add3A_127 = arith.constant 2 : i32
    %add3A_128 = arith.addi %mul3A_126, %add3A_127 : i32
    %mul3A_129 = arith.constant 512 : i32
    %mul3A_130 = arith.muli %add3A_128, %mul3A_129 : i32
    %convert_element_type3A_131 = arith.fptosi %scan3A_94#6 : vector<512x32xf32> to vector<512x32xi32>
    %add3A_132 = vector.broadcast %mul3A_130 : i32 to vector<512x32xi32>
    %add3A_133 = arith.addi %convert_element_type3A_131, %add3A_132 : vector<512x32xi32>
    %swap3A_134 = arith.constant 2 : index
    %swap3A_135 = arith.constant 0 : index
    %swap3A_136 = arith.constant 0 : index
    %swap3A_137 = vector.load %arg3[%swap3A_134, %swap3A_135, %swap3A_136] : memref<4x512x32xi32, #tpu.memory_space<vmem>>, vector<1x512x32xi32>
    %swap3A_138 = vector.shape_cast %swap3A_137 : vector<1x512x32xi32> to vector<512x32xi32>
    %swap3A_139 = vector.shape_cast %add3A_133 : vector<512x32xi32> to vector<1x512x32xi32>
    tpu.vector_store %arg3[%swap3A_134, %swap3A_135, %swap3A_136], %swap3A_139 {strides = array<i32>} : memref<4x512x32xi32, #tpu.memory_space<vmem>>, vector<1x512x32xi32>,
    %mul3A_140 = arith.constant 4 : i32
    %mul3A_141 = arith.muli %arg0, %mul3A_140 : i32
    %add3A_142 = arith.constant 3 : i32
    %add3A_143 = arith.addi %mul3A_141, %add3A_142 : i32
    %mul3A_144 = arith.constant 512 : i32
    %mul3A_145 = arith.muli %add3A_143, %mul3A_144 : i32
    %convert_element_type3A_146 = arith.fptosi %scan3A_94#7 : vector<512x32xf32> to vector<512x32xi32>
    %add3A_147 = vector.broadcast %mul3A_145 : i32 to vector<512x32xi32>
    %add3A_148 = arith.addi %convert_element_type3A_146, %add3A_147 : vector<512x32xi32>
    %swap3A_149 = arith.constant 3 : index
    %swap3A_150 = arith.constant 0 : index
    %swap3A_151 = arith.constant 0 : index
    %swap3A_152 = vector.load %arg3[%swap3A_149, %swap3A_150, %swap3A_151] : memref<4x512x32xi32, #tpu.memory_space<vmem>>, vector<1x512x32xi32>
    %swap3A_153 = vector.shape_cast %swap3A_152 : vector<1x512x32xi32> to vector<512x32xi32>
    %swap3A_154 = vector.shape_cast %add3A_148 : vector<512x32xi32> to vector<1x512x32xi32>
    tpu.vector_store %arg3[%swap3A_149, %swap3A_150, %swap3A_151], %swap3A_154 {strides = array<i32>} : memref<4x512x32xi32, #tpu.memory_space<vmem>>, vector<1x512x32xi32>,
    return
  }
  func.func @transform_0(%arg0: i32) -> (i32, i32, i32) {
    %c0_i32 = arith.constant 0 : i32
    %c0_i32_0 = arith.constant 0 : i32
    %c0_i32_1 = arith.constant 0 : i32
    return %arg0, %c0_i32, %c0_i32_0 : i32, i32, i32
  }
  func.func @transform_1(%arg0: i32) -> (i32, i32) {
    %c0_i32 = arith.constant 0 : i32
    %c0_i32_0 = arith.constant 0 : i32
    %c0_i32_1 = arith.constant 0 : i32
    return %c0_i32, %c0_i32_0 : i32, i32
  }
  func.func @transform_2(%arg0: i32) -> (i32, i32, i32) {
    %c0_i32 = arith.constant 0 : i32
    %c0_i32_0 = arith.constant 0 : i32
    %c0_i32_1 = arith.constant 0 : i32
    return %arg0, %c0_i32, %c0_i32_0 : i32, i32, i32
  }
  func.func @transform_3(%arg0: i32) -> (i32, i32) {
    %c0_i32 = arith.constant 0 : i32
    %c0_i32_0 = arith.constant 0 : i32
    %c0_i32_1 = arith.constant 0 : i32
    return %c0_i32, %c0_i32_0 : i32, i32
  }
}

module attributes {stable_mosaic.version = 14 : i64} {
  func.func @_mix_body(%arg0: memref<32768x32xf32, #tpu.memory_space<vmem>>, %arg1: memref<32x64xf32, #tpu.memory_space<vmem>>, %arg2: memref<32768x64xf32, #tpu.memory_space<vmem>>) attributes {dimension_semantics = [], scalar_prefetch = 0 : i64, scratch_operands = 0 : i64, tpu.core_type = #tpu.core_type<tc>} {
    %get3A = arith.constant 0 : index
    %get3A_0 = arith.constant 0 : index
    %get3A_1 = vector.load %arg1[%get3A, %get3A_0] : memref<32x64xf32, #tpu.memory_space<vmem>>, vector<32x64xf32>
    %mul3A = arith.mulf %get3A_1, %get3A_1 : vector<32x64xf32>
    %reduce_sum3A = arith.constant dense<0.000000e+00> : vector<64xf32>
    %reduce_sum3A_2 = vector.multi_reduction <add>, %mul3A, %reduce_sum3A [0] : vector<32x64xf32> to vector<64xf32>
    %broadcast_in_dim3A = vector.shape_cast %reduce_sum3A_2 : vector<64xf32> to vector<1x64xf32>
    %sqrt3A = math.sqrt %broadcast_in_dim3A : vector<1x64xf32>
    %max3A = arith.constant 9.99999996E-13 : f32
    %max3A_3 = vector.broadcast %max3A : f32 to vector<1x64xf32>
    %max3A_4 = arith.maximumf %sqrt3A, %max3A_3 : vector<1x64xf32>
    %div3A = vector.broadcast %max3A_4 : vector<1x64xf32> to vector<32x64xf32>
    %div3A_5 = arith.divf %get3A_1, %div3A : vector<32x64xf32>
    %get3A_6 = arith.constant 0 : index
    %get3A_7 = arith.constant 0 : index
    %get3A_8 = vector.load %arg0[%get3A_6, %get3A_7] : memref<32768x32xf32, #tpu.memory_space<vmem>>, vector<32768x32xf32>
    %dot_general3A = arith.constant dense<0.000000e+00> : vector<32768x64xf32>
    %dot_general3A_9 = tpu.matmul %get3A_8, %div3A_5, %dot_general3A {dimension_numbers = #tpu.dot_dimension_numbers<[1], [0], [0], [1], [0, 0, 1, 1], [], []>, transpose_lhs_hint = false} : vector<32768x32xf32>, vector<32x64xf32>, vector<32768x64xf32> -> vector<32768x64xf32>
    %swap3A = arith.constant 0 : index
    %swap3A_10 = arith.constant 0 : index
    %swap3A_11 = vector.load %arg2[%swap3A, %swap3A_10] : memref<32768x64xf32, #tpu.memory_space<vmem>>, vector<32768x64xf32>
    tpu.vector_store %arg2[%swap3A, %swap3A_10], %dot_general3A_9 {strides = array<i32>} : memref<32768x64xf32, #tpu.memory_space<vmem>>, vector<32768x64xf32>,
    return
  }
}

</mosaic_0001>

<sc_bundles>
// kernel: kernel.5.cloned.1.call-start
scs
__scs_entry_jumppad:
0x0: {  	(pc) =	sbr.rel $0x88, $3  }
0x1: {  	(tag) =	ssettag $0x0;
	lr =	simm.s32 $0x1  }
0x2: {  	[smem:$0x3F9E] =	sst lr;
	_ =	strace $0xD0000000  }
0x3: {  	_ = 	snop  }
0x4: {  	_ = 	snop  }
0x5: {  	_ = 	snop  }
0x6: {  	_ = 	snop  }
0x7: {  	_ = 	snop  }
__scs_overlays_trampoline_lowered:
0x8: {  	[smem:$0x3FAD] =	sst s0  }
0x9: {  	[smem:$0x3FAE] =	sst s1  }
0xa: {  	[smem:$0x3FAF] =	sst s2  }
0xb: {  	[smem:$0x3FB0] =	sst s3  }
0xc: {  	[smem:$0x3FB1] =	sst s4  }
0xd: {  	[smem:$0x3FB2] =	sst s5  }
0xe: {  	[smem:$0x3FB3] =	sst s6  }
0xf: {  	[smem:$0x3FB4] =	sst s7  }
0x10: {  	[smem:$0x3FB5] =	sst s8  }
0x11: {  	[smem:$0x3FB6] =	sst s9;
	s0 =	simm.s32 @!p0 $0x0  }
0x12: {  	s1 =	sld [smem:$0x3F9C];
	s0 =	simm.s32 @p0 $0x1  }
0x13: {  	[smem:$0x3FB7] =	sst s0;
	s0 =	simm.s32 @!p1 $0x0  }
0x14: {  	s2 =	sld [smem:$0x3F9B];
	s0 =	simm.s32 @p1 $0x1  }
0x15: {  	[smem:$0x3FB8] =	sst s0;
	s0 =	simm.s32 @!p2 $0x0  }
0x16: {  	s3 =	sld [smem:$0x3FDB];
	s0 =	simm.s32 @p2 $0x1  }
0x17: {  	s4 =	simm.s32 $0x1BF5;
	[smem:$0x3FBA] =	sst s0  }
0x18: {  	s0 =	sld [smem:$0x3F9D];
	_ =	swait.ge [sflag:s4], $0x0  }
0x19: {  	s7 =	sld [smem:$0x3F9E]  }
0x1a: {  	s8 =	sadd.s32 $0xFFFFE003, lr  }
0x1b: {  	s9 =	sadd.s32 $0xFFFFFEF7, lr;
	s5 =	simm.s32 $0xFFFFFFFF;
	p2 =	slt.u32 s8, $0xFFFFF086  }
0x1c: {  	p1 =	slt.u32 s9, $0xF7A;
	s5 =	simm.s32 @!p2 $0x0  }
0x1d: {  	s5 =	simm.s32 @p1 $0x1;
	p0 =	seq.s32 s7, s2  }
0x1e: {  	s7 =	smul.u32 @!p0 $0xF7A, s2;
	p2 =	seq.s32 @!p0 s5, $0x0  }
0x1f: {  	s9 =	smul.u32 $0xF7A, s1;
	s8 =	simm.s32 @!p0 $0x1BF5;
	p2 =	por !p2, p0  }
0x20: {  	[sflag:s8] =	ssyncset.s32 @!p0 $0xFFFFF086;
	s6 =	sadd.s32 @!p0 s3, s7;
	s7 =	simm.s32 @!p0 $0x108  }
0x21: {  	s3 =	sadd.s32 s3, s9;
	s6 =	sadd.s32 @!p0 $0x88, s6;
	s7 =	simm.s32 @p2 $0x1082  }
0x22: {  	[simem:s7], [sflag:s8] =	dma.local @!p0 [hbm:s6], $0xF7A  }
0x23: {  	s9 =	sor.u32 $0xD0000000, s2;
	s6 =	simm.s32 $0x108;
	_ =	swait.ge @!p0 [sflag:s8], $0x0  }
0x24: {  	s3 =	sadd.s32 $0x88, s3;
	s6 =	simm.s32 @!p1 $0x1082;
	[sflag:s4] =	ssyncset.s32 $0xFFFFF086  }
0x25: {  	[simem:s6], [sflag:s4] =	dma.local [hbm:s3], $0xF7A  }
0x26: {  	[smem:$0x3F9E] =	sst s1;
	(tag) =	ssettag s2;
	_ =	strace s9  }
0x27: {  	s1 =	sld [smem:$0x3FAE]  }
0x28: {  	s2 =	sld [smem:$0x3FAF]  }
0x29: {  	s4 =	sld [smem:$0x3FB1]  }
0x2a: {  	p0 =	seq.s32 s5, $0x0;
	s5 =	sld [smem:$0x3FB2]  }
0x2b: {  	s6 =	sld [smem:$0x3FB3]  }
0x2c: {  	s7 =	sld [smem:$0x3FB4]  }
0x2d: {  	s3 =	simm.s32 $0x108;
	s8 =	sld [smem:$0x3FB5]  }
0x2e: {  	s3 =	simm.s32 @!p0 $0x1082;
	s9 =	sld [smem:$0x3FB6]  }
0x2f: {  	lr =	sadd.s32 s0, s3;
	s0 =	sld [smem:$0x3FAD]  }
0x30: {  	s3 =	sld [smem:$0x3FB0]  }
0x31: {  	[smem:$0x3FB9] =	sst s10  }
0x32: {  	s10 =	sld [smem:$0x3FB7];
	_ =	sdelay $0x3  }
0x33: {  	p0 =	seq.s32 s10, $0x1;
	s10 =	sld [smem:$0x3FB9];
	_ =	sdelay $0x3  }
0x34: {  	[smem:$0x3FB9] =	sst s10  }
0x35: {  	s10 =	sld [smem:$0x3FB8];
	_ =	sdelay $0x3  }
0x36: {  	p1 =	seq.s32 s10, $0x1;
	s10 =	sld [smem:$0x3FB9];
	_ =	sdelay $0x3  }
0x37: {  	[smem:$0x3FB9] =	sst s10  }
0x38: {  	s10 =	sld [smem:$0x3FBA]  }
0x39: {  	_ = 	snop;
	(pc) =	sbr.ind lr, $3  }
0x3a: {  	_ = 	snop  }
0x3b: {  	_ = 	snop  }
0x3c: {  	p2 =	seq.s32 s10, $0x1;
	s10 =	sld [smem:$0x3FB9]  }
0x3d: {  	_ =	shalt  }
0x3e: {  	_ =	shalt  }
0x3f: {  	_ =	shalt  }
0x40: {  	_ =	shalt  }
0x41: {  	_ =	shalt  }
0x42: {  	_ =	shalt  }
0x43: {  	_ =	shalt  }
0x44: {  	_ =	shalt  }
0x45: {  	_ =	shalt  }
0x46: {  	_ =	shalt  }
0x47: {  	_ =	shalt  }
0x48: {  	_ =	shalt  }
0x49: {  	_ =	shalt  }
0x4a: {  	_ =	shalt  }
0x4b: {  	_ =	shalt  }
0x4c: {  	_ =	shalt  }
0x4d: {  	_ =	shalt  }
0x4e: {  	_ =	shalt  }
0x4f: {  	_ =	shalt  }
0x50: {  	_ =	shalt  }
0x51: {  	_ =	shalt  }
0x52: {  	_ =	shalt  }
0x53: {  	_ =	shalt  }
0x54: {  	_ =	shalt  }
0x55: {  	_ =	shalt  }
0x56: {  	_ =	shalt  }
0x57: {  	_ =	shalt  }
0x58: {  	_ =	shalt  }
0x59: {  	_ =	shalt  }
0x5a: {  	_ =	shalt  }
0x5b: {  	_ =	shalt  }
0x5c: {  	_ =	shalt  }
0x5d: {  	_ =	shalt  }
0x5e: {  	_ =	shalt  }
0x5f: {  	_ =	shalt  }
0x60: {  	_ =	shalt  }
0x61: {  	_ =	shalt  }
0x62: {  	_ =	shalt  }
0x63: {  	_ =	shalt  }
0x64: {  	_ =	shalt  }
0x65: {  	_ =	shalt  }
0x66: {  	_ =	shalt  }
0x67: {  	_ =	shalt  }
0x68: {  	_ =	shalt  }
0x69: {  	_ =	shalt  }
0x6a: {  	_ =	shalt  }
0x6b: {  	_ =	shalt  }
0x6c: {  	_ =	shalt  }
0x6d: {  	_ =	shalt  }
0x6e: {  	_ =	shalt  }
0x6f: {  	_ =	shalt  }
0x70: {  	_ =	shalt  }
0x71: {  	_ =	shalt  }
0x72: {  	_ =	shalt  }
0x73: {  	_ =	shalt  }
0x74: {  	_ =	shalt  }
0x75: {  	_ =	shalt  }
0x76: {  	_ =	shalt  }
0x77: {  	_ =	shalt  }
0x78: {  	_ =	shalt  }
0x79: {  	_ =	shalt  }
0x7a: {  	_ =	shalt  }
0x7b: {  	_ =	shalt  }
0x7c: {  	_ =	shalt  }
0x7d: {  	_ =	shalt  }
0x7e: {  	_ =	shalt  }
0x7f: {  	_ =	shalt  }
0x80: {  	_ =	shalt  }
0x81: {  	_ =	shalt  }
0x82: {  	_ =	shalt  }
0x83: {  	_ =	shalt  }
0x84: {  	_ =	shalt  }
0x85: {  	_ =	shalt  }
0x86: {  	_ =	shalt  }
0x87: {  	_ =	shalt  }
.Lfunc_end0:
.L_simem_size_0:
called_computation_lowered:
.L_overlay_start_0:
0x88: {  	s2 =	sld [smem:$0x3FD9]  }
0x89: {  	s3 =	sld [smem:$0x3FFE];
	_ =	sdelay $0x1  }
0x8a: {  	s1 =	srdreg.scid  }
0x8b: {  	s0 =	sand.u32 $0x1, s1  }
0x8c: {  	s17 =	sshll.u32 s0, $0xA;
	s2 =	sadd.s32 s3, s2  }
0x8d: {  	s2 =	sadd.s32 s2, s17  }
0x8e: {  	[smem:$0x3FC5] =	sst s2  }
0x8f: {  	_ = 	snop  }
0x90: {  	s2 =	sld [smem:$0x3FD0];
	(tm) =	ssettm $0x1  }
0x91: {  	s18 =	sld [smem:$0x3FFB];
	_ =	sdelay $0x3  }
0x92: {  	_ =	strace s18  }
0x93: {  	s3 =	sld [smem:$0x3FFC];
	_ =	sdelay $0x3  }
0x94: {  	_ =	strace s3  }
0x95: {  	s3 =	sld [smem:$0x3FFD];
	_ =	sdelay $0x3  }
0x96: {  	_ =	strace s3  }
0x97: {  	_ =	strace $0x8FFFFFFF  }
0x98: {  	s19 =	sld [smem:$0x3FDB];
	_ =	sdelay $0x1  }
0x99: {  	s4 =	simm.s32 $_scs_section_size  }
0x9a: {  	s5 =	simm.s32 $_size__tile_overlayer_lowered;
	s6 =	simm.s32 $_tile_overlayer_lowered  }
0x9b: {  	s22 =	simm.s32 $0x1BFF;
	s21 =	sshll.u32 s6, $0x1;
	s3 =	sadd.s32 s4, s19  }
0x9c: {  	s7 =	simm.s32 $0x0;
	s20 =	sshll.u32 s5, $0x1;
	s5 =	sadd.s32 s21, s3  }
0x9d: {  	[timem:s7], [sflag:s22] =	dma.local [hbm:s5], s20  }
0x9e: {  	_ =	swait.ge [sflag:s22], s20  }
0x9f: {  	s4 =	ssub.s32 $0x0, s20;
	[sflag:s22] =	ssyncset.done $0x0  }
0xa0: {  	[sflag:s22] =	ssyncadd.s32 s4;
	_ =	sdelay $0x1  }
0xa1: {  	s23 =	simm.s32 $0x1B8B  }
0xa2: {  	_ =	swait.ge [sflag:s23], $0x1  }
0xa3: {  	[sflag:s23] =	ssyncset.done $0x0  }
0xa4: {  	s25 =	simm.s32 $0x1B8E;
	s24 =	sld [smem:$0x3FFE];
	[sflag:s23] =	ssyncadd.s32 $0xFFFFFFFF  }
0xa5: {  	s26 =	simm.s32 $execute0_lowered;
	[smem:$0x3FD2] =	sst s25  }
0xa6: {  	s5 =	sshll.u32 s26, $0x1;
	_ =	strace $0x80000046;
	[dreg:$0x1] =	wrdreg $0xFFFFFFFF  }
0xa7: {  	s28 =	simm.s32 $_size_execute0_lowered;
	s3 =	sadd.s32 s3, s5;
	[dreg:$0x0] =	wrdreg $0x0  }
0xa8: {  	s5 =	sshll.u32 s28, $0x1;
	[dreg:$0x2] =	wrdreg s3  }
0xa9: {  	[dreg:$0x3] =	wrdreg s5  }
0xaa: {  	[dreg:$0x4] =	wrdreg $0xC0  }
0xab: {  	_ =	task [dreg:s7], $0x5FFFF  }
0xac: {  	[dreg:$0x1] =	wrdreg $0xFFFFFFFF  }
0xad: {  	[dreg:$0x0] =	wrdreg $0x60  }
0xae: {  	[dreg:$0x2] =	wrdreg s2  }
0xaf: {  	[dreg:$0x3] =	wrdreg s24  }
0xb0: {  	[dreg:$0x4] =	wrdreg $0x9  }
0xb1: {  	_ =	task.clear_ibuf [dreg:s7], $0x5FFFF;
	_ =	strace $0x90000046  }
0xb2: {  	s29 =	simm.s32 $0x9;
	_ =	strace $0x80000048  }
0xb3: {  	_ =	swait.ge [sflag:s29], $0x1  }
0xb4: {  	[sflag:s29] =	ssyncadd.s32 $0xFFFFFFFF  }
0xb5: {  	_ =	strace $0x90000048  }
0xb6: {  	_ =	sfence  }
0xb7: {  	s30 =	sld [smem:$0x0];
	_ =	sdelay $0x2  }
0xb8: {  	s31 =	sshll.u32 s1, $0xD;
	s1 =	sshrl.u32 s1, $0x2  }
0xb9: {  	s3 =	sand.u32 $0x4000, s31;
	s1 =	sadd.s32 s1, s30  }
0xba: {  	s0 =	sor.u32 s3, s0;
	s1 =	sshll.u32 s1, $0x11  }
0xbb: {  	s0 =	sor.u32 s1, s0  }
0xbc: {  	s0 =	sadd.s32 $0x8F2B, s0  }
0xbd: {  	[sflag:s0] =	ssyncadd.remote.s32 $0x1  }
0xbe: {  	_ =	sfence.sel $0xFFFF  }
0xbf: {  	[dreg:$0x0] =	wrdreg $0xFFFFFFFF;
	(pc) =	sbr.abs _section_cstart, $3  }
0xc0: {  	[dreg:$0x1] =	wrdreg $0xFFFFFFFF  }
0xc1: {  	_ =	task.clear_ibuf [dreg:s7], $0x2FFFF;
	_ =	strace $0x9FFFFFFF  }
0xc2: {  	(tm) =	ssettm $0x7FFFFFFF  }
0xc3: {  	_ =	shalt  }
tec
execute0_lowered:
.L_overlay_start_1:
0x0: {  	(tag) =	ssettag $0x1  }
0x1: {  	s2 =	rddreg [dreg:$0x0];
	s1 =	srdreg.scid  }
0x2: {  	s0 =	stileid.u32;
	s5 =	rddreg [dreg:$0x1];
	s3 =	simm.s32 $0x0  }
0x3: {  	s10 =	simm.s32 $0x20;
	s11 =	simm.s32 $0x2000;
	s12 =	simm.s32 $0x1  }
0x4: {  	s13 =	simm.s32 $0x4000;
	s4 =	sand.u32 $0x1, s1;
	s1 =	rddreg [dreg:$0x2]  }
0x5: {  	s14 =	simm.s32 $0x0;
	s6 =	sshll.u32 s0, $0x1;
	[smem:$0x7FF] =	sst s3  }
0x6: {  	s6 =	sor.u32 s4, s6;
	_ =	strace $0x80000047;
	s8 =	ssub.s32 $0x2, s4  }
0x7: {  	s4 =	sadd.s32 $0xE00, s5;
	s7 =	sshll.u32 s6, $0xA;
	s6 =	sshll.u32 s6, $0xC  }
0x8: {  	s9 =	sshrl.u32 s8, $0x1;
	s7 =	sadd.s32 s7, s5;
	s6 =	sadd.s32 s6, s5  }
0x9: {  	s8 =	ssub.s32 s8, s9;
	s9 =	simm.s32 $0x3000;
	s5 =	sadd.s32 $0x1000, s7  }
0xa: {  	s6 =	sadd.s32 $0x9000, s6;
	s7 =	smax.u32 s8, $0x1;
	s8 =	simm.s32 $0x2  }
.LBB2_1:
0xb: {  	[tilespmem:s3], [sflag:$0x2] =	stream.linear.gather [hbm4b:s5+s3], $0x2000, $0x38;
	[tilespmem:$0xC000] =	vst v63  }
0xc: {  	_ =	swait.ge [sflag:s8], $0x2000  }
0xd: {  	[sflag:s8] =	ssyncset.done $0x0  }
0xe: {  	[sflag:s8] =	ssyncadd.s32 $0xFFFFE000  }
0xf: {  	[tilespmem:s9], [sflag:$0x2] =	stream.linear.gather [hbm4b:s4+s3], $0x1000, $0x38;
	[tilespmem:$0xC000] =	vst v63  }
0x10: {  	_ =	swait.ge [sflag:s8], $0x1000  }
0x11: {  	[sflag:s8] =	ssyncset.done $0x0  }
0x12: {  	s15 =	simm.s32 $0x4040;
	s16 =	simm.s32 $0x0;
	[sflag:s8] =	ssyncadd.s32 $0xFFFFF000  }
.LBB2_2:
0x13: {  	s17 =	sshra.s32 s16, $0x2  }
0x14: {  	[tilespmem:s11], [sflag:$0x1] =	stream.indirect.gather [hbm4b:s2+s10], $0x80, s17, s10, $0xb8;
	[tilespmem:$0xC000] =	vst v63  }
0x15: {  	_ =	swait.ge [sflag:s12], $0x1000  }
0x16: {  	[sflag:s12] =	ssyncset.done $0x0  }
0x17: {  	[sflag:s12] =	ssyncadd.s32 $0xFFFFF000  }
0x18: {  	v0 =	vld [tilespmem:$0x2000]  }
0x19: {  	v1 =	vld [tilespmem:$0x3000]  }
0x1a: {  	v2 =	vld [tilespmem:$0x2080]  }
0x1b: {  	v3 =	vld [tilespmem:$0x3080]  }
0x1c: {  	v4 =	vld [tilespmem:$0x2100]  }
0x1d: {  	v5 =	vld [tilespmem:$0x3100]  }
0x1e: {  	v6 =	vld [tilespmem:$0x2180]  }
0x1f: {  	v7 =	vld [tilespmem:$0x3180]  }
0x20: {  	v38 =	vld [tilespmem:$0x2200];
	v0 =	vmul.f32 v1, v0;
	v37 =	vmul.f32 v3, v2  }
0x21: {  	v39 =	vld [tilespmem:$0x3200]  }
0x22: {  	v41 =	vld [tilespmem:$0x2280];
	v40 =	vmul.f32 v5, v4;
	v0 =	vadd.f32 v37, v0  }
0x23: {  	v42 =	vld [tilespmem:$0x3280]  }
0x24: {  	v44 =	vld [tilespmem:$0x2300];
	v43 =	vmul.f32 v7, v6;
	v0 =	vadd.f32 v40, v0  }
0x25: {  	v45 =	vld [tilespmem:$0x3300]  }
0x26: {  	v47 =	vld [tilespmem:$0x2380];
	v46 =	vmul.f32 v39, v38;
	v0 =	vadd.f32 v43, v0  }
0x27: {  	v48 =	vld [tilespmem:$0x3380]  }
0x28: {  	v50 =	vld [tilespmem:$0x2400];
	v49 =	vmul.f32 v42, v41;
	v0 =	vadd.f32 v46, v0  }
0x29: {  	v51 =	vld [tilespmem:$0x3400]  }
0x2a: {  	v53 =	vld [tilespmem:$0x2480];
	v52 =	vmul.f32 v45, v44;
	v0 =	vadd.f32 v49, v0  }
0x2b: {  	v54 =	vld [tilespmem:$0x3480]  }
0x2c: {  	v56 =	vld [tilespmem:$0x2500];
	v55 =	vmul.f32 v48, v47;
	v0 =	vadd.f32 v52, v0  }
0x2d: {  	v57 =	vld [tilespmem:$0x3500]  }
0x2e: {  	v59 =	vld [tilespmem:$0x2580];
	v58 =	vmul.f32 v51, v50;
	v0 =	vadd.f32 v55, v0  }
0x2f: {  	v60 =	vld [tilespmem:$0x3580]  }
0x30: {  	v62 =	vld [tilespmem:$0x2600];
	v61 =	vmul.f32 v54, v53;
	v0 =	vadd.f32 v58, v0  }
0x31: {  	v63 =	vld [tilespmem:$0x3600]  }
0x32: {  	v10 =	vld [tilespmem:$0x2680];
	v9 =	vmul.f32 v57, v56;
	v0 =	vadd.f32 v61, v0  }
0x33: {  	v11 =	vld [tilespmem:$0x3680]  }
0x34: {  	v13 =	vld [tilespmem:$0x2700];
	v12 =	vmul.f32 v60, v59;
	v0 =	vadd.f32 v9, v0  }
0x35: {  	v14 =	vld [tilespmem:$0x3700]  }
0x36: {  	v16 =	vld [tilespmem:$0x2780];
	v15 =	vmul.f32 v63, v62;
	v0 =	vadd.f32 v12, v0  }
0x37: {  	v17 =	vld [tilespmem:$0x3780]  }
0x38: {  	v19 =	vld [tilespmem:$0x2800];
	v18 =	vmul.f32 v11, v10;
	v0 =	vadd.f32 v15, v0  }
0x39: {  	v20 =	vld [tilespmem:$0x3800]  }
0x3a: {  	v22 =	vld [tilespmem:$0x2880];
	v21 =	vmul.f32 v14, v13;
	v0 =	vadd.f32 v18, v0  }
0x3b: {  	v23 =	vld [tilespmem:$0x3880]  }
0x3c: {  	v25 =	vld [tilespmem:$0x2900];
	v24 =	vmul.f32 v17, v16;
	v0 =	vadd.f32 v21, v0  }
0x3d: {  	v26 =	vld [tilespmem:$0x3900]  }
0x3e: {  	v28 =	vld [tilespmem:$0x2980];
	v27 =	vmul.f32 v20, v19;
	v0 =	vadd.f32 v24, v0  }
0x3f: {  	v29 =	vld [tilespmem:$0x3980]  }
0x40: {  	v31 =	vld [tilespmem:$0x2A00];
	v30 =	vmul.f32 v23, v22;
	v0 =	vadd.f32 v27, v0  }
0x41: {  	v32 =	vld [tilespmem:$0x3A00]  }
0x42: {  	v34 =	vld [tilespmem:$0x2A80];
	v33 =	vmul.f32 v26, v25;
	v0 =	vadd.f32 v30, v0  }
0x43: {  	v35 =	vld [tilespmem:$0x3A80]  }
0x44: {  	v36 =	vmul.f32 v29, v28;
	v38 =	vld [tilespmem:$0x3B00];
	v0 =	vadd.f32 v33, v0  }
0x45: {  	v37 =	vld [tilespmem:$0x2B00]  }
0x46: {  	v39 =	vmul.f32 v32, v31;
	v41 =	vld [tilespmem:$0x3B80];
	v0 =	vadd.f32 v36, v0  }
0x47: {  	v40 =	vld [tilespmem:$0x2B80]  }
0x48: {  	v42 =	vmul.f32 v35, v34;
	v44 =	vld [tilespmem:$0x3C00];
	v0 =	vadd.f32 v39, v0  }
0x49: {  	v43 =	vld [tilespmem:$0x2C00]  }
0x4a: {  	v47 =	vld [tilespmem:$0x3C80];
	v45 =	vmul.f32 v38, v37;
	v0 =	vadd.f32 v42, v0  }
0x4b: {  	v46 =	vld [tilespmem:$0x2C80]  }
0x4c: {  	v50 =	vld [tilespmem:$0x3D00];
	v48 =	vmul.f32 v41, v40;
	v0 =	vadd.f32 v45, v0  }
0x4d: {  	v49 =	vld [tilespmem:$0x2D00]  }
0x4e: {  	v53 =	vld [tilespmem:$0x3D80];
	v51 =	vmul.f32 v44, v43;
	v0 =	vadd.f32 v48, v0  }
0x4f: {  	v52 =	vld [tilespmem:$0x2D80]  }
0x50: {  	v56 =	vld [tilespmem:$0x3E00];
	v54 =	vmul.f32 v47, v46;
	v0 =	vadd.f32 v51, v0  }
0x51: {  	v55 =	vld [tilespmem:$0x2E00]  }
0x52: {  	v59 =	vld [tilespmem:$0x3E80];
	v57 =	vmul.f32 v50, v49;
	v0 =	vadd.f32 v54, v0  }
0x53: {  	v58 =	vld [tilespmem:$0x2E80]  }
0x54: {  	v62 =	vld [tilespmem:$0x3F00];
	v60 =	vmul.f32 v53, v52;
	v0 =	vadd.f32 v57, v0  }
0x55: {  	v61 =	vld [tilespmem:$0x2F00]  }
0x56: {  	v8 =	vld [tilespmem:$0x2F80];
	v63 =	vmul.f32 v56, v55;
	v0 =	vadd.f32 v60, v0  }
0x57: {  	v9 =	vld [tilespmem:$0x3F80]  }
0x58: {  	v10 =	vmul.f32 v59, v58;
	v0 =	vadd.f32 v63, v0;
	_ =	sdelay $0x1  }
0x59: {  	v11 =	vmul.f32 v62, v61;
	v0 =	vadd.f32 v10, v0;
	_ =	sdelay $0x1  }
0x5a: {  	v12 =	vmul.f32 v9, v8;
	v0 =	vadd.f32 v11, v0;
	_ =	sdelay $0x1  }
0x5b: {  	v0 =	vadd.f32 v12, v0;
	_ =	sdelay $0x1  }
0x5c: {  	[tilespmem:s15+$0xFFFFFFC0] =	vst v0  }
0x5d: {  	v0 =	vld [tilespmem:$0x2010]  }
0x5e: {  	v13 =	vld [tilespmem:$0x3010]  }
0x5f: {  	v14 =	vld [tilespmem:$0x2090]  }
0x60: {  	v15 =	vld [tilespmem:$0x3090]  }
0x61: {  	v16 =	vld [tilespmem:$0x2110]  }
0x62: {  	v17 =	vld [tilespmem:$0x3110]  }
0x63: {  	v18 =	vld [tilespmem:$0x2190]  }
0x64: {  	v19 =	vld [tilespmem:$0x3190]  }
0x65: {  	v21 =	vld [tilespmem:$0x2210];
	v0 =	vmul.f32 v13, v0;
	v20 =	vmul.f32 v15, v14  }
0x66: {  	v22 =	vld [tilespmem:$0x3210]  }
0x67: {  	v24 =	vld [tilespmem:$0x2290];
	v23 =	vmul.f32 v17, v16;
	v0 =	vadd.f32 v20, v0  }
0x68: {  	v25 =	vld [tilespmem:$0x3290]  }
0x69: {  	v27 =	vld [tilespmem:$0x2310];
	v26 =	vmul.f32 v19, v18;
	v0 =	vadd.f32 v23, v0  }
0x6a: {  	v28 =	vld [tilespmem:$0x3310]  }
0x6b: {  	v30 =	vld [tilespmem:$0x2390];
	v29 =	vmul.f32 v22, v21;
	v0 =	vadd.f32 v26, v0  }
0x6c: {  	v31 =	vld [tilespmem:$0x3390]  }
0x6d: {  	v33 =	vld [tilespmem:$0x2410];
	v32 =	vmul.f32 v25, v24;
	v0 =	vadd.f32 v29, v0  }
0x6e: {  	v34 =	vld [tilespmem:$0x3410]  }
0x6f: {  	v36 =	vld [tilespmem:$0x2490];
	v35 =	vmul.f32 v28, v27;
	v0 =	vadd.f32 v32, v0  }
0x70: {  	v37 =	vld [tilespmem:$0x3490]  }
0x71: {  	v39 =	vld [tilespmem:$0x2510];
	v38 =	vmul.f32 v31, v30;
	v0 =	vadd.f32 v35, v0  }
0x72: {  	v40 =	vld [tilespmem:$0x3510]  }
0x73: {  	v42 =	vld [tilespmem:$0x2590];
	v41 =	vmul.f32 v34, v33;
	v0 =	vadd.f32 v38, v0  }
0x74: {  	v43 =	vld [tilespmem:$0x3590]  }
0x75: {  	v45 =	vld [tilespmem:$0x2610];
	v44 =	vmul.f32 v37, v36;
	v0 =	vadd.f32 v41, v0  }
0x76: {  	v46 =	vld [tilespmem:$0x3610]  }
0x77: {  	v48 =	vld [tilespmem:$0x2690];
	v47 =	vmul.f32 v40, v39;
	v0 =	vadd.f32 v44, v0  }
0x78: {  	v49 =	vld [tilespmem:$0x3690]  }
0x79: {  	v51 =	vld [tilespmem:$0x2710];
	v50 =	vmul.f32 v43, v42;
	v0 =	vadd.f32 v47, v0  }
0x7a: {  	v52 =	vld [tilespmem:$0x3710]  }
0x7b: {  	v54 =	vld [tilespmem:$0x2790];
	v53 =	vmul.f32 v46, v45;
	v0 =	vadd.f32 v50, v0  }
0x7c: {  	v55 =	vld [tilespmem:$0x3790]  }
0x7d: {  	v57 =	vld [tilespmem:$0x2810];
	v56 =	vmul.f32 v49, v48;
	v0 =	vadd.f32 v53, v0  }
0x7e: {  	v58 =	vld [tilespmem:$0x3810]  }
0x7f: {  	v60 =	vld [tilespmem:$0x2890];
	v59 =	vmul.f32 v52, v51;
	v0 =	vadd.f32 v56, v0  }
0x80: {  	v61 =	vld [tilespmem:$0x3890]  }
0x81: {  	v63 =	vld [tilespmem:$0x2910];
	v62 =	vmul.f32 v55, v54;
	v0 =	vadd.f32 v59, v0  }
0x82: {  	v9 =	vld [tilespmem:$0x3910]  }
0x83: {  	v11 =	vld [tilespmem:$0x2990];
	v10 =	vmul.f32 v58, v57;
	v0 =	vadd.f32 v62, v0  }
0x84: {  	v12 =	vld [tilespmem:$0x3990]  }
0x85: {  	v13 =	vmul.f32 v61, v60;
	v14 =	vld [tilespmem:$0x2A10];
	v0 =	vadd.f32 v10, v0  }
0x86: {  	v15 =	vld [tilespmem:$0x3A10]  }
0x87: {  	v16 =	vmul.f32 v9, v63;
	v17 =	vld [tilespmem:$0x2A90];
	v0 =	vadd.f32 v13, v0  }
0x88: {  	v18 =	vld [tilespmem:$0x3A90]  }
0x89: {  	v19 =	vmul.f32 v12, v11;
	v21 =	vld [tilespmem:$0x3B10];
	v0 =	vadd.f32 v16, v0  }
0x8a: {  	v20 =	vld [tilespmem:$0x2B10]  }
0x8b: {  	v24 =	vld [tilespmem:$0x3B90];
	v22 =	vmul.f32 v15, v14;
	v0 =	vadd.f32 v19, v0  }
0x8c: {  	v23 =	vld [tilespmem:$0x2B90]  }
0x8d: {  	v27 =	vld [tilespmem:$0x3C10];
	v25 =	vmul.f32 v18, v17;
	v0 =	vadd.f32 v22, v0  }
0x8e: {  	v26 =	vld [tilespmem:$0x2C10]  }
0x8f: {  	v30 =	vld [tilespmem:$0x3C90];
	v28 =	vmul.f32 v21, v20;
	v0 =	vadd.f32 v25, v0  }
0x90: {  	v29 =	vld [tilespmem:$0x2C90]  }
0x91: {  	v33 =	vld [tilespmem:$0x3D10];
	v31 =	vmul.f32 v24, v23;
	v0 =	vadd.f32 v28, v0  }
0x92: {  	v32 =	vld [tilespmem:$0x2D10]  }
0x93: {  	v36 =	vld [tilespmem:$0x3D90];
	v34 =	vmul.f32 v27, v26;
	v0 =	vadd.f32 v31, v0  }
0x94: {  	v35 =	vld [tilespmem:$0x2D90]  }
0x95: {  	v39 =	vld [tilespmem:$0x3E10];
	v37 =	vmul.f32 v30, v29;
	v0 =	vadd.f32 v34, v0  }
0x96: {  	v38 =	vld [tilespmem:$0x2E10]  }
0x97: {  	v42 =	vld [tilespmem:$0x3E90];
	v40 =	vmul.f32 v33, v32;
	v0 =	vadd.f32 v37, v0  }
0x98: {  	v41 =	vld [tilespmem:$0x2E90]  }
0x99: {  	v45 =	vld [tilespmem:$0x3F10];
	v43 =	vmul.f32 v36, v35;
	v0 =	vadd.f32 v40, v0  }
0x9a: {  	v44 =	vld [tilespmem:$0x2F10]  }
0x9b: {  	v48 =	vld [tilespmem:$0x3F90];
	v46 =	vmul.f32 v39, v38;
	v0 =	vadd.f32 v43, v0  }
0x9c: {  	v47 =	vld [tilespmem:$0x2F90]  }
0x9d: {  	v49 =	vmul.f32 v42, v41;
	v0 =	vadd.f32 v46, v0;
	_ =	sdelay $0x1  }
0x9e: {  	v50 =	vmul.f32 v45, v44;
	v0 =	vadd.f32 v49, v0;
	_ =	sdelay $0x1  }
0x9f: {  	v51 =	vmul.f32 v48, v47;
	v0 =	vadd.f32 v50, v0;
	_ =	sdelay $0x1  }
0xa0: {  	v0 =	vadd.f32 v51, v0;
	_ =	sdelay $0x1  }
0xa1: {  	[tilespmem:s15+$0xFFFFFFD0] =	vst v0  }
0xa2: {  	v0 =	vld [tilespmem:$0x2020]  }
0xa3: {  	v52 =	vld [tilespmem:$0x3020]  }
0xa4: {  	v53 =	vld [tilespmem:$0x20A0]  }
0xa5: {  	v54 =	vld [tilespmem:$0x30A0]  }
0xa6: {  	v55 =	vld [tilespmem:$0x2120]  }
0xa7: {  	v56 =	vld [tilespmem:$0x3120]  }
0xa8: {  	v57 =	vld [tilespmem:$0x21A0]  }
0xa9: {  	v58 =	vld [tilespmem:$0x31A0]  }
0xaa: {  	v60 =	vld [tilespmem:$0x2220];
	v0 =	vmul.f32 v52, v0;
	v59 =	vmul.f32 v54, v53  }
0xab: {  	v61 =	vld [tilespmem:$0x3220]  }
0xac: {  	v63 =	vld [tilespmem:$0x22A0];
	v62 =	vmul.f32 v56, v55;
	v0 =	vadd.f32 v59, v0  }
0xad: {  	v9 =	vld [tilespmem:$0x32A0]  }
0xae: {  	v11 =	vld [tilespmem:$0x2320];
	v10 =	vmul.f32 v58, v57;
	v0 =	vadd.f32 v62, v0  }
0xaf: {  	v12 =	vld [tilespmem:$0x3320]  }
0xb0: {  	v14 =	vld [tilespmem:$0x23A0];
	v13 =	vmul.f32 v61, v60;
	v0 =	vadd.f32 v10, v0  }
0xb1: {  	v15 =	vld [tilespmem:$0x33A0]  }
0xb2: {  	v17 =	vld [tilespmem:$0x2420];
	v16 =	vmul.f32 v9, v63;
	v0 =	vadd.f32 v13, v0  }
0xb3: {  	v18 =	vld [tilespmem:$0x3420]  }
0xb4: {  	v20 =	vld [tilespmem:$0x24A0];
	v19 =	vmul.f32 v12, v11;
	v0 =	vadd.f32 v16, v0  }
0xb5: {  	v21 =	vld [tilespmem:$0x34A0]  }
0xb6: {  	v23 =	vld [tilespmem:$0x2520];
	v22 =	vmul.f32 v15, v14;
	v0 =	vadd.f32 v19, v0  }
0xb7: {  	v24 =	vld [tilespmem:$0x3520]  }
0xb8: {  	v26 =	vld [tilespmem:$0x25A0];
	v25 =	vmul.f32 v18, v17;
	v0 =	vadd.f32 v22, v0  }
0xb9: {  	v27 =	vld [tilespmem:$0x35A0]  }
0xba: {  	v29 =	vld [tilespmem:$0x2620];
	v28 =	vmul.f32 v21, v20;
	v0 =	vadd.f32 v25, v0  }
0xbb: {  	v30 =	vld [tilespmem:$0x3620]  }
0xbc: {  	v32 =	vld [tilespmem:$0x26A0];
	v31 =	vmul.f32 v24, v23;
	v0 =	vadd.f32 v28, v0  }
0xbd: {  	v33 =	vld [tilespmem:$0x36A0]  }
0xbe: {  	v35 =	vld [tilespmem:$0x2720];
	v34 =	vmul.f32 v27, v26;
	v0 =	vadd.f32 v31, v0  }
0xbf: {  	v36 =	vld [tilespmem:$0x3720]  }
0xc0: {  	v38 =	vld [tilespmem:$0x27A0];
	v37 =	vmul.f32 v30, v29;
	v0 =	vadd.f32 v34, v0  }
0xc1: {  	v39 =	vld [tilespmem:$0x37A0]  }
0xc2: {  	v41 =	vld [tilespmem:$0x2820];
	v40 =	vmul.f32 v33, v32;
	v0 =	vadd.f32 v37, v0  }
0xc3: {  	v42 =	vld [tilespmem:$0x3820]  }
0xc4: {  	v44 =	vld [tilespmem:$0x28A0];
	v43 =	vmul.f32 v36, v35;
	v0 =	vadd.f32 v40, v0  }
0xc5: {  	v45 =	vld [tilespmem:$0x38A0]  }
0xc6: {  	v47 =	vld [tilespmem:$0x2920];
	v46 =	vmul.f32 v39, v38;
	v0 =	vadd.f32 v43, v0  }
0xc7: {  	v48 =	vld [tilespmem:$0x3920]  }
0xc8: {  	v50 =	vld [tilespmem:$0x29A0];
	v49 =	vmul.f32 v42, v41;
	v0 =	vadd.f32 v46, v0  }
0xc9: {  	v51 =	vld [tilespmem:$0x39A0]  }
0xca: {  	v52 =	vmul.f32 v45, v44;
	v53 =	vld [tilespmem:$0x2A20];
	v0 =	vadd.f32 v49, v0  }
0xcb: {  	v54 =	vld [tilespmem:$0x3A20]  }
0xcc: {  	v55 =	vmul.f32 v48, v47;
	v56 =	vld [tilespmem:$0x2AA0];
	v0 =	vadd.f32 v52, v0  }
0xcd: {  	v57 =	vld [tilespmem:$0x3AA0]  }
0xce: {  	v58 =	vmul.f32 v51, v50;
	v60 =	vld [tilespmem:$0x3B20];
	v0 =	vadd.f32 v55, v0  }
0xcf: {  	v59 =	vld [tilespmem:$0x2B20]  }
0xd0: {  	v63 =	vld [tilespmem:$0x3BA0];
	v61 =	vmul.f32 v54, v53;
	v0 =	vadd.f32 v58, v0  }
0xd1: {  	v62 =	vld [tilespmem:$0x2BA0]  }
0xd2: {  	v11 =	vld [tilespmem:$0x3C20];
	v9 =	vmul.f32 v57, v56;
	v0 =	vadd.f32 v61, v0  }
0xd3: {  	v10 =	vld [tilespmem:$0x2C20]  }
0xd4: {  	v14 =	vld [tilespmem:$0x3CA0];
	v12 =	vmul.f32 v60, v59;
	v0 =	vadd.f32 v9, v0  }
0xd5: {  	v13 =	vld [tilespmem:$0x2CA0]  }
0xd6: {  	v17 =	vld [tilespmem:$0x3D20];
	v15 =	vmul.f32 v63, v62;
	v0 =	vadd.f32 v12, v0  }
0xd7: {  	v16 =	vld [tilespmem:$0x2D20]  }
0xd8: {  	v20 =	vld [tilespmem:$0x3DA0];
	v18 =	vmul.f32 v11, v10;
	v0 =	vadd.f32 v15, v0  }
0xd9: {  	v19 =	vld [tilespmem:$0x2DA0]  }
0xda: {  	v23 =	vld [tilespmem:$0x3E20];
	v21 =	vmul.f32 v14, v13;
	v0 =	vadd.f32 v18, v0  }
0xdb: {  	v22 =	vld [tilespmem:$0x2E20]  }
0xdc: {  	v26 =	vld [tilespmem:$0x3EA0];
	v24 =	vmul.f32 v17, v16;
	v0 =	vadd.f32 v21, v0  }
0xdd: {  	v25 =	vld [tilespmem:$0x2EA0]  }
0xde: {  	v29 =	vld [tilespmem:$0x3F20];
	v27 =	vmul.f32 v20, v19;
	v0 =	vadd.f32 v24, v0  }
0xdf: {  	v28 =	vld [tilespmem:$0x2F20]  }
0xe0: {  	v32 =	vld [tilespmem:$0x3FA0];
	v30 =	vmul.f32 v23, v22;
	v0 =	vadd.f32 v27, v0  }
0xe1: {  	v31 =	vld [tilespmem:$0x2FA0]  }
0xe2: {  	v33 =	vmul.f32 v26, v25;
	v0 =	vadd.f32 v30, v0;
	_ =	sdelay $0x1  }
0xe3: {  	v34 =	vmul.f32 v29, v28;
	v0 =	vadd.f32 v33, v0;
	_ =	sdelay $0x1  }
0xe4: {  	v35 =	vmul.f32 v32, v31;
	v0 =	vadd.f32 v34, v0;
	_ =	sdelay $0x1  }
0xe5: {  	v0 =	vadd.f32 v35, v0;
	_ =	sdelay $0x1  }
0xe6: {  	[tilespmem:s15+$0xFFFFFFE0] =	vst v0  }
0xe7: {  	v0 =	vld [tilespmem:$0x2030]  }
0xe8: {  	v36 =	vld [tilespmem:$0x3030]  }
0xe9: {  	v37 =	vld [tilespmem:$0x20B0]  }
0xea: {  	v38 =	vld [tilespmem:$0x30B0]  }
0xeb: {  	v39 =	vld [tilespmem:$0x2130]  }
0xec: {  	v40 =	vld [tilespmem:$0x3130]  }
0xed: {  	v41 =	vld [tilespmem:$0x21B0]  }
0xee: {  	v42 =	vld [tilespmem:$0x31B0]  }
0xef: {  	v44 =	vld [tilespmem:$0x2230];
	v0 =	vmul.f32 v36, v0;
	v43 =	vmul.f32 v38, v37  }
0xf0: {  	v45 =	vld [tilespmem:$0x3230]  }
0xf1: {  	v47 =	vld [tilespmem:$0x22B0];
	v46 =	vmul.f32 v40, v39;
	v0 =	vadd.f32 v43, v0  }
0xf2: {  	v48 =	vld [tilespmem:$0x32B0]  }
0xf3: {  	v50 =	vld [tilespmem:$0x2330];
	v49 =	vmul.f32 v42, v41;
	v0 =	vadd.f32 v46, v0  }
0xf4: {  	v51 =	vld [tilespmem:$0x3330]  }
0xf5: {  	v53 =	vld [tilespmem:$0x23B0];
	v52 =	vmul.f32 v45, v44;
	v0 =	vadd.f32 v49, v0  }
0xf6: {  	v54 =	vld [tilespmem:$0x33B0]  }
0xf7: {  	v56 =	vld [tilespmem:$0x2430];
	v55 =	vmul.f32 v48, v47;
	v0 =	vadd.f32 v52, v0  }
0xf8: {  	v57 =	vld [tilespmem:$0x3430]  }
0xf9: {  	v59 =	vld [tilespmem:$0x24B0];
	v58 =	vmul.f32 v51, v50;
	v0 =	vadd.f32 v55, v0  }
0xfa: {  	v60 =	vld [tilespmem:$0x34B0]  }
0xfb: {  	v62 =	vld [tilespmem:$0x2530];
	v61 =	vmul.f32 v54, v53;
	v0 =	vadd.f32 v58, v0  }
0xfc: {  	v63 =	vld [tilespmem:$0x3530]  }
0xfd: {  	v9 =	vld [tilespmem:$0x25B0];
	v8 =	vmul.f32 v57, v56;
	v0 =	vadd.f32 v61, v0  }
0xfe: {  	v10 =	vld [tilespmem:$0x35B0]  }
0xff: {  	v12 =	vld [tilespmem:$0x2630];
	v11 =	vmul.f32 v60, v59;
	v0 =	vadd.f32 v8, v0  }
0x100: {  	v13 =	vld [tilespmem:$0x3630]  }
0x101: {  	v15 =	vld [tilespmem:$0x26B0];
	v14 =	vmul.f32 v63, v62;
	v0 =	vadd.f32 v11, v0  }
0x102: {  	v16 =	vld [tilespmem:$0x36B0]  }
0x103: {  	v18 =	vld [tilespmem:$0x2730];
	v17 =	vmul.f32 v10, v9;
	v0 =	vadd.f32 v14, v0  }
0x104: {  	v19 =	vld [tilespmem:$0x3730]  }
0x105: {  	v21 =	vld [tilespmem:$0x27B0];
	v20 =	vmul.f32 v13, v12;
	v0 =	vadd.f32 v17, v0  }
0x106: {  	v22 =	vld [tilespmem:$0x37B0]  }
0x107: {  	v24 =	vld [tilespmem:$0x2830];
	v23 =	vmul.f32 v16, v15;
	v0 =	vadd.f32 v20, v0  }
0x108: {  	v25 =	vld [tilespmem:$0x3830]  }
0x109: {  	v27 =	vld [tilespmem:$0x28B0];
	v26 =	vmul.f32 v19, v18;
	v0 =	vadd.f32 v23, v0  }
0x10a: {  	v28 =	vld [tilespmem:$0x38B0]  }
0x10b: {  	v30 =	vld [tilespmem:$0x2930];
	v29 =	vmul.f32 v22, v21;
	v0 =	vadd.f32 v26, v0  }
0x10c: {  	v31 =	vld [tilespmem:$0x3930]  }
0x10d: {  	v33 =	vld [tilespmem:$0x29B0];
	v32 =	vmul.f32 v25, v24;
	v0 =	vadd.f32 v29, v0  }
0x10e: {  	v34 =	vld [tilespmem:$0x39B0]  }
0x10f: {  	v35 =	vmul.f32 v28, v27;
	v36 =	vld [tilespmem:$0x2A30];
	v0 =	vadd.f32 v32, v0  }
0x110: {  	v37 =	vld [tilespmem:$0x3A30]  }
0x111: {  	v38 =	vmul.f32 v31, v30;
	v39 =	vld [tilespmem:$0x2AB0];
	v0 =	vadd.f32 v35, v0  }
0x112: {  	v40 =	vld [tilespmem:$0x3AB0]  }
0x113: {  	v41 =	vmul.f32 v34, v33;
	v42 =	vld [tilespmem:$0x2B30];
	v0 =	vadd.f32 v38, v0  }
0x114: {  	v43 =	vld [tilespmem:$0x3B30]  }
0x115: {  	v45 =	vld [tilespmem:$0x2BB0];
	v44 =	vmul.f32 v37, v36;
	v0 =	vadd.f32 v41, v0  }
0x116: {  	v46 =	vld [tilespmem:$0x3BB0]  }
0x117: {  	v48 =	vld [tilespmem:$0x2C30];
	v47 =	vmul.f32 v40, v39;
	v0 =	vadd.f32 v44, v0  }
0x118: {  	v49 =	vld [tilespmem:$0x3C30]  }
0x119: {  	v51 =	vld [tilespmem:$0x2CB0];
	v50 =	vmul.f32 v43, v42;
	v0 =	vadd.f32 v47, v0  }
0x11a: {  	v52 =	vld [tilespmem:$0x3CB0]  }
0x11b: {  	v54 =	vld [tilespmem:$0x2D30];
	v53 =	vmul.f32 v46, v45;
	v0 =	vadd.f32 v50, v0  }
0x11c: {  	v55 =	vld [tilespmem:$0x3D30]  }
0x11d: {  	v57 =	vld [tilespmem:$0x2DB0];
	v56 =	vmul.f32 v49, v48;
	v0 =	vadd.f32 v53, v0  }
0x11e: {  	v58 =	vld [tilespmem:$0x3DB0]  }
0x11f: {  	v60 =	vld [tilespmem:$0x2E30];
	v59 =	vmul.f32 v52, v51;
	v0 =	vadd.f32 v56, v0  }
0x120: {  	v61 =	vld [tilespmem:$0x3E30]  }
0x121: {  	v63 =	vld [tilespmem:$0x2EB0];
	v62 =	vmul.f32 v55, v54;
	v0 =	vadd.f32 v59, v0  }
0x122: {  	v9 =	vld [tilespmem:$0x3EB0]  }
0x123: {  	v12 =	vld [tilespmem:$0x3F30];
	v10 =	vmul.f32 v58, v57;
	v0 =	vadd.f32 v62, v0  }
0x124: {  	v11 =	vld [tilespmem:$0x2F30]  }
0x125: {  	v15 =	vld [tilespmem:$0x3FB0];
	v13 =	vmul.f32 v61, v60;
	v0 =	vadd.f32 v10, v0  }
0x126: {  	v14 =	vld [tilespmem:$0x2FB0]  }
0x127: {  	v16 =	vmul.f32 v9, v63;
	v0 =	vadd.f32 v13, v0;
	_ =	sdelay $0x1  }
0x128: {  	v17 =	vmul.f32 v12, v11;
	v0 =	vadd.f32 v16, v0;
	_ =	sdelay $0x1  }
0x129: {  	v18 =	vmul.f32 v15, v14;
	v0 =	vadd.f32 v17, v0;
	_ =	sdelay $0x1  }
0x12a: {  	v0 =	vadd.f32 v18, v0;
	_ =	sdelay $0x1  }
0x12b: {  	[tilespmem:s15+$0xFFFFFFF0] =	vst v0  }
0x12c: {  	v0 =	vld [tilespmem:$0x2040]  }
0x12d: {  	v19 =	vld [tilespmem:$0x3040]  }
0x12e: {  	v20 =	vld [tilespmem:$0x20C0]  }
0x12f: {  	v21 =	vld [tilespmem:$0x30C0]  }
0x130: {  	v22 =	vld [tilespmem:$0x2140]  }
0x131: {  	v23 =	vld [tilespmem:$0x3140]  }
0x132: {  	v24 =	vld [tilespmem:$0x21C0]  }
0x133: {  	v25 =	vld [tilespmem:$0x31C0]  }
0x134: {  	v27 =	vld [tilespmem:$0x2240];
	v0 =	vmul.f32 v19, v0;
	v26 =	vmul.f32 v21, v20  }
0x135: {  	v28 =	vld [tilespmem:$0x3240]  }
0x136: {  	v30 =	vld [tilespmem:$0x22C0];
	v29 =	vmul.f32 v23, v22;
	v0 =	vadd.f32 v26, v0  }
0x137: {  	v31 =	vld [tilespmem:$0x32C0]  }
0x138: {  	v33 =	vld [tilespmem:$0x2340];
	v32 =	vmul.f32 v25, v24;
	v0 =	vadd.f32 v29, v0  }
0x139: {  	v34 =	vld [tilespmem:$0x3340]  }
0x13a: {  	v36 =	vld [tilespmem:$0x23C0];
	v35 =	vmul.f32 v28, v27;
	v0 =	vadd.f32 v32, v0  }
0x13b: {  	v37 =	vld [tilespmem:$0x33C0]  }
0x13c: {  	v39 =	vld [tilespmem:$0x2440];
	v38 =	vmul.f32 v31, v30;
	v0 =	vadd.f32 v35, v0  }
0x13d: {  	v40 =	vld [tilespmem:$0x3440]  }
0x13e: {  	v42 =	vld [tilespmem:$0x24C0];
	v41 =	vmul.f32 v34, v33;
	v0 =	vadd.f32 v38, v0  }
0x13f: {  	v43 =	vld [tilespmem:$0x34C0]  }
0x140: {  	v45 =	vld [tilespmem:$0x2540];
	v44 =	vmul.f32 v37, v36;
	v0 =	vadd.f32 v41, v0  }
0x141: {  	v46 =	vld [tilespmem:$0x3540]  }
0x142: {  	v48 =	vld [tilespmem:$0x25C0];
	v47 =	vmul.f32 v40, v39;
	v0 =	vadd.f32 v44, v0  }
0x143: {  	v49 =	vld [tilespmem:$0x35C0]  }
0x144: {  	v51 =	vld [tilespmem:$0x2640];
	v50 =	vmul.f32 v43, v42;
	v0 =	vadd.f32 v47, v0  }
0x145: {  	v52 =	vld [tilespmem:$0x3640]  }
0x146: {  	v54 =	vld [tilespmem:$0x26C0];
	v53 =	vmul.f32 v46, v45;
	v0 =	vadd.f32 v50, v0  }
0x147: {  	v55 =	vld [tilespmem:$0x36C0]  }
0x148: {  	v57 =	vld [tilespmem:$0x2740];
	v56 =	vmul.f32 v49, v48;
	v0 =	vadd.f32 v53, v0  }
0x149: {  	v58 =	vld [tilespmem:$0x3740]  }
0x14a: {  	v60 =	vld [tilespmem:$0x27C0];
	v59 =	vmul.f32 v52, v51;
	v0 =	vadd.f32 v56, v0  }
0x14b: {  	v61 =	vld [tilespmem:$0x37C0]  }
0x14c: {  	v63 =	vld [tilespmem:$0x2840];
	v62 =	vmul.f32 v55, v54;
	v0 =	vadd.f32 v59, v0  }
0x14d: {  	v9 =	vld [tilespmem:$0x3840]  }
0x14e: {  	v11 =	vld [tilespmem:$0x28C0];
	v10 =	vmul.f32 v58, v57;
	v0 =	vadd.f32 v62, v0  }
0x14f: {  	v12 =	vld [tilespmem:$0x38C0]  }
0x150: {  	v14 =	vld [tilespmem:$0x2940];
	v13 =	vmul.f32 v61, v60;
	v0 =	vadd.f32 v10, v0  }
0x151: {  	v15 =	vld [tilespmem:$0x3940]  }
0x152: {  	v17 =	vld [tilespmem:$0x29C0];
	v16 =	vmul.f32 v9, v63;
	v0 =	vadd.f32 v13, v0  }
0x153: {  	v18 =	vld [tilespmem:$0x39C0]  }
0x154: {  	v19 =	vmul.f32 v12, v11;
	v20 =	vld [tilespmem:$0x2A40];
	v0 =	vadd.f32 v16, v0  }
0x155: {  	v21 =	vld [tilespmem:$0x3A40]  }
0x156: {  	v22 =	vmul.f32 v15, v14;
	v23 =	vld [tilespmem:$0x2AC0];
	v0 =	vadd.f32 v19, v0  }
0x157: {  	v24 =	vld [tilespmem:$0x3AC0]  }
0x158: {  	v25 =	vmul.f32 v18, v17;
	v27 =	vld [tilespmem:$0x3B40];
	v0 =	vadd.f32 v22, v0  }
0x159: {  	v26 =	vld [tilespmem:$0x2B40]  }
0x15a: {  	v30 =	vld [tilespmem:$0x3BC0];
	v28 =	vmul.f32 v21, v20;
	v0 =	vadd.f32 v25, v0  }
0x15b: {  	v29 =	vld [tilespmem:$0x2BC0]  }
0x15c: {  	v33 =	vld [tilespmem:$0x3C40];
	v31 =	vmul.f32 v24, v23;
	v0 =	vadd.f32 v28, v0  }
0x15d: {  	v32 =	vld [tilespmem:$0x2C40]  }
0x15e: {  	v36 =	vld [tilespmem:$0x3CC0];
	v34 =	vmul.f32 v27, v26;
	v0 =	vadd.f32 v31, v0  }
0x15f: {  	v35 =	vld [tilespmem:$0x2CC0]  }
0x160: {  	v39 =	vld [tilespmem:$0x3D40];
	v37 =	vmul.f32 v30, v29;
	v0 =	vadd.f32 v34, v0  }
0x161: {  	v38 =	vld [tilespmem:$0x2D40]  }
0x162: {  	v42 =	vld [tilespmem:$0x3DC0];
	v40 =	vmul.f32 v33, v32;
	v0 =	vadd.f32 v37, v0  }
0x163: {  	v41 =	vld [tilespmem:$0x2DC0]  }
0x164: {  	v45 =	vld [tilespmem:$0x3E40];
	v43 =	vmul.f32 v36, v35;
	v0 =	vadd.f32 v40, v0  }
0x165: {  	v44 =	vld [tilespmem:$0x2E40]  }
0x166: {  	v48 =	vld [tilespmem:$0x3EC0];
	v46 =	vmul.f32 v39, v38;
	v0 =	vadd.f32 v43, v0  }
0x167: {  	v47 =	vld [tilespmem:$0x2EC0]  }
0x168: {  	v51 =	vld [tilespmem:$0x3F40];
	v49 =	vmul.f32 v42, v41;
	v0 =	vadd.f32 v46, v0  }
0x169: {  	v50 =	vld [tilespmem:$0x2F40]  }
0x16a: {  	v54 =	vld [tilespmem:$0x3FC0];
	v52 =	vmul.f32 v45, v44;
	v0 =	vadd.f32 v49, v0  }
0x16b: {  	v53 =	vld [tilespmem:$0x2FC0]  }
0x16c: {  	v55 =	vmul.f32 v48, v47;
	v0 =	vadd.f32 v52, v0;
	_ =	sdelay $0x1  }
0x16d: {  	v56 =	vmul.f32 v51, v50;
	v0 =	vadd.f32 v55, v0;
	_ =	sdelay $0x1  }
0x16e: {  	v57 =	vmul.f32 v54, v53;
	v0 =	vadd.f32 v56, v0;
	_ =	sdelay $0x1  }
0x16f: {  	v0 =	vadd.f32 v57, v0;
	_ =	sdelay $0x1  }
0x170: {  	[tilespmem:s15+$0x0] =	vst v0  }
0x171: {  	v0 =	vld [tilespmem:$0x2050]  }
0x172: {  	v58 =	vld [tilespmem:$0x3050]  }
0x173: {  	v59 =	vld [tilespmem:$0x20D0]  }
0x174: {  	v60 =	vld [tilespmem:$0x30D0]  }
0x175: {  	v61 =	vld [tilespmem:$0x2150]  }
0x176: {  	v62 =	vld [tilespmem:$0x3150]  }
0x177: {  	v63 =	vld [tilespmem:$0x21D0]  }
0x178: {  	v9 =	vld [tilespmem:$0x31D0]  }
0x179: {  	v11 =	vld [tilespmem:$0x2250];
	v0 =	vmul.f32 v58, v0;
	v10 =	vmul.f32 v60, v59  }
0x17a: {  	v12 =	vld [tilespmem:$0x3250]  }
0x17b: {  	v14 =	vld [tilespmem:$0x22D0];
	v13 =	vmul.f32 v62, v61;
	v0 =	vadd.f32 v10, v0  }
0x17c: {  	v15 =	vld [tilespmem:$0x32D0]  }
0x17d: {  	v17 =	vld [tilespmem:$0x2350];
	v16 =	vmul.f32 v9, v63;
	v0 =	vadd.f32 v13, v0  }
0x17e: {  	v18 =	vld [tilespmem:$0x3350]  }
0x17f: {  	v20 =	vld [tilespmem:$0x23D0];
	v19 =	vmul.f32 v12, v11;
	v0 =	vadd.f32 v16, v0  }
0x180: {  	v21 =	vld [tilespmem:$0x33D0]  }
0x181: {  	v23 =	vld [tilespmem:$0x2450];
	v22 =	vmul.f32 v15, v14;
	v0 =	vadd.f32 v19, v0  }
0x182: {  	v24 =	vld [tilespmem:$0x3450]  }
0x183: {  	v26 =	vld [tilespmem:$0x24D0];
	v25 =	vmul.f32 v18, v17;
	v0 =	vadd.f32 v22, v0  }
0x184: {  	v27 =	vld [tilespmem:$0x34D0]  }
0x185: {  	v29 =	vld [tilespmem:$0x2550];
	v28 =	vmul.f32 v21, v20;
	v0 =	vadd.f32 v25, v0  }
0x186: {  	v30 =	vld [tilespmem:$0x3550]  }
0x187: {  	v32 =	vld [tilespmem:$0x25D0];
	v31 =	vmul.f32 v24, v23;
	v0 =	vadd.f32 v28, v0  }
0x188: {  	v33 =	vld [tilespmem:$0x35D0]  }
0x189: {  	v35 =	vld [tilespmem:$0x2650];
	v34 =	vmul.f32 v27, v26;
	v0 =	vadd.f32 v31, v0  }
0x18a: {  	v36 =	vld [tilespmem:$0x3650]  }
0x18b: {  	v38 =	vld [tilespmem:$0x26D0];
	v37 =	vmul.f32 v30, v29;
	v0 =	vadd.f32 v34, v0  }
0x18c: {  	v39 =	vld [tilespmem:$0x36D0]  }
0x18d: {  	v41 =	vld [tilespmem:$0x2750];
	v40 =	vmul.f32 v33, v32;
	v0 =	vadd.f32 v37, v0  }
0x18e: {  	v42 =	vld [tilespmem:$0x3750]  }
0x18f: {  	v44 =	vld [tilespmem:$0x27D0];
	v43 =	vmul.f32 v36, v35;
	v0 =	vadd.f32 v40, v0  }
0x190: {  	v45 =	vld [tilespmem:$0x37D0]  }
0x191: {  	v47 =	vld [tilespmem:$0x2850];
	v46 =	vmul.f32 v39, v38;
	v0 =	vadd.f32 v43, v0  }
0x192: {  	v48 =	vld [tilespmem:$0x3850]  }
0x193: {  	v50 =	vld [tilespmem:$0x28D0];
	v49 =	vmul.f32 v42, v41;
	v0 =	vadd.f32 v46, v0  }
0x194: {  	v51 =	vld [tilespmem:$0x38D0]  }
0x195: {  	v53 =	vld [tilespmem:$0x2950];
	v52 =	vmul.f32 v45, v44;
	v0 =	vadd.f32 v49, v0  }
0x196: {  	v54 =	vld [tilespmem:$0x3950]  }
0x197: {  	v56 =	vld [tilespmem:$0x29D0];
	v55 =	vmul.f32 v48, v47;
	v0 =	vadd.f32 v52, v0  }
0x198: {  	v57 =	vld [tilespmem:$0x39D0]  }
0x199: {  	v58 =	vmul.f32 v51, v50;
	v59 =	vld [tilespmem:$0x2A50];
	v0 =	vadd.f32 v55, v0  }
0x19a: {  	v60 =	vld [tilespmem:$0x3A50]  }
0x19b: {  	v61 =	vmul.f32 v54, v53;
	v62 =	vld [tilespmem:$0x2AD0];
	v0 =	vadd.f32 v58, v0  }
0x19c: {  	v63 =	vld [tilespmem:$0x3AD0]  }
0x19d: {  	v8 =	vmul.f32 v57, v56;
	v9 =	vld [tilespmem:$0x2B50];
	v0 =	vadd.f32 v61, v0  }
0x19e: {  	v10 =	vld [tilespmem:$0x3B50]  }
0x19f: {  	v12 =	vld [tilespmem:$0x2BD0];
	v11 =	vmul.f32 v60, v59;
	v0 =	vadd.f32 v8, v0  }
0x1a0: {  	v13 =	vld [tilespmem:$0x3BD0]  }
0x1a1: {  	v15 =	vld [tilespmem:$0x2C50];
	v14 =	vmul.f32 v63, v62;
	v0 =	vadd.f32 v11, v0  }
0x1a2: {  	v16 =	vld [tilespmem:$0x3C50]  }
0x1a3: {  	v18 =	vld [tilespmem:$0x2CD0];
	v17 =	vmul.f32 v10, v9;
	v0 =	vadd.f32 v14, v0  }
0x1a4: {  	v19 =	vld [tilespmem:$0x3CD0]  }
0x1a5: {  	v21 =	vld [tilespmem:$0x2D50];
	v20 =	vmul.f32 v13, v12;
	v0 =	vadd.f32 v17, v0  }
0x1a6: {  	v22 =	vld [tilespmem:$0x3D50]  }
0x1a7: {  	v24 =	vld [tilespmem:$0x2DD0];
	v23 =	vmul.f32 v16, v15;
	v0 =	vadd.f32 v20, v0  }
0x1a8: {  	v25 =	vld [tilespmem:$0x3DD0]  }
0x1a9: {  	v27 =	vld [tilespmem:$0x2E50];
	v26 =	vmul.f32 v19, v18;
	v0 =	vadd.f32 v23, v0  }
0x1aa: {  	v28 =	vld [tilespmem:$0x3E50]  }
0x1ab: {  	v30 =	vld [tilespmem:$0x2ED0];
	v29 =	vmul.f32 v22, v21;
	v0 =	vadd.f32 v26, v0  }
0x1ac: {  	v31 =	vld [tilespmem:$0x3ED0]  }
0x1ad: {  	v33 =	vld [tilespmem:$0x2F50];
	v32 =	vmul.f32 v25, v24;
	v0 =	vadd.f32 v29, v0  }
0x1ae: {  	v34 =	vld [tilespmem:$0x3F50]  }
0x1af: {  	v36 =	vld [tilespmem:$0x2FD0];
	v35 =	vmul.f32 v28, v27;
	v0 =	vadd.f32 v32, v0  }
0x1b0: {  	v37 =	vld [tilespmem:$0x3FD0]  }
0x1b1: {  	v38 =	vmul.f32 v31, v30;
	v0 =	vadd.f32 v35, v0;
	_ =	sdelay $0x1  }
0x1b2: {  	v39 =	vmul.f32 v34, v33;
	v0 =	vadd.f32 v38, v0;
	_ =	sdelay $0x1  }
0x1b3: {  	v40 =	vmul.f32 v37, v36;
	v0 =	vadd.f32 v39, v0;
	_ =	sdelay $0x1  }
0x1b4: {  	v0 =	vadd.f32 v40, v0;
	_ =	sdelay $0x1  }
0x1b5: {  	[tilespmem:s15+$0x10] =	vst v0  }
0x1b6: {  	v0 =	vld [tilespmem:$0x2060]  }
0x1b7: {  	v41 =	vld [tilespmem:$0x3060]  }
0x1b8: {  	v42 =	vld [tilespmem:$0x20E0]  }
0x1b9: {  	v43 =	vld [tilespmem:$0x30E0]  }
0x1ba: {  	v44 =	vld [tilespmem:$0x2160]  }
0x1bb: {  	v45 =	vld [tilespmem:$0x3160]  }
0x1bc: {  	v46 =	vld [tilespmem:$0x21E0]  }
0x1bd: {  	v47 =	vld [tilespmem:$0x31E0]  }
0x1be: {  	v49 =	vld [tilespmem:$0x2260];
	v0 =	vmul.f32 v41, v0;
	v48 =	vmul.f32 v43, v42  }
0x1bf: {  	v50 =	vld [tilespmem:$0x3260]  }
0x1c0: {  	v52 =	vld [tilespmem:$0x22E0];
	v51 =	vmul.f32 v45, v44;
	v0 =	vadd.f32 v48, v0  }
0x1c1: {  	v53 =	vld [tilespmem:$0x32E0]  }
0x1c2: {  	v55 =	vld [tilespmem:$0x2360];
	v54 =	vmul.f32 v47, v46;
	v0 =	vadd.f32 v51, v0  }
0x1c3: {  	v56 =	vld [tilespmem:$0x3360]  }
0x1c4: {  	v58 =	vld [tilespmem:$0x23E0];
	v57 =	vmul.f32 v50, v49;
	v0 =	vadd.f32 v54, v0  }
0x1c5: {  	v59 =	vld [tilespmem:$0x33E0]  }
0x1c6: {  	v61 =	vld [tilespmem:$0x2460];
	v60 =	vmul.f32 v53, v52;
	v0 =	vadd.f32 v57, v0  }
0x1c7: {  	v62 =	vld [tilespmem:$0x3460]  }
0x1c8: {  	v9 =	vld [tilespmem:$0x24E0];
	v63 =	vmul.f32 v56, v55;
	v0 =	vadd.f32 v60, v0  }
0x1c9: {  	v10 =	vld [tilespmem:$0x34E0]  }
0x1ca: {  	v12 =	vld [tilespmem:$0x2560];
	v11 =	vmul.f32 v59, v58;
	v0 =	vadd.f32 v63, v0  }
0x1cb: {  	v13 =	vld [tilespmem:$0x3560]  }
0x1cc: {  	v15 =	vld [tilespmem:$0x25E0];
	v14 =	vmul.f32 v62, v61;
	v0 =	vadd.f32 v11, v0  }
0x1cd: {  	v16 =	vld [tilespmem:$0x35E0]  }
0x1ce: {  	v18 =	vld [tilespmem:$0x2660];
	v17 =	vmul.f32 v10, v9;
	v0 =	vadd.f32 v14, v0  }
0x1cf: {  	v19 =	vld [tilespmem:$0x3660]  }
0x1d0: {  	v21 =	vld [tilespmem:$0x26E0];
	v20 =	vmul.f32 v13, v12;
	v0 =	vadd.f32 v17, v0  }
0x1d1: {  	v22 =	vld [tilespmem:$0x36E0]  }
0x1d2: {  	v24 =	vld [tilespmem:$0x2760];
	v23 =	vmul.f32 v16, v15;
	v0 =	vadd.f32 v20, v0  }
0x1d3: {  	v25 =	vld [tilespmem:$0x3760]  }
0x1d4: {  	v27 =	vld [tilespmem:$0x27E0];
	v26 =	vmul.f32 v19, v18;
	v0 =	vadd.f32 v23, v0  }
0x1d5: {  	v28 =	vld [tilespmem:$0x37E0]  }
0x1d6: {  	v30 =	vld [tilespmem:$0x2860];
	v29 =	vmul.f32 v22, v21;
	v0 =	vadd.f32 v26, v0  }
0x1d7: {  	v31 =	vld [tilespmem:$0x3860]  }
0x1d8: {  	v33 =	vld [tilespmem:$0x28E0];
	v32 =	vmul.f32 v25, v24;
	v0 =	vadd.f32 v29, v0  }
0x1d9: {  	v34 =	vld [tilespmem:$0x38E0]  }
0x1da: {  	v36 =	vld [tilespmem:$0x2960];
	v35 =	vmul.f32 v28, v27;
	v0 =	vadd.f32 v32, v0  }
0x1db: {  	v37 =	vld [tilespmem:$0x3960]  }
0x1dc: {  	v39 =	vld [tilespmem:$0x29E0];
	v38 =	vmul.f32 v31, v30;
	v0 =	vadd.f32 v35, v0  }
0x1dd: {  	v40 =	vld [tilespmem:$0x39E0]  }
0x1de: {  	v41 =	vmul.f32 v34, v33;
	v42 =	vld [tilespmem:$0x2A60];
	v0 =	vadd.f32 v38, v0  }
0x1df: {  	v43 =	vld [tilespmem:$0x3A60]  }
0x1e0: {  	v44 =	vmul.f32 v37, v36;
	v45 =	vld [tilespmem:$0x2AE0];
	v0 =	vadd.f32 v41, v0  }
0x1e1: {  	v46 =	vld [tilespmem:$0x3AE0]  }
0x1e2: {  	v47 =	vmul.f32 v40, v39;
	v49 =	vld [tilespmem:$0x3B60];
	v0 =	vadd.f32 v44, v0  }
0x1e3: {  	v48 =	vld [tilespmem:$0x2B60]  }
0x1e4: {  	v52 =	vld [tilespmem:$0x3BE0];
	v50 =	vmul.f32 v43, v42;
	v0 =	vadd.f32 v47, v0  }
0x1e5: {  	v51 =	vld [tilespmem:$0x2BE0]  }
0x1e6: {  	v55 =	vld [tilespmem:$0x3C60];
	v53 =	vmul.f32 v46, v45;
	v0 =	vadd.f32 v50, v0  }
0x1e7: {  	v54 =	vld [tilespmem:$0x2C60]  }
0x1e8: {  	v58 =	vld [tilespmem:$0x3CE0];
	v56 =	vmul.f32 v49, v48;
	v0 =	vadd.f32 v53, v0  }
0x1e9: {  	v57 =	vld [tilespmem:$0x2CE0]  }
0x1ea: {  	v61 =	vld [tilespmem:$0x3D60];
	v59 =	vmul.f32 v52, v51;
	v0 =	vadd.f32 v56, v0  }
0x1eb: {  	v60 =	vld [tilespmem:$0x2D60]  }
0x1ec: {  	v9 =	vld [tilespmem:$0x3DE0];
	v62 =	vmul.f32 v55, v54;
	v0 =	vadd.f32 v59, v0  }
0x1ed: {  	v63 =	vld [tilespmem:$0x2DE0]  }
0x1ee: {  	v12 =	vld [tilespmem:$0x3E60];
	v10 =	vmul.f32 v58, v57;
	v0 =	vadd.f32 v62, v0  }
0x1ef: {  	v11 =	vld [tilespmem:$0x2E60]  }
0x1f0: {  	v15 =	vld [tilespmem:$0x3EE0];
	v13 =	vmul.f32 v61, v60;
	v0 =	vadd.f32 v10, v0  }
0x1f1: {  	v14 =	vld [tilespmem:$0x2EE0]  }
0x1f2: {  	v18 =	vld [tilespmem:$0x3F60];
	v16 =	vmul.f32 v9, v63;
	v0 =	vadd.f32 v13, v0  }
0x1f3: {  	v17 =	vld [tilespmem:$0x2F60]  }
0x1f4: {  	v21 =	vld [tilespmem:$0x3FE0];
	v19 =	vmul.f32 v12, v11;
	v0 =	vadd.f32 v16, v0  }
0x1f5: {  	v20 =	vld [tilespmem:$0x2FE0]  }
0x1f6: {  	v22 =	vmul.f32 v15, v14;
	v0 =	vadd.f32 v19, v0;
	_ =	sdelay $0x1  }
0x1f7: {  	v23 =	vmul.f32 v18, v17;
	v0 =	vadd.f32 v22, v0;
	_ =	sdelay $0x1  }
0x1f8: {  	v24 =	vmul.f32 v21, v20;
	v0 =	vadd.f32 v23, v0;
	_ =	sdelay $0x1  }
0x1f9: {  	v0 =	vadd.f32 v24, v0;
	_ =	sdelay $0x1  }
0x1fa: {  	[tilespmem:s15+$0x20] =	vst v0  }
0x1fb: {  	v0 =	vld [tilespmem:$0x2070]  }
0x1fc: {  	v25 =	vld [tilespmem:$0x3070]  }
0x1fd: {  	v26 =	vld [tilespmem:$0x20F0]  }
0x1fe: {  	v27 =	vld [tilespmem:$0x30F0]  }
0x1ff: {  	v28 =	vld [tilespmem:$0x2170]  }
0x200: {  	v29 =	vld [tilespmem:$0x3170]  }
0x201: {  	v30 =	vld [tilespmem:$0x21F0]  }
0x202: {  	v31 =	vld [tilespmem:$0x31F0]  }
0x203: {  	v33 =	vld [tilespmem:$0x2270];
	v0 =	vmul.f32 v25, v0;
	v32 =	vmul.f32 v27, v26  }
0x204: {  	v34 =	vld [tilespmem:$0x3270]  }
0x205: {  	v36 =	vld [tilespmem:$0x22F0];
	v35 =	vmul.f32 v29, v28;
	v0 =	vadd.f32 v32, v0  }
0x206: {  	v37 =	vld [tilespmem:$0x32F0]  }
0x207: {  	v39 =	vld [tilespmem:$0x2370];
	v38 =	vmul.f32 v31, v30;
	v0 =	vadd.f32 v35, v0  }
0x208: {  	v40 =	vld [tilespmem:$0x3370]  }
0x209: {  	v42 =	vld [tilespmem:$0x23F0];
	v41 =	vmul.f32 v34, v33;
	v0 =	vadd.f32 v38, v0  }
0x20a: {  	v43 =	vld [tilespmem:$0x33F0]  }
0x20b: {  	v45 =	vld [tilespmem:$0x2470];
	v44 =	vmul.f32 v37, v36;
	v0 =	vadd.f32 v41, v0  }
0x20c: {  	v46 =	vld [tilespmem:$0x3470]  }
0x20d: {  	v48 =	vld [tilespmem:$0x24F0];
	v47 =	vmul.f32 v40, v39;
	v0 =	vadd.f32 v44, v0  }
0x20e: {  	v49 =	vld [tilespmem:$0x34F0]  }
0x20f: {  	v51 =	vld [tilespmem:$0x2570];
	v50 =	vmul.f32 v43, v42;
	v0 =	vadd.f32 v47, v0  }
0x210: {  	v52 =	vld [tilespmem:$0x3570]  }
0x211: {  	v54 =	vld [tilespmem:$0x25F0];
	v53 =	vmul.f32 v46, v45;
	v0 =	vadd.f32 v50, v0  }
0x212: {  	v55 =	vld [tilespmem:$0x35F0]  }
0x213: {  	v57 =	vld [tilespmem:$0x2670];
	v56 =	vmul.f32 v49, v48;
	v0 =	vadd.f32 v53, v0  }
0x214: {  	v58 =	vld [tilespmem:$0x3670]  }
0x215: {  	v60 =	vld [tilespmem:$0x26F0];
	v59 =	vmul.f32 v52, v51;
	v0 =	vadd.f32 v56, v0  }
0x216: {  	v61 =	vld [tilespmem:$0x36F0]  }
0x217: {  	v63 =	vld [tilespmem:$0x2770];
	v62 =	vmul.f32 v55, v54;
	v0 =	vadd.f32 v59, v0  }
0x218: {  	v9 =	vld [tilespmem:$0x3770]  }
0x219: {  	v11 =	vld [tilespmem:$0x27F0];
	v10 =	vmul.f32 v58, v57;
	v0 =	vadd.f32 v62, v0  }
0x21a: {  	v12 =	vld [tilespmem:$0x37F0]  }
0x21b: {  	v14 =	vld [tilespmem:$0x2870];
	v13 =	vmul.f32 v61, v60;
	v0 =	vadd.f32 v10, v0  }
0x21c: {  	v15 =	vld [tilespmem:$0x3870]  }
0x21d: {  	v17 =	vld [tilespmem:$0x28F0];
	v16 =	vmul.f32 v9, v63;
	v0 =	vadd.f32 v13, v0  }
0x21e: {  	v18 =	vld [tilespmem:$0x38F0]  }
0x21f: {  	v20 =	vld [tilespmem:$0x2970];
	v19 =	vmul.f32 v12, v11;
	v0 =	vadd.f32 v16, v0  }
0x220: {  	v21 =	vld [tilespmem:$0x3970]  }
0x221: {  	v23 =	vld [tilespmem:$0x29F0];
	v22 =	vmul.f32 v15, v14;
	v0 =	vadd.f32 v19, v0  }
0x222: {  	v24 =	vld [tilespmem:$0x39F0]  }
0x223: {  	v25 =	vmul.f32 v18, v17;
	v26 =	vld [tilespmem:$0x2A70];
	v0 =	vadd.f32 v22, v0  }
0x224: {  	v27 =	vld [tilespmem:$0x3A70]  }
0x225: {  	v28 =	vmul.f32 v21, v20;
	v29 =	vld [tilespmem:$0x2AF0];
	v0 =	vadd.f32 v25, v0  }
0x226: {  	v30 =	vld [tilespmem:$0x3AF0]  }
0x227: {  	v31 =	vmul.f32 v24, v23;
	v33 =	vld [tilespmem:$0x3B70];
	v0 =	vadd.f32 v28, v0  }
0x228: {  	v32 =	vld [tilespmem:$0x2B70]  }
0x229: {  	v36 =	vld [tilespmem:$0x3BF0];
	v34 =	vmul.f32 v27, v26;
	v0 =	vadd.f32 v31, v0  }
0x22a: {  	v35 =	vld [tilespmem:$0x2BF0]  }
0x22b: {  	v39 =	vld [tilespmem:$0x3C70];
	v37 =	vmul.f32 v30, v29;
	v0 =	vadd.f32 v34, v0  }
0x22c: {  	v38 =	vld [tilespmem:$0x2C70]  }
0x22d: {  	v42 =	vld [tilespmem:$0x3CF0];
	v40 =	vmul.f32 v33, v32;
	v0 =	vadd.f32 v37, v0  }
0x22e: {  	v41 =	vld [tilespmem:$0x2CF0]  }
0x22f: {  	v45 =	vld [tilespmem:$0x3D70];
	v43 =	vmul.f32 v36, v35;
	v0 =	vadd.f32 v40, v0  }
0x230: {  	v44 =	vld [tilespmem:$0x2D70]  }
0x231: {  	v48 =	vld [tilespmem:$0x3DF0];
	v46 =	vmul.f32 v39, v38;
	v0 =	vadd.f32 v43, v0  }
0x232: {  	v47 =	vld [tilespmem:$0x2DF0]  }
0x233: {  	v51 =	vld [tilespmem:$0x3E70];
	v49 =	vmul.f32 v42, v41;
	v0 =	vadd.f32 v46, v0  }
0x234: {  	v50 =	vld [tilespmem:$0x2E70]  }
0x235: {  	v54 =	vld [tilespmem:$0x3EF0];
	v52 =	vmul.f32 v45, v44;
	v0 =	vadd.f32 v49, v0  }
0x236: {  	v53 =	vld [tilespmem:$0x2EF0]  }
0x237: {  	v57 =	vld [tilespmem:$0x3F70];
	v55 =	vmul.f32 v48, v47;
	v0 =	vadd.f32 v52, v0  }
0x238: {  	v56 =	vld [tilespmem:$0x2F70]  }
0x239: {  	v60 =	vld [tilespmem:$0x3FF0];
	v58 =	vmul.f32 v51, v50;
	v0 =	vadd.f32 v55, v0  }
0x23a: {  	v59 =	vld [tilespmem:$0x2FF0]  }
0x23b: {  	v61 =	vmul.f32 v54, v53;
	v0 =	vadd.f32 v58, v0;
	_ =	sdelay $0x1  }
0x23c: {  	v62 =	vmul.f32 v57, v56;
	v0 =	vadd.f32 v61, v0  }
0x23d: {  	p0 =	sne.s32 s16, $0x7F80  }
.Ltmp0:
0x23e: {  	v63 =	vmul.f32 v60, v59;
	v0 =	vadd.f32 v62, v0;
	(pc) =	sbr.rel @p0 .LBB2_2-.Ltmp0, $3  }
0x23f: {  	_ = 	snop  }
0x240: {  	v0 =	vadd.f32 v63, v0;
	_ =	sdelay $0x1  }
0x241: {  	s16 =	sadd.s32 $0x80, s16;
	[tilespmem:s15+$0x30] =	vst v0;
	s15 =	sadd.s32 $0x80, s15  }
0x242: {  	s14 =	sadd.s32 $0x1, s14  }
0x243: {  	p0 =	sne.s32 s14, s7  }
.Ltmp1:
0x244: {  	_ = 	snop;
	(pc) =	sbr.rel @p0 .LBB2_1-.Ltmp1, $4  }
0x245: {  	[hbm4b:s6+s3] =	stream.linear.scatter [tilespmem:s13], [sflag:$0x2], $0x8000, $0x38;
	[tilespmem:$0xC000] =	vst v63  }
0x246: {  	_ =	swait.ge [sflag:s8], $0x8000  }
0x247: {  	[sflag:s8] =	ssyncset.done $0x0  }
0x248: {  	[sflag:s8] =	ssyncadd.s32 $0xFFFF8000  }
0x249: {  	_ =	sfence.sel $0x180000  }
0x24a: {  	[bflag:$0x0] =	sbarrier.arrive $0xFFFF  }
0x24b: {  	p0 =	sne.s32 s0, $0x0;
	_ =	strace $0x90000047  }
0x24c: {  	s0 =	sadd.s32 @!p0 $0x100000, s1;
	[bflag:$0x2] =	sbarrier.arrive $0xFFFF  }
0x24d: {  	[sflag:s0] =	ssyncadd.tile.s32 @!p0 $0x1;
	_ =	shalt  }
.Lfunc_end2:
_tile_overlayer_lowered:
.L_overlay_start_2:
0x24e: {  	(tag) =	ssettag $0x2  }
0x24f: {  	s0 =	rddreg [dreg:$0x0];
	s2 =	stileid.u32  }
0x250: {  	s1 =	rddreg [dreg:$0x1];
	p0 =	sne.s32 s2, $0x0  }
0x251: {  	s3 =	rddreg [dreg:$0x2];
	[bflag:$0x3] =	sbarrier.arrive $0xFFFF;
	s2 =	simm.s32 @!p0 $0x1C02  }
0x252: {  	[timem:s3], [sflag:s2] =	dma.local @!p0 [hbm:s0], s1  }
0x253: {  	s0 =	simm.s32 @!p0 $0x2  }
0x254: {  	_ =	swait.ge @!p0 [sflag:s0], s1  }
0x255: {  	s1 =	ssub.s32 @!p0 $0x0, s1;
	[sflag:s0] =	ssyncset.done @!p0 $0x0  }
0x256: {  	[sflag:s0] =	ssyncadd.s32 @!p0 s1  }
0x257: {  	[bflag:$0x3] =	sbarrier.arrive $0xFFFF  }
0x258: {  	_ =	shalt  }

</sc_bundles>
